<compile_context>
chip_gen: v7x
topology: tpu7x:2x2x1
jax: 0.10.2.dev20260603
libtpu: 0.0.44.dev20260713+nightly
codegen_flags: <defaults>
</compile_context>

<pallas_src>
import functools

import jax
import jax.numpy as jnp
from jax import lax
from jax.experimental import pallas as pl
from jax.experimental.pallas import tpu as pltpu
from jax.experimental.pallas import tpu_sc as plsc

NC = 2
NS = 16
NW = NC * NS
TRASH = 1 << 20


def _redirect_body(nout, cur_a_ref, nxt_a_ref, out_a_ref):
    cur = cur_a_ref[...]
    nxt = nxt_a_ref[...]
    succ = jnp.concatenate([cur[1:], nxt[:1]])
    trash = nout + (cur & (TRASH - 1))
    out_a_ref[...] = jnp.where(succ == cur, trash, cur)


def _make_scatter(n, chunk, nbuf):
    nchunks = n // chunk
    per_w = nchunks // NW
    extra_w = nchunks - per_w * NW
    mesh = plsc.VectorSubcoreMesh(
        core_axis_name="c", subcore_axis_name="s",
        num_cores=NC, num_subcores=NS)

    @functools.partial(
        pl.kernel,
        out_type=(),
        mesh=mesh,
        scratch_types=(
            [pltpu.VMEM((chunk,), jnp.int32) for _ in range(nbuf)]
            + [pltpu.VMEM((chunk,), jnp.float32) for _ in range(nbuf)]
            + [pltpu.SemaphoreType.DMA, pltpu.SemaphoreType.DMA]
        ),
    )
    def scatter_kernel(addr_hbm, val_hbm, out_ref, *scratch):
        addr_v = scratch[:nbuf]
        val_v = scratch[nbuf: 2 * nbuf]
        lsem, ssem = scratch[2 * nbuf], scratch[2 * nbuf + 1]
        wid = lax.axis_index("s") * NC + lax.axis_index("c")
        has_extra = wid < extra_w

        def start_load(k):
            base = (wid + k * NW) * chunk
            buf = k % nbuf
            return (
                pltpu.async_copy(
                    addr_hbm.at[pl.ds(base, chunk)], addr_v[buf], lsem),
                pltpu.async_copy(
                    val_hbm.at[pl.ds(base, chunk)], val_v[buf], lsem),
            )

        def start_scatter(k):
            buf = k % nbuf
            return pltpu.async_copy(
                val_v[buf], out_ref.at[addr_v[buf]], ssem)

        loads = {0: start_load(0)}
        scats = {}
        for k in range(per_w):
            if k + 1 - nbuf >= 0:
                scats.pop(k + 1 - nbuf).wait()
            if k + 1 < per_w:
                loads[k + 1] = start_load(k + 1)
            for h in loads.pop(k):
                h.wait()
            scats[k] = start_scatter(k)
        for k in sorted(scats):
            scats[k].wait()

        @pl.when(has_extra)
        def _tail():
            ha, hv = start_load(per_w)
            ha.wait()
            hv.wait()
            start_scatter(per_w).wait()

    return scatter_kernel


def kernel(self_tensor, index, updates, axis):
    m, d = self_tensor.shape
    b = index.shape[0]
    n = b * d
    nout = m * d

    addr = (index.astype(jnp.int32) * d
            + jnp.arange(d, dtype=jnp.int32)[None, :]).reshape(-1)
    vals = updates.reshape(-1)
    sa, sv = lax.sort((addr, vals), dimension=0, num_keys=1,
                      is_stable=False)

    blr = 256000
    assert n % blr == 0
    nblk = n // blr
    sa_p = jnp.pad(sa, (0, blr), constant_values=-1)
    sa2 = pl.pallas_call(
        functools.partial(_redirect_body, nout),
        grid=(nblk,),
        in_specs=[
            pl.BlockSpec((blr,), lambda c: (c,)),
            pl.BlockSpec((blr,), lambda c: (c + 1,)),
        ],
        out_specs=pl.BlockSpec((blr,), lambda c: (c,)),
        out_shape=jax.ShapeDtypeStruct((n,), jnp.int32),
    )(sa_p, sa_p)

    out_flat = jnp.concatenate(
        [self_tensor.reshape(nout),
         jnp.zeros((TRASH,), jnp.float32)])
    out_ref = jax.new_ref(out_flat)
    _make_scatter(n, 2048, 3)(sa2, sv, out_ref)
    return out_ref[...][:nout].reshape(m, d)

# --- scband reference (transcript-rebuilt; emitter-appended) ---
"""Pipeline reference for scband-model-69767448756495 (READ-ONLY COPY).

The authoritative reference and input builder live on the scoring server;
editing this copy changes nothing except your own understanding.
"""

import jax, jax.numpy as jnp
import numpy as np

M, B, D = 1000000, 100000, 64

def setup_inputs(seed: int = 0) -> dict:
    key = jax.random.key(seed)
    k1, k2, k3 = jax.random.split(key, 3)
    self_tensor = jax.random.normal(k1, (M, D), dtype=jnp.float32)
    index = jax.random.randint(k2, (B, D), 0, M, dtype=jnp.int32)
    updates = jax.random.normal(k3, (B, D), dtype=jnp.float32)
    return {"self_tensor": self_tensor, "index": index, "updates": updates, "axis": 0}

def reference(self_tensor, index, updates, axis=0):
    # Faithful translation of torch.scatter(out, axis=0, idx, updates) with reduction='none':
    # out[index[i, j], j] = updates[i, j]
    idx = index.astype(jnp.int32)
    cols = jnp.broadcast_to(jnp.arange(self_tensor.shape[1], dtype=jnp.int32), idx.shape)
    out = self_tensor.at[idx, cols].set(updates)
    return out

if __name__ == "__main__":
    import jax
    _d = setup_inputs()
    print(jax.jit(kernel)(*tuple(_d.values())))

</pallas_src>

<mosaic_0001>
#map = affine_map<(d0, d1) -> (0)>
module attributes {stable_mosaic.version = 14 : i64} {
  func.func @new_body(%arg0: i32, %arg1: i32, %arg2: memref<6400000xi32, #tpu.memory_space<hbm>>, %arg3: memref<6400000xf32, #tpu.memory_space<hbm>>, %arg4: memref<65048576xf32, #tpu.memory_space<hbm>>, %arg5: memref<65048576xf32, #tpu.memory_space<hbm>>, %arg6: memref<2048xi32, #tpu.memory_space<vmem>>, %arg7: memref<2048xi32, #tpu.memory_space<vmem>>, %arg8: memref<2048xi32, #tpu.memory_space<vmem>>, %arg9: memref<2048xf32, #tpu.memory_space<vmem>>, %arg10: memref<2048xf32, #tpu.memory_space<vmem>>, %arg11: memref<2048xf32, #tpu.memory_space<vmem>>, %arg12: memref<!tpu.dma_semaphore, #tpu.memory_space<semaphore_mem>>, %arg13: memref<!tpu.dma_semaphore, #tpu.memory_space<semaphore_mem>>) attributes {dimension_semantics = [#tpu.dimension_semantics<core_parallel>, #tpu.dimension_semantics<subcore_parallel>], iteration_bounds = array<i64: 2, 16>, scalar_prefetch = 0 : i64, scratch_operands = 8 : i64, tpu.core_type = #tpu.core_type<sc_vector_subcore>, window_params = [{transform_indices = #map}, {transform_indices = #map}, {transform_indices = #map}, {transform_indices = #map}]} {
    %mul3A = arith.constant 2 : i32
    %mul3A_0 = arith.muli %arg1, %mul3A : i32
    %add3A = arith.addi %mul3A_0, %arg0 : i32
    %lt3A = arith.constant 21 : i32
    %lt3A_1 = arith.cmpi slt, %add3A, %lt3A : i32
    %add3A_2 = arith.constant 0 : i32
    %add3A_3 = arith.addi %add3A, %add3A_2 : i32
    %mul3A_4 = arith.constant 2048 : i32
    %mul3A_5 = arith.muli %add3A_3, %mul3A_4 : i32
    %dma_start3A = tpu.memref_slice %arg2[%mul3A_5] : memref<6400000xi32, #tpu.memory_space<hbm>> -> memref<2048xi32, #tpu.memory_space<hbm>>
    %dma_start3A_6 = tpu.memref_slice %arg2[%mul3A_5] : memref<6400000xi32, #tpu.memory_space<hbm>> -> memref<2048xi32, #tpu.memory_space<hbm>>
    tpu.enqueue_dma source(%dma_start3A_6 : memref<2048xi32, #tpu.memory_space<hbm>>) target(%arg6 : memref<2048xi32, #tpu.memory_space<vmem>>) target_semaphore(%arg12 : memref<!tpu.dma_semaphore, #tpu.memory_space<semaphore_mem>>)
    %dma_start3A_7 = tpu.memref_slice %arg3[%mul3A_5] : memref<6400000xf32, #tpu.memory_space<hbm>> -> memref<2048xf32, #tpu.memory_space<hbm>>
    %dma_start3A_8 = tpu.memref_slice %arg3[%mul3A_5] : memref<6400000xf32, #tpu.memory_space<hbm>> -> memref<2048xf32, #tpu.memory_space<hbm>>
    tpu.enqueue_dma source(%dma_start3A_8 : memref<2048xf32, #tpu.memory_space<hbm>>) target(%arg9 : memref<2048xf32, #tpu.memory_space<vmem>>) target_semaphore(%arg12 : memref<!tpu.dma_semaphore, #tpu.memory_space<semaphore_mem>>)
    %add3A_9 = arith.constant 32 : i32
    %add3A_10 = arith.addi %add3A, %add3A_9 : i32
    %mul3A_11 = arith.constant 2048 : i32
    %mul3A_12 = arith.muli %add3A_10, %mul3A_11 : i32
    %dma_start3A_13 = tpu.memref_slice %arg2[%mul3A_12] : memref<6400000xi32, #tpu.memory_space<hbm>> -> memref<2048xi32, #tpu.memory_space<hbm>>
    %dma_start3A_14 = tpu.memref_slice %arg2[%mul3A_12] : memref<6400000xi32, #tpu.memory_space<hbm>> -> memref<2048xi32, #tpu.memory_space<hbm>>
    tpu.enqueue_dma source(%dma_start3A_14 : memref<2048xi32, #tpu.memory_space<hbm>>) target(%arg7 : memref<2048xi32, #tpu.memory_space<vmem>>) target_semaphore(%arg12 : memref<!tpu.dma_semaphore, #tpu.memory_space<semaphore_mem>>)
    %dma_start3A_15 = tpu.memref_slice %arg3[%mul3A_12] : memref<6400000xf32, #tpu.memory_space<hbm>> -> memref<2048xf32, #tpu.memory_space<hbm>>
    %dma_start3A_16 = tpu.memref_slice %arg3[%mul3A_12] : memref<6400000xf32, #tpu.memory_space<hbm>> -> memref<2048xf32, #tpu.memory_space<hbm>>
    tpu.enqueue_dma source(%dma_start3A_16 : memref<2048xf32, #tpu.memory_space<hbm>>) target(%arg10 : memref<2048xf32, #tpu.memory_space<vmem>>) target_semaphore(%arg12 : memref<!tpu.dma_semaphore, #tpu.memory_space<semaphore_mem>>)
    %dma_wait3A = tpu.memref_slice %arg2[%mul3A_5] : memref<6400000xi32, #tpu.memory_space<hbm>> -> memref<2048xi32, #tpu.memory_space<hbm>>
    %dma_wait3A_17 = tpu.memref_slice %arg2[%mul3A_5] : memref<6400000xi32, #tpu.memory_space<hbm>> -> memref<2048xi32, #tpu.memory_space<hbm>>
    tpu.wait_dma2 semaphore(%arg12 : memref<!tpu.dma_semaphore, #tpu.memory_space<semaphore_mem>>) src(%dma_wait3A_17 : memref<2048xi32, #tpu.memory_space<hbm>>) dst(%arg6 : memref<2048xi32, #tpu.memory_space<vmem>>)
    %dma_wait3A_18 = tpu.memref_slice %arg3[%mul3A_5] : memref<6400000xf32, #tpu.memory_space<hbm>> -> memref<2048xf32, #tpu.memory_space<hbm>>
    %dma_wait3A_19 = tpu.memref_slice %arg3[%mul3A_5] : memref<6400000xf32, #tpu.memory_space<hbm>> -> memref<2048xf32, #tpu.memory_space<hbm>>
    tpu.wait_dma2 semaphore(%arg12 : memref<!tpu.dma_semaphore, #tpu.memory_space<semaphore_mem>>) src(%dma_wait3A_19 : memref<2048xf32, #tpu.memory_space<hbm>>) dst(%arg9 : memref<2048xf32, #tpu.memory_space<vmem>>)
    %dma_start3A_20 = arith.constant 0 : i32
    %dma_start3A_21 = tpu.memref_slice %arg4[%dma_start3A_20] : memref<65048576xf32, #tpu.memory_space<hbm>> -> memref<65048576xf32, #tpu.memory_space<hbm>>
    tpu.enqueue_indirect_dma source(%arg9 : memref<2048xf32, #tpu.memory_space<vmem>>) target(%dma_start3A_21 : memref<65048576xf32, #tpu.memory_space<hbm>>) offsets(%arg6 : memref<2048xi32, #tpu.memory_space<vmem>>) semaphore(%arg13 : memref<!tpu.dma_semaphore, #tpu.memory_space<semaphore_mem>>)
    %add3A_22 = arith.constant 64 : i32
    %add3A_23 = arith.addi %add3A, %add3A_22 : i32
    %mul3A_24 = arith.constant 2048 : i32
    %mul3A_25 = arith.muli %add3A_23, %mul3A_24 : i32
    %dma_start3A_26 = tpu.memref_slice %arg2[%mul3A_25] : memref<6400000xi32, #tpu.memory_space<hbm>> -> memref<2048xi32, #tpu.memory_space<hbm>>
    %dma_start3A_27 = tpu.memref_slice %arg2[%mul3A_25] : memref<6400000xi32, #tpu.memory_space<hbm>> -> memref<2048xi32, #tpu.memory_space<hbm>>
    tpu.enqueue_dma source(%dma_start3A_27 : memref<2048xi32, #tpu.memory_space<hbm>>) target(%arg8 : memref<2048xi32, #tpu.memory_space<vmem>>) target_semaphore(%arg12 : memref<!tpu.dma_semaphore, #tpu.memory_space<semaphore_mem>>)
    %dma_start3A_28 = tpu.memref_slice %arg3[%mul3A_25] : memref<6400000xf32, #tpu.memory_space<hbm>> -> memref<2048xf32, #tpu.memory_space<hbm>>
    %dma_start3A_29 = tpu.memref_slice %arg3[%mul3A_25] : memref<6400000xf32, #tpu.memory_space<hbm>> -> memref<2048xf32, #tpu.memory_space<hbm>>
    tpu.enqueue_dma source(%dma_start3A_29 : memref<2048xf32, #tpu.memory_space<hbm>>) target(%arg11 : memref<2048xf32, #tpu.memory_space<vmem>>) target_semaphore(%arg12 : memref<!tpu.dma_semaphore, #tpu.memory_space<semaphore_mem>>)
    %dma_wait3A_30 = tpu.memref_slice %arg2[%mul3A_12] : memref<6400000xi32, #tpu.memory_space<hbm>> -> memref<2048xi32, #tpu.memory_space<hbm>>
    %dma_wait3A_31 = tpu.memref_slice %arg2[%mul3A_12] : memref<6400000xi32, #tpu.memory_space<hbm>> -> memref<2048xi32, #tpu.memory_space<hbm>>
    tpu.wait_dma2 semaphore(%arg12 : memref<!tpu.dma_semaphore, #tpu.memory_space<semaphore_mem>>) src(%dma_wait3A_31 : memref<2048xi32, #tpu.memory_space<hbm>>) dst(%arg7 : memref<2048xi32, #tpu.memory_space<vmem>>)
    %dma_wait3A_32 = tpu.memref_slice %arg3[%mul3A_12] : memref<6400000xf32, #tpu.memory_space<hbm>> -> memref<2048xf32, #tpu.memory_space<hbm>>
    %dma_wait3A_33 = tpu.memref_slice %arg3[%mul3A_12] : memref<6400000xf32, #tpu.memory_space<hbm>> -> memref<2048xf32, #tpu.memory_space<hbm>>
    tpu.wait_dma2 semaphore(%arg12 : memref<!tpu.dma_semaphore, #tpu.memory_space<semaphore_mem>>) src(%dma_wait3A_33 : memref<2048xf32, #tpu.memory_space<hbm>>) dst(%arg10 : memref<2048xf32, #tpu.memory_space<vmem>>)
    %dma_start3A_34 = arith.constant 0 : i32
    %dma_start3A_35 = tpu.memref_slice %arg4[%dma_start3A_34] : memref<65048576xf32, #tpu.memory_space<hbm>> -> memref<65048576xf32, #tpu.memory_space<hbm>>
    tpu.enqueue_indirect_dma source(%arg10 : memref<2048xf32, #tpu.memory_space<vmem>>) target(%dma_start3A_35 : memref<65048576xf32, #tpu.memory_space<hbm>>) offsets(%arg7 : memref<2048xi32, #tpu.memory_space<vmem>>) semaphore(%arg13 : memref<!tpu.dma_semaphore, #tpu.memory_space<semaphore_mem>>)
    %dma_wait3A_36 = arith.constant 0 : i32
    %dma_wait3A_37 = tpu.memref_slice %arg4[%dma_wait3A_36] : memref<65048576xf32, #tpu.memory_space<hbm>> -> memref<65048576xf32, #tpu.memory_space<hbm>>
    tpu.wait_indirect_dma semaphore(%arg13 : memref<!tpu.dma_semaphore, #tpu.memory_space<semaphore_mem>>) src(%arg9 : memref<2048xf32, #tpu.memory_space<vmem>>) dst(%dma_wait3A_37 : memref<65048576xf32, #tpu.memory_space<hbm>>)
    %add3A_38 = arith.constant 96 : i32
    %add3A_39 = arith.addi %add3A, %add3A_38 : i32
    %mul3A_40 = arith.constant 2048 : i32
    %mul3A_41 = arith.muli %add3A_39, %mul3A_40 : i32
    %dma_start3A_42 = tpu.memref_slice %arg2[%mul3A_41] : memref<6400000xi32, #tpu.memory_space<hbm>> -> memref<2048xi32, #tpu.memory_space<hbm>>
    %dma_start3A_43 = tpu.memref_slice %arg2[%mul3A_41] : memref<6400000xi32, #tpu.memory_space<hbm>> -> memref<2048xi32, #tpu.memory_space<hbm>>
    tpu.enqueue_dma source(%dma_start3A_43 : memref<2048xi32, #tpu.memory_space<hbm>>) target(%arg6 : memref<2048xi32, #tpu.memory_space<vmem>>) target_semaphore(%arg12 : memref<!tpu.dma_semaphore, #tpu.memory_space<semaphore_mem>>)
    %dma_start3A_44 = tpu.memref_slice %arg3[%mul3A_41] : memref<6400000xf32, #tpu.memory_space<hbm>> -> memref<2048xf32, #tpu.memory_space<hbm>>
    %dma_start3A_45 = tpu.memref_slice %arg3[%mul3A_41] : memref<6400000xf32, #tpu.memory_space<hbm>> -> memref<2048xf32, #tpu.memory_space<hbm>>
    tpu.enqueue_dma source(%dma_start3A_45 : memref<2048xf32, #tpu.memory_space<hbm>>) target(%arg9 : memref<2048xf32, #tpu.memory_space<vmem>>) target_semaphore(%arg12 : memref<!tpu.dma_semaphore, #tpu.memory_space<semaphore_mem>>)
    %dma_wait3A_46 = tpu.memref_slice %arg2[%mul3A_25] : memref<6400000xi32, #tpu.memory_space<hbm>> -> memref<2048xi32, #tpu.memory_space<hbm>>
    %dma_wait3A_47 = tpu.memref_slice %arg2[%mul3A_25] : memref<6400000xi32, #tpu.memory_space<hbm>> -> memref<2048xi32, #tpu.memory_space<hbm>>
    tpu.wait_dma2 semaphore(%arg12 : memref<!tpu.dma_semaphore, #tpu.memory_space<semaphore_mem>>) src(%dma_wait3A_47 : memref<2048xi32, #tpu.memory_space<hbm>>) dst(%arg8 : memref<2048xi32, #tpu.memory_space<vmem>>)
    %dma_wait3A_48 = tpu.memref_slice %arg3[%mul3A_25] : memref<6400000xf32, #tpu.memory_space<hbm>> -> memref<2048xf32, #tpu.memory_space<hbm>>
    %dma_wait3A_49 = tpu.memref_slice %arg3[%mul3A_25] : memref<6400000xf32, #tpu.memory_space<hbm>> -> memref<2048xf32, #tpu.memory_space<hbm>>
    tpu.wait_dma2 semaphore(%arg12 : memref<!tpu.dma_semaphore, #tpu.memory_space<semaphore_mem>>) src(%dma_wait3A_49 : memref<2048xf32, #tpu.memory_space<hbm>>) dst(%arg11 : memref<2048xf32, #tpu.memory_space<vmem>>)
    %dma_start3A_50 = arith.constant 0 : i32
    %dma_start3A_51 = tpu.memref_slice %arg4[%dma_start3A_50] : memref<65048576xf32, #tpu.memory_space<hbm>> -> memref<65048576xf32, #tpu.memory_space<hbm>>
    tpu.enqueue_indirect_dma source(%arg11 : memref<2048xf32, #tpu.memory_space<vmem>>) target(%dma_start3A_51 : memref<65048576xf32, #tpu.memory_space<hbm>>) offsets(%arg8 : memref<2048xi32, #tpu.memory_space<vmem>>) semaphore(%arg13 : memref<!tpu.dma_semaphore, #tpu.memory_space<semaphore_mem>>)
    %dma_wait3A_52 = arith.constant 0 : i32
    %dma_wait3A_53 = tpu.memref_slice %arg4[%dma_wait3A_52] : memref<65048576xf32, #tpu.memory_space<hbm>> -> memref<65048576xf32, #tpu.memory_space<hbm>>
    tpu.wait_indirect_dma semaphore(%arg13 : memref<!tpu.dma_semaphore, #tpu.memory_space<semaphore_mem>>) src(%arg10 : memref<2048xf32, #tpu.memory_space<vmem>>) dst(%dma_wait3A_53 : memref<65048576xf32, #tpu.memory_space<hbm>>)
    %add3A_54 = arith.constant 128 : i32
    %add3A_55 = arith.addi %add3A, %add3A_54 : i32
    %mul3A_56 = arith.constant 2048 : i32
    %mul3A_57 = arith.muli %add3A_55, %mul3A_56 : i32
    %dma_start3A_58 = tpu.memref_slice %arg2[%mul3A_57] : memref<6400000xi32, #tpu.memory_space<hbm>> -> memref<2048xi32, #tpu.memory_space<hbm>>
    %dma_start3A_59 = tpu.memref_slice %arg2[%mul3A_57] : memref<6400000xi32, #tpu.memory_space<hbm>> -> memref<2048xi32, #tpu.memory_space<hbm>>
    tpu.enqueue_dma source(%dma_start3A_59 : memref<2048xi32, #tpu.memory_space<hbm>>) target(%arg7 : memref<2048xi32, #tpu.memory_space<vmem>>) target_semaphore(%arg12 : memref<!tpu.dma_semaphore, #tpu.memory_space<semaphore_mem>>)
    %dma_start3A_60 = tpu.memref_slice %arg3[%mul3A_57] : memref<6400000xf32, #tpu.memory_space<hbm>> -> memref<2048xf32, #tpu.memory_space<hbm>>
    %dma_start3A_61 = tpu.memref_slice %arg3[%mul3A_57] : memref<6400000xf32, #tpu.memory_space<hbm>> -> memref<2048xf32, #tpu.memory_space<hbm>>
    tpu.enqueue_dma source(%dma_start3A_61 : memref<2048xf32, #tpu.memory_space<hbm>>) target(%arg10 : memref<2048xf32, #tpu.memory_space<vmem>>) target_semaphore(%arg12 : memref<!tpu.dma_semaphore, #tpu.memory_space<semaphore_mem>>)
    %dma_wait3A_62 = tpu.memref_slice %arg2[%mul3A_41] : memref<6400000xi32, #tpu.memory_space<hbm>> -> memref<2048xi32, #tpu.memory_space<hbm>>
    %dma_wait3A_63 = tpu.memref_slice %arg2[%mul3A_41] : memref<6400000xi32, #tpu.memory_space<hbm>> -> memref<2048xi32, #tpu.memory_space<hbm>>
    tpu.wait_dma2 semaphore(%arg12 : memref<!tpu.dma_semaphore, #tpu.memory_space<semaphore_mem>>) src(%dma_wait3A_63 : memref<2048xi32, #tpu.memory_space<hbm>>) dst(%arg6 : memref<2048xi32, #tpu.memory_space<vmem>>)
    %dma_wait3A_64 = tpu.memref_slice %arg3[%mul3A_41] : memref<6400000xf32, #tpu.memory_space<hbm>> -> memref<2048xf32, #tpu.memory_space<hbm>>
    %dma_wait3A_65 = tpu.memref_slice %arg3[%mul3A_41] : memref<6400000xf32, #tpu.memory_space<hbm>> -> memref<2048xf32, #tpu.memory_space<hbm>>
    tpu.wait_dma2 semaphore(%arg12 : memref<!tpu.dma_semaphore, #tpu.memory_space<semaphore_mem>>) src(%dma_wait3A_65 : memref<2048xf32, #tpu.memory_space<hbm>>) dst(%arg9 : memref<2048xf32, #tpu.memory_space<vmem>>)
    %dma_start3A_66 = arith.constant 0 : i32
    %dma_start3A_67 = tpu.memref_slice %arg4[%dma_start3A_66] : memref<65048576xf32, #tpu.memory_space<hbm>> -> memref<65048576xf32, #tpu.memory_space<hbm>>
    tpu.enqueue_indirect_dma source(%arg9 : memref<2048xf32, #tpu.memory_space<vmem>>) target(%dma_start3A_67 : memref<65048576xf32, #tpu.memory_space<hbm>>) offsets(%arg6 : memref<2048xi32, #tpu.memory_space<vmem>>) semaphore(%arg13 : memref<!tpu.dma_semaphore, #tpu.memory_space<semaphore_mem>>)
    %dma_wait3A_68 = arith.constant 0 : i32
    %dma_wait3A_69 = tpu.memref_slice %arg4[%dma_wait3A_68] : memref<65048576xf32, #tpu.memory_space<hbm>> -> memref<65048576xf32, #tpu.memory_space<hbm>>
    tpu.wait_indirect_dma semaphore(%arg13 : memref<!tpu.dma_semaphore, #tpu.memory_space<semaphore_mem>>) src(%arg11 : memref<2048xf32, #tpu.memory_space<vmem>>) dst(%dma_wait3A_69 : memref<65048576xf32, #tpu.memory_space<hbm>>)
    %add3A_70 = arith.constant 160 : i32
    %add3A_71 = arith.addi %add3A, %add3A_70 : i32
    %mul3A_72 = arith.constant 2048 : i32
    %mul3A_73 = arith.muli %add3A_71, %mul3A_72 : i32
    %dma_start3A_74 = tpu.memref_slice %arg2[%mul3A_73] : memref<6400000xi32, #tpu.memory_space<hbm>> -> memref<2048xi32, #tpu.memory_space<hbm>>
    %dma_start3A_75 = tpu.memref_slice %arg2[%mul3A_73] : memref<6400000xi32, #tpu.memory_space<hbm>> -> memref<2048xi32, #tpu.memory_space<hbm>>
    tpu.enqueue_dma source(%dma_start3A_75 : memref<2048xi32, #tpu.memory_space<hbm>>) target(%arg8 : memref<2048xi32, #tpu.memory_space<vmem>>) target_semaphore(%arg12 : memref<!tpu.dma_semaphore, #tpu.memory_space<semaphore_mem>>)
    %dma_start3A_76 = tpu.memref_slice %arg3[%mul3A_73] : memref<6400000xf32, #tpu.memory_space<hbm>> -> memref<2048xf32, #tpu.memory_space<hbm>>
    %dma_start3A_77 = tpu.memref_slice %arg3[%mul3A_73] : memref<6400000xf32, #tpu.memory_space<hbm>> -> memref<2048xf32, #tpu.memory_space<hbm>>
    tpu.enqueue_dma source(%dma_start3A_77 : memref<2048xf32, #tpu.memory_space<hbm>>) target(%arg11 : memref<2048xf32, #tpu.memory_space<vmem>>) target_semaphore(%arg12 : memref<!tpu.dma_semaphore, #tpu.memory_space<semaphore_mem>>)
    %dma_wait3A_78 = tpu.memref_slice %arg2[%mul3A_57] : memref<6400000xi32, #tpu.memory_space<hbm>> -> memref<2048xi32, #tpu.memory_space<hbm>>
    %dma_wait3A_79 = tpu.memref_slice %arg2[%mul3A_57] : memref<6400000xi32, #tpu.memory_space<hbm>> -> memref<2048xi32, #tpu.memory_space<hbm>>
    tpu.wait_dma2 semaphore(%arg12 : memref<!tpu.dma_semaphore, #tpu.memory_space<semaphore_mem>>) src(%dma_wait3A_79 : memref<2048xi32, #tpu.memory_space<hbm>>) dst(%arg7 : memref<2048xi32, #tpu.memory_space<vmem>>)
    %dma_wait3A_80 = tpu.memref_slice %arg3[%mul3A_57] : memref<6400000xf32, #tpu.memory_space<hbm>> -> memref<2048xf32, #tpu.memory_space<hbm>>
    %dma_wait3A_81 = tpu.memref_slice %arg3[%mul3A_57] : memref<6400000xf32, #tpu.memory_space<hbm>> -> memref<2048xf32, #tpu.memory_space<hbm>>
    tpu.wait_dma2 semaphore(%arg12 : memref<!tpu.dma_semaphore, #tpu.memory_space<semaphore_mem>>) src(%dma_wait3A_81 : memref<2048xf32, #tpu.memory_space<hbm>>) dst(%arg10 : memref<2048xf32, #tpu.memory_space<vmem>>)
    %dma_start3A_82 = arith.constant 0 : i32
    %dma_start3A_83 = tpu.memref_slice %arg4[%dma_start3A_82] : memref<65048576xf32, #tpu.memory_space<hbm>> -> memref<65048576xf32, #tpu.memory_space<hbm>>
    tpu.enqueue_indirect_dma source(%arg10 : memref<2048xf32, #tpu.memory_space<vmem>>) target(%dma_start3A_83 : memref<65048576xf32, #tpu.memory_space<hbm>>) offsets(%arg7 : memref<2048xi32, #tpu.memory_space<vmem>>) semaphore(%arg13 : memref<!tpu.dma_semaphore, #tpu.memory_space<semaphore_mem>>)
    %dma_wait3A_84 = arith.constant 0 : i32
    %dma_wait3A_85 = tpu.memref_slice %arg4[%dma_wait3A_84] : memref<65048576xf32, #tpu.memory_space<hbm>> -> memref<65048576xf32, #tpu.memory_space<hbm>>
    tpu.wait_indirect_dma semaphore(%arg13 : memref<!tpu.dma_semaphore, #tpu.memory_space<semaphore_mem>>) src(%arg9 : memref<2048xf32, #tpu.memory_space<vmem>>) dst(%dma_wait3A_85 : memref<65048576xf32, #tpu.memory_space<hbm>>)
    %add3A_86 = arith.constant 192 : i32
    %add3A_87 = arith.addi %add3A, %add3A_86 : i32
    %mul3A_88 = arith.constant 2048 : i32
    %mul3A_89 = arith.muli %add3A_87, %mul3A_88 : i32
    %dma_start3A_90 = tpu.memref_slice %arg2[%mul3A_89] : memref<6400000xi32, #tpu.memory_space<hbm>> -> memref<2048xi32, #tpu.memory_space<hbm>>
    %dma_start3A_91 = tpu.memref_slice %arg2[%mul3A_89] : memref<6400000xi32, #tpu.memory_space<hbm>> -> memref<2048xi32, #tpu.memory_space<hbm>>
    tpu.enqueue_dma source(%dma_start3A_91 : memref<2048xi32, #tpu.memory_space<hbm>>) target(%arg6 : memref<2048xi32, #tpu.memory_space<vmem>>) target_semaphore(%arg12 : memref<!tpu.dma_semaphore, #tpu.memory_space<semaphore_mem>>)
    %dma_start3A_92 = tpu.memref_slice %arg3[%mul3A_89] : memref<6400000xf32, #tpu.memory_space<hbm>> -> memref<2048xf32, #tpu.memory_space<hbm>>
    %dma_start3A_93 = tpu.memref_slice %arg3[%mul3A_89] : memref<6400000xf32, #tpu.memory_space<hbm>> -> memref<2048xf32, #tpu.memory_space<hbm>>
    tpu.enqueue_dma source(%dma_start3A_93 : memref<2048xf32, #tpu.memory_space<hbm>>) target(%arg9 : memref<2048xf32, #tpu.memory_space<vmem>>) target_semaphore(%arg12 : memref<!tpu.dma_semaphore, #tpu.memory_space<semaphore_mem>>)
    %dma_wait3A_94 = tpu.memref_slice %arg2[%mul3A_73] : memref<6400000xi32, #tpu.memory_space<hbm>> -> memref<2048xi32, #tpu.memory_space<hbm>>
    %dma_wait3A_95 = tpu.memref_slice %arg2[%mul3A_73] : memref<6400000xi32, #tpu.memory_space<hbm>> -> memref<2048xi32, #tpu.memory_space<hbm>>
    tpu.wait_dma2 semaphore(%arg12 : memref<!tpu.dma_semaphore, #tpu.memory_space<semaphore_mem>>) src(%dma_wait3A_95 : memref<2048xi32, #tpu.memory_space<hbm>>) dst(%arg8 : memref<2048xi32, #tpu.memory_space<vmem>>)
    %dma_wait3A_96 = tpu.memref_slice %arg3[%mul3A_73] : memref<6400000xf32, #tpu.memory_space<hbm>> -> memref<2048xf32, #tpu.memory_space<hbm>>
    %dma_wait3A_97 = tpu.memref_slice %arg3[%mul3A_73] : memref<6400000xf32, #tpu.memory_space<hbm>> -> memref<2048xf32, #tpu.memory_space<hbm>>
    tpu.wait_dma2 semaphore(%arg12 : memref<!tpu.dma_semaphore, #tpu.memory_space<semaphore_mem>>) src(%dma_wait3A_97 : memref<2048xf32, #tpu.memory_space<hbm>>) dst(%arg11 : memref<2048xf32, #tpu.memory_space<vmem>>)
    %dma_start3A_98 = arith.constant 0 : i32
    %dma_start3A_99 = tpu.memref_slice %arg4[%dma_start3A_98] : memref<65048576xf32, #tpu.memory_space<hbm>> -> memref<65048576xf32, #tpu.memory_space<hbm>>
    tpu.enqueue_indirect_dma source(%arg11 : memref<2048xf32, #tpu.memory_space<vmem>>) target(%dma_start3A_99 : memref<65048576xf32, #tpu.memory_space<hbm>>) offsets(%arg8 : memref<2048xi32, #tpu.memory_space<vmem>>) semaphore(%arg13 : memref<!tpu.dma_semaphore, #tpu.memory_space<semaphore_mem>>)
    %dma_wait3A_100 = arith.constant 0 : i32
    %dma_wait3A_101 = tpu.memref_slice %arg4[%dma_wait3A_100] : memref<65048576xf32, #tpu.memory_space<hbm>> -> memref<65048576xf32, #tpu.memory_space<hbm>>
    tpu.wait_indirect_dma semaphore(%arg13 : memref<!tpu.dma_semaphore, #tpu.memory_space<semaphore_mem>>) src(%arg10 : memref<2048xf32, #tpu.memory_space<vmem>>) dst(%dma_wait3A_101 : memref<65048576xf32, #tpu.memory_space<hbm>>)
    %add3A_102 = arith.constant 224 : i32
    %add3A_103 = arith.addi %add3A, %add3A_102 : i32
    %mul3A_104 = arith.constant 2048 : i32
    %mul3A_105 = arith.muli %add3A_103, %mul3A_104 : i32
    %dma_start3A_106 = tpu.memref_slice %arg2[%mul3A_105] : memref<6400000xi32, #tpu.memory_space<hbm>> -> memref<2048xi32, #tpu.memory_space<hbm>>
    %dma_start3A_107 = tpu.memref_slice %arg2[%mul3A_105] : memref<6400000xi32, #tpu.memory_space<hbm>> -> memref<2048xi32, #tpu.memory_space<hbm>>
    tpu.enqueue_dma source(%dma_start3A_107 : memref<2048xi32, #tpu.memory_space<hbm>>) target(%arg7 : memref<2048xi32, #tpu.memory_space<vmem>>) target_semaphore(%arg12 : memref<!tpu.dma_semaphore, #tpu.memory_space<semaphore_mem>>)
    %dma_start3A_108 = tpu.memref_slice %arg3[%mul3A_105] : memref<6400000xf32, #tpu.memory_space<hbm>> -> memref<2048xf32, #tpu.memory_space<hbm>>
    %dma_start3A_109 = tpu.memref_slice %arg3[%mul3A_105] : memref<6400000xf32, #tpu.memory_space<hbm>> -> memref<2048xf32, #tpu.memory_space<hbm>>
    tpu.enqueue_dma source(%dma_start3A_109 : memref<2048xf32, #tpu.memory_space<hbm>>) target(%arg10 : memref<2048xf32, #tpu.memory_space<vmem>>) target_semaphore(%arg12 : memref<!tpu.dma_semaphore, #tpu.memory_space<semaphore_mem>>)
    %dma_wait3A_110 = tpu.memref_slice %arg2[%mul3A_89] : memref<6400000xi32, #tpu.memory_space<hbm>> -> memref<2048xi32, #tpu.memory_space<hbm>>
    %dma_wait3A_111 = tpu.memref_slice %arg2[%mul3A_89] : memref<6400000xi32, #tpu.memory_space<hbm>> -> memref<2048xi32, #tpu.memory_space<hbm>>
    tpu.wait_dma2 semaphore(%arg12 : memref<!tpu.dma_semaphore, #tpu.memory_space<semaphore_mem>>) src(%dma_wait3A_111 : memref<2048xi32, #tpu.memory_space<hbm>>) dst(%arg6 : memref<2048xi32, #tpu.memory_space<vmem>>)
    %dma_wait3A_112 = tpu.memref_slice %arg3[%mul3A_89] : memref<6400000xf32, #tpu.memory_space<hbm>> -> memref<2048xf32, #tpu.memory_space<hbm>>
    %dma_wait3A_113 = tpu.memref_slice %arg3[%mul3A_89] : memref<6400000xf32, #tpu.memory_space<hbm>> -> memref<2048xf32, #tpu.memory_space<hbm>>
    tpu.wait_dma2 semaphore(%arg12 : memref<!tpu.dma_semaphore, #tpu.memory_space<semaphore_mem>>) src(%dma_wait3A_113 : memref<2048xf32, #tpu.memory_space<hbm>>) dst(%arg9 : memref<2048xf32, #tpu.memory_space<vmem>>)
    %dma_start3A_114 = arith.constant 0 : i32
    %dma_start3A_115 = tpu.memref_slice %arg4[%dma_start3A_114] : memref<65048576xf32, #tpu.memory_space<hbm>> -> memref<65048576xf32, #tpu.memory_space<hbm>>
    tpu.enqueue_indirect_dma source(%arg9 : memref<2048xf32, #tpu.memory_space<vmem>>) target(%dma_start3A_115 : memref<65048576xf32, #tpu.memory_space<hbm>>) offsets(%arg6 : memref<2048xi32, #tpu.memory_space<vmem>>) semaphore(%arg13 : memref<!tpu.dma_semaphore, #tpu.memory_space<semaphore_mem>>)
    %dma_wait3A_116 = arith.constant 0 : i32
    %dma_wait3A_117 = tpu.memref_slice %arg4[%dma_wait3A_116] : memref<65048576xf32, #tpu.memory_space<hbm>> -> memref<65048576xf32, #tpu.memory_space<hbm>>
    tpu.wait_indirect_dma semaphore(%arg13 : memref<!tpu.dma_semaphore, #tpu.memory_space<semaphore_mem>>) src(%arg11 : memref<2048xf32, #tpu.memory_space<vmem>>) dst(%dma_wait3A_117 : memref<65048576xf32, #tpu.memory_space<hbm>>)
    %add3A_118 = arith.constant 256 : i32
    %add3A_119 = arith.addi %add3A, %add3A_118 : i32
    %mul3A_120 = arith.constant 2048 : i32
    %mul3A_121 = arith.muli %add3A_119, %mul3A_120 : i32
    %dma_start3A_122 = tpu.memref_slice %arg2[%mul3A_121] : memref<6400000xi32, #tpu.memory_space<hbm>> -> memref<2048xi32, #tpu.memory_space<hbm>>
    %dma_start3A_123 = tpu.memref_slice %arg2[%mul3A_121] : memref<6400000xi32, #tpu.memory_space<hbm>> -> memref<2048xi32, #tpu.memory_space<hbm>>
    tpu.enqueue_dma source(%dma_start3A_123 : memref<2048xi32, #tpu.memory_space<hbm>>) target(%arg8 : memref<2048xi32, #tpu.memory_space<vmem>>) target_semaphore(%arg12 : memref<!tpu.dma_semaphore, #tpu.memory_space<semaphore_mem>>)
    %dma_start3A_124 = tpu.memref_slice %arg3[%mul3A_121] : memref<6400000xf32, #tpu.memory_space<hbm>> -> memref<2048xf32, #tpu.memory_space<hbm>>
    %dma_start3A_125 = tpu.memref_slice %arg3[%mul3A_121] : memref<6400000xf32, #tpu.memory_space<hbm>> -> memref<2048xf32, #tpu.memory_space<hbm>>
    tpu.enqueue_dma source(%dma_start3A_125 : memref<2048xf32, #tpu.memory_space<hbm>>) target(%arg11 : memref<2048xf32, #tpu.memory_space<vmem>>) target_semaphore(%arg12 : memref<!tpu.dma_semaphore, #tpu.memory_space<semaphore_mem>>)
    %dma_wait3A_126 = tpu.memref_slice %arg2[%mul3A_105] : memref<6400000xi32, #tpu.memory_space<hbm>> -> memref<2048xi32, #tpu.memory_space<hbm>>
    %dma_wait3A_127 = tpu.memref_slice %arg2[%mul3A_105] : memref<6400000xi32, #tpu.memory_space<hbm>> -> memref<2048xi32, #tpu.memory_space<hbm>>
    tpu.wait_dma2 semaphore(%arg12 : memref<!tpu.dma_semaphore, #tpu.memory_space<semaphore_mem>>) src(%dma_wait3A_127 : memref<2048xi32, #tpu.memory_space<hbm>>) dst(%arg7 : memref<2048xi32, #tpu.memory_space<vmem>>)
    %dma_wait3A_128 = tpu.memref_slice %arg3[%mul3A_105] : memref<6400000xf32, #tpu.memory_space<hbm>> -> memref<2048xf32, #tpu.memory_space<hbm>>
    %dma_wait3A_129 = tpu.memref_slice %arg3[%mul3A_105] : memref<6400000xf32, #tpu.memory_space<hbm>> -> memref<2048xf32, #tpu.memory_space<hbm>>
    tpu.wait_dma2 semaphore(%arg12 : memref<!tpu.dma_semaphore, #tpu.memory_space<semaphore_mem>>) src(%dma_wait3A_129 : memref<2048xf32, #tpu.memory_space<hbm>>) dst(%arg10 : memref<2048xf32, #tpu.memory_space<vmem>>)
    %dma_start3A_130 = arith.constant 0 : i32
    %dma_start3A_131 = tpu.memref_slice %arg4[%dma_start3A_130] : memref<65048576xf32, #tpu.memory_space<hbm>> -> memref<65048576xf32, #tpu.memory_space<hbm>>
    tpu.enqueue_indirect_dma source(%arg10 : memref<2048xf32, #tpu.memory_space<vmem>>) target(%dma_start3A_131 : memref<65048576xf32, #tpu.memory_space<hbm>>) offsets(%arg7 : memref<2048xi32, #tpu.memory_space<vmem>>) semaphore(%arg13 : memref<!tpu.dma_semaphore, #tpu.memory_space<semaphore_mem>>)
    %dma_wait3A_132 = arith.constant 0 : i32
    %dma_wait3A_133 = tpu.memref_slice %arg4[%dma_wait3A_132] : memref<65048576xf32, #tpu.memory_space<hbm>> -> memref<65048576xf32, #tpu.memory_space<hbm>>
    tpu.wait_indirect_dma semaphore(%arg13 : memref<!tpu.dma_semaphore, #tpu.memory_space<semaphore_mem>>) src(%arg9 : memref<2048xf32, #tpu.memory_space<vmem>>) dst(%dma_wait3A_133 : memref<65048576xf32, #tpu.memory_space<hbm>>)
    %add3A_134 = arith.constant 288 : i32
    %add3A_135 = arith.addi %add3A, %add3A_134 : i32
    %mul3A_136 = arith.constant 2048 : i32
    %mul3A_137 = arith.muli %add3A_135, %mul3A_136 : i32
    %dma_start3A_138 = tpu.memref_slice %arg2[%mul3A_137] : memref<6400000xi32, #tpu.memory_space<hbm>> -> memref<2048xi32, #tpu.memory_space<hbm>>
    %dma_start3A_139 = tpu.memref_slice %arg2[%mul3A_137] : memref<6400000xi32, #tpu.memory_space<hbm>> -> memref<2048xi32, #tpu.memory_space<hbm>>
    tpu.enqueue_dma source(%dma_start3A_139 : memref<2048xi32, #tpu.memory_space<hbm>>) target(%arg6 : memref<2048xi32, #tpu.memory_space<vmem>>) target_semaphore(%arg12 : memref<!tpu.dma_semaphore, #tpu.memory_space<semaphore_mem>>)
    %dma_start3A_140 = tpu.memref_slice %arg3[%mul3A_137] : memref<6400000xf32, #tpu.memory_space<hbm>> -> memref<2048xf32, #tpu.memory_space<hbm>>
    %dma_start3A_141 = tpu.memref_slice %arg3[%mul3A_137] : memref<6400000xf32, #tpu.memory_space<hbm>> -> memref<2048xf32, #tpu.memory_space<hbm>>
    tpu.enqueue_dma source(%dma_start3A_141 : memref<2048xf32, #tpu.memory_space<hbm>>) target(%arg9 : memref<2048xf32, #tpu.memory_space<vmem>>) target_semaphore(%arg12 : memref<!tpu.dma_semaphore, #tpu.memory_space<semaphore_mem>>)
    %dma_wait3A_142 = tpu.memref_slice %arg2[%mul3A_121] : memref<6400000xi32, #tpu.memory_space<hbm>> -> memref<2048xi32, #tpu.memory_space<hbm>>
    %dma_wait3A_143 = tpu.memref_slice %arg2[%mul3A_121] : memref<6400000xi32, #tpu.memory_space<hbm>> -> memref<2048xi32, #tpu.memory_space<hbm>>
    tpu.wait_dma2 semaphore(%arg12 : memref<!tpu.dma_semaphore, #tpu.memory_space<semaphore_mem>>) src(%dma_wait3A_143 : memref<2048xi32, #tpu.memory_space<hbm>>) dst(%arg8 : memref<2048xi32, #tpu.memory_space<vmem>>)
    %dma_wait3A_144 = tpu.memref_slice %arg3[%mul3A_121] : memref<6400000xf32, #tpu.memory_space<hbm>> -> memref<2048xf32, #tpu.memory_space<hbm>>
    %dma_wait3A_145 = tpu.memref_slice %arg3[%mul3A_121] : memref<6400000xf32, #tpu.memory_space<hbm>> -> memref<2048xf32, #tpu.memory_space<hbm>>
    tpu.wait_dma2 semaphore(%arg12 : memref<!tpu.dma_semaphore, #tpu.memory_space<semaphore_mem>>) src(%dma_wait3A_145 : memref<2048xf32, #tpu.memory_space<hbm>>) dst(%arg11 : memref<2048xf32, #tpu.memory_space<vmem>>)
    %dma_start3A_146 = arith.constant 0 : i32
    %dma_start3A_147 = tpu.memref_slice %arg4[%dma_start3A_146] : memref<65048576xf32, #tpu.memory_space<hbm>> -> memref<65048576xf32, #tpu.memory_space<hbm>>
    tpu.enqueue_indirect_dma source(%arg11 : memref<2048xf32, #tpu.memory_space<vmem>>) target(%dma_start3A_147 : memref<65048576xf32, #tpu.memory_space<hbm>>) offsets(%arg8 : memref<2048xi32, #tpu.memory_space<vmem>>) semaphore(%arg13 : memref<!tpu.dma_semaphore, #tpu.memory_space<semaphore_mem>>)
    %dma_wait3A_148 = arith.constant 0 : i32
    %dma_wait3A_149 = tpu.memref_slice %arg4[%dma_wait3A_148] : memref<65048576xf32, #tpu.memory_space<hbm>> -> memref<65048576xf32, #tpu.memory_space<hbm>>
    tpu.wait_indirect_dma semaphore(%arg13 : memref<!tpu.dma_semaphore, #tpu.memory_space<semaphore_mem>>) src(%arg10 : memref<2048xf32, #tpu.memory_space<vmem>>) dst(%dma_wait3A_149 : memref<65048576xf32, #tpu.memory_space<hbm>>)
    %add3A_150 = arith.constant 320 : i32
    %add3A_151 = arith.addi %add3A, %add3A_150 : i32
    %mul3A_152 = arith.constant 2048 : i32
    %mul3A_153 = arith.muli %add3A_151, %mul3A_152 : i32
    %dma_start3A_154 = tpu.memref_slice %arg2[%mul3A_153] : memref<6400000xi32, #tpu.memory_space<hbm>> -> memref<2048xi32, #tpu.memory_space<hbm>>
    %dma_start3A_155 = tpu.memref_slice %arg2[%mul3A_153] : memref<6400000xi32, #tpu.memory_space<hbm>> -> memref<2048xi32, #tpu.memory_space<hbm>>
    tpu.enqueue_dma source(%dma_start3A_155 : memref<2048xi32, #tpu.memory_space<hbm>>) target(%arg7 : memref<2048xi32, #tpu.memory_space<vmem>>) target_semaphore(%arg12 : memref<!tpu.dma_semaphore, #tpu.memory_space<semaphore_mem>>)
    %dma_start3A_156 = tpu.memref_slice %arg3[%mul3A_153] : memref<6400000xf32, #tpu.memory_space<hbm>> -> memref<2048xf32, #tpu.memory_space<hbm>>
    %dma_start3A_157 = tpu.memref_slice %arg3[%mul3A_153] : memref<6400000xf32, #tpu.memory_space<hbm>> -> memref<2048xf32, #tpu.memory_space<hbm>>
    tpu.enqueue_dma source(%dma_start3A_157 : memref<2048xf32, #tpu.memory_space<hbm>>) target(%arg10 : memref<2048xf32, #tpu.memory_space<vmem>>) target_semaphore(%arg12 : memref<!tpu.dma_semaphore, #tpu.memory_space<semaphore_mem>>)
    %dma_wait3A_158 = tpu.memref_slice %arg2[%mul3A_137] : memref<6400000xi32, #tpu.memory_space<hbm>> -> memref<2048xi32, #tpu.memory_space<hbm>>
    %dma_wait3A_159 = tpu.memref_slice %arg2[%mul3A_137] : memref<6400000xi32, #tpu.memory_space<hbm>> -> memref<2048xi32, #tpu.memory_space<hbm>>
    tpu.wait_dma2 semaphore(%arg12 : memref<!tpu.dma_semaphore, #tpu.memory_space<semaphore_mem>>) src(%dma_wait3A_159 : memref<2048xi32, #tpu.memory_space<hbm>>) dst(%arg6 : memref<2048xi32, #tpu.memory_space<vmem>>)
    %dma_wait3A_160 = tpu.memref_slice %arg3[%mul3A_137] : memref<6400000xf32, #tpu.memory_space<hbm>> -> memref<2048xf32, #tpu.memory_space<hbm>>
    %dma_wait3A_161 = tpu.memref_slice %arg3[%mul3A_137] : memref<6400000xf32, #tpu.memory_space<hbm>> -> memref<2048xf32, #tpu.memory_space<hbm>>
    tpu.wait_dma2 semaphore(%arg12 : memref<!tpu.dma_semaphore, #tpu.memory_space<semaphore_mem>>) src(%dma_wait3A_161 : memref<2048xf32, #tpu.memory_space<hbm>>) dst(%arg9 : memref<2048xf32, #tpu.memory_space<vmem>>)
    %dma_start3A_162 = arith.constant 0 : i32
    %dma_start3A_163 = tpu.memref_slice %arg4[%dma_start3A_162] : memref<65048576xf32, #tpu.memory_space<hbm>> -> memref<65048576xf32, #tpu.memory_space<hbm>>
    tpu.enqueue_indirect_dma source(%arg9 : memref<2048xf32, #tpu.memory_space<vmem>>) target(%dma_start3A_163 : memref<65048576xf32, #tpu.memory_space<hbm>>) offsets(%arg6 : memref<2048xi32, #tpu.memory_space<vmem>>) semaphore(%arg13 : memref<!tpu.dma_semaphore, #tpu.memory_space<semaphore_mem>>)
    %dma_wait3A_164 = arith.constant 0 : i32
    %dma_wait3A_165 = tpu.memref_slice %arg4[%dma_wait3A_164] : memref<65048576xf32, #tpu.memory_space<hbm>> -> memref<65048576xf32, #tpu.memory_space<hbm>>
    tpu.wait_indirect_dma semaphore(%arg13 : memref<!tpu.dma_semaphore, #tpu.memory_space<semaphore_mem>>) src(%arg11 : memref<2048xf32, #tpu.memory_space<vmem>>) dst(%dma_wait3A_165 : memref<65048576xf32, #tpu.memory_space<hbm>>)
    %add3A_166 = arith.constant 352 : i32
    %add3A_167 = arith.addi %add3A, %add3A_166 : i32
    %mul3A_168 = arith.constant 2048 : i32
    %mul3A_169 = arith.muli %add3A_167, %mul3A_168 : i32
    %dma_start3A_170 = tpu.memref_slice %arg2[%mul3A_169] : memref<6400000xi32, #tpu.memory_space<hbm>> -> memref<2048xi32, #tpu.memory_space<hbm>>
    %dma_start3A_171 = tpu.memref_slice %arg2[%mul3A_169] : memref<6400000xi32, #tpu.memory_space<hbm>> -> memref<2048xi32, #tpu.memory_space<hbm>>
    tpu.enqueue_dma source(%dma_start3A_171 : memref<2048xi32, #tpu.memory_space<hbm>>) target(%arg8 : memref<2048xi32, #tpu.memory_space<vmem>>) target_semaphore(%arg12 : memref<!tpu.dma_semaphore, #tpu.memory_space<semaphore_mem>>)
    %dma_start3A_172 = tpu.memref_slice %arg3[%mul3A_169] : memref<6400000xf32, #tpu.memory_space<hbm>> -> memref<2048xf32, #tpu.memory_space<hbm>>
    %dma_start3A_173 = tpu.memref_slice %arg3[%mul3A_169] : memref<6400000xf32, #tpu.memory_space<hbm>> -> memref<2048xf32, #tpu.memory_space<hbm>>
    tpu.enqueue_dma source(%dma_start3A_173 : memref<2048xf32, #tpu.memory_space<hbm>>) target(%arg11 : memref<2048xf32, #tpu.memory_space<vmem>>) target_semaphore(%arg12 : memref<!tpu.dma_semaphore, #tpu.memory_space<semaphore_mem>>)
    %dma_wait3A_174 = tpu.memref_slice %arg2[%mul3A_153] : memref<6400000xi32, #tpu.memory_space<hbm>> -> memref<2048xi32, #tpu.memory_space<hbm>>
    %dma_wait3A_175 = tpu.memref_slice %arg2[%mul3A_153] : memref<6400000xi32, #tpu.memory_space<hbm>> -> memref<2048xi32, #tpu.memory_space<hbm>>
    tpu.wait_dma2 semaphore(%arg12 : memref<!tpu.dma_semaphore, #tpu.memory_space<semaphore_mem>>) src(%dma_wait3A_175 : memref<2048xi32, #tpu.memory_space<hbm>>) dst(%arg7 : memref<2048xi32, #tpu.memory_space<vmem>>)
    %dma_wait3A_176 = tpu.memref_slice %arg3[%mul3A_153] : memref<6400000xf32, #tpu.memory_space<hbm>> -> memref<2048xf32, #tpu.memory_space<hbm>>
    %dma_wait3A_177 = tpu.memref_slice %arg3[%mul3A_153] : memref<6400000xf32, #tpu.memory_space<hbm>> -> memref<2048xf32, #tpu.memory_space<hbm>>
    tpu.wait_dma2 semaphore(%arg12 : memref<!tpu.dma_semaphore, #tpu.memory_space<semaphore_mem>>) src(%dma_wait3A_177 : memref<2048xf32, #tpu.memory_space<hbm>>) dst(%arg10 : memref<2048xf32, #tpu.memory_space<vmem>>)
    %dma_start3A_178 = arith.constant 0 : i32
    %dma_start3A_179 = tpu.memref_slice %arg4[%dma_start3A_178] : memref<65048576xf32, #tpu.memory_space<hbm>> -> memref<65048576xf32, #tpu.memory_space<hbm>>
    tpu.enqueue_indirect_dma source(%arg10 : memref<2048xf32, #tpu.memory_space<vmem>>) target(%dma_start3A_179 : memref<65048576xf32, #tpu.memory_space<hbm>>) offsets(%arg7 : memref<2048xi32, #tpu.memory_space<vmem>>) semaphore(%arg13 : memref<!tpu.dma_semaphore, #tpu.memory_space<semaphore_mem>>)
    %dma_wait3A_180 = arith.constant 0 : i32
    %dma_wait3A_181 = tpu.memref_slice %arg4[%dma_wait3A_180] : memref<65048576xf32, #tpu.memory_space<hbm>> -> memref<65048576xf32, #tpu.memory_space<hbm>>
    tpu.wait_indirect_dma semaphore(%arg13 : memref<!tpu.dma_semaphore, #tpu.memory_space<semaphore_mem>>) src(%arg9 : memref<2048xf32, #tpu.memory_space<vmem>>) dst(%dma_wait3A_181 : memref<65048576xf32, #tpu.memory_space<hbm>>)
    %add3A_182 = arith.constant 384 : i32
    %add3A_183 = arith.addi %add3A, %add3A_182 : i32
    %mul3A_184 = arith.constant 2048 : i32
    %mul3A_185 = arith.muli %add3A_183, %mul3A_184 : i32
    %dma_start3A_186 = tpu.memref_slice %arg2[%mul3A_185] : memref<6400000xi32, #tpu.memory_space<hbm>> -> memref<2048xi32, #tpu.memory_space<hbm>>
    %dma_start3A_187 = tpu.memref_slice %arg2[%mul3A_185] : memref<6400000xi32, #tpu.memory_space<hbm>> -> memref<2048xi32, #tpu.memory_space<hbm>>
    tpu.enqueue_dma source(%dma_start3A_187 : memref<2048xi32, #tpu.memory_space<hbm>>) target(%arg6 : memref<2048xi32, #tpu.memory_space<vmem>>) target_semaphore(%arg12 : memref<!tpu.dma_semaphore, #tpu.memory_space<semaphore_mem>>)
    %dma_start3A_188 = tpu.memref_slice %arg3[%mul3A_185] : memref<6400000xf32, #tpu.memory_space<hbm>> -> memref<2048xf32, #tpu.memory_space<hbm>>
    %dma_start3A_189 = tpu.memref_slice %arg3[%mul3A_185] : memref<6400000xf32, #tpu.memory_space<hbm>> -> memref<2048xf32, #tpu.memory_space<hbm>>
    tpu.enqueue_dma source(%dma_start3A_189 : memref<2048xf32, #tpu.memory_space<hbm>>) target(%arg9 : memref<2048xf32, #tpu.memory_space<vmem>>) target_semaphore(%arg12 : memref<!tpu.dma_semaphore, #tpu.memory_space<semaphore_mem>>)
    %dma_wait3A_190 = tpu.memref_slice %arg2[%mul3A_169] : memref<6400000xi32, #tpu.memory_space<hbm>> -> memref<2048xi32, #tpu.memory_space<hbm>>
    %dma_wait3A_191 = tpu.memref_slice %arg2[%mul3A_169] : memref<6400000xi32, #tpu.memory_space<hbm>> -> memref<2048xi32, #tpu.memory_space<hbm>>
    tpu.wait_dma2 semaphore(%arg12 : memref<!tpu.dma_semaphore, #tpu.memory_space<semaphore_mem>>) src(%dma_wait3A_191 : memref<2048xi32, #tpu.memory_space<hbm>>) dst(%arg8 : memref<2048xi32, #tpu.memory_space<vmem>>)
    %dma_wait3A_192 = tpu.memref_slice %arg3[%mul3A_169] : memref<6400000xf32, #tpu.memory_space<hbm>> -> memref<2048xf32, #tpu.memory_space<hbm>>
    %dma_wait3A_193 = tpu.memref_slice %arg3[%mul3A_169] : memref<6400000xf32, #tpu.memory_space<hbm>> -> memref<2048xf32, #tpu.memory_space<hbm>>
    tpu.wait_dma2 semaphore(%arg12 : memref<!tpu.dma_semaphore, #tpu.memory_space<semaphore_mem>>) src(%dma_wait3A_193 : memref<2048xf32, #tpu.memory_space<hbm>>) dst(%arg11 : memref<2048xf32, #tpu.memory_space<vmem>>)
    %dma_start3A_194 = arith.constant 0 : i32
    %dma_start3A_195 = tpu.memref_slice %arg4[%dma_start3A_194] : memref<65048576xf32, #tpu.memory_space<hbm>> -> memref<65048576xf32, #tpu.memory_space<hbm>>
    tpu.enqueue_indirect_dma source(%arg11 : memref<2048xf32, #tpu.memory_space<vmem>>) target(%dma_start3A_195 : memref<65048576xf32, #tpu.memory_space<hbm>>) offsets(%arg8 : memref<2048xi32, #tpu.memory_space<vmem>>) semaphore(%arg13 : memref<!tpu.dma_semaphore, #tpu.memory_space<semaphore_mem>>)
    %dma_wait3A_196 = arith.constant 0 : i32
    %dma_wait3A_197 = tpu.memref_slice %arg4[%dma_wait3A_196] : memref<65048576xf32, #tpu.memory_space<hbm>> -> memref<65048576xf32, #tpu.memory_space<hbm>>
    tpu.wait_indirect_dma semaphore(%arg13 : memref<!tpu.dma_semaphore, #tpu.memory_space<semaphore_mem>>) src(%arg10 : memref<2048xf32, #tpu.memory_space<vmem>>) dst(%dma_wait3A_197 : memref<65048576xf32, #tpu.memory_space<hbm>>)
    %add3A_198 = arith.constant 416 : i32
    %add3A_199 = arith.addi %add3A, %add3A_198 : i32
    %mul3A_200 = arith.constant 2048 : i32
    %mul3A_201 = arith.muli %add3A_199, %mul3A_200 : i32
    %dma_start3A_202 = tpu.memref_slice %arg2[%mul3A_201] : memref<6400000xi32, #tpu.memory_space<hbm>> -> memref<2048xi32, #tpu.memory_space<hbm>>
    %dma_start3A_203 = tpu.memref_slice %arg2[%mul3A_201] : memref<6400000xi32, #tpu.memory_space<hbm>> -> memref<2048xi32, #tpu.memory_space<hbm>>
    tpu.enqueue_dma source(%dma_start3A_203 : memref<2048xi32, #tpu.memory_space<hbm>>) target(%arg7 : memref<2048xi32, #tpu.memory_space<vmem>>) target_semaphore(%arg12 : memref<!tpu.dma_semaphore, #tpu.memory_space<semaphore_mem>>)
    %dma_start3A_204 = tpu.memref_slice %arg3[%mul3A_201] : memref<6400000xf32, #tpu.memory_space<hbm>> -> memref<2048xf32, #tpu.memory_space<hbm>>
    %dma_start3A_205 = tpu.memref_slice %arg3[%mul3A_201] : memref<6400000xf32, #tpu.memory_space<hbm>> -> memref<2048xf32, #tpu.memory_space<hbm>>
    tpu.enqueue_dma source(%dma_start3A_205 : memref<2048xf32, #tpu.memory_space<hbm>>) target(%arg10 : memref<2048xf32, #tpu.memory_space<vmem>>) target_semaphore(%arg12 : memref<!tpu.dma_semaphore, #tpu.memory_space<semaphore_mem>>)
    %dma_wait3A_206 = tpu.memref_slice %arg2[%mul3A_185] : memref<6400000xi32, #tpu.memory_space<hbm>> -> memref<2048xi32, #tpu.memory_space<hbm>>
    %dma_wait3A_207 = tpu.memref_slice %arg2[%mul3A_185] : memref<6400000xi32, #tpu.memory_space<hbm>> -> memref<2048xi32, #tpu.memory_space<hbm>>
    tpu.wait_dma2 semaphore(%arg12 : memref<!tpu.dma_semaphore, #tpu.memory_space<semaphore_mem>>) src(%dma_wait3A_207 : memref<2048xi32, #tpu.memory_space<hbm>>) dst(%arg6 : memref<2048xi32, #tpu.memory_space<vmem>>)
    %dma_wait3A_208 = tpu.memref_slice %arg3[%mul3A_185] : memref<6400000xf32, #tpu.memory_space<hbm>> -> memref<2048xf32, #tpu.memory_space<hbm>>
    %dma_wait3A_209 = tpu.memref_slice %arg3[%mul3A_185] : memref<6400000xf32, #tpu.memory_space<hbm>> -> memref<2048xf32, #tpu.memory_space<hbm>>
    tpu.wait_dma2 semaphore(%arg12 : memref<!tpu.dma_semaphore, #tpu.memory_space<semaphore_mem>>) src(%dma_wait3A_209 : memref<2048xf32, #tpu.memory_space<hbm>>) dst(%arg9 : memref<2048xf32, #tpu.memory_space<vmem>>)
    %dma_start3A_210 = arith.constant 0 : i32
    %dma_start3A_211 = tpu.memref_slice %arg4[%dma_start3A_210] : memref<65048576xf32, #tpu.memory_space<hbm>> -> memref<65048576xf32, #tpu.memory_space<hbm>>
    tpu.enqueue_indirect_dma source(%arg9 : memref<2048xf32, #tpu.memory_space<vmem>>) target(%dma_start3A_211 : memref<65048576xf32, #tpu.memory_space<hbm>>) offsets(%arg6 : memref<2048xi32, #tpu.memory_space<vmem>>) semaphore(%arg13 : memref<!tpu.dma_semaphore, #tpu.memory_space<semaphore_mem>>)
    %dma_wait3A_212 = arith.constant 0 : i32
    %dma_wait3A_213 = tpu.memref_slice %arg4[%dma_wait3A_212] : memref<65048576xf32, #tpu.memory_space<hbm>> -> memref<65048576xf32, #tpu.memory_space<hbm>>
    tpu.wait_indirect_dma semaphore(%arg13 : memref<!tpu.dma_semaphore, #tpu.memory_space<semaphore_mem>>) src(%arg11 : memref<2048xf32, #tpu.memory_space<vmem>>) dst(%dma_wait3A_213 : memref<65048576xf32, #tpu.memory_space<hbm>>)
    %add3A_214 = arith.constant 448 : i32
    %add3A_215 = arith.addi %add3A, %add3A_214 : i32
    %mul3A_216 = arith.constant 2048 : i32
    %mul3A_217 = arith.muli %add3A_215, %mul3A_216 : i32
    %dma_start3A_218 = tpu.memref_slice %arg2[%mul3A_217] : memref<6400000xi32, #tpu.memory_space<hbm>> -> memref<2048xi32, #tpu.memory_space<hbm>>
    %dma_start3A_219 = tpu.memref_slice %arg2[%mul3A_217] : memref<6400000xi32, #tpu.memory_space<hbm>> -> memref<2048xi32, #tpu.memory_space<hbm>>
    tpu.enqueue_dma source(%dma_start3A_219 : memref<2048xi32, #tpu.memory_space<hbm>>) target(%arg8 : memref<2048xi32, #tpu.memory_space<vmem>>) target_semaphore(%arg12 : memref<!tpu.dma_semaphore, #tpu.memory_space<semaphore_mem>>)
    %dma_start3A_220 = tpu.memref_slice %arg3[%mul3A_217] : memref<6400000xf32, #tpu.memory_space<hbm>> -> memref<2048xf32, #tpu.memory_space<hbm>>
    %dma_start3A_221 = tpu.memref_slice %arg3[%mul3A_217] : memref<6400000xf32, #tpu.memory_space<hbm>> -> memref<2048xf32, #tpu.memory_space<hbm>>
    tpu.enqueue_dma source(%dma_start3A_221 : memref<2048xf32, #tpu.memory_space<hbm>>) target(%arg11 : memref<2048xf32, #tpu.memory_space<vmem>>) target_semaphore(%arg12 : memref<!tpu.dma_semaphore, #tpu.memory_space<semaphore_mem>>)
    %dma_wait3A_222 = tpu.memref_slice %arg2[%mul3A_201] : memref<6400000xi32, #tpu.memory_space<hbm>> -> memref<2048xi32, #tpu.memory_space<hbm>>
    %dma_wait3A_223 = tpu.memref_slice %arg2[%mul3A_201] : memref<6400000xi32, #tpu.memory_space<hbm>> -> memref<2048xi32, #tpu.memory_space<hbm>>
    tpu.wait_dma2 semaphore(%arg12 : memref<!tpu.dma_semaphore, #tpu.memory_space<semaphore_mem>>) src(%dma_wait3A_223 : memref<2048xi32, #tpu.memory_space<hbm>>) dst(%arg7 : memref<2048xi32, #tpu.memory_space<vmem>>)
    %dma_wait3A_224 = tpu.memref_slice %arg3[%mul3A_201] : memref<6400000xf32, #tpu.memory_space<hbm>> -> memref<2048xf32, #tpu.memory_space<hbm>>
    %dma_wait3A_225 = tpu.memref_slice %arg3[%mul3A_201] : memref<6400000xf32, #tpu.memory_space<hbm>> -> memref<2048xf32, #tpu.memory_space<hbm>>
    tpu.wait_dma2 semaphore(%arg12 : memref<!tpu.dma_semaphore, #tpu.memory_space<semaphore_mem>>) src(%dma_wait3A_225 : memref<2048xf32, #tpu.memory_space<hbm>>) dst(%arg10 : memref<2048xf32, #tpu.memory_space<vmem>>)
    %dma_start3A_226 = arith.constant 0 : i32
    %dma_start3A_227 = tpu.memref_slice %arg4[%dma_start3A_226] : memref<65048576xf32, #tpu.memory_space<hbm>> -> memref<65048576xf32, #tpu.memory_space<hbm>>
    tpu.enqueue_indirect_dma source(%arg10 : memref<2048xf32, #tpu.memory_space<vmem>>) target(%dma_start3A_227 : memref<65048576xf32, #tpu.memory_space<hbm>>) offsets(%arg7 : memref<2048xi32, #tpu.memory_space<vmem>>) semaphore(%arg13 : memref<!tpu.dma_semaphore, #tpu.memory_space<semaphore_mem>>)
    %dma_wait3A_228 = arith.constant 0 : i32
    %dma_wait3A_229 = tpu.memref_slice %arg4[%dma_wait3A_228] : memref<65048576xf32, #tpu.memory_space<hbm>> -> memref<65048576xf32, #tpu.memory_space<hbm>>
    tpu.wait_indirect_dma semaphore(%arg13 : memref<!tpu.dma_semaphore, #tpu.memory_space<semaphore_mem>>) src(%arg9 : memref<2048xf32, #tpu.memory_space<vmem>>) dst(%dma_wait3A_229 : memref<65048576xf32, #tpu.memory_space<hbm>>)
    %add3A_230 = arith.constant 480 : i32
    %add3A_231 = arith.addi %add3A, %add3A_230 : i32
    %mul3A_232 = arith.constant 2048 : i32
    %mul3A_233 = arith.muli %add3A_231, %mul3A_232 : i32
    %dma_start3A_234 = tpu.memref_slice %arg2[%mul3A_233] : memref<6400000xi32, #tpu.memory_space<hbm>> -> memref<2048xi32, #tpu.memory_space<hbm>>
    %dma_start3A_235 = tpu.memref_slice %arg2[%mul3A_233] : memref<6400000xi32, #tpu.memory_space<hbm>> -> memref<2048xi32, #tpu.memory_space<hbm>>
    tpu.enqueue_dma source(%dma_start3A_235 : memref<2048xi32, #tpu.memory_space<hbm>>) target(%arg6 : memref<2048xi32, #tpu.memory_space<vmem>>) target_semaphore(%arg12 : memref<!tpu.dma_semaphore, #tpu.memory_space<semaphore_mem>>)
    %dma_start3A_236 = tpu.memref_slice %arg3[%mul3A_233] : memref<6400000xf32, #tpu.memory_space<hbm>> -> memref<2048xf32, #tpu.memory_space<hbm>>
    %dma_start3A_237 = tpu.memref_slice %arg3[%mul3A_233] : memref<6400000xf32, #tpu.memory_space<hbm>> -> memref<2048xf32, #tpu.memory_space<hbm>>
    tpu.enqueue_dma source(%dma_start3A_237 : memref<2048xf32, #tpu.memory_space<hbm>>) target(%arg9 : memref<2048xf32, #tpu.memory_space<vmem>>) target_semaphore(%arg12 : memref<!tpu.dma_semaphore, #tpu.memory_space<semaphore_mem>>)
    %dma_wait3A_238 = tpu.memref_slice %arg2[%mul3A_217] : memref<6400000xi32, #tpu.memory_space<hbm>> -> memref<2048xi32, #tpu.memory_space<hbm>>
    %dma_wait3A_239 = tpu.memref_slice %arg2[%mul3A_217] : memref<6400000xi32, #tpu.memory_space<hbm>> -> memref<2048xi32, #tpu.memory_space<hbm>>
    tpu.wait_dma2 semaphore(%arg12 : memref<!tpu.dma_semaphore, #tpu.memory_space<semaphore_mem>>) src(%dma_wait3A_239 : memref<2048xi32, #tpu.memory_space<hbm>>) dst(%arg8 : memref<2048xi32, #tpu.memory_space<vmem>>)
    %dma_wait3A_240 = tpu.memref_slice %arg3[%mul3A_217] : memref<6400000xf32, #tpu.memory_space<hbm>> -> memref<2048xf32, #tpu.memory_space<hbm>>
    %dma_wait3A_241 = tpu.memref_slice %arg3[%mul3A_217] : memref<6400000xf32, #tpu.memory_space<hbm>> -> memref<2048xf32, #tpu.memory_space<hbm>>
    tpu.wait_dma2 semaphore(%arg12 : memref<!tpu.dma_semaphore, #tpu.memory_space<semaphore_mem>>) src(%dma_wait3A_241 : memref<2048xf32, #tpu.memory_space<hbm>>) dst(%arg11 : memref<2048xf32, #tpu.memory_space<vmem>>)
    %dma_start3A_242 = arith.constant 0 : i32
    %dma_start3A_243 = tpu.memref_slice %arg4[%dma_start3A_242] : memref<65048576xf32, #tpu.memory_space<hbm>> -> memref<65048576xf32, #tpu.memory_space<hbm>>
    tpu.enqueue_indirect_dma source(%arg11 : memref<2048xf32, #tpu.memory_space<vmem>>) target(%dma_start3A_243 : memref<65048576xf32, #tpu.memory_space<hbm>>) offsets(%arg8 : memref<2048xi32, #tpu.memory_space<vmem>>) semaphore(%arg13 : memref<!tpu.dma_semaphore, #tpu.memory_space<semaphore_mem>>)
    %dma_wait3A_244 = arith.constant 0 : i32
    %dma_wait3A_245 = tpu.memref_slice %arg4[%dma_wait3A_244] : memref<65048576xf32, #tpu.memory_space<hbm>> -> memref<65048576xf32, #tpu.memory_space<hbm>>
    tpu.wait_indirect_dma semaphore(%arg13 : memref<!tpu.dma_semaphore, #tpu.memory_space<semaphore_mem>>) src(%arg10 : memref<2048xf32, #tpu.memory_space<vmem>>) dst(%dma_wait3A_245 : memref<65048576xf32, #tpu.memory_space<hbm>>)
    %add3A_246 = arith.constant 512 : i32
    %add3A_247 = arith.addi %add3A, %add3A_246 : i32
    %mul3A_248 = arith.constant 2048 : i32
    %mul3A_249 = arith.muli %add3A_247, %mul3A_248 : i32
    %dma_start3A_250 = tpu.memref_slice %arg2[%mul3A_249] : memref<6400000xi32, #tpu.memory_space<hbm>> -> memref<2048xi32, #tpu.memory_space<hbm>>
    %dma_start3A_251 = tpu.memref_slice %arg2[%mul3A_249] : memref<6400000xi32, #tpu.memory_space<hbm>> -> memref<2048xi32, #tpu.memory_space<hbm>>
    tpu.enqueue_dma source(%dma_start3A_251 : memref<2048xi32, #tpu.memory_space<hbm>>) target(%arg7 : memref<2048xi32, #tpu.memory_space<vmem>>) target_semaphore(%arg12 : memref<!tpu.dma_semaphore, #tpu.memory_space<semaphore_mem>>)
    %dma_start3A_252 = tpu.memref_slice %arg3[%mul3A_249] : memref<6400000xf32, #tpu.memory_space<hbm>> -> memref<2048xf32, #tpu.memory_space<hbm>>
    %dma_start3A_253 = tpu.memref_slice %arg3[%mul3A_249] : memref<6400000xf32, #tpu.memory_space<hbm>> -> memref<2048xf32, #tpu.memory_space<hbm>>
    tpu.enqueue_dma source(%dma_start3A_253 : memref<2048xf32, #tpu.memory_space<hbm>>) target(%arg10 : memref<2048xf32, #tpu.memory_space<vmem>>) target_semaphore(%arg12 : memref<!tpu.dma_semaphore, #tpu.memory_space<semaphore_mem>>)
    %dma_wait3A_254 = tpu.memref_slice %arg2[%mul3A_233] : memref<6400000xi32, #tpu.memory_space<hbm>> -> memref<2048xi32, #tpu.memory_space<hbm>>
    %dma_wait3A_255 = tpu.memref_slice %arg2[%mul3A_233] : memref<6400000xi32, #tpu.memory_space<hbm>> -> memref<2048xi32, #tpu.memory_space<hbm>>
    tpu.wait_dma2 semaphore(%arg12 : memref<!tpu.dma_semaphore, #tpu.memory_space<semaphore_mem>>) src(%dma_wait3A_255 : memref<2048xi32, #tpu.memory_space<hbm>>) dst(%arg6 : memref<2048xi32, #tpu.memory_space<vmem>>)
    %dma_wait3A_256 = tpu.memref_slice %arg3[%mul3A_233] : memref<6400000xf32, #tpu.memory_space<hbm>> -> memref<2048xf32, #tpu.memory_space<hbm>>
    %dma_wait3A_257 = tpu.memref_slice %arg3[%mul3A_233] : memref<6400000xf32, #tpu.memory_space<hbm>> -> memref<2048xf32, #tpu.memory_space<hbm>>
    tpu.wait_dma2 semaphore(%arg12 : memref<!tpu.dma_semaphore, #tpu.memory_space<semaphore_mem>>) src(%dma_wait3A_257 : memref<2048xf32, #tpu.memory_space<hbm>>) dst(%arg9 : memref<2048xf32, #tpu.memory_space<vmem>>)
    %dma_start3A_258 = arith.constant 0 : i32
    %dma_start3A_259 = tpu.memref_slice %arg4[%dma_start3A_258] : memref<65048576xf32, #tpu.memory_space<hbm>> -> memref<65048576xf32, #tpu.memory_space<hbm>>
    tpu.enqueue_indirect_dma source(%arg9 : memref<2048xf32, #tpu.memory_space<vmem>>) target(%dma_start3A_259 : memref<65048576xf32, #tpu.memory_space<hbm>>) offsets(%arg6 : memref<2048xi32, #tpu.memory_space<vmem>>) semaphore(%arg13 : memref<!tpu.dma_semaphore, #tpu.memory_space<semaphore_mem>>)
    %dma_wait3A_260 = arith.constant 0 : i32
    %dma_wait3A_261 = tpu.memref_slice %arg4[%dma_wait3A_260] : memref<65048576xf32, #tpu.memory_space<hbm>> -> memref<65048576xf32, #tpu.memory_space<hbm>>
    tpu.wait_indirect_dma semaphore(%arg13 : memref<!tpu.dma_semaphore, #tpu.memory_space<semaphore_mem>>) src(%arg11 : memref<2048xf32, #tpu.memory_space<vmem>>) dst(%dma_wait3A_261 : memref<65048576xf32, #tpu.memory_space<hbm>>)
    %add3A_262 = arith.constant 544 : i32
    %add3A_263 = arith.addi %add3A, %add3A_262 : i32
    %mul3A_264 = arith.constant 2048 : i32
    %mul3A_265 = arith.muli %add3A_263, %mul3A_264 : i32
    %dma_start3A_266 = tpu.memref_slice %arg2[%mul3A_265] : memref<6400000xi32, #tpu.memory_space<hbm>> -> memref<2048xi32, #tpu.memory_space<hbm>>
    %dma_start3A_267 = tpu.memref_slice %arg2[%mul3A_265] : memref<6400000xi32, #tpu.memory_space<hbm>> -> memref<2048xi32, #tpu.memory_space<hbm>>
    tpu.enqueue_dma source(%dma_start3A_267 : memref<2048xi32, #tpu.memory_space<hbm>>) target(%arg8 : memref<2048xi32, #tpu.memory_space<vmem>>) target_semaphore(%arg12 : memref<!tpu.dma_semaphore, #tpu.memory_space<semaphore_mem>>)
    %dma_start3A_268 = tpu.memref_slice %arg3[%mul3A_265] : memref<6400000xf32, #tpu.memory_space<hbm>> -> memref<2048xf32, #tpu.memory_space<hbm>>
    %dma_start3A_269 = tpu.memref_slice %arg3[%mul3A_265] : memref<6400000xf32, #tpu.memory_space<hbm>> -> memref<2048xf32, #tpu.memory_space<hbm>>
    tpu.enqueue_dma source(%dma_start3A_269 : memref<2048xf32, #tpu.memory_space<hbm>>) target(%arg11 : memref<2048xf32, #tpu.memory_space<vmem>>) target_semaphore(%arg12 : memref<!tpu.dma_semaphore, #tpu.memory_space<semaphore_mem>>)
    %dma_wait3A_270 = tpu.memref_slice %arg2[%mul3A_249] : memref<6400000xi32, #tpu.memory_space<hbm>> -> memref<2048xi32, #tpu.memory_space<hbm>>
    %dma_wait3A_271 = tpu.memref_slice %arg2[%mul3A_249] : memref<6400000xi32, #tpu.memory_space<hbm>> -> memref<2048xi32, #tpu.memory_space<hbm>>
    tpu.wait_dma2 semaphore(%arg12 : memref<!tpu.dma_semaphore, #tpu.memory_space<semaphore_mem>>) src(%dma_wait3A_271 : memref<2048xi32, #tpu.memory_space<hbm>>) dst(%arg7 : memref<2048xi32, #tpu.memory_space<vmem>>)
    %dma_wait3A_272 = tpu.memref_slice %arg3[%mul3A_249] : memref<6400000xf32, #tpu.memory_space<hbm>> -> memref<2048xf32, #tpu.memory_space<hbm>>
    %dma_wait3A_273 = tpu.memref_slice %arg3[%mul3A_249] : memref<6400000xf32, #tpu.memory_space<hbm>> -> memref<2048xf32, #tpu.memory_space<hbm>>
    tpu.wait_dma2 semaphore(%arg12 : memref<!tpu.dma_semaphore, #tpu.memory_space<semaphore_mem>>) src(%dma_wait3A_273 : memref<2048xf32, #tpu.memory_space<hbm>>) dst(%arg10 : memref<2048xf32, #tpu.memory_space<vmem>>)
    %dma_start3A_274 = arith.constant 0 : i32
    %dma_start3A_275 = tpu.memref_slice %arg4[%dma_start3A_274] : memref<65048576xf32, #tpu.memory_space<hbm>> -> memref<65048576xf32, #tpu.memory_space<hbm>>
    tpu.enqueue_indirect_dma source(%arg10 : memref<2048xf32, #tpu.memory_space<vmem>>) target(%dma_start3A_275 : memref<65048576xf32, #tpu.memory_space<hbm>>) offsets(%arg7 : memref<2048xi32, #tpu.memory_space<vmem>>) semaphore(%arg13 : memref<!tpu.dma_semaphore, #tpu.memory_space<semaphore_mem>>)
    %dma_wait3A_276 = arith.constant 0 : i32
    %dma_wait3A_277 = tpu.memref_slice %arg4[%dma_wait3A_276] : memref<65048576xf32, #tpu.memory_space<hbm>> -> memref<65048576xf32, #tpu.memory_space<hbm>>
    tpu.wait_indirect_dma semaphore(%arg13 : memref<!tpu.dma_semaphore, #tpu.memory_space<semaphore_mem>>) src(%arg9 : memref<2048xf32, #tpu.memory_space<vmem>>) dst(%dma_wait3A_277 : memref<65048576xf32, #tpu.memory_space<hbm>>)
    %add3A_278 = arith.constant 576 : i32
    %add3A_279 = arith.addi %add3A, %add3A_278 : i32
    %mul3A_280 = arith.constant 2048 : i32
    %mul3A_281 = arith.muli %add3A_279, %mul3A_280 : i32
    %dma_start3A_282 = tpu.memref_slice %arg2[%mul3A_281] : memref<6400000xi32, #tpu.memory_space<hbm>> -> memref<2048xi32, #tpu.memory_space<hbm>>
    %dma_start3A_283 = tpu.memref_slice %arg2[%mul3A_281] : memref<6400000xi32, #tpu.memory_space<hbm>> -> memref<2048xi32, #tpu.memory_space<hbm>>
    tpu.enqueue_dma source(%dma_start3A_283 : memref<2048xi32, #tpu.memory_space<hbm>>) target(%arg6 : memref<2048xi32, #tpu.memory_space<vmem>>) target_semaphore(%arg12 : memref<!tpu.dma_semaphore, #tpu.memory_space<semaphore_mem>>)
    %dma_start3A_284 = tpu.memref_slice %arg3[%mul3A_281] : memref<6400000xf32, #tpu.memory_space<hbm>> -> memref<2048xf32, #tpu.memory_space<hbm>>
    %dma_start3A_285 = tpu.memref_slice %arg3[%mul3A_281] : memref<6400000xf32, #tpu.memory_space<hbm>> -> memref<2048xf32, #tpu.memory_space<hbm>>
    tpu.enqueue_dma source(%dma_start3A_285 : memref<2048xf32, #tpu.memory_space<hbm>>) target(%arg9 : memref<2048xf32, #tpu.memory_space<vmem>>) target_semaphore(%arg12 : memref<!tpu.dma_semaphore, #tpu.memory_space<semaphore_mem>>)
    %dma_wait3A_286 = tpu.memref_slice %arg2[%mul3A_265] : memref<6400000xi32, #tpu.memory_space<hbm>> -> memref<2048xi32, #tpu.memory_space<hbm>>
    %dma_wait3A_287 = tpu.memref_slice %arg2[%mul3A_265] : memref<6400000xi32, #tpu.memory_space<hbm>> -> memref<2048xi32, #tpu.memory_space<hbm>>
    tpu.wait_dma2 semaphore(%arg12 : memref<!tpu.dma_semaphore, #tpu.memory_space<semaphore_mem>>) src(%dma_wait3A_287 : memref<2048xi32, #tpu.memory_space<hbm>>) dst(%arg8 : memref<2048xi32, #tpu.memory_space<vmem>>)
    %dma_wait3A_288 = tpu.memref_slice %arg3[%mul3A_265] : memref<6400000xf32, #tpu.memory_space<hbm>> -> memref<2048xf32, #tpu.memory_space<hbm>>
    %dma_wait3A_289 = tpu.memref_slice %arg3[%mul3A_265] : memref<6400000xf32, #tpu.memory_space<hbm>> -> memref<2048xf32, #tpu.memory_space<hbm>>
    tpu.wait_dma2 semaphore(%arg12 : memref<!tpu.dma_semaphore, #tpu.memory_space<semaphore_mem>>) src(%dma_wait3A_289 : memref<2048xf32, #tpu.memory_space<hbm>>) dst(%arg11 : memref<2048xf32, #tpu.memory_space<vmem>>)
    %dma_start3A_290 = arith.constant 0 : i32
    %dma_start3A_291 = tpu.memref_slice %arg4[%dma_start3A_290] : memref<65048576xf32, #tpu.memory_space<hbm>> -> memref<65048576xf32, #tpu.memory_space<hbm>>
    tpu.enqueue_indirect_dma source(%arg11 : memref<2048xf32, #tpu.memory_space<vmem>>) target(%dma_start3A_291 : memref<65048576xf32, #tpu.memory_space<hbm>>) offsets(%arg8 : memref<2048xi32, #tpu.memory_space<vmem>>) semaphore(%arg13 : memref<!tpu.dma_semaphore, #tpu.memory_space<semaphore_mem>>)
    %dma_wait3A_292 = arith.constant 0 : i32
    %dma_wait3A_293 = tpu.memref_slice %arg4[%dma_wait3A_292] : memref<65048576xf32, #tpu.memory_space<hbm>> -> memref<65048576xf32, #tpu.memory_space<hbm>>
    tpu.wait_indirect_dma semaphore(%arg13 : memref<!tpu.dma_semaphore, #tpu.memory_space<semaphore_mem>>) src(%arg10 : memref<2048xf32, #tpu.memory_space<vmem>>) dst(%dma_wait3A_293 : memref<65048576xf32, #tpu.memory_space<hbm>>)
    %add3A_294 = arith.constant 608 : i32
    %add3A_295 = arith.addi %add3A, %add3A_294 : i32
    %mul3A_296 = arith.constant 2048 : i32
    %mul3A_297 = arith.muli %add3A_295, %mul3A_296 : i32
    %dma_start3A_298 = tpu.memref_slice %arg2[%mul3A_297] : memref<6400000xi32, #tpu.memory_space<hbm>> -> memref<2048xi32, #tpu.memory_space<hbm>>
    %dma_start3A_299 = tpu.memref_slice %arg2[%mul3A_297] : memref<6400000xi32, #tpu.memory_space<hbm>> -> memref<2048xi32, #tpu.memory_space<hbm>>
    tpu.enqueue_dma source(%dma_start3A_299 : memref<2048xi32, #tpu.memory_space<hbm>>) target(%arg7 : memref<2048xi32, #tpu.memory_space<vmem>>) target_semaphore(%arg12 : memref<!tpu.dma_semaphore, #tpu.memory_space<semaphore_mem>>)
    %dma_start3A_300 = tpu.memref_slice %arg3[%mul3A_297] : memref<6400000xf32, #tpu.memory_space<hbm>> -> memref<2048xf32, #tpu.memory_space<hbm>>
    %dma_start3A_301 = tpu.memref_slice %arg3[%mul3A_297] : memref<6400000xf32, #tpu.memory_space<hbm>> -> memref<2048xf32, #tpu.memory_space<hbm>>
    tpu.enqueue_dma source(%dma_start3A_301 : memref<2048xf32, #tpu.memory_space<hbm>>) target(%arg10 : memref<2048xf32, #tpu.memory_space<vmem>>) target_semaphore(%arg12 : memref<!tpu.dma_semaphore, #tpu.memory_space<semaphore_mem>>)
    %dma_wait3A_302 = tpu.memref_slice %arg2[%mul3A_281] : memref<6400000xi32, #tpu.memory_space<hbm>> -> memref<2048xi32, #tpu.memory_space<hbm>>
    %dma_wait3A_303 = tpu.memref_slice %arg2[%mul3A_281] : memref<6400000xi32, #tpu.memory_space<hbm>> -> memref<2048xi32, #tpu.memory_space<hbm>>
    tpu.wait_dma2 semaphore(%arg12 : memref<!tpu.dma_semaphore, #tpu.memory_space<semaphore_mem>>) src(%dma_wait3A_303 : memref<2048xi32, #tpu.memory_space<hbm>>) dst(%arg6 : memref<2048xi32, #tpu.memory_space<vmem>>)
    %dma_wait3A_304 = tpu.memref_slice %arg3[%mul3A_281] : memref<6400000xf32, #tpu.memory_space<hbm>> -> memref<2048xf32, #tpu.memory_space<hbm>>
    %dma_wait3A_305 = tpu.memref_slice %arg3[%mul3A_281] : memref<6400000xf32, #tpu.memory_space<hbm>> -> memref<2048xf32, #tpu.memory_space<hbm>>
    tpu.wait_dma2 semaphore(%arg12 : memref<!tpu.dma_semaphore, #tpu.memory_space<semaphore_mem>>) src(%dma_wait3A_305 : memref<2048xf32, #tpu.memory_space<hbm>>) dst(%arg9 : memref<2048xf32, #tpu.memory_space<vmem>>)
    %dma_start3A_306 = arith.constant 0 : i32
    %dma_start3A_307 = tpu.memref_slice %arg4[%dma_start3A_306] : memref<65048576xf32, #tpu.memory_space<hbm>> -> memref<65048576xf32, #tpu.memory_space<hbm>>
    tpu.enqueue_indirect_dma source(%arg9 : memref<2048xf32, #tpu.memory_space<vmem>>) target(%dma_start3A_307 : memref<65048576xf32, #tpu.memory_space<hbm>>) offsets(%arg6 : memref<2048xi32, #tpu.memory_space<vmem>>) semaphore(%arg13 : memref<!tpu.dma_semaphore, #tpu.memory_space<semaphore_mem>>)
    %dma_wait3A_308 = arith.constant 0 : i32
    %dma_wait3A_309 = tpu.memref_slice %arg4[%dma_wait3A_308] : memref<65048576xf32, #tpu.memory_space<hbm>> -> memref<65048576xf32, #tpu.memory_space<hbm>>
    tpu.wait_indirect_dma semaphore(%arg13 : memref<!tpu.dma_semaphore, #tpu.memory_space<semaphore_mem>>) src(%arg11 : memref<2048xf32, #tpu.memory_space<vmem>>) dst(%dma_wait3A_309 : memref<65048576xf32, #tpu.memory_space<hbm>>)
    %add3A_310 = arith.constant 640 : i32
    %add3A_311 = arith.addi %add3A, %add3A_310 : i32
    %mul3A_312 = arith.constant 2048 : i32
    %mul3A_313 = arith.muli %add3A_311, %mul3A_312 : i32
    %dma_start3A_314 = tpu.memref_slice %arg2[%mul3A_313] : memref<6400000xi32, #tpu.memory_space<hbm>> -> memref<2048xi32, #tpu.memory_space<hbm>>
    %dma_start3A_315 = tpu.memref_slice %arg2[%mul3A_313] : memref<6400000xi32, #tpu.memory_space<hbm>> -> memref<2048xi32, #tpu.memory_space<hbm>>
    tpu.enqueue_dma source(%dma_start3A_315 : memref<2048xi32, #tpu.memory_space<hbm>>) target(%arg8 : memref<2048xi32, #tpu.memory_space<vmem>>) target_semaphore(%arg12 : memref<!tpu.dma_semaphore, #tpu.memory_space<semaphore_mem>>)
    %dma_start3A_316 = tpu.memref_slice %arg3[%mul3A_313] : memref<6400000xf32, #tpu.memory_space<hbm>> -> memref<2048xf32, #tpu.memory_space<hbm>>
    %dma_start3A_317 = tpu.memref_slice %arg3[%mul3A_313] : memref<6400000xf32, #tpu.memory_space<hbm>> -> memref<2048xf32, #tpu.memory_space<hbm>>
    tpu.enqueue_dma source(%dma_start3A_317 : memref<2048xf32, #tpu.memory_space<hbm>>) target(%arg11 : memref<2048xf32, #tpu.memory_space<vmem>>) target_semaphore(%arg12 : memref<!tpu.dma_semaphore, #tpu.memory_space<semaphore_mem>>)
    %dma_wait3A_318 = tpu.memref_slice %arg2[%mul3A_297] : memref<6400000xi32, #tpu.memory_space<hbm>> -> memref<2048xi32, #tpu.memory_space<hbm>>
    %dma_wait3A_319 = tpu.memref_slice %arg2[%mul3A_297] : memref<6400000xi32, #tpu.memory_space<hbm>> -> memref<2048xi32, #tpu.memory_space<hbm>>
    tpu.wait_dma2 semaphore(%arg12 : memref<!tpu.dma_semaphore, #tpu.memory_space<semaphore_mem>>) src(%dma_wait3A_319 : memref<2048xi32, #tpu.memory_space<hbm>>) dst(%arg7 : memref<2048xi32, #tpu.memory_space<vmem>>)
    %dma_wait3A_320 = tpu.memref_slice %arg3[%mul3A_297] : memref<6400000xf32, #tpu.memory_space<hbm>> -> memref<2048xf32, #tpu.memory_space<hbm>>
    %dma_wait3A_321 = tpu.memref_slice %arg3[%mul3A_297] : memref<6400000xf32, #tpu.memory_space<hbm>> -> memref<2048xf32, #tpu.memory_space<hbm>>
    tpu.wait_dma2 semaphore(%arg12 : memref<!tpu.dma_semaphore, #tpu.memory_space<semaphore_mem>>) src(%dma_wait3A_321 : memref<2048xf32, #tpu.memory_space<hbm>>) dst(%arg10 : memref<2048xf32, #tpu.memory_space<vmem>>)
    %dma_start3A_322 = arith.constant 0 : i32
    %dma_start3A_323 = tpu.memref_slice %arg4[%dma_start3A_322] : memref<65048576xf32, #tpu.memory_space<hbm>> -> memref<65048576xf32, #tpu.memory_space<hbm>>
    tpu.enqueue_indirect_dma source(%arg10 : memref<2048xf32, #tpu.memory_space<vmem>>) target(%dma_start3A_323 : memref<65048576xf32, #tpu.memory_space<hbm>>) offsets(%arg7 : memref<2048xi32, #tpu.memory_space<vmem>>) semaphore(%arg13 : memref<!tpu.dma_semaphore, #tpu.memory_space<semaphore_mem>>)
    %dma_wait3A_324 = arith.constant 0 : i32
    %dma_wait3A_325 = tpu.memref_slice %arg4[%dma_wait3A_324] : memref<65048576xf32, #tpu.memory_space<hbm>> -> memref<65048576xf32, #tpu.memory_space<hbm>>
    tpu.wait_indirect_dma semaphore(%arg13 : memref<!tpu.dma_semaphore, #tpu.memory_space<semaphore_mem>>) src(%arg9 : memref<2048xf32, #tpu.memory_space<vmem>>) dst(%dma_wait3A_325 : memref<65048576xf32, #tpu.memory_space<hbm>>)
    %add3A_326 = arith.constant 672 : i32
    %add3A_327 = arith.addi %add3A, %add3A_326 : i32
    %mul3A_328 = arith.constant 2048 : i32
    %mul3A_329 = arith.muli %add3A_327, %mul3A_328 : i32
    %dma_start3A_330 = tpu.memref_slice %arg2[%mul3A_329] : memref<6400000xi32, #tpu.memory_space<hbm>> -> memref<2048xi32, #tpu.memory_space<hbm>>
    %dma_start3A_331 = tpu.memref_slice %arg2[%mul3A_329] : memref<6400000xi32, #tpu.memory_space<hbm>> -> memref<2048xi32, #tpu.memory_space<hbm>>
    tpu.enqueue_dma source(%dma_start3A_331 : memref<2048xi32, #tpu.memory_space<hbm>>) target(%arg6 : memref<2048xi32, #tpu.memory_space<vmem>>) target_semaphore(%arg12 : memref<!tpu.dma_semaphore, #tpu.memory_space<semaphore_mem>>)
    %dma_start3A_332 = tpu.memref_slice %arg3[%mul3A_329] : memref<6400000xf32, #tpu.memory_space<hbm>> -> memref<2048xf32, #tpu.memory_space<hbm>>
    %dma_start3A_333 = tpu.memref_slice %arg3[%mul3A_329] : memref<6400000xf32, #tpu.memory_space<hbm>> -> memref<2048xf32, #tpu.memory_space<hbm>>
    tpu.enqueue_dma source(%dma_start3A_333 : memref<2048xf32, #tpu.memory_space<hbm>>) target(%arg9 : memref<2048xf32, #tpu.memory_space<vmem>>) target_semaphore(%arg12 : memref<!tpu.dma_semaphore, #tpu.memory_space<semaphore_mem>>)
    %dma_wait3A_334 = tpu.memref_slice %arg2[%mul3A_313] : memref<6400000xi32, #tpu.memory_space<hbm>> -> memref<2048xi32, #tpu.memory_space<hbm>>
    %dma_wait3A_335 = tpu.memref_slice %arg2[%mul3A_313] : memref<6400000xi32, #tpu.memory_space<hbm>> -> memref<2048xi32, #tpu.memory_space<hbm>>
    tpu.wait_dma2 semaphore(%arg12 : memref<!tpu.dma_semaphore, #tpu.memory_space<semaphore_mem>>) src(%dma_wait3A_335 : memref<2048xi32, #tpu.memory_space<hbm>>) dst(%arg8 : memref<2048xi32, #tpu.memory_space<vmem>>)
    %dma_wait3A_336 = tpu.memref_slice %arg3[%mul3A_313] : memref<6400000xf32, #tpu.memory_space<hbm>> -> memref<2048xf32, #tpu.memory_space<hbm>>
    %dma_wait3A_337 = tpu.memref_slice %arg3[%mul3A_313] : memref<6400000xf32, #tpu.memory_space<hbm>> -> memref<2048xf32, #tpu.memory_space<hbm>>
    tpu.wait_dma2 semaphore(%arg12 : memref<!tpu.dma_semaphore, #tpu.memory_space<semaphore_mem>>) src(%dma_wait3A_337 : memref<2048xf32, #tpu.memory_space<hbm>>) dst(%arg11 : memref<2048xf32, #tpu.memory_space<vmem>>)
    %dma_start3A_338 = arith.constant 0 : i32
    %dma_start3A_339 = tpu.memref_slice %arg4[%dma_start3A_338] : memref<65048576xf32, #tpu.memory_space<hbm>> -> memref<65048576xf32, #tpu.memory_space<hbm>>
    tpu.enqueue_indirect_dma source(%arg11 : memref<2048xf32, #tpu.memory_space<vmem>>) target(%dma_start3A_339 : memref<65048576xf32, #tpu.memory_space<hbm>>) offsets(%arg8 : memref<2048xi32, #tpu.memory_space<vmem>>) semaphore(%arg13 : memref<!tpu.dma_semaphore, #tpu.memory_space<semaphore_mem>>)
    %dma_wait3A_340 = arith.constant 0 : i32
    %dma_wait3A_341 = tpu.memref_slice %arg4[%dma_wait3A_340] : memref<65048576xf32, #tpu.memory_space<hbm>> -> memref<65048576xf32, #tpu.memory_space<hbm>>
    tpu.wait_indirect_dma semaphore(%arg13 : memref<!tpu.dma_semaphore, #tpu.memory_space<semaphore_mem>>) src(%arg10 : memref<2048xf32, #tpu.memory_space<vmem>>) dst(%dma_wait3A_341 : memref<65048576xf32, #tpu.memory_space<hbm>>)
    %add3A_342 = arith.constant 704 : i32
    %add3A_343 = arith.addi %add3A, %add3A_342 : i32
    %mul3A_344 = arith.constant 2048 : i32
    %mul3A_345 = arith.muli %add3A_343, %mul3A_344 : i32
    %dma_start3A_346 = tpu.memref_slice %arg2[%mul3A_345] : memref<6400000xi32, #tpu.memory_space<hbm>> -> memref<2048xi32, #tpu.memory_space<hbm>>
    %dma_start3A_347 = tpu.memref_slice %arg2[%mul3A_345] : memref<6400000xi32, #tpu.memory_space<hbm>> -> memref<2048xi32, #tpu.memory_space<hbm>>
    tpu.enqueue_dma source(%dma_start3A_347 : memref<2048xi32, #tpu.memory_space<hbm>>) target(%arg7 : memref<2048xi32, #tpu.memory_space<vmem>>) target_semaphore(%arg12 : memref<!tpu.dma_semaphore, #tpu.memory_space<semaphore_mem>>)
    %dma_start3A_348 = tpu.memref_slice %arg3[%mul3A_345] : memref<6400000xf32, #tpu.memory_space<hbm>> -> memref<2048xf32, #tpu.memory_space<hbm>>
    %dma_start3A_349 = tpu.memref_slice %arg3[%mul3A_345] : memref<6400000xf32, #tpu.memory_space<hbm>> -> memref<2048xf32, #tpu.memory_space<hbm>>
    tpu.enqueue_dma source(%dma_start3A_349 : memref<2048xf32, #tpu.memory_space<hbm>>) target(%arg10 : memref<2048xf32, #tpu.memory_space<vmem>>) target_semaphore(%arg12 : memref<!tpu.dma_semaphore, #tpu.memory_space<semaphore_mem>>)
    %dma_wait3A_350 = tpu.memref_slice %arg2[%mul3A_329] : memref<6400000xi32, #tpu.memory_space<hbm>> -> memref<2048xi32, #tpu.memory_space<hbm>>
    %dma_wait3A_351 = tpu.memref_slice %arg2[%mul3A_329] : memref<6400000xi32, #tpu.memory_space<hbm>> -> memref<2048xi32, #tpu.memory_space<hbm>>
    tpu.wait_dma2 semaphore(%arg12 : memref<!tpu.dma_semaphore, #tpu.memory_space<semaphore_mem>>) src(%dma_wait3A_351 : memref<2048xi32, #tpu.memory_space<hbm>>) dst(%arg6 : memref<2048xi32, #tpu.memory_space<vmem>>)
    %dma_wait3A_352 = tpu.memref_slice %arg3[%mul3A_329] : memref<6400000xf32, #tpu.memory_space<hbm>> -> memref<2048xf32, #tpu.memory_space<hbm>>
    %dma_wait3A_353 = tpu.memref_slice %arg3[%mul3A_329] : memref<6400000xf32, #tpu.memory_space<hbm>> -> memref<2048xf32, #tpu.memory_space<hbm>>
    tpu.wait_dma2 semaphore(%arg12 : memref<!tpu.dma_semaphore, #tpu.memory_space<semaphore_mem>>) src(%dma_wait3A_353 : memref<2048xf32, #tpu.memory_space<hbm>>) dst(%arg9 : memref<2048xf32, #tpu.memory_space<vmem>>)
    %dma_start3A_354 = arith.constant 0 : i32
    %dma_start3A_355 = tpu.memref_slice %arg4[%dma_start3A_354] : memref<65048576xf32, #tpu.memory_space<hbm>> -> memref<65048576xf32, #tpu.memory_space<hbm>>
    tpu.enqueue_indirect_dma source(%arg9 : memref<2048xf32, #tpu.memory_space<vmem>>) target(%dma_start3A_355 : memref<65048576xf32, #tpu.memory_space<hbm>>) offsets(%arg6 : memref<2048xi32, #tpu.memory_space<vmem>>) semaphore(%arg13 : memref<!tpu.dma_semaphore, #tpu.memory_space<semaphore_mem>>)
    %dma_wait3A_356 = arith.constant 0 : i32
    %dma_wait3A_357 = tpu.memref_slice %arg4[%dma_wait3A_356] : memref<65048576xf32, #tpu.memory_space<hbm>> -> memref<65048576xf32, #tpu.memory_space<hbm>>
    tpu.wait_indirect_dma semaphore(%arg13 : memref<!tpu.dma_semaphore, #tpu.memory_space<semaphore_mem>>) src(%arg11 : memref<2048xf32, #tpu.memory_space<vmem>>) dst(%dma_wait3A_357 : memref<65048576xf32, #tpu.memory_space<hbm>>)
    %add3A_358 = arith.constant 736 : i32
    %add3A_359 = arith.addi %add3A, %add3A_358 : i32
    %mul3A_360 = arith.constant 2048 : i32
    %mul3A_361 = arith.muli %add3A_359, %mul3A_360 : i32
    %dma_start3A_362 = tpu.memref_slice %arg2[%mul3A_361] : memref<6400000xi32, #tpu.memory_space<hbm>> -> memref<2048xi32, #tpu.memory_space<hbm>>
    %dma_start3A_363 = tpu.memref_slice %arg2[%mul3A_361] : memref<6400000xi32, #tpu.memory_space<hbm>> -> memref<2048xi32, #tpu.memory_space<hbm>>
    tpu.enqueue_dma source(%dma_start3A_363 : memref<2048xi32, #tpu.memory_space<hbm>>) target(%arg8 : memref<2048xi32, #tpu.memory_space<vmem>>) target_semaphore(%arg12 : memref<!tpu.dma_semaphore, #tpu.memory_space<semaphore_mem>>)
    %dma_start3A_364 = tpu.memref_slice %arg3[%mul3A_361] : memref<6400000xf32, #tpu.memory_space<hbm>> -> memref<2048xf32, #tpu.memory_space<hbm>>
    %dma_start3A_365 = tpu.memref_slice %arg3[%mul3A_361] : memref<6400000xf32, #tpu.memory_space<hbm>> -> memref<2048xf32, #tpu.memory_space<hbm>>
    tpu.enqueue_dma source(%dma_start3A_365 : memref<2048xf32, #tpu.memory_space<hbm>>) target(%arg11 : memref<2048xf32, #tpu.memory_space<vmem>>) target_semaphore(%arg12 : memref<!tpu.dma_semaphore, #tpu.memory_space<semaphore_mem>>)
    %dma_wait3A_366 = tpu.memref_slice %arg2[%mul3A_345] : memref<6400000xi32, #tpu.memory_space<hbm>> -> memref<2048xi32, #tpu.memory_space<hbm>>
    %dma_wait3A_367 = tpu.memref_slice %arg2[%mul3A_345] : memref<6400000xi32, #tpu.memory_space<hbm>> -> memref<2048xi32, #tpu.memory_space<hbm>>
    tpu.wait_dma2 semaphore(%arg12 : memref<!tpu.dma_semaphore, #tpu.memory_space<semaphore_mem>>) src(%dma_wait3A_367 : memref<2048xi32, #tpu.memory_space<hbm>>) dst(%arg7 : memref<2048xi32, #tpu.memory_space<vmem>>)
    %dma_wait3A_368 = tpu.memref_slice %arg3[%mul3A_345] : memref<6400000xf32, #tpu.memory_space<hbm>> -> memref<2048xf32, #tpu.memory_space<hbm>>
    %dma_wait3A_369 = tpu.memref_slice %arg3[%mul3A_345] : memref<6400000xf32, #tpu.memory_space<hbm>> -> memref<2048xf32, #tpu.memory_space<hbm>>
    tpu.wait_dma2 semaphore(%arg12 : memref<!tpu.dma_semaphore, #tpu.memory_space<semaphore_mem>>) src(%dma_wait3A_369 : memref<2048xf32, #tpu.memory_space<hbm>>) dst(%arg10 : memref<2048xf32, #tpu.memory_space<vmem>>)
    %dma_start3A_370 = arith.constant 0 : i32
    %dma_start3A_371 = tpu.memref_slice %arg4[%dma_start3A_370] : memref<65048576xf32, #tpu.memory_space<hbm>> -> memref<65048576xf32, #tpu.memory_space<hbm>>
    tpu.enqueue_indirect_dma source(%arg10 : memref<2048xf32, #tpu.memory_space<vmem>>) target(%dma_start3A_371 : memref<65048576xf32, #tpu.memory_space<hbm>>) offsets(%arg7 : memref<2048xi32, #tpu.memory_space<vmem>>) semaphore(%arg13 : memref<!tpu.dma_semaphore, #tpu.memory_space<semaphore_mem>>)
    %dma_wait3A_372 = arith.constant 0 : i32
    %dma_wait3A_373 = tpu.memref_slice %arg4[%dma_wait3A_372] : memref<65048576xf32, #tpu.memory_space<hbm>> -> memref<65048576xf32, #tpu.memory_space<hbm>>
    tpu.wait_indirect_dma semaphore(%arg13 : memref<!tpu.dma_semaphore, #tpu.memory_space<semaphore_mem>>) src(%arg9 : memref<2048xf32, #tpu.memory_space<vmem>>) dst(%dma_wait3A_373 : memref<65048576xf32, #tpu.memory_space<hbm>>)
    %add3A_374 = arith.constant 768 : i32
    %add3A_375 = arith.addi %add3A, %add3A_374 : i32
    %mul3A_376 = arith.constant 2048 : i32
    %mul3A_377 = arith.muli %add3A_375, %mul3A_376 : i32
    %dma_start3A_378 = tpu.memref_slice %arg2[%mul3A_377] : memref<6400000xi32, #tpu.memory_space<hbm>> -> memref<2048xi32, #tpu.memory_space<hbm>>
    %dma_start3A_379 = tpu.memref_slice %arg2[%mul3A_377] : memref<6400000xi32, #tpu.memory_space<hbm>> -> memref<2048xi32, #tpu.memory_space<hbm>>
    tpu.enqueue_dma source(%dma_start3A_379 : memref<2048xi32, #tpu.memory_space<hbm>>) target(%arg6 : memref<2048xi32, #tpu.memory_space<vmem>>) target_semaphore(%arg12 : memref<!tpu.dma_semaphore, #tpu.memory_space<semaphore_mem>>)
    %dma_start3A_380 = tpu.memref_slice %arg3[%mul3A_377] : memref<6400000xf32, #tpu.memory_space<hbm>> -> memref<2048xf32, #tpu.memory_space<hbm>>
    %dma_start3A_381 = tpu.memref_slice %arg3[%mul3A_377] : memref<6400000xf32, #tpu.memory_space<hbm>> -> memref<2048xf32, #tpu.memory_space<hbm>>
    tpu.enqueue_dma source(%dma_start3A_381 : memref<2048xf32, #tpu.memory_space<hbm>>) target(%arg9 : memref<2048xf32, #tpu.memory_space<vmem>>) target_semaphore(%arg12 : memref<!tpu.dma_semaphore, #tpu.memory_space<semaphore_mem>>)
    %dma_wait3A_382 = tpu.memref_slice %arg2[%mul3A_361] : memref<6400000xi32, #tpu.memory_space<hbm>> -> memref<2048xi32, #tpu.memory_space<hbm>>
    %dma_wait3A_383 = tpu.memref_slice %arg2[%mul3A_361] : memref<6400000xi32, #tpu.memory_space<hbm>> -> memref<2048xi32, #tpu.memory_space<hbm>>
    tpu.wait_dma2 semaphore(%arg12 : memref<!tpu.dma_semaphore, #tpu.memory_space<semaphore_mem>>) src(%dma_wait3A_383 : memref<2048xi32, #tpu.memory_space<hbm>>) dst(%arg8 : memref<2048xi32, #tpu.memory_space<vmem>>)
    %dma_wait3A_384 = tpu.memref_slice %arg3[%mul3A_361] : memref<6400000xf32, #tpu.memory_space<hbm>> -> memref<2048xf32, #tpu.memory_space<hbm>>
    %dma_wait3A_385 = tpu.memref_slice %arg3[%mul3A_361] : memref<6400000xf32, #tpu.memory_space<hbm>> -> memref<2048xf32, #tpu.memory_space<hbm>>
    tpu.wait_dma2 semaphore(%arg12 : memref<!tpu.dma_semaphore, #tpu.memory_space<semaphore_mem>>) src(%dma_wait3A_385 : memref<2048xf32, #tpu.memory_space<hbm>>) dst(%arg11 : memref<2048xf32, #tpu.memory_space<vmem>>)
    %dma_start3A_386 = arith.constant 0 : i32
    %dma_start3A_387 = tpu.memref_slice %arg4[%dma_start3A_386] : memref<65048576xf32, #tpu.memory_space<hbm>> -> memref<65048576xf32, #tpu.memory_space<hbm>>
    tpu.enqueue_indirect_dma source(%arg11 : memref<2048xf32, #tpu.memory_space<vmem>>) target(%dma_start3A_387 : memref<65048576xf32, #tpu.memory_space<hbm>>) offsets(%arg8 : memref<2048xi32, #tpu.memory_space<vmem>>) semaphore(%arg13 : memref<!tpu.dma_semaphore, #tpu.memory_space<semaphore_mem>>)
    %dma_wait3A_388 = arith.constant 0 : i32
    %dma_wait3A_389 = tpu.memref_slice %arg4[%dma_wait3A_388] : memref<65048576xf32, #tpu.memory_space<hbm>> -> memref<65048576xf32, #tpu.memory_space<hbm>>
    tpu.wait_indirect_dma semaphore(%arg13 : memref<!tpu.dma_semaphore, #tpu.memory_space<semaphore_mem>>) src(%arg10 : memref<2048xf32, #tpu.memory_space<vmem>>) dst(%dma_wait3A_389 : memref<65048576xf32, #tpu.memory_space<hbm>>)
    %add3A_390 = arith.constant 800 : i32
    %add3A_391 = arith.addi %add3A, %add3A_390 : i32
    %mul3A_392 = arith.constant 2048 : i32
    %mul3A_393 = arith.muli %add3A_391, %mul3A_392 : i32
    %dma_start3A_394 = tpu.memref_slice %arg2[%mul3A_393] : memref<6400000xi32, #tpu.memory_space<hbm>> -> memref<2048xi32, #tpu.memory_space<hbm>>
    %dma_start3A_395 = tpu.memref_slice %arg2[%mul3A_393] : memref<6400000xi32, #tpu.memory_space<hbm>> -> memref<2048xi32, #tpu.memory_space<hbm>>
    tpu.enqueue_dma source(%dma_start3A_395 : memref<2048xi32, #tpu.memory_space<hbm>>) target(%arg7 : memref<2048xi32, #tpu.memory_space<vmem>>) target_semaphore(%arg12 : memref<!tpu.dma_semaphore, #tpu.memory_space<semaphore_mem>>)
    %dma_start3A_396 = tpu.memref_slice %arg3[%mul3A_393] : memref<6400000xf32, #tpu.memory_space<hbm>> -> memref<2048xf32, #tpu.memory_space<hbm>>
    %dma_start3A_397 = tpu.memref_slice %arg3[%mul3A_393] : memref<6400000xf32, #tpu.memory_space<hbm>> -> memref<2048xf32, #tpu.memory_space<hbm>>
    tpu.enqueue_dma source(%dma_start3A_397 : memref<2048xf32, #tpu.memory_space<hbm>>) target(%arg10 : memref<2048xf32, #tpu.memory_space<vmem>>) target_semaphore(%arg12 : memref<!tpu.dma_semaphore, #tpu.memory_space<semaphore_mem>>)
    %dma_wait3A_398 = tpu.memref_slice %arg2[%mul3A_377] : memref<6400000xi32, #tpu.memory_space<hbm>> -> memref<2048xi32, #tpu.memory_space<hbm>>
    %dma_wait3A_399 = tpu.memref_slice %arg2[%mul3A_377] : memref<6400000xi32, #tpu.memory_space<hbm>> -> memref<2048xi32, #tpu.memory_space<hbm>>
    tpu.wait_dma2 semaphore(%arg12 : memref<!tpu.dma_semaphore, #tpu.memory_space<semaphore_mem>>) src(%dma_wait3A_399 : memref<2048xi32, #tpu.memory_space<hbm>>) dst(%arg6 : memref<2048xi32, #tpu.memory_space<vmem>>)
    %dma_wait3A_400 = tpu.memref_slice %arg3[%mul3A_377] : memref<6400000xf32, #tpu.memory_space<hbm>> -> memref<2048xf32, #tpu.memory_space<hbm>>
    %dma_wait3A_401 = tpu.memref_slice %arg3[%mul3A_377] : memref<6400000xf32, #tpu.memory_space<hbm>> -> memref<2048xf32, #tpu.memory_space<hbm>>
    tpu.wait_dma2 semaphore(%arg12 : memref<!tpu.dma_semaphore, #tpu.memory_space<semaphore_mem>>) src(%dma_wait3A_401 : memref<2048xf32, #tpu.memory_space<hbm>>) dst(%arg9 : memref<2048xf32, #tpu.memory_space<vmem>>)
    %dma_start3A_402 = arith.constant 0 : i32
    %dma_start3A_403 = tpu.memref_slice %arg4[%dma_start3A_402] : memref<65048576xf32, #tpu.memory_space<hbm>> -> memref<65048576xf32, #tpu.memory_space<hbm>>
    tpu.enqueue_indirect_dma source(%arg9 : memref<2048xf32, #tpu.memory_space<vmem>>) target(%dma_start3A_403 : memref<65048576xf32, #tpu.memory_space<hbm>>) offsets(%arg6 : memref<2048xi32, #tpu.memory_space<vmem>>) semaphore(%arg13 : memref<!tpu.dma_semaphore, #tpu.memory_space<semaphore_mem>>)
    %dma_wait3A_404 = arith.constant 0 : i32
    %dma_wait3A_405 = tpu.memref_slice %arg4[%dma_wait3A_404] : memref<65048576xf32, #tpu.memory_space<hbm>> -> memref<65048576xf32, #tpu.memory_space<hbm>>
    tpu.wait_indirect_dma semaphore(%arg13 : memref<!tpu.dma_semaphore, #tpu.memory_space<semaphore_mem>>) src(%arg11 : memref<2048xf32, #tpu.memory_space<vmem>>) dst(%dma_wait3A_405 : memref<65048576xf32, #tpu.memory_space<hbm>>)
    %add3A_406 = arith.constant 832 : i32
    %add3A_407 = arith.addi %add3A, %add3A_406 : i32
    %mul3A_408 = arith.constant 2048 : i32
    %mul3A_409 = arith.muli %add3A_407, %mul3A_408 : i32
    %dma_start3A_410 = tpu.memref_slice %arg2[%mul3A_409] : memref<6400000xi32, #tpu.memory_space<hbm>> -> memref<2048xi32, #tpu.memory_space<hbm>>
    %dma_start3A_411 = tpu.memref_slice %arg2[%mul3A_409] : memref<6400000xi32, #tpu.memory_space<hbm>> -> memref<2048xi32, #tpu.memory_space<hbm>>
    tpu.enqueue_dma source(%dma_start3A_411 : memref<2048xi32, #tpu.memory_space<hbm>>) target(%arg8 : memref<2048xi32, #tpu.memory_space<vmem>>) target_semaphore(%arg12 : memref<!tpu.dma_semaphore, #tpu.memory_space<semaphore_mem>>)
    %dma_start3A_412 = tpu.memref_slice %arg3[%mul3A_409] : memref<6400000xf32, #tpu.memory_space<hbm>> -> memref<2048xf32, #tpu.memory_space<hbm>>
    %dma_start3A_413 = tpu.memref_slice %arg3[%mul3A_409] : memref<6400000xf32, #tpu.memory_space<hbm>> -> memref<2048xf32, #tpu.memory_space<hbm>>
    tpu.enqueue_dma source(%dma_start3A_413 : memref<2048xf32, #tpu.memory_space<hbm>>) target(%arg11 : memref<2048xf32, #tpu.memory_space<vmem>>) target_semaphore(%arg12 : memref<!tpu.dma_semaphore, #tpu.memory_space<semaphore_mem>>)
    %dma_wait3A_414 = tpu.memref_slice %arg2[%mul3A_393] : memref<6400000xi32, #tpu.memory_space<hbm>> -> memref<2048xi32, #tpu.memory_space<hbm>>
    %dma_wait3A_415 = tpu.memref_slice %arg2[%mul3A_393] : memref<6400000xi32, #tpu.memory_space<hbm>> -> memref<2048xi32, #tpu.memory_space<hbm>>
    tpu.wait_dma2 semaphore(%arg12 : memref<!tpu.dma_semaphore, #tpu.memory_space<semaphore_mem>>) src(%dma_wait3A_415 : memref<2048xi32, #tpu.memory_space<hbm>>) dst(%arg7 : memref<2048xi32, #tpu.memory_space<vmem>>)
    %dma_wait3A_416 = tpu.memref_slice %arg3[%mul3A_393] : memref<6400000xf32, #tpu.memory_space<hbm>> -> memref<2048xf32, #tpu.memory_space<hbm>>
    %dma_wait3A_417 = tpu.memref_slice %arg3[%mul3A_393] : memref<6400000xf32, #tpu.memory_space<hbm>> -> memref<2048xf32, #tpu.memory_space<hbm>>
    tpu.wait_dma2 semaphore(%arg12 : memref<!tpu.dma_semaphore, #tpu.memory_space<semaphore_mem>>) src(%dma_wait3A_417 : memref<2048xf32, #tpu.memory_space<hbm>>) dst(%arg10 : memref<2048xf32, #tpu.memory_space<vmem>>)
    %dma_start3A_418 = arith.constant 0 : i32
    %dma_start3A_419 = tpu.memref_slice %arg4[%dma_start3A_418] : memref<65048576xf32, #tpu.memory_space<hbm>> -> memref<65048576xf32, #tpu.memory_space<hbm>>
    tpu.enqueue_indirect_dma source(%arg10 : memref<2048xf32, #tpu.memory_space<vmem>>) target(%dma_start3A_419 : memref<65048576xf32, #tpu.memory_space<hbm>>) offsets(%arg7 : memref<2048xi32, #tpu.memory_space<vmem>>) semaphore(%arg13 : memref<!tpu.dma_semaphore, #tpu.memory_space<semaphore_mem>>)
    %dma_wait3A_420 = arith.constant 0 : i32
    %dma_wait3A_421 = tpu.memref_slice %arg4[%dma_wait3A_420] : memref<65048576xf32, #tpu.memory_space<hbm>> -> memref<65048576xf32, #tpu.memory_space<hbm>>
    tpu.wait_indirect_dma semaphore(%arg13 : memref<!tpu.dma_semaphore, #tpu.memory_space<semaphore_mem>>) src(%arg9 : memref<2048xf32, #tpu.memory_space<vmem>>) dst(%dma_wait3A_421 : memref<65048576xf32, #tpu.memory_space<hbm>>)
    %add3A_422 = arith.constant 864 : i32
    %add3A_423 = arith.addi %add3A, %add3A_422 : i32
    %mul3A_424 = arith.constant 2048 : i32
    %mul3A_425 = arith.muli %add3A_423, %mul3A_424 : i32
    %dma_start3A_426 = tpu.memref_slice %arg2[%mul3A_425] : memref<6400000xi32, #tpu.memory_space<hbm>> -> memref<2048xi32, #tpu.memory_space<hbm>>
    %dma_start3A_427 = tpu.memref_slice %arg2[%mul3A_425] : memref<6400000xi32, #tpu.memory_space<hbm>> -> memref<2048xi32, #tpu.memory_space<hbm>>
    tpu.enqueue_dma source(%dma_start3A_427 : memref<2048xi32, #tpu.memory_space<hbm>>) target(%arg6 : memref<2048xi32, #tpu.memory_space<vmem>>) target_semaphore(%arg12 : memref<!tpu.dma_semaphore, #tpu.memory_space<semaphore_mem>>)
    %dma_start3A_428 = tpu.memref_slice %arg3[%mul3A_425] : memref<6400000xf32, #tpu.memory_space<hbm>> -> memref<2048xf32, #tpu.memory_space<hbm>>
    %dma_start3A_429 = tpu.memref_slice %arg3[%mul3A_425] : memref<6400000xf32, #tpu.memory_space<hbm>> -> memref<2048xf32, #tpu.memory_space<hbm>>
    tpu.enqueue_dma source(%dma_start3A_429 : memref<2048xf32, #tpu.memory_space<hbm>>) target(%arg9 : memref<2048xf32, #tpu.memory_space<vmem>>) target_semaphore(%arg12 : memref<!tpu.dma_semaphore, #tpu.memory_space<semaphore_mem>>)
    %dma_wait3A_430 = tpu.memref_slice %arg2[%mul3A_409] : memref<6400000xi32, #tpu.memory_space<hbm>> -> memref<2048xi32, #tpu.memory_space<hbm>>
    %dma_wait3A_431 = tpu.memref_slice %arg2[%mul3A_409] : memref<6400000xi32, #tpu.memory_space<hbm>> -> memref<2048xi32, #tpu.memory_space<hbm>>
    tpu.wait_dma2 semaphore(%arg12 : memref<!tpu.dma_semaphore, #tpu.memory_space<semaphore_mem>>) src(%dma_wait3A_431 : memref<2048xi32, #tpu.memory_space<hbm>>) dst(%arg8 : memref<2048xi32, #tpu.memory_space<vmem>>)
    %dma_wait3A_432 = tpu.memref_slice %arg3[%mul3A_409] : memref<6400000xf32, #tpu.memory_space<hbm>> -> memref<2048xf32, #tpu.memory_space<hbm>>
    %dma_wait3A_433 = tpu.memref_slice %arg3[%mul3A_409] : memref<6400000xf32, #tpu.memory_space<hbm>> -> memref<2048xf32, #tpu.memory_space<hbm>>
    tpu.wait_dma2 semaphore(%arg12 : memref<!tpu.dma_semaphore, #tpu.memory_space<semaphore_mem>>) src(%dma_wait3A_433 : memref<2048xf32, #tpu.memory_space<hbm>>) dst(%arg11 : memref<2048xf32, #tpu.memory_space<vmem>>)
    %dma_start3A_434 = arith.constant 0 : i32
    %dma_start3A_435 = tpu.memref_slice %arg4[%dma_start3A_434] : memref<65048576xf32, #tpu.memory_space<hbm>> -> memref<65048576xf32, #tpu.memory_space<hbm>>
    tpu.enqueue_indirect_dma source(%arg11 : memref<2048xf32, #tpu.memory_space<vmem>>) target(%dma_start3A_435 : memref<65048576xf32, #tpu.memory_space<hbm>>) offsets(%arg8 : memref<2048xi32, #tpu.memory_space<vmem>>) semaphore(%arg13 : memref<!tpu.dma_semaphore, #tpu.memory_space<semaphore_mem>>)
    %dma_wait3A_436 = arith.constant 0 : i32
    %dma_wait3A_437 = tpu.memref_slice %arg4[%dma_wait3A_436] : memref<65048576xf32, #tpu.memory_space<hbm>> -> memref<65048576xf32, #tpu.memory_space<hbm>>
    tpu.wait_indirect_dma semaphore(%arg13 : memref<!tpu.dma_semaphore, #tpu.memory_space<semaphore_mem>>) src(%arg10 : memref<2048xf32, #tpu.memory_space<vmem>>) dst(%dma_wait3A_437 : memref<65048576xf32, #tpu.memory_space<hbm>>)
    %add3A_438 = arith.constant 896 : i32
    %add3A_439 = arith.addi %add3A, %add3A_438 : i32
    %mul3A_440 = arith.constant 2048 : i32
    %mul3A_441 = arith.muli %add3A_439, %mul3A_440 : i32
    %dma_start3A_442 = tpu.memref_slice %arg2[%mul3A_441] : memref<6400000xi32, #tpu.memory_space<hbm>> -> memref<2048xi32, #tpu.memory_space<hbm>>
    %dma_start3A_443 = tpu.memref_slice %arg2[%mul3A_441] : memref<6400000xi32, #tpu.memory_space<hbm>> -> memref<2048xi32, #tpu.memory_space<hbm>>
    tpu.enqueue_dma source(%dma_start3A_443 : memref<2048xi32, #tpu.memory_space<hbm>>) target(%arg7 : memref<2048xi32, #tpu.memory_space<vmem>>) target_semaphore(%arg12 : memref<!tpu.dma_semaphore, #tpu.memory_space<semaphore_mem>>)
    %dma_start3A_444 = tpu.memref_slice %arg3[%mul3A_441] : memref<6400000xf32, #tpu.memory_space<hbm>> -> memref<2048xf32, #tpu.memory_space<hbm>>
    %dma_start3A_445 = tpu.memref_slice %arg3[%mul3A_441] : memref<6400000xf32, #tpu.memory_space<hbm>> -> memref<2048xf32, #tpu.memory_space<hbm>>
    tpu.enqueue_dma source(%dma_start3A_445 : memref<2048xf32, #tpu.memory_space<hbm>>) target(%arg10 : memref<2048xf32, #tpu.memory_space<vmem>>) target_semaphore(%arg12 : memref<!tpu.dma_semaphore, #tpu.memory_space<semaphore_mem>>)
    %dma_wait3A_446 = tpu.memref_slice %arg2[%mul3A_425] : memref<6400000xi32, #tpu.memory_space<hbm>> -> memref<2048xi32, #tpu.memory_space<hbm>>
    %dma_wait3A_447 = tpu.memref_slice %arg2[%mul3A_425] : memref<6400000xi32, #tpu.memory_space<hbm>> -> memref<2048xi32, #tpu.memory_space<hbm>>
    tpu.wait_dma2 semaphore(%arg12 : memref<!tpu.dma_semaphore, #tpu.memory_space<semaphore_mem>>) src(%dma_wait3A_447 : memref<2048xi32, #tpu.memory_space<hbm>>) dst(%arg6 : memref<2048xi32, #tpu.memory_space<vmem>>)
    %dma_wait3A_448 = tpu.memref_slice %arg3[%mul3A_425] : memref<6400000xf32, #tpu.memory_space<hbm>> -> memref<2048xf32, #tpu.memory_space<hbm>>
    %dma_wait3A_449 = tpu.memref_slice %arg3[%mul3A_425] : memref<6400000xf32, #tpu.memory_space<hbm>> -> memref<2048xf32, #tpu.memory_space<hbm>>
    tpu.wait_dma2 semaphore(%arg12 : memref<!tpu.dma_semaphore, #tpu.memory_space<semaphore_mem>>) src(%dma_wait3A_449 : memref<2048xf32, #tpu.memory_space<hbm>>) dst(%arg9 : memref<2048xf32, #tpu.memory_space<vmem>>)
    %dma_start3A_450 = arith.constant 0 : i32
    %dma_start3A_451 = tpu.memref_slice %arg4[%dma_start3A_450] : memref<65048576xf32, #tpu.memory_space<hbm>> -> memref<65048576xf32, #tpu.memory_space<hbm>>
    tpu.enqueue_indirect_dma source(%arg9 : memref<2048xf32, #tpu.memory_space<vmem>>) target(%dma_start3A_451 : memref<65048576xf32, #tpu.memory_space<hbm>>) offsets(%arg6 : memref<2048xi32, #tpu.memory_space<vmem>>) semaphore(%arg13 : memref<!tpu.dma_semaphore, #tpu.memory_space<semaphore_mem>>)
    %dma_wait3A_452 = arith.constant 0 : i32
    %dma_wait3A_453 = tpu.memref_slice %arg4[%dma_wait3A_452] : memref<65048576xf32, #tpu.memory_space<hbm>> -> memref<65048576xf32, #tpu.memory_space<hbm>>
    tpu.wait_indirect_dma semaphore(%arg13 : memref<!tpu.dma_semaphore, #tpu.memory_space<semaphore_mem>>) src(%arg11 : memref<2048xf32, #tpu.memory_space<vmem>>) dst(%dma_wait3A_453 : memref<65048576xf32, #tpu.memory_space<hbm>>)
    %add3A_454 = arith.constant 928 : i32
    %add3A_455 = arith.addi %add3A, %add3A_454 : i32
    %mul3A_456 = arith.constant 2048 : i32
    %mul3A_457 = arith.muli %add3A_455, %mul3A_456 : i32
    %dma_start3A_458 = tpu.memref_slice %arg2[%mul3A_457] : memref<6400000xi32, #tpu.memory_space<hbm>> -> memref<2048xi32, #tpu.memory_space<hbm>>
    %dma_start3A_459 = tpu.memref_slice %arg2[%mul3A_457] : memref<6400000xi32, #tpu.memory_space<hbm>> -> memref<2048xi32, #tpu.memory_space<hbm>>
    tpu.enqueue_dma source(%dma_start3A_459 : memref<2048xi32, #tpu.memory_space<hbm>>) target(%arg8 : memref<2048xi32, #tpu.memory_space<vmem>>) target_semaphore(%arg12 : memref<!tpu.dma_semaphore, #tpu.memory_space<semaphore_mem>>)
    %dma_start3A_460 = tpu.memref_slice %arg3[%mul3A_457] : memref<6400000xf32, #tpu.memory_space<hbm>> -> memref<2048xf32, #tpu.memory_space<hbm>>
    %dma_start3A_461 = tpu.memref_slice %arg3[%mul3A_457] : memref<6400000xf32, #tpu.memory_space<hbm>> -> memref<2048xf32, #tpu.memory_space<hbm>>
    tpu.enqueue_dma source(%dma_start3A_461 : memref<2048xf32, #tpu.memory_space<hbm>>) target(%arg11 : memref<2048xf32, #tpu.memory_space<vmem>>) target_semaphore(%arg12 : memref<!tpu.dma_semaphore, #tpu.memory_space<semaphore_mem>>)
    %dma_wait3A_462 = tpu.memref_slice %arg2[%mul3A_441] : memref<6400000xi32, #tpu.memory_space<hbm>> -> memref<2048xi32, #tpu.memory_space<hbm>>
    %dma_wait3A_463 = tpu.memref_slice %arg2[%mul3A_441] : memref<6400000xi32, #tpu.memory_space<hbm>> -> memref<2048xi32, #tpu.memory_space<hbm>>
    tpu.wait_dma2 semaphore(%arg12 : memref<!tpu.dma_semaphore, #tpu.memory_space<semaphore_mem>>) src(%dma_wait3A_463 : memref<2048xi32, #tpu.memory_space<hbm>>) dst(%arg7 : memref<2048xi32, #tpu.memory_space<vmem>>)
    %dma_wait3A_464 = tpu.memref_slice %arg3[%mul3A_441] : memref<6400000xf32, #tpu.memory_space<hbm>> -> memref<2048xf32, #tpu.memory_space<hbm>>
    %dma_wait3A_465 = tpu.memref_slice %arg3[%mul3A_441] : memref<6400000xf32, #tpu.memory_space<hbm>> -> memref<2048xf32, #tpu.memory_space<hbm>>
    tpu.wait_dma2 semaphore(%arg12 : memref<!tpu.dma_semaphore, #tpu.memory_space<semaphore_mem>>) src(%dma_wait3A_465 : memref<2048xf32, #tpu.memory_space<hbm>>) dst(%arg10 : memref<2048xf32, #tpu.memory_space<vmem>>)
    %dma_start3A_466 = arith.constant 0 : i32
    %dma_start3A_467 = tpu.memref_slice %arg4[%dma_start3A_466] : memref<65048576xf32, #tpu.memory_space<hbm>> -> memref<65048576xf32, #tpu.memory_space<hbm>>
    tpu.enqueue_indirect_dma source(%arg10 : memref<2048xf32, #tpu.memory_space<vmem>>) target(%dma_start3A_467 : memref<65048576xf32, #tpu.memory_space<hbm>>) offsets(%arg7 : memref<2048xi32, #tpu.memory_space<vmem>>) semaphore(%arg13 : memref<!tpu.dma_semaphore, #tpu.memory_space<semaphore_mem>>)
    %dma_wait3A_468 = arith.constant 0 : i32
    %dma_wait3A_469 = tpu.memref_slice %arg4[%dma_wait3A_468] : memref<65048576xf32, #tpu.memory_space<hbm>> -> memref<65048576xf32, #tpu.memory_space<hbm>>
    tpu.wait_indirect_dma semaphore(%arg13 : memref<!tpu.dma_semaphore, #tpu.memory_space<semaphore_mem>>) src(%arg9 : memref<2048xf32, #tpu.memory_space<vmem>>) dst(%dma_wait3A_469 : memref<65048576xf32, #tpu.memory_space<hbm>>)
    %add3A_470 = arith.constant 960 : i32
    %add3A_471 = arith.addi %add3A, %add3A_470 : i32
    %mul3A_472 = arith.constant 2048 : i32
    %mul3A_473 = arith.muli %add3A_471, %mul3A_472 : i32
    %dma_start3A_474 = tpu.memref_slice %arg2[%mul3A_473] : memref<6400000xi32, #tpu.memory_space<hbm>> -> memref<2048xi32, #tpu.memory_space<hbm>>
    %dma_start3A_475 = tpu.memref_slice %arg2[%mul3A_473] : memref<6400000xi32, #tpu.memory_space<hbm>> -> memref<2048xi32, #tpu.memory_space<hbm>>
    tpu.enqueue_dma source(%dma_start3A_475 : memref<2048xi32, #tpu.memory_space<hbm>>) target(%arg6 : memref<2048xi32, #tpu.memory_space<vmem>>) target_semaphore(%arg12 : memref<!tpu.dma_semaphore, #tpu.memory_space<semaphore_mem>>)
    %dma_start3A_476 = tpu.memref_slice %arg3[%mul3A_473] : memref<6400000xf32, #tpu.memory_space<hbm>> -> memref<2048xf32, #tpu.memory_space<hbm>>
    %dma_start3A_477 = tpu.memref_slice %arg3[%mul3A_473] : memref<6400000xf32, #tpu.memory_space<hbm>> -> memref<2048xf32, #tpu.memory_space<hbm>>
    tpu.enqueue_dma source(%dma_start3A_477 : memref<2048xf32, #tpu.memory_space<hbm>>) target(%arg9 : memref<2048xf32, #tpu.memory_space<vmem>>) target_semaphore(%arg12 : memref<!tpu.dma_semaphore, #tpu.memory_space<semaphore_mem>>)
    %dma_wait3A_478 = tpu.memref_slice %arg2[%mul3A_457] : memref<6400000xi32, #tpu.memory_space<hbm>> -> memref<2048xi32, #tpu.memory_space<hbm>>
    %dma_wait3A_479 = tpu.memref_slice %arg2[%mul3A_457] : memref<6400000xi32, #tpu.memory_space<hbm>> -> memref<2048xi32, #tpu.memory_space<hbm>>
    tpu.wait_dma2 semaphore(%arg12 : memref<!tpu.dma_semaphore, #tpu.memory_space<semaphore_mem>>) src(%dma_wait3A_479 : memref<2048xi32, #tpu.memory_space<hbm>>) dst(%arg8 : memref<2048xi32, #tpu.memory_space<vmem>>)
    %dma_wait3A_480 = tpu.memref_slice %arg3[%mul3A_457] : memref<6400000xf32, #tpu.memory_space<hbm>> -> memref<2048xf32, #tpu.memory_space<hbm>>
    %dma_wait3A_481 = tpu.memref_slice %arg3[%mul3A_457] : memref<6400000xf32, #tpu.memory_space<hbm>> -> memref<2048xf32, #tpu.memory_space<hbm>>
    tpu.wait_dma2 semaphore(%arg12 : memref<!tpu.dma_semaphore, #tpu.memory_space<semaphore_mem>>) src(%dma_wait3A_481 : memref<2048xf32, #tpu.memory_space<hbm>>) dst(%arg11 : memref<2048xf32, #tpu.memory_space<vmem>>)
    %dma_start3A_482 = arith.constant 0 : i32
    %dma_start3A_483 = tpu.memref_slice %arg4[%dma_start3A_482] : memref<65048576xf32, #tpu.memory_space<hbm>> -> memref<65048576xf32, #tpu.memory_space<hbm>>
    tpu.enqueue_indirect_dma source(%arg11 : memref<2048xf32, #tpu.memory_space<vmem>>) target(%dma_start3A_483 : memref<65048576xf32, #tpu.memory_space<hbm>>) offsets(%arg8 : memref<2048xi32, #tpu.memory_space<vmem>>) semaphore(%arg13 : memref<!tpu.dma_semaphore, #tpu.memory_space<semaphore_mem>>)
    %dma_wait3A_484 = arith.constant 0 : i32
    %dma_wait3A_485 = tpu.memref_slice %arg4[%dma_wait3A_484] : memref<65048576xf32, #tpu.memory_space<hbm>> -> memref<65048576xf32, #tpu.memory_space<hbm>>
    tpu.wait_indirect_dma semaphore(%arg13 : memref<!tpu.dma_semaphore, #tpu.memory_space<semaphore_mem>>) src(%arg10 : memref<2048xf32, #tpu.memory_space<vmem>>) dst(%dma_wait3A_485 : memref<65048576xf32, #tpu.memory_space<hbm>>)
    %add3A_486 = arith.constant 992 : i32
    %add3A_487 = arith.addi %add3A, %add3A_486 : i32
    %mul3A_488 = arith.constant 2048 : i32
    %mul3A_489 = arith.muli %add3A_487, %mul3A_488 : i32
    %dma_start3A_490 = tpu.memref_slice %arg2[%mul3A_489] : memref<6400000xi32, #tpu.memory_space<hbm>> -> memref<2048xi32, #tpu.memory_space<hbm>>
    %dma_start3A_491 = tpu.memref_slice %arg2[%mul3A_489] : memref<6400000xi32, #tpu.memory_space<hbm>> -> memref<2048xi32, #tpu.memory_space<hbm>>
    tpu.enqueue_dma source(%dma_start3A_491 : memref<2048xi32, #tpu.memory_space<hbm>>) target(%arg7 : memref<2048xi32, #tpu.memory_space<vmem>>) target_semaphore(%arg12 : memref<!tpu.dma_semaphore, #tpu.memory_space<semaphore_mem>>)
    %dma_start3A_492 = tpu.memref_slice %arg3[%mul3A_489] : memref<6400000xf32, #tpu.memory_space<hbm>> -> memref<2048xf32, #tpu.memory_space<hbm>>
    %dma_start3A_493 = tpu.memref_slice %arg3[%mul3A_489] : memref<6400000xf32, #tpu.memory_space<hbm>> -> memref<2048xf32, #tpu.memory_space<hbm>>
    tpu.enqueue_dma source(%dma_start3A_493 : memref<2048xf32, #tpu.memory_space<hbm>>) target(%arg10 : memref<2048xf32, #tpu.memory_space<vmem>>) target_semaphore(%arg12 : memref<!tpu.dma_semaphore, #tpu.memory_space<semaphore_mem>>)
    %dma_wait3A_494 = tpu.memref_slice %arg2[%mul3A_473] : memref<6400000xi32, #tpu.memory_space<hbm>> -> memref<2048xi32, #tpu.memory_space<hbm>>
    %dma_wait3A_495 = tpu.memref_slice %arg2[%mul3A_473] : memref<6400000xi32, #tpu.memory_space<hbm>> -> memref<2048xi32, #tpu.memory_space<hbm>>
    tpu.wait_dma2 semaphore(%arg12 : memref<!tpu.dma_semaphore, #tpu.memory_space<semaphore_mem>>) src(%dma_wait3A_495 : memref<2048xi32, #tpu.memory_space<hbm>>) dst(%arg6 : memref<2048xi32, #tpu.memory_space<vmem>>)
    %dma_wait3A_496 = tpu.memref_slice %arg3[%mul3A_473] : memref<6400000xf32, #tpu.memory_space<hbm>> -> memref<2048xf32, #tpu.memory_space<hbm>>
    %dma_wait3A_497 = tpu.memref_slice %arg3[%mul3A_473] : memref<6400000xf32, #tpu.memory_space<hbm>> -> memref<2048xf32, #tpu.memory_space<hbm>>
    tpu.wait_dma2 semaphore(%arg12 : memref<!tpu.dma_semaphore, #tpu.memory_space<semaphore_mem>>) src(%dma_wait3A_497 : memref<2048xf32, #tpu.memory_space<hbm>>) dst(%arg9 : memref<2048xf32, #tpu.memory_space<vmem>>)
    %dma_start3A_498 = arith.constant 0 : i32
    %dma_start3A_499 = tpu.memref_slice %arg4[%dma_start3A_498] : memref<65048576xf32, #tpu.memory_space<hbm>> -> memref<65048576xf32, #tpu.memory_space<hbm>>
    tpu.enqueue_indirect_dma source(%arg9 : memref<2048xf32, #tpu.memory_space<vmem>>) target(%dma_start3A_499 : memref<65048576xf32, #tpu.memory_space<hbm>>) offsets(%arg6 : memref<2048xi32, #tpu.memory_space<vmem>>) semaphore(%arg13 : memref<!tpu.dma_semaphore, #tpu.memory_space<semaphore_mem>>)
    %dma_wait3A_500 = arith.constant 0 : i32
    %dma_wait3A_501 = tpu.memref_slice %arg4[%dma_wait3A_500] : memref<65048576xf32, #tpu.memory_space<hbm>> -> memref<65048576xf32, #tpu.memory_space<hbm>>
    tpu.wait_indirect_dma semaphore(%arg13 : memref<!tpu.dma_semaphore, #tpu.memory_space<semaphore_mem>>) src(%arg11 : memref<2048xf32, #tpu.memory_space<vmem>>) dst(%dma_wait3A_501 : memref<65048576xf32, #tpu.memory_space<hbm>>)
    %add3A_502 = arith.constant 1024 : i32
    %add3A_503 = arith.addi %add3A, %add3A_502 : i32
    %mul3A_504 = arith.constant 2048 : i32
    %mul3A_505 = arith.muli %add3A_503, %mul3A_504 : i32
    %dma_start3A_506 = tpu.memref_slice %arg2[%mul3A_505] : memref<6400000xi32, #tpu.memory_space<hbm>> -> memref<2048xi32, #tpu.memory_space<hbm>>
    %dma_start3A_507 = tpu.memref_slice %arg2[%mul3A_505] : memref<6400000xi32, #tpu.memory_space<hbm>> -> memref<2048xi32, #tpu.memory_space<hbm>>
    tpu.enqueue_dma source(%dma_start3A_507 : memref<2048xi32, #tpu.memory_space<hbm>>) target(%arg8 : memref<2048xi32, #tpu.memory_space<vmem>>) target_semaphore(%arg12 : memref<!tpu.dma_semaphore, #tpu.memory_space<semaphore_mem>>)
    %dma_start3A_508 = tpu.memref_slice %arg3[%mul3A_505] : memref<6400000xf32, #tpu.memory_space<hbm>> -> memref<2048xf32, #tpu.memory_space<hbm>>
    %dma_start3A_509 = tpu.memref_slice %arg3[%mul3A_505] : memref<6400000xf32, #tpu.memory_space<hbm>> -> memref<2048xf32, #tpu.memory_space<hbm>>
    tpu.enqueue_dma source(%dma_start3A_509 : memref<2048xf32, #tpu.memory_space<hbm>>) target(%arg11 : memref<2048xf32, #tpu.memory_space<vmem>>) target_semaphore(%arg12 : memref<!tpu.dma_semaphore, #tpu.memory_space<semaphore_mem>>)
    %dma_wait3A_510 = tpu.memref_slice %arg2[%mul3A_489] : memref<6400000xi32, #tpu.memory_space<hbm>> -> memref<2048xi32, #tpu.memory_space<hbm>>
    %dma_wait3A_511 = tpu.memref_slice %arg2[%mul3A_489] : memref<6400000xi32, #tpu.memory_space<hbm>> -> memref<2048xi32, #tpu.memory_space<hbm>>
    tpu.wait_dma2 semaphore(%arg12 : memref<!tpu.dma_semaphore, #tpu.memory_space<semaphore_mem>>) src(%dma_wait3A_511 : memref<2048xi32, #tpu.memory_space<hbm>>) dst(%arg7 : memref<2048xi32, #tpu.memory_space<vmem>>)
    %dma_wait3A_512 = tpu.memref_slice %arg3[%mul3A_489] : memref<6400000xf32, #tpu.memory_space<hbm>> -> memref<2048xf32, #tpu.memory_space<hbm>>
    %dma_wait3A_513 = tpu.memref_slice %arg3[%mul3A_489] : memref<6400000xf32, #tpu.memory_space<hbm>> -> memref<2048xf32, #tpu.memory_space<hbm>>
    tpu.wait_dma2 semaphore(%arg12 : memref<!tpu.dma_semaphore, #tpu.memory_space<semaphore_mem>>) src(%dma_wait3A_513 : memref<2048xf32, #tpu.memory_space<hbm>>) dst(%arg10 : memref<2048xf32, #tpu.memory_space<vmem>>)
    %dma_start3A_514 = arith.constant 0 : i32
    %dma_start3A_515 = tpu.memref_slice %arg4[%dma_start3A_514] : memref<65048576xf32, #tpu.memory_space<hbm>> -> memref<65048576xf32, #tpu.memory_space<hbm>>
    tpu.enqueue_indirect_dma source(%arg10 : memref<2048xf32, #tpu.memory_space<vmem>>) target(%dma_start3A_515 : memref<65048576xf32, #tpu.memory_space<hbm>>) offsets(%arg7 : memref<2048xi32, #tpu.memory_space<vmem>>) semaphore(%arg13 : memref<!tpu.dma_semaphore, #tpu.memory_space<semaphore_mem>>)
    %dma_wait3A_516 = arith.constant 0 : i32
    %dma_wait3A_517 = tpu.memref_slice %arg4[%dma_wait3A_516] : memref<65048576xf32, #tpu.memory_space<hbm>> -> memref<65048576xf32, #tpu.memory_space<hbm>>
    tpu.wait_indirect_dma semaphore(%arg13 : memref<!tpu.dma_semaphore, #tpu.memory_space<semaphore_mem>>) src(%arg9 : memref<2048xf32, #tpu.memory_space<vmem>>) dst(%dma_wait3A_517 : memref<65048576xf32, #tpu.memory_space<hbm>>)
    %add3A_518 = arith.constant 1056 : i32
    %add3A_519 = arith.addi %add3A, %add3A_518 : i32
    %mul3A_520 = arith.constant 2048 : i32
    %mul3A_521 = arith.muli %add3A_519, %mul3A_520 : i32
    %dma_start3A_522 = tpu.memref_slice %arg2[%mul3A_521] : memref<6400000xi32, #tpu.memory_space<hbm>> -> memref<2048xi32, #tpu.memory_space<hbm>>
    %dma_start3A_523 = tpu.memref_slice %arg2[%mul3A_521] : memref<6400000xi32, #tpu.memory_space<hbm>> -> memref<2048xi32, #tpu.memory_space<hbm>>
    tpu.enqueue_dma source(%dma_start3A_523 : memref<2048xi32, #tpu.memory_space<hbm>>) target(%arg6 : memref<2048xi32, #tpu.memory_space<vmem>>) target_semaphore(%arg12 : memref<!tpu.dma_semaphore, #tpu.memory_space<semaphore_mem>>)
    %dma_start3A_524 = tpu.memref_slice %arg3[%mul3A_521] : memref<6400000xf32, #tpu.memory_space<hbm>> -> memref<2048xf32, #tpu.memory_space<hbm>>
    %dma_start3A_525 = tpu.memref_slice %arg3[%mul3A_521] : memref<6400000xf32, #tpu.memory_space<hbm>> -> memref<2048xf32, #tpu.memory_space<hbm>>
    tpu.enqueue_dma source(%dma_start3A_525 : memref<2048xf32, #tpu.memory_space<hbm>>) target(%arg9 : memref<2048xf32, #tpu.memory_space<vmem>>) target_semaphore(%arg12 : memref<!tpu.dma_semaphore, #tpu.memory_space<semaphore_mem>>)
    %dma_wait3A_526 = tpu.memref_slice %arg2[%mul3A_505] : memref<6400000xi32, #tpu.memory_space<hbm>> -> memref<2048xi32, #tpu.memory_space<hbm>>
    %dma_wait3A_527 = tpu.memref_slice %arg2[%mul3A_505] : memref<6400000xi32, #tpu.memory_space<hbm>> -> memref<2048xi32, #tpu.memory_space<hbm>>
    tpu.wait_dma2 semaphore(%arg12 : memref<!tpu.dma_semaphore, #tpu.memory_space<semaphore_mem>>) src(%dma_wait3A_527 : memref<2048xi32, #tpu.memory_space<hbm>>) dst(%arg8 : memref<2048xi32, #tpu.memory_space<vmem>>)
    %dma_wait3A_528 = tpu.memref_slice %arg3[%mul3A_505] : memref<6400000xf32, #tpu.memory_space<hbm>> -> memref<2048xf32, #tpu.memory_space<hbm>>
    %dma_wait3A_529 = tpu.memref_slice %arg3[%mul3A_505] : memref<6400000xf32, #tpu.memory_space<hbm>> -> memref<2048xf32, #tpu.memory_space<hbm>>
    tpu.wait_dma2 semaphore(%arg12 : memref<!tpu.dma_semaphore, #tpu.memory_space<semaphore_mem>>) src(%dma_wait3A_529 : memref<2048xf32, #tpu.memory_space<hbm>>) dst(%arg11 : memref<2048xf32, #tpu.memory_space<vmem>>)
    %dma_start3A_530 = arith.constant 0 : i32
    %dma_start3A_531 = tpu.memref_slice %arg4[%dma_start3A_530] : memref<65048576xf32, #tpu.memory_space<hbm>> -> memref<65048576xf32, #tpu.memory_space<hbm>>
    tpu.enqueue_indirect_dma source(%arg11 : memref<2048xf32, #tpu.memory_space<vmem>>) target(%dma_start3A_531 : memref<65048576xf32, #tpu.memory_space<hbm>>) offsets(%arg8 : memref<2048xi32, #tpu.memory_space<vmem>>) semaphore(%arg13 : memref<!tpu.dma_semaphore, #tpu.memory_space<semaphore_mem>>)
    %dma_wait3A_532 = arith.constant 0 : i32
    %dma_wait3A_533 = tpu.memref_slice %arg4[%dma_wait3A_532] : memref<65048576xf32, #tpu.memory_space<hbm>> -> memref<65048576xf32, #tpu.memory_space<hbm>>
    tpu.wait_indirect_dma semaphore(%arg13 : memref<!tpu.dma_semaphore, #tpu.memory_space<semaphore_mem>>) src(%arg10 : memref<2048xf32, #tpu.memory_space<vmem>>) dst(%dma_wait3A_533 : memref<65048576xf32, #tpu.memory_space<hbm>>)
    %add3A_534 = arith.constant 1088 : i32
    %add3A_535 = arith.addi %add3A, %add3A_534 : i32
    %mul3A_536 = arith.constant 2048 : i32
    %mul3A_537 = arith.muli %add3A_535, %mul3A_536 : i32
    %dma_start3A_538 = tpu.memref_slice %arg2[%mul3A_537] : memref<6400000xi32, #tpu.memory_space<hbm>> -> memref<2048xi32, #tpu.memory_space<hbm>>
    %dma_start3A_539 = tpu.memref_slice %arg2[%mul3A_537] : memref<6400000xi32, #tpu.memory_space<hbm>> -> memref<2048xi32, #tpu.memory_space<hbm>>
    tpu.enqueue_dma source(%dma_start3A_539 : memref<2048xi32, #tpu.memory_space<hbm>>) target(%arg7 : memref<2048xi32, #tpu.memory_space<vmem>>) target_semaphore(%arg12 : memref<!tpu.dma_semaphore, #tpu.memory_space<semaphore_mem>>)
    %dma_start3A_540 = tpu.memref_slice %arg3[%mul3A_537] : memref<6400000xf32, #tpu.memory_space<hbm>> -> memref<2048xf32, #tpu.memory_space<hbm>>
    %dma_start3A_541 = tpu.memref_slice %arg3[%mul3A_537] : memref<6400000xf32, #tpu.memory_space<hbm>> -> memref<2048xf32, #tpu.memory_space<hbm>>
    tpu.enqueue_dma source(%dma_start3A_541 : memref<2048xf32, #tpu.memory_space<hbm>>) target(%arg10 : memref<2048xf32, #tpu.memory_space<vmem>>) target_semaphore(%arg12 : memref<!tpu.dma_semaphore, #tpu.memory_space<semaphore_mem>>)
    %dma_wait3A_542 = tpu.memref_slice %arg2[%mul3A_521] : memref<6400000xi32, #tpu.memory_space<hbm>> -> memref<2048xi32, #tpu.memory_space<hbm>>
    %dma_wait3A_543 = tpu.memref_slice %arg2[%mul3A_521] : memref<6400000xi32, #tpu.memory_space<hbm>> -> memref<2048xi32, #tpu.memory_space<hbm>>
    tpu.wait_dma2 semaphore(%arg12 : memref<!tpu.dma_semaphore, #tpu.memory_space<semaphore_mem>>) src(%dma_wait3A_543 : memref<2048xi32, #tpu.memory_space<hbm>>) dst(%arg6 : memref<2048xi32, #tpu.memory_space<vmem>>)
    %dma_wait3A_544 = tpu.memref_slice %arg3[%mul3A_521] : memref<6400000xf32, #tpu.memory_space<hbm>> -> memref<2048xf32, #tpu.memory_space<hbm>>
    %dma_wait3A_545 = tpu.memref_slice %arg3[%mul3A_521] : memref<6400000xf32, #tpu.memory_space<hbm>> -> memref<2048xf32, #tpu.memory_space<hbm>>
    tpu.wait_dma2 semaphore(%arg12 : memref<!tpu.dma_semaphore, #tpu.memory_space<semaphore_mem>>) src(%dma_wait3A_545 : memref<2048xf32, #tpu.memory_space<hbm>>) dst(%arg9 : memref<2048xf32, #tpu.memory_space<vmem>>)
    %dma_start3A_546 = arith.constant 0 : i32
    %dma_start3A_547 = tpu.memref_slice %arg4[%dma_start3A_546] : memref<65048576xf32, #tpu.memory_space<hbm>> -> memref<65048576xf32, #tpu.memory_space<hbm>>
    tpu.enqueue_indirect_dma source(%arg9 : memref<2048xf32, #tpu.memory_space<vmem>>) target(%dma_start3A_547 : memref<65048576xf32, #tpu.memory_space<hbm>>) offsets(%arg6 : memref<2048xi32, #tpu.memory_space<vmem>>) semaphore(%arg13 : memref<!tpu.dma_semaphore, #tpu.memory_space<semaphore_mem>>)
    %dma_wait3A_548 = arith.constant 0 : i32
    %dma_wait3A_549 = tpu.memref_slice %arg4[%dma_wait3A_548] : memref<65048576xf32, #tpu.memory_space<hbm>> -> memref<65048576xf32, #tpu.memory_space<hbm>>
    tpu.wait_indirect_dma semaphore(%arg13 : memref<!tpu.dma_semaphore, #tpu.memory_space<semaphore_mem>>) src(%arg11 : memref<2048xf32, #tpu.memory_space<vmem>>) dst(%dma_wait3A_549 : memref<65048576xf32, #tpu.memory_space<hbm>>)
    %add3A_550 = arith.constant 1120 : i32
    %add3A_551 = arith.addi %add3A, %add3A_550 : i32
    %mul3A_552 = arith.constant 2048 : i32
    %mul3A_553 = arith.muli %add3A_551, %mul3A_552 : i32
    %dma_start3A_554 = tpu.memref_slice %arg2[%mul3A_553] : memref<6400000xi32, #tpu.memory_space<hbm>> -> memref<2048xi32, #tpu.memory_space<hbm>>
    %dma_start3A_555 = tpu.memref_slice %arg2[%mul3A_553] : memref<6400000xi32, #tpu.memory_space<hbm>> -> memref<2048xi32, #tpu.memory_space<hbm>>
    tpu.enqueue_dma source(%dma_start3A_555 : memref<2048xi32, #tpu.memory_space<hbm>>) target(%arg8 : memref<2048xi32, #tpu.memory_space<vmem>>) target_semaphore(%arg12 : memref<!tpu.dma_semaphore, #tpu.memory_space<semaphore_mem>>)
    %dma_start3A_556 = tpu.memref_slice %arg3[%mul3A_553] : memref<6400000xf32, #tpu.memory_space<hbm>> -> memref<2048xf32, #tpu.memory_space<hbm>>
    %dma_start3A_557 = tpu.memref_slice %arg3[%mul3A_553] : memref<6400000xf32, #tpu.memory_space<hbm>> -> memref<2048xf32, #tpu.memory_space<hbm>>
    tpu.enqueue_dma source(%dma_start3A_557 : memref<2048xf32, #tpu.memory_space<hbm>>) target(%arg11 : memref<2048xf32, #tpu.memory_space<vmem>>) target_semaphore(%arg12 : memref<!tpu.dma_semaphore, #tpu.memory_space<semaphore_mem>>)
    %dma_wait3A_558 = tpu.memref_slice %arg2[%mul3A_537] : memref<6400000xi32, #tpu.memory_space<hbm>> -> memref<2048xi32, #tpu.memory_space<hbm>>
    %dma_wait3A_559 = tpu.memref_slice %arg2[%mul3A_537] : memref<6400000xi32, #tpu.memory_space<hbm>> -> memref<2048xi32, #tpu.memory_space<hbm>>
    tpu.wait_dma2 semaphore(%arg12 : memref<!tpu.dma_semaphore, #tpu.memory_space<semaphore_mem>>) src(%dma_wait3A_559 : memref<2048xi32, #tpu.memory_space<hbm>>) dst(%arg7 : memref<2048xi32, #tpu.memory_space<vmem>>)
    %dma_wait3A_560 = tpu.memref_slice %arg3[%mul3A_537] : memref<6400000xf32, #tpu.memory_space<hbm>> -> memref<2048xf32, #tpu.memory_space<hbm>>
    %dma_wait3A_561 = tpu.memref_slice %arg3[%mul3A_537] : memref<6400000xf32, #tpu.memory_space<hbm>> -> memref<2048xf32, #tpu.memory_space<hbm>>
    tpu.wait_dma2 semaphore(%arg12 : memref<!tpu.dma_semaphore, #tpu.memory_space<semaphore_mem>>) src(%dma_wait3A_561 : memref<2048xf32, #tpu.memory_space<hbm>>) dst(%arg10 : memref<2048xf32, #tpu.memory_space<vmem>>)
    %dma_start3A_562 = arith.constant 0 : i32
    %dma_start3A_563 = tpu.memref_slice %arg4[%dma_start3A_562] : memref<65048576xf32, #tpu.memory_space<hbm>> -> memref<65048576xf32, #tpu.memory_space<hbm>>
    tpu.enqueue_indirect_dma source(%arg10 : memref<2048xf32, #tpu.memory_space<vmem>>) target(%dma_start3A_563 : memref<65048576xf32, #tpu.memory_space<hbm>>) offsets(%arg7 : memref<2048xi32, #tpu.memory_space<vmem>>) semaphore(%arg13 : memref<!tpu.dma_semaphore, #tpu.memory_space<semaphore_mem>>)
    %dma_wait3A_564 = arith.constant 0 : i32
    %dma_wait3A_565 = tpu.memref_slice %arg4[%dma_wait3A_564] : memref<65048576xf32, #tpu.memory_space<hbm>> -> memref<65048576xf32, #tpu.memory_space<hbm>>
    tpu.wait_indirect_dma semaphore(%arg13 : memref<!tpu.dma_semaphore, #tpu.memory_space<semaphore_mem>>) src(%arg9 : memref<2048xf32, #tpu.memory_space<vmem>>) dst(%dma_wait3A_565 : memref<65048576xf32, #tpu.memory_space<hbm>>)
    %add3A_566 = arith.constant 1152 : i32
    %add3A_567 = arith.addi %add3A, %add3A_566 : i32
    %mul3A_568 = arith.constant 2048 : i32
    %mul3A_569 = arith.muli %add3A_567, %mul3A_568 : i32
    %dma_start3A_570 = tpu.memref_slice %arg2[%mul3A_569] : memref<6400000xi32, #tpu.memory_space<hbm>> -> memref<2048xi32, #tpu.memory_space<hbm>>
    %dma_start3A_571 = tpu.memref_slice %arg2[%mul3A_569] : memref<6400000xi32, #tpu.memory_space<hbm>> -> memref<2048xi32, #tpu.memory_space<hbm>>
    tpu.enqueue_dma source(%dma_start3A_571 : memref<2048xi32, #tpu.memory_space<hbm>>) target(%arg6 : memref<2048xi32, #tpu.memory_space<vmem>>) target_semaphore(%arg12 : memref<!tpu.dma_semaphore, #tpu.memory_space<semaphore_mem>>)
    %dma_start3A_572 = tpu.memref_slice %arg3[%mul3A_569] : memref<6400000xf32, #tpu.memory_space<hbm>> -> memref<2048xf32, #tpu.memory_space<hbm>>
    %dma_start3A_573 = tpu.memref_slice %arg3[%mul3A_569] : memref<6400000xf32, #tpu.memory_space<hbm>> -> memref<2048xf32, #tpu.memory_space<hbm>>
    tpu.enqueue_dma source(%dma_start3A_573 : memref<2048xf32, #tpu.memory_space<hbm>>) target(%arg9 : memref<2048xf32, #tpu.memory_space<vmem>>) target_semaphore(%arg12 : memref<!tpu.dma_semaphore, #tpu.memory_space<semaphore_mem>>)
    %dma_wait3A_574 = tpu.memref_slice %arg2[%mul3A_553] : memref<6400000xi32, #tpu.memory_space<hbm>> -> memref<2048xi32, #tpu.memory_space<hbm>>
    %dma_wait3A_575 = tpu.memref_slice %arg2[%mul3A_553] : memref<6400000xi32, #tpu.memory_space<hbm>> -> memref<2048xi32, #tpu.memory_space<hbm>>
    tpu.wait_dma2 semaphore(%arg12 : memref<!tpu.dma_semaphore, #tpu.memory_space<semaphore_mem>>) src(%dma_wait3A_575 : memref<2048xi32, #tpu.memory_space<hbm>>) dst(%arg8 : memref<2048xi32, #tpu.memory_space<vmem>>)
    %dma_wait3A_576 = tpu.memref_slice %arg3[%mul3A_553] : memref<6400000xf32, #tpu.memory_space<hbm>> -> memref<2048xf32, #tpu.memory_space<hbm>>
    %dma_wait3A_577 = tpu.memref_slice %arg3[%mul3A_553] : memref<6400000xf32, #tpu.memory_space<hbm>> -> memref<2048xf32, #tpu.memory_space<hbm>>
    tpu.wait_dma2 semaphore(%arg12 : memref<!tpu.dma_semaphore, #tpu.memory_space<semaphore_mem>>) src(%dma_wait3A_577 : memref<2048xf32, #tpu.memory_space<hbm>>) dst(%arg11 : memref<2048xf32, #tpu.memory_space<vmem>>)
    %dma_start3A_578 = arith.constant 0 : i32
    %dma_start3A_579 = tpu.memref_slice %arg4[%dma_start3A_578] : memref<65048576xf32, #tpu.memory_space<hbm>> -> memref<65048576xf32, #tpu.memory_space<hbm>>
    tpu.enqueue_indirect_dma source(%arg11 : memref<2048xf32, #tpu.memory_space<vmem>>) target(%dma_start3A_579 : memref<65048576xf32, #tpu.memory_space<hbm>>) offsets(%arg8 : memref<2048xi32, #tpu.memory_space<vmem>>) semaphore(%arg13 : memref<!tpu.dma_semaphore, #tpu.memory_space<semaphore_mem>>)
    %dma_wait3A_580 = arith.constant 0 : i32
    %dma_wait3A_581 = tpu.memref_slice %arg4[%dma_wait3A_580] : memref<65048576xf32, #tpu.memory_space<hbm>> -> memref<65048576xf32, #tpu.memory_space<hbm>>
    tpu.wait_indirect_dma semaphore(%arg13 : memref<!tpu.dma_semaphore, #tpu.memory_space<semaphore_mem>>) src(%arg10 : memref<2048xf32, #tpu.memory_space<vmem>>) dst(%dma_wait3A_581 : memref<65048576xf32, #tpu.memory_space<hbm>>)
    %add3A_582 = arith.constant 1184 : i32
    %add3A_583 = arith.addi %add3A, %add3A_582 : i32
    %mul3A_584 = arith.constant 2048 : i32
    %mul3A_585 = arith.muli %add3A_583, %mul3A_584 : i32
    %dma_start3A_586 = tpu.memref_slice %arg2[%mul3A_585] : memref<6400000xi32, #tpu.memory_space<hbm>> -> memref<2048xi32, #tpu.memory_space<hbm>>
    %dma_start3A_587 = tpu.memref_slice %arg2[%mul3A_585] : memref<6400000xi32, #tpu.memory_space<hbm>> -> memref<2048xi32, #tpu.memory_space<hbm>>
    tpu.enqueue_dma source(%dma_start3A_587 : memref<2048xi32, #tpu.memory_space<hbm>>) target(%arg7 : memref<2048xi32, #tpu.memory_space<vmem>>) target_semaphore(%arg12 : memref<!tpu.dma_semaphore, #tpu.memory_space<semaphore_mem>>)
    %dma_start3A_588 = tpu.memref_slice %arg3[%mul3A_585] : memref<6400000xf32, #tpu.memory_space<hbm>> -> memref<2048xf32, #tpu.memory_space<hbm>>
    %dma_start3A_589 = tpu.memref_slice %arg3[%mul3A_585] : memref<6400000xf32, #tpu.memory_space<hbm>> -> memref<2048xf32, #tpu.memory_space<hbm>>
    tpu.enqueue_dma source(%dma_start3A_589 : memref<2048xf32, #tpu.memory_space<hbm>>) target(%arg10 : memref<2048xf32, #tpu.memory_space<vmem>>) target_semaphore(%arg12 : memref<!tpu.dma_semaphore, #tpu.memory_space<semaphore_mem>>)
    %dma_wait3A_590 = tpu.memref_slice %arg2[%mul3A_569] : memref<6400000xi32, #tpu.memory_space<hbm>> -> memref<2048xi32, #tpu.memory_space<hbm>>
    %dma_wait3A_591 = tpu.memref_slice %arg2[%mul3A_569] : memref<6400000xi32, #tpu.memory_space<hbm>> -> memref<2048xi32, #tpu.memory_space<hbm>>
    tpu.wait_dma2 semaphore(%arg12 : memref<!tpu.dma_semaphore, #tpu.memory_space<semaphore_mem>>) src(%dma_wait3A_591 : memref<2048xi32, #tpu.memory_space<hbm>>) dst(%arg6 : memref<2048xi32, #tpu.memory_space<vmem>>)
    %dma_wait3A_592 = tpu.memref_slice %arg3[%mul3A_569] : memref<6400000xf32, #tpu.memory_space<hbm>> -> memref<2048xf32, #tpu.memory_space<hbm>>
    %dma_wait3A_593 = tpu.memref_slice %arg3[%mul3A_569] : memref<6400000xf32, #tpu.memory_space<hbm>> -> memref<2048xf32, #tpu.memory_space<hbm>>
    tpu.wait_dma2 semaphore(%arg12 : memref<!tpu.dma_semaphore, #tpu.memory_space<semaphore_mem>>) src(%dma_wait3A_593 : memref<2048xf32, #tpu.memory_space<hbm>>) dst(%arg9 : memref<2048xf32, #tpu.memory_space<vmem>>)
    %dma_start3A_594 = arith.constant 0 : i32
    %dma_start3A_595 = tpu.memref_slice %arg4[%dma_start3A_594] : memref<65048576xf32, #tpu.memory_space<hbm>> -> memref<65048576xf32, #tpu.memory_space<hbm>>
    tpu.enqueue_indirect_dma source(%arg9 : memref<2048xf32, #tpu.memory_space<vmem>>) target(%dma_start3A_595 : memref<65048576xf32, #tpu.memory_space<hbm>>) offsets(%arg6 : memref<2048xi32, #tpu.memory_space<vmem>>) semaphore(%arg13 : memref<!tpu.dma_semaphore, #tpu.memory_space<semaphore_mem>>)
    %dma_wait3A_596 = arith.constant 0 : i32
    %dma_wait3A_597 = tpu.memref_slice %arg4[%dma_wait3A_596] : memref<65048576xf32, #tpu.memory_space<hbm>> -> memref<65048576xf32, #tpu.memory_space<hbm>>
    tpu.wait_indirect_dma semaphore(%arg13 : memref<!tpu.dma_semaphore, #tpu.memory_space<semaphore_mem>>) src(%arg11 : memref<2048xf32, #tpu.memory_space<vmem>>) dst(%dma_wait3A_597 : memref<65048576xf32, #tpu.memory_space<hbm>>)
    %add3A_598 = arith.constant 1216 : i32
    %add3A_599 = arith.addi %add3A, %add3A_598 : i32
    %mul3A_600 = arith.constant 2048 : i32
    %mul3A_601 = arith.muli %add3A_599, %mul3A_600 : i32
    %dma_start3A_602 = tpu.memref_slice %arg2[%mul3A_601] : memref<6400000xi32, #tpu.memory_space<hbm>> -> memref<2048xi32, #tpu.memory_space<hbm>>
    %dma_start3A_603 = tpu.memref_slice %arg2[%mul3A_601] : memref<6400000xi32, #tpu.memory_space<hbm>> -> memref<2048xi32, #tpu.memory_space<hbm>>
    tpu.enqueue_dma source(%dma_start3A_603 : memref<2048xi32, #tpu.memory_space<hbm>>) target(%arg8 : memref<2048xi32, #tpu.memory_space<vmem>>) target_semaphore(%arg12 : memref<!tpu.dma_semaphore, #tpu.memory_space<semaphore_mem>>)
    %dma_start3A_604 = tpu.memref_slice %arg3[%mul3A_601] : memref<6400000xf32, #tpu.memory_space<hbm>> -> memref<2048xf32, #tpu.memory_space<hbm>>
    %dma_start3A_605 = tpu.memref_slice %arg3[%mul3A_601] : memref<6400000xf32, #tpu.memory_space<hbm>> -> memref<2048xf32, #tpu.memory_space<hbm>>
    tpu.enqueue_dma source(%dma_start3A_605 : memref<2048xf32, #tpu.memory_space<hbm>>) target(%arg11 : memref<2048xf32, #tpu.memory_space<vmem>>) target_semaphore(%arg12 : memref<!tpu.dma_semaphore, #tpu.memory_space<semaphore_mem>>)
    %dma_wait3A_606 = tpu.memref_slice %arg2[%mul3A_585] : memref<6400000xi32, #tpu.memory_space<hbm>> -> memref<2048xi32, #tpu.memory_space<hbm>>
    %dma_wait3A_607 = tpu.memref_slice %arg2[%mul3A_585] : memref<6400000xi32, #tpu.memory_space<hbm>> -> memref<2048xi32, #tpu.memory_space<hbm>>
    tpu.wait_dma2 semaphore(%arg12 : memref<!tpu.dma_semaphore, #tpu.memory_space<semaphore_mem>>) src(%dma_wait3A_607 : memref<2048xi32, #tpu.memory_space<hbm>>) dst(%arg7 : memref<2048xi32, #tpu.memory_space<vmem>>)
    %dma_wait3A_608 = tpu.memref_slice %arg3[%mul3A_585] : memref<6400000xf32, #tpu.memory_space<hbm>> -> memref<2048xf32, #tpu.memory_space<hbm>>
    %dma_wait3A_609 = tpu.memref_slice %arg3[%mul3A_585] : memref<6400000xf32, #tpu.memory_space<hbm>> -> memref<2048xf32, #tpu.memory_space<hbm>>
    tpu.wait_dma2 semaphore(%arg12 : memref<!tpu.dma_semaphore, #tpu.memory_space<semaphore_mem>>) src(%dma_wait3A_609 : memref<2048xf32, #tpu.memory_space<hbm>>) dst(%arg10 : memref<2048xf32, #tpu.memory_space<vmem>>)
    %dma_start3A_610 = arith.constant 0 : i32
    %dma_start3A_611 = tpu.memref_slice %arg4[%dma_start3A_610] : memref<65048576xf32, #tpu.memory_space<hbm>> -> memref<65048576xf32, #tpu.memory_space<hbm>>
    tpu.enqueue_indirect_dma source(%arg10 : memref<2048xf32, #tpu.memory_space<vmem>>) target(%dma_start3A_611 : memref<65048576xf32, #tpu.memory_space<hbm>>) offsets(%arg7 : memref<2048xi32, #tpu.memory_space<vmem>>) semaphore(%arg13 : memref<!tpu.dma_semaphore, #tpu.memory_space<semaphore_mem>>)
    %dma_wait3A_612 = arith.constant 0 : i32
    %dma_wait3A_613 = tpu.memref_slice %arg4[%dma_wait3A_612] : memref<65048576xf32, #tpu.memory_space<hbm>> -> memref<65048576xf32, #tpu.memory_space<hbm>>
    tpu.wait_indirect_dma semaphore(%arg13 : memref<!tpu.dma_semaphore, #tpu.memory_space<semaphore_mem>>) src(%arg9 : memref<2048xf32, #tpu.memory_space<vmem>>) dst(%dma_wait3A_613 : memref<65048576xf32, #tpu.memory_space<hbm>>)
    %add3A_614 = arith.constant 1248 : i32
    %add3A_615 = arith.addi %add3A, %add3A_614 : i32
    %mul3A_616 = arith.constant 2048 : i32
    %mul3A_617 = arith.muli %add3A_615, %mul3A_616 : i32
    %dma_start3A_618 = tpu.memref_slice %arg2[%mul3A_617] : memref<6400000xi32, #tpu.memory_space<hbm>> -> memref<2048xi32, #tpu.memory_space<hbm>>
    %dma_start3A_619 = tpu.memref_slice %arg2[%mul3A_617] : memref<6400000xi32, #tpu.memory_space<hbm>> -> memref<2048xi32, #tpu.memory_space<hbm>>
    tpu.enqueue_dma source(%dma_start3A_619 : memref<2048xi32, #tpu.memory_space<hbm>>) target(%arg6 : memref<2048xi32, #tpu.memory_space<vmem>>) target_semaphore(%arg12 : memref<!tpu.dma_semaphore, #tpu.memory_space<semaphore_mem>>)
    %dma_start3A_620 = tpu.memref_slice %arg3[%mul3A_617] : memref<6400000xf32, #tpu.memory_space<hbm>> -> memref<2048xf32, #tpu.memory_space<hbm>>
    %dma_start3A_621 = tpu.memref_slice %arg3[%mul3A_617] : memref<6400000xf32, #tpu.memory_space<hbm>> -> memref<2048xf32, #tpu.memory_space<hbm>>
    tpu.enqueue_dma source(%dma_start3A_621 : memref<2048xf32, #tpu.memory_space<hbm>>) target(%arg9 : memref<2048xf32, #tpu.memory_space<vmem>>) target_semaphore(%arg12 : memref<!tpu.dma_semaphore, #tpu.memory_space<semaphore_mem>>)
    %dma_wait3A_622 = tpu.memref_slice %arg2[%mul3A_601] : memref<6400000xi32, #tpu.memory_space<hbm>> -> memref<2048xi32, #tpu.memory_space<hbm>>
    %dma_wait3A_623 = tpu.memref_slice %arg2[%mul3A_601] : memref<6400000xi32, #tpu.memory_space<hbm>> -> memref<2048xi32, #tpu.memory_space<hbm>>
    tpu.wait_dma2 semaphore(%arg12 : memref<!tpu.dma_semaphore, #tpu.memory_space<semaphore_mem>>) src(%dma_wait3A_623 : memref<2048xi32, #tpu.memory_space<hbm>>) dst(%arg8 : memref<2048xi32, #tpu.memory_space<vmem>>)
    %dma_wait3A_624 = tpu.memref_slice %arg3[%mul3A_601] : memref<6400000xf32, #tpu.memory_space<hbm>> -> memref<2048xf32, #tpu.memory_space<hbm>>
    %dma_wait3A_625 = tpu.memref_slice %arg3[%mul3A_601] : memref<6400000xf32, #tpu.memory_space<hbm>> -> memref<2048xf32, #tpu.memory_space<hbm>>
    tpu.wait_dma2 semaphore(%arg12 : memref<!tpu.dma_semaphore, #tpu.memory_space<semaphore_mem>>) src(%dma_wait3A_625 : memref<2048xf32, #tpu.memory_space<hbm>>) dst(%arg11 : memref<2048xf32, #tpu.memory_space<vmem>>)
    %dma_start3A_626 = arith.constant 0 : i32
    %dma_start3A_627 = tpu.memref_slice %arg4[%dma_start3A_626] : memref<65048576xf32, #tpu.memory_space<hbm>> -> memref<65048576xf32, #tpu.memory_space<hbm>>
    tpu.enqueue_indirect_dma source(%arg11 : memref<2048xf32, #tpu.memory_space<vmem>>) target(%dma_start3A_627 : memref<65048576xf32, #tpu.memory_space<hbm>>) offsets(%arg8 : memref<2048xi32, #tpu.memory_space<vmem>>) semaphore(%arg13 : memref<!tpu.dma_semaphore, #tpu.memory_space<semaphore_mem>>)
    %dma_wait3A_628 = arith.constant 0 : i32
    %dma_wait3A_629 = tpu.memref_slice %arg4[%dma_wait3A_628] : memref<65048576xf32, #tpu.memory_space<hbm>> -> memref<65048576xf32, #tpu.memory_space<hbm>>
    tpu.wait_indirect_dma semaphore(%arg13 : memref<!tpu.dma_semaphore, #tpu.memory_space<semaphore_mem>>) src(%arg10 : memref<2048xf32, #tpu.memory_space<vmem>>) dst(%dma_wait3A_629 : memref<65048576xf32, #tpu.memory_space<hbm>>)
    %add3A_630 = arith.constant 1280 : i32
    %add3A_631 = arith.addi %add3A, %add3A_630 : i32
    %mul3A_632 = arith.constant 2048 : i32
    %mul3A_633 = arith.muli %add3A_631, %mul3A_632 : i32
    %dma_start3A_634 = tpu.memref_slice %arg2[%mul3A_633] : memref<6400000xi32, #tpu.memory_space<hbm>> -> memref<2048xi32, #tpu.memory_space<hbm>>
    %dma_start3A_635 = tpu.memref_slice %arg2[%mul3A_633] : memref<6400000xi32, #tpu.memory_space<hbm>> -> memref<2048xi32, #tpu.memory_space<hbm>>
    tpu.enqueue_dma source(%dma_start3A_635 : memref<2048xi32, #tpu.memory_space<hbm>>) target(%arg7 : memref<2048xi32, #tpu.memory_space<vmem>>) target_semaphore(%arg12 : memref<!tpu.dma_semaphore, #tpu.memory_space<semaphore_mem>>)
    %dma_start3A_636 = tpu.memref_slice %arg3[%mul3A_633] : memref<6400000xf32, #tpu.memory_space<hbm>> -> memref<2048xf32, #tpu.memory_space<hbm>>
    %dma_start3A_637 = tpu.memref_slice %arg3[%mul3A_633] : memref<6400000xf32, #tpu.memory_space<hbm>> -> memref<2048xf32, #tpu.memory_space<hbm>>
    tpu.enqueue_dma source(%dma_start3A_637 : memref<2048xf32, #tpu.memory_space<hbm>>) target(%arg10 : memref<2048xf32, #tpu.memory_space<vmem>>) target_semaphore(%arg12 : memref<!tpu.dma_semaphore, #tpu.memory_space<semaphore_mem>>)
    %dma_wait3A_638 = tpu.memref_slice %arg2[%mul3A_617] : memref<6400000xi32, #tpu.memory_space<hbm>> -> memref<2048xi32, #tpu.memory_space<hbm>>
    %dma_wait3A_639 = tpu.memref_slice %arg2[%mul3A_617] : memref<6400000xi32, #tpu.memory_space<hbm>> -> memref<2048xi32, #tpu.memory_space<hbm>>
    tpu.wait_dma2 semaphore(%arg12 : memref<!tpu.dma_semaphore, #tpu.memory_space<semaphore_mem>>) src(%dma_wait3A_639 : memref<2048xi32, #tpu.memory_space<hbm>>) dst(%arg6 : memref<2048xi32, #tpu.memory_space<vmem>>)
    %dma_wait3A_640 = tpu.memref_slice %arg3[%mul3A_617] : memref<6400000xf32, #tpu.memory_space<hbm>> -> memref<2048xf32, #tpu.memory_space<hbm>>
    %dma_wait3A_641 = tpu.memref_slice %arg3[%mul3A_617] : memref<6400000xf32, #tpu.memory_space<hbm>> -> memref<2048xf32, #tpu.memory_space<hbm>>
    tpu.wait_dma2 semaphore(%arg12 : memref<!tpu.dma_semaphore, #tpu.memory_space<semaphore_mem>>) src(%dma_wait3A_641 : memref<2048xf32, #tpu.memory_space<hbm>>) dst(%arg9 : memref<2048xf32, #tpu.memory_space<vmem>>)
    %dma_start3A_642 = arith.constant 0 : i32
    %dma_start3A_643 = tpu.memref_slice %arg4[%dma_start3A_642] : memref<65048576xf32, #tpu.memory_space<hbm>> -> memref<65048576xf32, #tpu.memory_space<hbm>>
    tpu.enqueue_indirect_dma source(%arg9 : memref<2048xf32, #tpu.memory_space<vmem>>) target(%dma_start3A_643 : memref<65048576xf32, #tpu.memory_space<hbm>>) offsets(%arg6 : memref<2048xi32, #tpu.memory_space<vmem>>) semaphore(%arg13 : memref<!tpu.dma_semaphore, #tpu.memory_space<semaphore_mem>>)
    %dma_wait3A_644 = arith.constant 0 : i32
    %dma_wait3A_645 = tpu.memref_slice %arg4[%dma_wait3A_644] : memref<65048576xf32, #tpu.memory_space<hbm>> -> memref<65048576xf32, #tpu.memory_space<hbm>>
    tpu.wait_indirect_dma semaphore(%arg13 : memref<!tpu.dma_semaphore, #tpu.memory_space<semaphore_mem>>) src(%arg11 : memref<2048xf32, #tpu.memory_space<vmem>>) dst(%dma_wait3A_645 : memref<65048576xf32, #tpu.memory_space<hbm>>)
    %add3A_646 = arith.constant 1312 : i32
    %add3A_647 = arith.addi %add3A, %add3A_646 : i32
    %mul3A_648 = arith.constant 2048 : i32
    %mul3A_649 = arith.muli %add3A_647, %mul3A_648 : i32
    %dma_start3A_650 = tpu.memref_slice %arg2[%mul3A_649] : memref<6400000xi32, #tpu.memory_space<hbm>> -> memref<2048xi32, #tpu.memory_space<hbm>>
    %dma_start3A_651 = tpu.memref_slice %arg2[%mul3A_649] : memref<6400000xi32, #tpu.memory_space<hbm>> -> memref<2048xi32, #tpu.memory_space<hbm>>
    tpu.enqueue_dma source(%dma_start3A_651 : memref<2048xi32, #tpu.memory_space<hbm>>) target(%arg8 : memref<2048xi32, #tpu.memory_space<vmem>>) target_semaphore(%arg12 : memref<!tpu.dma_semaphore, #tpu.memory_space<semaphore_mem>>)
    %dma_start3A_652 = tpu.memref_slice %arg3[%mul3A_649] : memref<6400000xf32, #tpu.memory_space<hbm>> -> memref<2048xf32, #tpu.memory_space<hbm>>
    %dma_start3A_653 = tpu.memref_slice %arg3[%mul3A_649] : memref<6400000xf32, #tpu.memory_space<hbm>> -> memref<2048xf32, #tpu.memory_space<hbm>>
    tpu.enqueue_dma source(%dma_start3A_653 : memref<2048xf32, #tpu.memory_space<hbm>>) target(%arg11 : memref<2048xf32, #tpu.memory_space<vmem>>) target_semaphore(%arg12 : memref<!tpu.dma_semaphore, #tpu.memory_space<semaphore_mem>>)
    %dma_wait3A_654 = tpu.memref_slice %arg2[%mul3A_633] : memref<6400000xi32, #tpu.memory_space<hbm>> -> memref<2048xi32, #tpu.memory_space<hbm>>
    %dma_wait3A_655 = tpu.memref_slice %arg2[%mul3A_633] : memref<6400000xi32, #tpu.memory_space<hbm>> -> memref<2048xi32, #tpu.memory_space<hbm>>
    tpu.wait_dma2 semaphore(%arg12 : memref<!tpu.dma_semaphore, #tpu.memory_space<semaphore_mem>>) src(%dma_wait3A_655 : memref<2048xi32, #tpu.memory_space<hbm>>) dst(%arg7 : memref<2048xi32, #tpu.memory_space<vmem>>)
    %dma_wait3A_656 = tpu.memref_slice %arg3[%mul3A_633] : memref<6400000xf32, #tpu.memory_space<hbm>> -> memref<2048xf32, #tpu.memory_space<hbm>>
    %dma_wait3A_657 = tpu.memref_slice %arg3[%mul3A_633] : memref<6400000xf32, #tpu.memory_space<hbm>> -> memref<2048xf32, #tpu.memory_space<hbm>>
    tpu.wait_dma2 semaphore(%arg12 : memref<!tpu.dma_semaphore, #tpu.memory_space<semaphore_mem>>) src(%dma_wait3A_657 : memref<2048xf32, #tpu.memory_space<hbm>>) dst(%arg10 : memref<2048xf32, #tpu.memory_space<vmem>>)
    %dma_start3A_658 = arith.constant 0 : i32
    %dma_start3A_659 = tpu.memref_slice %arg4[%dma_start3A_658] : memref<65048576xf32, #tpu.memory_space<hbm>> -> memref<65048576xf32, #tpu.memory_space<hbm>>
    tpu.enqueue_indirect_dma source(%arg10 : memref<2048xf32, #tpu.memory_space<vmem>>) target(%dma_start3A_659 : memref<65048576xf32, #tpu.memory_space<hbm>>) offsets(%arg7 : memref<2048xi32, #tpu.memory_space<vmem>>) semaphore(%arg13 : memref<!tpu.dma_semaphore, #tpu.memory_space<semaphore_mem>>)
    %dma_wait3A_660 = arith.constant 0 : i32
    %dma_wait3A_661 = tpu.memref_slice %arg4[%dma_wait3A_660] : memref<65048576xf32, #tpu.memory_space<hbm>> -> memref<65048576xf32, #tpu.memory_space<hbm>>
    tpu.wait_indirect_dma semaphore(%arg13 : memref<!tpu.dma_semaphore, #tpu.memory_space<semaphore_mem>>) src(%arg9 : memref<2048xf32, #tpu.memory_space<vmem>>) dst(%dma_wait3A_661 : memref<65048576xf32, #tpu.memory_space<hbm>>)
    %add3A_662 = arith.constant 1344 : i32
    %add3A_663 = arith.addi %add3A, %add3A_662 : i32
    %mul3A_664 = arith.constant 2048 : i32
    %mul3A_665 = arith.muli %add3A_663, %mul3A_664 : i32
    %dma_start3A_666 = tpu.memref_slice %arg2[%mul3A_665] : memref<6400000xi32, #tpu.memory_space<hbm>> -> memref<2048xi32, #tpu.memory_space<hbm>>
    %dma_start3A_667 = tpu.memref_slice %arg2[%mul3A_665] : memref<6400000xi32, #tpu.memory_space<hbm>> -> memref<2048xi32, #tpu.memory_space<hbm>>
    tpu.enqueue_dma source(%dma_start3A_667 : memref<2048xi32, #tpu.memory_space<hbm>>) target(%arg6 : memref<2048xi32, #tpu.memory_space<vmem>>) target_semaphore(%arg12 : memref<!tpu.dma_semaphore, #tpu.memory_space<semaphore_mem>>)
    %dma_start3A_668 = tpu.memref_slice %arg3[%mul3A_665] : memref<6400000xf32, #tpu.memory_space<hbm>> -> memref<2048xf32, #tpu.memory_space<hbm>>
    %dma_start3A_669 = tpu.memref_slice %arg3[%mul3A_665] : memref<6400000xf32, #tpu.memory_space<hbm>> -> memref<2048xf32, #tpu.memory_space<hbm>>
    tpu.enqueue_dma source(%dma_start3A_669 : memref<2048xf32, #tpu.memory_space<hbm>>) target(%arg9 : memref<2048xf32, #tpu.memory_space<vmem>>) target_semaphore(%arg12 : memref<!tpu.dma_semaphore, #tpu.memory_space<semaphore_mem>>)
    %dma_wait3A_670 = tpu.memref_slice %arg2[%mul3A_649] : memref<6400000xi32, #tpu.memory_space<hbm>> -> memref<2048xi32, #tpu.memory_space<hbm>>
    %dma_wait3A_671 = tpu.memref_slice %arg2[%mul3A_649] : memref<6400000xi32, #tpu.memory_space<hbm>> -> memref<2048xi32, #tpu.memory_space<hbm>>
    tpu.wait_dma2 semaphore(%arg12 : memref<!tpu.dma_semaphore, #tpu.memory_space<semaphore_mem>>) src(%dma_wait3A_671 : memref<2048xi32, #tpu.memory_space<hbm>>) dst(%arg8 : memref<2048xi32, #tpu.memory_space<vmem>>)
    %dma_wait3A_672 = tpu.memref_slice %arg3[%mul3A_649] : memref<6400000xf32, #tpu.memory_space<hbm>> -> memref<2048xf32, #tpu.memory_space<hbm>>
    %dma_wait3A_673 = tpu.memref_slice %arg3[%mul3A_649] : memref<6400000xf32, #tpu.memory_space<hbm>> -> memref<2048xf32, #tpu.memory_space<hbm>>
    tpu.wait_dma2 semaphore(%arg12 : memref<!tpu.dma_semaphore, #tpu.memory_space<semaphore_mem>>) src(%dma_wait3A_673 : memref<2048xf32, #tpu.memory_space<hbm>>) dst(%arg11 : memref<2048xf32, #tpu.memory_space<vmem>>)
    %dma_start3A_674 = arith.constant 0 : i32
    %dma_start3A_675 = tpu.memref_slice %arg4[%dma_start3A_674] : memref<65048576xf32, #tpu.memory_space<hbm>> -> memref<65048576xf32, #tpu.memory_space<hbm>>
    tpu.enqueue_indirect_dma source(%arg11 : memref<2048xf32, #tpu.memory_space<vmem>>) target(%dma_start3A_675 : memref<65048576xf32, #tpu.memory_space<hbm>>) offsets(%arg8 : memref<2048xi32, #tpu.memory_space<vmem>>) semaphore(%arg13 : memref<!tpu.dma_semaphore, #tpu.memory_space<semaphore_mem>>)
    %dma_wait3A_676 = arith.constant 0 : i32
    %dma_wait3A_677 = tpu.memref_slice %arg4[%dma_wait3A_676] : memref<65048576xf32, #tpu.memory_space<hbm>> -> memref<65048576xf32, #tpu.memory_space<hbm>>
    tpu.wait_indirect_dma semaphore(%arg13 : memref<!tpu.dma_semaphore, #tpu.memory_space<semaphore_mem>>) src(%arg10 : memref<2048xf32, #tpu.memory_space<vmem>>) dst(%dma_wait3A_677 : memref<65048576xf32, #tpu.memory_space<hbm>>)
    %add3A_678 = arith.constant 1376 : i32
    %add3A_679 = arith.addi %add3A, %add3A_678 : i32
    %mul3A_680 = arith.constant 2048 : i32
    %mul3A_681 = arith.muli %add3A_679, %mul3A_680 : i32
    %dma_start3A_682 = tpu.memref_slice %arg2[%mul3A_681] : memref<6400000xi32, #tpu.memory_space<hbm>> -> memref<2048xi32, #tpu.memory_space<hbm>>
    %dma_start3A_683 = tpu.memref_slice %arg2[%mul3A_681] : memref<6400000xi32, #tpu.memory_space<hbm>> -> memref<2048xi32, #tpu.memory_space<hbm>>
    tpu.enqueue_dma source(%dma_start3A_683 : memref<2048xi32, #tpu.memory_space<hbm>>) target(%arg7 : memref<2048xi32, #tpu.memory_space<vmem>>) target_semaphore(%arg12 : memref<!tpu.dma_semaphore, #tpu.memory_space<semaphore_mem>>)
    %dma_start3A_684 = tpu.memref_slice %arg3[%mul3A_681] : memref<6400000xf32, #tpu.memory_space<hbm>> -> memref<2048xf32, #tpu.memory_space<hbm>>
    %dma_start3A_685 = tpu.memref_slice %arg3[%mul3A_681] : memref<6400000xf32, #tpu.memory_space<hbm>> -> memref<2048xf32, #tpu.memory_space<hbm>>
    tpu.enqueue_dma source(%dma_start3A_685 : memref<2048xf32, #tpu.memory_space<hbm>>) target(%arg10 : memref<2048xf32, #tpu.memory_space<vmem>>) target_semaphore(%arg12 : memref<!tpu.dma_semaphore, #tpu.memory_space<semaphore_mem>>)
    %dma_wait3A_686 = tpu.memref_slice %arg2[%mul3A_665] : memref<6400000xi32, #tpu.memory_space<hbm>> -> memref<2048xi32, #tpu.memory_space<hbm>>
    %dma_wait3A_687 = tpu.memref_slice %arg2[%mul3A_665] : memref<6400000xi32, #tpu.memory_space<hbm>> -> memref<2048xi32, #tpu.memory_space<hbm>>
    tpu.wait_dma2 semaphore(%arg12 : memref<!tpu.dma_semaphore, #tpu.memory_space<semaphore_mem>>) src(%dma_wait3A_687 : memref<2048xi32, #tpu.memory_space<hbm>>) dst(%arg6 : memref<2048xi32, #tpu.memory_space<vmem>>)
    %dma_wait3A_688 = tpu.memref_slice %arg3[%mul3A_665] : memref<6400000xf32, #tpu.memory_space<hbm>> -> memref<2048xf32, #tpu.memory_space<hbm>>
    %dma_wait3A_689 = tpu.memref_slice %arg3[%mul3A_665] : memref<6400000xf32, #tpu.memory_space<hbm>> -> memref<2048xf32, #tpu.memory_space<hbm>>
    tpu.wait_dma2 semaphore(%arg12 : memref<!tpu.dma_semaphore, #tpu.memory_space<semaphore_mem>>) src(%dma_wait3A_689 : memref<2048xf32, #tpu.memory_space<hbm>>) dst(%arg9 : memref<2048xf32, #tpu.memory_space<vmem>>)
    %dma_start3A_690 = arith.constant 0 : i32
    %dma_start3A_691 = tpu.memref_slice %arg4[%dma_start3A_690] : memref<65048576xf32, #tpu.memory_space<hbm>> -> memref<65048576xf32, #tpu.memory_space<hbm>>
    tpu.enqueue_indirect_dma source(%arg9 : memref<2048xf32, #tpu.memory_space<vmem>>) target(%dma_start3A_691 : memref<65048576xf32, #tpu.memory_space<hbm>>) offsets(%arg6 : memref<2048xi32, #tpu.memory_space<vmem>>) semaphore(%arg13 : memref<!tpu.dma_semaphore, #tpu.memory_space<semaphore_mem>>)
    %dma_wait3A_692 = arith.constant 0 : i32
    %dma_wait3A_693 = tpu.memref_slice %arg4[%dma_wait3A_692] : memref<65048576xf32, #tpu.memory_space<hbm>> -> memref<65048576xf32, #tpu.memory_space<hbm>>
    tpu.wait_indirect_dma semaphore(%arg13 : memref<!tpu.dma_semaphore, #tpu.memory_space<semaphore_mem>>) src(%arg11 : memref<2048xf32, #tpu.memory_space<vmem>>) dst(%dma_wait3A_693 : memref<65048576xf32, #tpu.memory_space<hbm>>)
    %add3A_694 = arith.constant 1408 : i32
    %add3A_695 = arith.addi %add3A, %add3A_694 : i32
    %mul3A_696 = arith.constant 2048 : i32
    %mul3A_697 = arith.muli %add3A_695, %mul3A_696 : i32
    %dma_start3A_698 = tpu.memref_slice %arg2[%mul3A_697] : memref<6400000xi32, #tpu.memory_space<hbm>> -> memref<2048xi32, #tpu.memory_space<hbm>>
    %dma_start3A_699 = tpu.memref_slice %arg2[%mul3A_697] : memref<6400000xi32, #tpu.memory_space<hbm>> -> memref<2048xi32, #tpu.memory_space<hbm>>
    tpu.enqueue_dma source(%dma_start3A_699 : memref<2048xi32, #tpu.memory_space<hbm>>) target(%arg8 : memref<2048xi32, #tpu.memory_space<vmem>>) target_semaphore(%arg12 : memref<!tpu.dma_semaphore, #tpu.memory_space<semaphore_mem>>)
    %dma_start3A_700 = tpu.memref_slice %arg3[%mul3A_697] : memref<6400000xf32, #tpu.memory_space<hbm>> -> memref<2048xf32, #tpu.memory_space<hbm>>
    %dma_start3A_701 = tpu.memref_slice %arg3[%mul3A_697] : memref<6400000xf32, #tpu.memory_space<hbm>> -> memref<2048xf32, #tpu.memory_space<hbm>>
    tpu.enqueue_dma source(%dma_start3A_701 : memref<2048xf32, #tpu.memory_space<hbm>>) target(%arg11 : memref<2048xf32, #tpu.memory_space<vmem>>) target_semaphore(%arg12 : memref<!tpu.dma_semaphore, #tpu.memory_space<semaphore_mem>>)
    %dma_wait3A_702 = tpu.memref_slice %arg2[%mul3A_681] : memref<6400000xi32, #tpu.memory_space<hbm>> -> memref<2048xi32, #tpu.memory_space<hbm>>
    %dma_wait3A_703 = tpu.memref_slice %arg2[%mul3A_681] : memref<6400000xi32, #tpu.memory_space<hbm>> -> memref<2048xi32, #tpu.memory_space<hbm>>
    tpu.wait_dma2 semaphore(%arg12 : memref<!tpu.dma_semaphore, #tpu.memory_space<semaphore_mem>>) src(%dma_wait3A_703 : memref<2048xi32, #tpu.memory_space<hbm>>) dst(%arg7 : memref<2048xi32, #tpu.memory_space<vmem>>)
    %dma_wait3A_704 = tpu.memref_slice %arg3[%mul3A_681] : memref<6400000xf32, #tpu.memory_space<hbm>> -> memref<2048xf32, #tpu.memory_space<hbm>>
    %dma_wait3A_705 = tpu.memref_slice %arg3[%mul3A_681] : memref<6400000xf32, #tpu.memory_space<hbm>> -> memref<2048xf32, #tpu.memory_space<hbm>>
    tpu.wait_dma2 semaphore(%arg12 : memref<!tpu.dma_semaphore, #tpu.memory_space<semaphore_mem>>) src(%dma_wait3A_705 : memref<2048xf32, #tpu.memory_space<hbm>>) dst(%arg10 : memref<2048xf32, #tpu.memory_space<vmem>>)
    %dma_start3A_706 = arith.constant 0 : i32
    %dma_start3A_707 = tpu.memref_slice %arg4[%dma_start3A_706] : memref<65048576xf32, #tpu.memory_space<hbm>> -> memref<65048576xf32, #tpu.memory_space<hbm>>
    tpu.enqueue_indirect_dma source(%arg10 : memref<2048xf32, #tpu.memory_space<vmem>>) target(%dma_start3A_707 : memref<65048576xf32, #tpu.memory_space<hbm>>) offsets(%arg7 : memref<2048xi32, #tpu.memory_space<vmem>>) semaphore(%arg13 : memref<!tpu.dma_semaphore, #tpu.memory_space<semaphore_mem>>)
    %dma_wait3A_708 = arith.constant 0 : i32
    %dma_wait3A_709 = tpu.memref_slice %arg4[%dma_wait3A_708] : memref<65048576xf32, #tpu.memory_space<hbm>> -> memref<65048576xf32, #tpu.memory_space<hbm>>
    tpu.wait_indirect_dma semaphore(%arg13 : memref<!tpu.dma_semaphore, #tpu.memory_space<semaphore_mem>>) src(%arg9 : memref<2048xf32, #tpu.memory_space<vmem>>) dst(%dma_wait3A_709 : memref<65048576xf32, #tpu.memory_space<hbm>>)
    %add3A_710 = arith.constant 1440 : i32
    %add3A_711 = arith.addi %add3A, %add3A_710 : i32
    %mul3A_712 = arith.constant 2048 : i32
    %mul3A_713 = arith.muli %add3A_711, %mul3A_712 : i32
    %dma_start3A_714 = tpu.memref_slice %arg2[%mul3A_713] : memref<6400000xi32, #tpu.memory_space<hbm>> -> memref<2048xi32, #tpu.memory_space<hbm>>
    %dma_start3A_715 = tpu.memref_slice %arg2[%mul3A_713] : memref<6400000xi32, #tpu.memory_space<hbm>> -> memref<2048xi32, #tpu.memory_space<hbm>>
    tpu.enqueue_dma source(%dma_start3A_715 : memref<2048xi32, #tpu.memory_space<hbm>>) target(%arg6 : memref<2048xi32, #tpu.memory_space<vmem>>) target_semaphore(%arg12 : memref<!tpu.dma_semaphore, #tpu.memory_space<semaphore_mem>>)
    %dma_start3A_716 = tpu.memref_slice %arg3[%mul3A_713] : memref<6400000xf32, #tpu.memory_space<hbm>> -> memref<2048xf32, #tpu.memory_space<hbm>>
    %dma_start3A_717 = tpu.memref_slice %arg3[%mul3A_713] : memref<6400000xf32, #tpu.memory_space<hbm>> -> memref<2048xf32, #tpu.memory_space<hbm>>
    tpu.enqueue_dma source(%dma_start3A_717 : memref<2048xf32, #tpu.memory_space<hbm>>) target(%arg9 : memref<2048xf32, #tpu.memory_space<vmem>>) target_semaphore(%arg12 : memref<!tpu.dma_semaphore, #tpu.memory_space<semaphore_mem>>)
    %dma_wait3A_718 = tpu.memref_slice %arg2[%mul3A_697] : memref<6400000xi32, #tpu.memory_space<hbm>> -> memref<2048xi32, #tpu.memory_space<hbm>>
    %dma_wait3A_719 = tpu.memref_slice %arg2[%mul3A_697] : memref<6400000xi32, #tpu.memory_space<hbm>> -> memref<2048xi32, #tpu.memory_space<hbm>>
    tpu.wait_dma2 semaphore(%arg12 : memref<!tpu.dma_semaphore, #tpu.memory_space<semaphore_mem>>) src(%dma_wait3A_719 : memref<2048xi32, #tpu.memory_space<hbm>>) dst(%arg8 : memref<2048xi32, #tpu.memory_space<vmem>>)
    %dma_wait3A_720 = tpu.memref_slice %arg3[%mul3A_697] : memref<6400000xf32, #tpu.memory_space<hbm>> -> memref<2048xf32, #tpu.memory_space<hbm>>
    %dma_wait3A_721 = tpu.memref_slice %arg3[%mul3A_697] : memref<6400000xf32, #tpu.memory_space<hbm>> -> memref<2048xf32, #tpu.memory_space<hbm>>
    tpu.wait_dma2 semaphore(%arg12 : memref<!tpu.dma_semaphore, #tpu.memory_space<semaphore_mem>>) src(%dma_wait3A_721 : memref<2048xf32, #tpu.memory_space<hbm>>) dst(%arg11 : memref<2048xf32, #tpu.memory_space<vmem>>)
    %dma_start3A_722 = arith.constant 0 : i32
    %dma_start3A_723 = tpu.memref_slice %arg4[%dma_start3A_722] : memref<65048576xf32, #tpu.memory_space<hbm>> -> memref<65048576xf32, #tpu.memory_space<hbm>>
    tpu.enqueue_indirect_dma source(%arg11 : memref<2048xf32, #tpu.memory_space<vmem>>) target(%dma_start3A_723 : memref<65048576xf32, #tpu.memory_space<hbm>>) offsets(%arg8 : memref<2048xi32, #tpu.memory_space<vmem>>) semaphore(%arg13 : memref<!tpu.dma_semaphore, #tpu.memory_space<semaphore_mem>>)
    %dma_wait3A_724 = arith.constant 0 : i32
    %dma_wait3A_725 = tpu.memref_slice %arg4[%dma_wait3A_724] : memref<65048576xf32, #tpu.memory_space<hbm>> -> memref<65048576xf32, #tpu.memory_space<hbm>>
    tpu.wait_indirect_dma semaphore(%arg13 : memref<!tpu.dma_semaphore, #tpu.memory_space<semaphore_mem>>) src(%arg10 : memref<2048xf32, #tpu.memory_space<vmem>>) dst(%dma_wait3A_725 : memref<65048576xf32, #tpu.memory_space<hbm>>)
    %add3A_726 = arith.constant 1472 : i32
    %add3A_727 = arith.addi %add3A, %add3A_726 : i32
    %mul3A_728 = arith.constant 2048 : i32
    %mul3A_729 = arith.muli %add3A_727, %mul3A_728 : i32
    %dma_start3A_730 = tpu.memref_slice %arg2[%mul3A_729] : memref<6400000xi32, #tpu.memory_space<hbm>> -> memref<2048xi32, #tpu.memory_space<hbm>>
    %dma_start3A_731 = tpu.memref_slice %arg2[%mul3A_729] : memref<6400000xi32, #tpu.memory_space<hbm>> -> memref<2048xi32, #tpu.memory_space<hbm>>
    tpu.enqueue_dma source(%dma_start3A_731 : memref<2048xi32, #tpu.memory_space<hbm>>) target(%arg7 : memref<2048xi32, #tpu.memory_space<vmem>>) target_semaphore(%arg12 : memref<!tpu.dma_semaphore, #tpu.memory_space<semaphore_mem>>)
    %dma_start3A_732 = tpu.memref_slice %arg3[%mul3A_729] : memref<6400000xf32, #tpu.memory_space<hbm>> -> memref<2048xf32, #tpu.memory_space<hbm>>
    %dma_start3A_733 = tpu.memref_slice %arg3[%mul3A_729] : memref<6400000xf32, #tpu.memory_space<hbm>> -> memref<2048xf32, #tpu.memory_space<hbm>>
    tpu.enqueue_dma source(%dma_start3A_733 : memref<2048xf32, #tpu.memory_space<hbm>>) target(%arg10 : memref<2048xf32, #tpu.memory_space<vmem>>) target_semaphore(%arg12 : memref<!tpu.dma_semaphore, #tpu.memory_space<semaphore_mem>>)
    %dma_wait3A_734 = tpu.memref_slice %arg2[%mul3A_713] : memref<6400000xi32, #tpu.memory_space<hbm>> -> memref<2048xi32, #tpu.memory_space<hbm>>
    %dma_wait3A_735 = tpu.memref_slice %arg2[%mul3A_713] : memref<6400000xi32, #tpu.memory_space<hbm>> -> memref<2048xi32, #tpu.memory_space<hbm>>
    tpu.wait_dma2 semaphore(%arg12 : memref<!tpu.dma_semaphore, #tpu.memory_space<semaphore_mem>>) src(%dma_wait3A_735 : memref<2048xi32, #tpu.memory_space<hbm>>) dst(%arg6 : memref<2048xi32, #tpu.memory_space<vmem>>)
    %dma_wait3A_736 = tpu.memref_slice %arg3[%mul3A_713] : memref<6400000xf32, #tpu.memory_space<hbm>> -> memref<2048xf32, #tpu.memory_space<hbm>>
    %dma_wait3A_737 = tpu.memref_slice %arg3[%mul3A_713] : memref<6400000xf32, #tpu.memory_space<hbm>> -> memref<2048xf32, #tpu.memory_space<hbm>>
    tpu.wait_dma2 semaphore(%arg12 : memref<!tpu.dma_semaphore, #tpu.memory_space<semaphore_mem>>) src(%dma_wait3A_737 : memref<2048xf32, #tpu.memory_space<hbm>>) dst(%arg9 : memref<2048xf32, #tpu.memory_space<vmem>>)
    %dma_start3A_738 = arith.constant 0 : i32
    %dma_start3A_739 = tpu.memref_slice %arg4[%dma_start3A_738] : memref<65048576xf32, #tpu.memory_space<hbm>> -> memref<65048576xf32, #tpu.memory_space<hbm>>
    tpu.enqueue_indirect_dma source(%arg9 : memref<2048xf32, #tpu.memory_space<vmem>>) target(%dma_start3A_739 : memref<65048576xf32, #tpu.memory_space<hbm>>) offsets(%arg6 : memref<2048xi32, #tpu.memory_space<vmem>>) semaphore(%arg13 : memref<!tpu.dma_semaphore, #tpu.memory_space<semaphore_mem>>)
    %dma_wait3A_740 = arith.constant 0 : i32
    %dma_wait3A_741 = tpu.memref_slice %arg4[%dma_wait3A_740] : memref<65048576xf32, #tpu.memory_space<hbm>> -> memref<65048576xf32, #tpu.memory_space<hbm>>
    tpu.wait_indirect_dma semaphore(%arg13 : memref<!tpu.dma_semaphore, #tpu.memory_space<semaphore_mem>>) src(%arg11 : memref<2048xf32, #tpu.memory_space<vmem>>) dst(%dma_wait3A_741 : memref<65048576xf32, #tpu.memory_space<hbm>>)
    %add3A_742 = arith.constant 1504 : i32
    %add3A_743 = arith.addi %add3A, %add3A_742 : i32
    %mul3A_744 = arith.constant 2048 : i32
    %mul3A_745 = arith.muli %add3A_743, %mul3A_744 : i32
    %dma_start3A_746 = tpu.memref_slice %arg2[%mul3A_745] : memref<6400000xi32, #tpu.memory_space<hbm>> -> memref<2048xi32, #tpu.memory_space<hbm>>
    %dma_start3A_747 = tpu.memref_slice %arg2[%mul3A_745] : memref<6400000xi32, #tpu.memory_space<hbm>> -> memref<2048xi32, #tpu.memory_space<hbm>>
    tpu.enqueue_dma source(%dma_start3A_747 : memref<2048xi32, #tpu.memory_space<hbm>>) target(%arg8 : memref<2048xi32, #tpu.memory_space<vmem>>) target_semaphore(%arg12 : memref<!tpu.dma_semaphore, #tpu.memory_space<semaphore_mem>>)
    %dma_start3A_748 = tpu.memref_slice %arg3[%mul3A_745] : memref<6400000xf32, #tpu.memory_space<hbm>> -> memref<2048xf32, #tpu.memory_space<hbm>>
    %dma_start3A_749 = tpu.memref_slice %arg3[%mul3A_745] : memref<6400000xf32, #tpu.memory_space<hbm>> -> memref<2048xf32, #tpu.memory_space<hbm>>
    tpu.enqueue_dma source(%dma_start3A_749 : memref<2048xf32, #tpu.memory_space<hbm>>) target(%arg11 : memref<2048xf32, #tpu.memory_space<vmem>>) target_semaphore(%arg12 : memref<!tpu.dma_semaphore, #tpu.memory_space<semaphore_mem>>)
    %dma_wait3A_750 = tpu.memref_slice %arg2[%mul3A_729] : memref<6400000xi32, #tpu.memory_space<hbm>> -> memref<2048xi32, #tpu.memory_space<hbm>>
    %dma_wait3A_751 = tpu.memref_slice %arg2[%mul3A_729] : memref<6400000xi32, #tpu.memory_space<hbm>> -> memref<2048xi32, #tpu.memory_space<hbm>>
    tpu.wait_dma2 semaphore(%arg12 : memref<!tpu.dma_semaphore, #tpu.memory_space<semaphore_mem>>) src(%dma_wait3A_751 : memref<2048xi32, #tpu.memory_space<hbm>>) dst(%arg7 : memref<2048xi32, #tpu.memory_space<vmem>>)
    %dma_wait3A_752 = tpu.memref_slice %arg3[%mul3A_729] : memref<6400000xf32, #tpu.memory_space<hbm>> -> memref<2048xf32, #tpu.memory_space<hbm>>
    %dma_wait3A_753 = tpu.memref_slice %arg3[%mul3A_729] : memref<6400000xf32, #tpu.memory_space<hbm>> -> memref<2048xf32, #tpu.memory_space<hbm>>
    tpu.wait_dma2 semaphore(%arg12 : memref<!tpu.dma_semaphore, #tpu.memory_space<semaphore_mem>>) src(%dma_wait3A_753 : memref<2048xf32, #tpu.memory_space<hbm>>) dst(%arg10 : memref<2048xf32, #tpu.memory_space<vmem>>)
    %dma_start3A_754 = arith.constant 0 : i32
    %dma_start3A_755 = tpu.memref_slice %arg4[%dma_start3A_754] : memref<65048576xf32, #tpu.memory_space<hbm>> -> memref<65048576xf32, #tpu.memory_space<hbm>>
    tpu.enqueue_indirect_dma source(%arg10 : memref<2048xf32, #tpu.memory_space<vmem>>) target(%dma_start3A_755 : memref<65048576xf32, #tpu.memory_space<hbm>>) offsets(%arg7 : memref<2048xi32, #tpu.memory_space<vmem>>) semaphore(%arg13 : memref<!tpu.dma_semaphore, #tpu.memory_space<semaphore_mem>>)
    %dma_wait3A_756 = arith.constant 0 : i32
    %dma_wait3A_757 = tpu.memref_slice %arg4[%dma_wait3A_756] : memref<65048576xf32, #tpu.memory_space<hbm>> -> memref<65048576xf32, #tpu.memory_space<hbm>>
    tpu.wait_indirect_dma semaphore(%arg13 : memref<!tpu.dma_semaphore, #tpu.memory_space<semaphore_mem>>) src(%arg9 : memref<2048xf32, #tpu.memory_space<vmem>>) dst(%dma_wait3A_757 : memref<65048576xf32, #tpu.memory_space<hbm>>)
    %add3A_758 = arith.constant 1536 : i32
    %add3A_759 = arith.addi %add3A, %add3A_758 : i32
    %mul3A_760 = arith.constant 2048 : i32
    %mul3A_761 = arith.muli %add3A_759, %mul3A_760 : i32
    %dma_start3A_762 = tpu.memref_slice %arg2[%mul3A_761] : memref<6400000xi32, #tpu.memory_space<hbm>> -> memref<2048xi32, #tpu.memory_space<hbm>>
    %dma_start3A_763 = tpu.memref_slice %arg2[%mul3A_761] : memref<6400000xi32, #tpu.memory_space<hbm>> -> memref<2048xi32, #tpu.memory_space<hbm>>
    tpu.enqueue_dma source(%dma_start3A_763 : memref<2048xi32, #tpu.memory_space<hbm>>) target(%arg6 : memref<2048xi32, #tpu.memory_space<vmem>>) target_semaphore(%arg12 : memref<!tpu.dma_semaphore, #tpu.memory_space<semaphore_mem>>)
    %dma_start3A_764 = tpu.memref_slice %arg3[%mul3A_761] : memref<6400000xf32, #tpu.memory_space<hbm>> -> memref<2048xf32, #tpu.memory_space<hbm>>
    %dma_start3A_765 = tpu.memref_slice %arg3[%mul3A_761] : memref<6400000xf32, #tpu.memory_space<hbm>> -> memref<2048xf32, #tpu.memory_space<hbm>>
    tpu.enqueue_dma source(%dma_start3A_765 : memref<2048xf32, #tpu.memory_space<hbm>>) target(%arg9 : memref<2048xf32, #tpu.memory_space<vmem>>) target_semaphore(%arg12 : memref<!tpu.dma_semaphore, #tpu.memory_space<semaphore_mem>>)
    %dma_wait3A_766 = tpu.memref_slice %arg2[%mul3A_745] : memref<6400000xi32, #tpu.memory_space<hbm>> -> memref<2048xi32, #tpu.memory_space<hbm>>
    %dma_wait3A_767 = tpu.memref_slice %arg2[%mul3A_745] : memref<6400000xi32, #tpu.memory_space<hbm>> -> memref<2048xi32, #tpu.memory_space<hbm>>
    tpu.wait_dma2 semaphore(%arg12 : memref<!tpu.dma_semaphore, #tpu.memory_space<semaphore_mem>>) src(%dma_wait3A_767 : memref<2048xi32, #tpu.memory_space<hbm>>) dst(%arg8 : memref<2048xi32, #tpu.memory_space<vmem>>)
    %dma_wait3A_768 = tpu.memref_slice %arg3[%mul3A_745] : memref<6400000xf32, #tpu.memory_space<hbm>> -> memref<2048xf32, #tpu.memory_space<hbm>>
    %dma_wait3A_769 = tpu.memref_slice %arg3[%mul3A_745] : memref<6400000xf32, #tpu.memory_space<hbm>> -> memref<2048xf32, #tpu.memory_space<hbm>>
    tpu.wait_dma2 semaphore(%arg12 : memref<!tpu.dma_semaphore, #tpu.memory_space<semaphore_mem>>) src(%dma_wait3A_769 : memref<2048xf32, #tpu.memory_space<hbm>>) dst(%arg11 : memref<2048xf32, #tpu.memory_space<vmem>>)
    %dma_start3A_770 = arith.constant 0 : i32
    %dma_start3A_771 = tpu.memref_slice %arg4[%dma_start3A_770] : memref<65048576xf32, #tpu.memory_space<hbm>> -> memref<65048576xf32, #tpu.memory_space<hbm>>
    tpu.enqueue_indirect_dma source(%arg11 : memref<2048xf32, #tpu.memory_space<vmem>>) target(%dma_start3A_771 : memref<65048576xf32, #tpu.memory_space<hbm>>) offsets(%arg8 : memref<2048xi32, #tpu.memory_space<vmem>>) semaphore(%arg13 : memref<!tpu.dma_semaphore, #tpu.memory_space<semaphore_mem>>)
    %dma_wait3A_772 = arith.constant 0 : i32
    %dma_wait3A_773 = tpu.memref_slice %arg4[%dma_wait3A_772] : memref<65048576xf32, #tpu.memory_space<hbm>> -> memref<65048576xf32, #tpu.memory_space<hbm>>
    tpu.wait_indirect_dma semaphore(%arg13 : memref<!tpu.dma_semaphore, #tpu.memory_space<semaphore_mem>>) src(%arg10 : memref<2048xf32, #tpu.memory_space<vmem>>) dst(%dma_wait3A_773 : memref<65048576xf32, #tpu.memory_space<hbm>>)
    %add3A_774 = arith.constant 1568 : i32
    %add3A_775 = arith.addi %add3A, %add3A_774 : i32
    %mul3A_776 = arith.constant 2048 : i32
    %mul3A_777 = arith.muli %add3A_775, %mul3A_776 : i32
    %dma_start3A_778 = tpu.memref_slice %arg2[%mul3A_777] : memref<6400000xi32, #tpu.memory_space<hbm>> -> memref<2048xi32, #tpu.memory_space<hbm>>
    %dma_start3A_779 = tpu.memref_slice %arg2[%mul3A_777] : memref<6400000xi32, #tpu.memory_space<hbm>> -> memref<2048xi32, #tpu.memory_space<hbm>>
    tpu.enqueue_dma source(%dma_start3A_779 : memref<2048xi32, #tpu.memory_space<hbm>>) target(%arg7 : memref<2048xi32, #tpu.memory_space<vmem>>) target_semaphore(%arg12 : memref<!tpu.dma_semaphore, #tpu.memory_space<semaphore_mem>>)
    %dma_start3A_780 = tpu.memref_slice %arg3[%mul3A_777] : memref<6400000xf32, #tpu.memory_space<hbm>> -> memref<2048xf32, #tpu.memory_space<hbm>>
    %dma_start3A_781 = tpu.memref_slice %arg3[%mul3A_777] : memref<6400000xf32, #tpu.memory_space<hbm>> -> memref<2048xf32, #tpu.memory_space<hbm>>
    tpu.enqueue_dma source(%dma_start3A_781 : memref<2048xf32, #tpu.memory_space<hbm>>) target(%arg10 : memref<2048xf32, #tpu.memory_space<vmem>>) target_semaphore(%arg12 : memref<!tpu.dma_semaphore, #tpu.memory_space<semaphore_mem>>)
    %dma_wait3A_782 = tpu.memref_slice %arg2[%mul3A_761] : memref<6400000xi32, #tpu.memory_space<hbm>> -> memref<2048xi32, #tpu.memory_space<hbm>>
    %dma_wait3A_783 = tpu.memref_slice %arg2[%mul3A_761] : memref<6400000xi32, #tpu.memory_space<hbm>> -> memref<2048xi32, #tpu.memory_space<hbm>>
    tpu.wait_dma2 semaphore(%arg12 : memref<!tpu.dma_semaphore, #tpu.memory_space<semaphore_mem>>) src(%dma_wait3A_783 : memref<2048xi32, #tpu.memory_space<hbm>>) dst(%arg6 : memref<2048xi32, #tpu.memory_space<vmem>>)
    %dma_wait3A_784 = tpu.memref_slice %arg3[%mul3A_761] : memref<6400000xf32, #tpu.memory_space<hbm>> -> memref<2048xf32, #tpu.memory_space<hbm>>
    %dma_wait3A_785 = tpu.memref_slice %arg3[%mul3A_761] : memref<6400000xf32, #tpu.memory_space<hbm>> -> memref<2048xf32, #tpu.memory_space<hbm>>
    tpu.wait_dma2 semaphore(%arg12 : memref<!tpu.dma_semaphore, #tpu.memory_space<semaphore_mem>>) src(%dma_wait3A_785 : memref<2048xf32, #tpu.memory_space<hbm>>) dst(%arg9 : memref<2048xf32, #tpu.memory_space<vmem>>)
    %dma_start3A_786 = arith.constant 0 : i32
    %dma_start3A_787 = tpu.memref_slice %arg4[%dma_start3A_786] : memref<65048576xf32, #tpu.memory_space<hbm>> -> memref<65048576xf32, #tpu.memory_space<hbm>>
    tpu.enqueue_indirect_dma source(%arg9 : memref<2048xf32, #tpu.memory_space<vmem>>) target(%dma_start3A_787 : memref<65048576xf32, #tpu.memory_space<hbm>>) offsets(%arg6 : memref<2048xi32, #tpu.memory_space<vmem>>) semaphore(%arg13 : memref<!tpu.dma_semaphore, #tpu.memory_space<semaphore_mem>>)
    %dma_wait3A_788 = arith.constant 0 : i32
    %dma_wait3A_789 = tpu.memref_slice %arg4[%dma_wait3A_788] : memref<65048576xf32, #tpu.memory_space<hbm>> -> memref<65048576xf32, #tpu.memory_space<hbm>>
    tpu.wait_indirect_dma semaphore(%arg13 : memref<!tpu.dma_semaphore, #tpu.memory_space<semaphore_mem>>) src(%arg11 : memref<2048xf32, #tpu.memory_space<vmem>>) dst(%dma_wait3A_789 : memref<65048576xf32, #tpu.memory_space<hbm>>)
    %add3A_790 = arith.constant 1600 : i32
    %add3A_791 = arith.addi %add3A, %add3A_790 : i32
    %mul3A_792 = arith.constant 2048 : i32
    %mul3A_793 = arith.muli %add3A_791, %mul3A_792 : i32
    %dma_start3A_794 = tpu.memref_slice %arg2[%mul3A_793] : memref<6400000xi32, #tpu.memory_space<hbm>> -> memref<2048xi32, #tpu.memory_space<hbm>>
    %dma_start3A_795 = tpu.memref_slice %arg2[%mul3A_793] : memref<6400000xi32, #tpu.memory_space<hbm>> -> memref<2048xi32, #tpu.memory_space<hbm>>
    tpu.enqueue_dma source(%dma_start3A_795 : memref<2048xi32, #tpu.memory_space<hbm>>) target(%arg8 : memref<2048xi32, #tpu.memory_space<vmem>>) target_semaphore(%arg12 : memref<!tpu.dma_semaphore, #tpu.memory_space<semaphore_mem>>)
    %dma_start3A_796 = tpu.memref_slice %arg3[%mul3A_793] : memref<6400000xf32, #tpu.memory_space<hbm>> -> memref<2048xf32, #tpu.memory_space<hbm>>
    %dma_start3A_797 = tpu.memref_slice %arg3[%mul3A_793] : memref<6400000xf32, #tpu.memory_space<hbm>> -> memref<2048xf32, #tpu.memory_space<hbm>>
    tpu.enqueue_dma source(%dma_start3A_797 : memref<2048xf32, #tpu.memory_space<hbm>>) target(%arg11 : memref<2048xf32, #tpu.memory_space<vmem>>) target_semaphore(%arg12 : memref<!tpu.dma_semaphore, #tpu.memory_space<semaphore_mem>>)
    %dma_wait3A_798 = tpu.memref_slice %arg2[%mul3A_777] : memref<6400000xi32, #tpu.memory_space<hbm>> -> memref<2048xi32, #tpu.memory_space<hbm>>
    %dma_wait3A_799 = tpu.memref_slice %arg2[%mul3A_777] : memref<6400000xi32, #tpu.memory_space<hbm>> -> memref<2048xi32, #tpu.memory_space<hbm>>
    tpu.wait_dma2 semaphore(%arg12 : memref<!tpu.dma_semaphore, #tpu.memory_space<semaphore_mem>>) src(%dma_wait3A_799 : memref<2048xi32, #tpu.memory_space<hbm>>) dst(%arg7 : memref<2048xi32, #tpu.memory_space<vmem>>)
    %dma_wait3A_800 = tpu.memref_slice %arg3[%mul3A_777] : memref<6400000xf32, #tpu.memory_space<hbm>> -> memref<2048xf32, #tpu.memory_space<hbm>>
    %dma_wait3A_801 = tpu.memref_slice %arg3[%mul3A_777] : memref<6400000xf32, #tpu.memory_space<hbm>> -> memref<2048xf32, #tpu.memory_space<hbm>>
    tpu.wait_dma2 semaphore(%arg12 : memref<!tpu.dma_semaphore, #tpu.memory_space<semaphore_mem>>) src(%dma_wait3A_801 : memref<2048xf32, #tpu.memory_space<hbm>>) dst(%arg10 : memref<2048xf32, #tpu.memory_space<vmem>>)
    %dma_start3A_802 = arith.constant 0 : i32
    %dma_start3A_803 = tpu.memref_slice %arg4[%dma_start3A_802] : memref<65048576xf32, #tpu.memory_space<hbm>> -> memref<65048576xf32, #tpu.memory_space<hbm>>
    tpu.enqueue_indirect_dma source(%arg10 : memref<2048xf32, #tpu.memory_space<vmem>>) target(%dma_start3A_803 : memref<65048576xf32, #tpu.memory_space<hbm>>) offsets(%arg7 : memref<2048xi32, #tpu.memory_space<vmem>>) semaphore(%arg13 : memref<!tpu.dma_semaphore, #tpu.memory_space<semaphore_mem>>)
    %dma_wait3A_804 = arith.constant 0 : i32
    %dma_wait3A_805 = tpu.memref_slice %arg4[%dma_wait3A_804] : memref<65048576xf32, #tpu.memory_space<hbm>> -> memref<65048576xf32, #tpu.memory_space<hbm>>
    tpu.wait_indirect_dma semaphore(%arg13 : memref<!tpu.dma_semaphore, #tpu.memory_space<semaphore_mem>>) src(%arg9 : memref<2048xf32, #tpu.memory_space<vmem>>) dst(%dma_wait3A_805 : memref<65048576xf32, #tpu.memory_space<hbm>>)
    %add3A_806 = arith.constant 1632 : i32
    %add3A_807 = arith.addi %add3A, %add3A_806 : i32
    %mul3A_808 = arith.constant 2048 : i32
    %mul3A_809 = arith.muli %add3A_807, %mul3A_808 : i32
    %dma_start3A_810 = tpu.memref_slice %arg2[%mul3A_809] : memref<6400000xi32, #tpu.memory_space<hbm>> -> memref<2048xi32, #tpu.memory_space<hbm>>
    %dma_start3A_811 = tpu.memref_slice %arg2[%mul3A_809] : memref<6400000xi32, #tpu.memory_space<hbm>> -> memref<2048xi32, #tpu.memory_space<hbm>>
    tpu.enqueue_dma source(%dma_start3A_811 : memref<2048xi32, #tpu.memory_space<hbm>>) target(%arg6 : memref<2048xi32, #tpu.memory_space<vmem>>) target_semaphore(%arg12 : memref<!tpu.dma_semaphore, #tpu.memory_space<semaphore_mem>>)
    %dma_start3A_812 = tpu.memref_slice %arg3[%mul3A_809] : memref<6400000xf32, #tpu.memory_space<hbm>> -> memref<2048xf32, #tpu.memory_space<hbm>>
    %dma_start3A_813 = tpu.memref_slice %arg3[%mul3A_809] : memref<6400000xf32, #tpu.memory_space<hbm>> -> memref<2048xf32, #tpu.memory_space<hbm>>
    tpu.enqueue_dma source(%dma_start3A_813 : memref<2048xf32, #tpu.memory_space<hbm>>) target(%arg9 : memref<2048xf32, #tpu.memory_space<vmem>>) target_semaphore(%arg12 : memref<!tpu.dma_semaphore, #tpu.memory_space<semaphore_mem>>)
    %dma_wait3A_814 = tpu.memref_slice %arg2[%mul3A_793] : memref<6400000xi32, #tpu.memory_space<hbm>> -> memref<2048xi32, #tpu.memory_space<hbm>>
    %dma_wait3A_815 = tpu.memref_slice %arg2[%mul3A_793] : memref<6400000xi32, #tpu.memory_space<hbm>> -> memref<2048xi32, #tpu.memory_space<hbm>>
    tpu.wait_dma2 semaphore(%arg12 : memref<!tpu.dma_semaphore, #tpu.memory_space<semaphore_mem>>) src(%dma_wait3A_815 : memref<2048xi32, #tpu.memory_space<hbm>>) dst(%arg8 : memref<2048xi32, #tpu.memory_space<vmem>>)
    %dma_wait3A_816 = tpu.memref_slice %arg3[%mul3A_793] : memref<6400000xf32, #tpu.memory_space<hbm>> -> memref<2048xf32, #tpu.memory_space<hbm>>
    %dma_wait3A_817 = tpu.memref_slice %arg3[%mul3A_793] : memref<6400000xf32, #tpu.memory_space<hbm>> -> memref<2048xf32, #tpu.memory_space<hbm>>
    tpu.wait_dma2 semaphore(%arg12 : memref<!tpu.dma_semaphore, #tpu.memory_space<semaphore_mem>>) src(%dma_wait3A_817 : memref<2048xf32, #tpu.memory_space<hbm>>) dst(%arg11 : memref<2048xf32, #tpu.memory_space<vmem>>)
    %dma_start3A_818 = arith.constant 0 : i32
    %dma_start3A_819 = tpu.memref_slice %arg4[%dma_start3A_818] : memref<65048576xf32, #tpu.memory_space<hbm>> -> memref<65048576xf32, #tpu.memory_space<hbm>>
    tpu.enqueue_indirect_dma source(%arg11 : memref<2048xf32, #tpu.memory_space<vmem>>) target(%dma_start3A_819 : memref<65048576xf32, #tpu.memory_space<hbm>>) offsets(%arg8 : memref<2048xi32, #tpu.memory_space<vmem>>) semaphore(%arg13 : memref<!tpu.dma_semaphore, #tpu.memory_space<semaphore_mem>>)
    %dma_wait3A_820 = arith.constant 0 : i32
    %dma_wait3A_821 = tpu.memref_slice %arg4[%dma_wait3A_820] : memref<65048576xf32, #tpu.memory_space<hbm>> -> memref<65048576xf32, #tpu.memory_space<hbm>>
    tpu.wait_indirect_dma semaphore(%arg13 : memref<!tpu.dma_semaphore, #tpu.memory_space<semaphore_mem>>) src(%arg10 : memref<2048xf32, #tpu.memory_space<vmem>>) dst(%dma_wait3A_821 : memref<65048576xf32, #tpu.memory_space<hbm>>)
    %add3A_822 = arith.constant 1664 : i32
    %add3A_823 = arith.addi %add3A, %add3A_822 : i32
    %mul3A_824 = arith.constant 2048 : i32
    %mul3A_825 = arith.muli %add3A_823, %mul3A_824 : i32
    %dma_start3A_826 = tpu.memref_slice %arg2[%mul3A_825] : memref<6400000xi32, #tpu.memory_space<hbm>> -> memref<2048xi32, #tpu.memory_space<hbm>>
    %dma_start3A_827 = tpu.memref_slice %arg2[%mul3A_825] : memref<6400000xi32, #tpu.memory_space<hbm>> -> memref<2048xi32, #tpu.memory_space<hbm>>
    tpu.enqueue_dma source(%dma_start3A_827 : memref<2048xi32, #tpu.memory_space<hbm>>) target(%arg7 : memref<2048xi32, #tpu.memory_space<vmem>>) target_semaphore(%arg12 : memref<!tpu.dma_semaphore, #tpu.memory_space<semaphore_mem>>)
    %dma_start3A_828 = tpu.memref_slice %arg3[%mul3A_825] : memref<6400000xf32, #tpu.memory_space<hbm>> -> memref<2048xf32, #tpu.memory_space<hbm>>
    %dma_start3A_829 = tpu.memref_slice %arg3[%mul3A_825] : memref<6400000xf32, #tpu.memory_space<hbm>> -> memref<2048xf32, #tpu.memory_space<hbm>>
    tpu.enqueue_dma source(%dma_start3A_829 : memref<2048xf32, #tpu.memory_space<hbm>>) target(%arg10 : memref<2048xf32, #tpu.memory_space<vmem>>) target_semaphore(%arg12 : memref<!tpu.dma_semaphore, #tpu.memory_space<semaphore_mem>>)
    %dma_wait3A_830 = tpu.memref_slice %arg2[%mul3A_809] : memref<6400000xi32, #tpu.memory_space<hbm>> -> memref<2048xi32, #tpu.memory_space<hbm>>
    %dma_wait3A_831 = tpu.memref_slice %arg2[%mul3A_809] : memref<6400000xi32, #tpu.memory_space<hbm>> -> memref<2048xi32, #tpu.memory_space<hbm>>
    tpu.wait_dma2 semaphore(%arg12 : memref<!tpu.dma_semaphore, #tpu.memory_space<semaphore_mem>>) src(%dma_wait3A_831 : memref<2048xi32, #tpu.memory_space<hbm>>) dst(%arg6 : memref<2048xi32, #tpu.memory_space<vmem>>)
    %dma_wait3A_832 = tpu.memref_slice %arg3[%mul3A_809] : memref<6400000xf32, #tpu.memory_space<hbm>> -> memref<2048xf32, #tpu.memory_space<hbm>>
    %dma_wait3A_833 = tpu.memref_slice %arg3[%mul3A_809] : memref<6400000xf32, #tpu.memory_space<hbm>> -> memref<2048xf32, #tpu.memory_space<hbm>>
    tpu.wait_dma2 semaphore(%arg12 : memref<!tpu.dma_semaphore, #tpu.memory_space<semaphore_mem>>) src(%dma_wait3A_833 : memref<2048xf32, #tpu.memory_space<hbm>>) dst(%arg9 : memref<2048xf32, #tpu.memory_space<vmem>>)
    %dma_start3A_834 = arith.constant 0 : i32
    %dma_start3A_835 = tpu.memref_slice %arg4[%dma_start3A_834] : memref<65048576xf32, #tpu.memory_space<hbm>> -> memref<65048576xf32, #tpu.memory_space<hbm>>
    tpu.enqueue_indirect_dma source(%arg9 : memref<2048xf32, #tpu.memory_space<vmem>>) target(%dma_start3A_835 : memref<65048576xf32, #tpu.memory_space<hbm>>) offsets(%arg6 : memref<2048xi32, #tpu.memory_space<vmem>>) semaphore(%arg13 : memref<!tpu.dma_semaphore, #tpu.memory_space<semaphore_mem>>)
    %dma_wait3A_836 = arith.constant 0 : i32
    %dma_wait3A_837 = tpu.memref_slice %arg4[%dma_wait3A_836] : memref<65048576xf32, #tpu.memory_space<hbm>> -> memref<65048576xf32, #tpu.memory_space<hbm>>
    tpu.wait_indirect_dma semaphore(%arg13 : memref<!tpu.dma_semaphore, #tpu.memory_space<semaphore_mem>>) src(%arg11 : memref<2048xf32, #tpu.memory_space<vmem>>) dst(%dma_wait3A_837 : memref<65048576xf32, #tpu.memory_space<hbm>>)
    %add3A_838 = arith.constant 1696 : i32
    %add3A_839 = arith.addi %add3A, %add3A_838 : i32
    %mul3A_840 = arith.constant 2048 : i32
    %mul3A_841 = arith.muli %add3A_839, %mul3A_840 : i32
    %dma_start3A_842 = tpu.memref_slice %arg2[%mul3A_841] : memref<6400000xi32, #tpu.memory_space<hbm>> -> memref<2048xi32, #tpu.memory_space<hbm>>
    %dma_start3A_843 = tpu.memref_slice %arg2[%mul3A_841] : memref<6400000xi32, #tpu.memory_space<hbm>> -> memref<2048xi32, #tpu.memory_space<hbm>>
    tpu.enqueue_dma source(%dma_start3A_843 : memref<2048xi32, #tpu.memory_space<hbm>>) target(%arg8 : memref<2048xi32, #tpu.memory_space<vmem>>) target_semaphore(%arg12 : memref<!tpu.dma_semaphore, #tpu.memory_space<semaphore_mem>>)
    %dma_start3A_844 = tpu.memref_slice %arg3[%mul3A_841] : memref<6400000xf32, #tpu.memory_space<hbm>> -> memref<2048xf32, #tpu.memory_space<hbm>>
    %dma_start3A_845 = tpu.memref_slice %arg3[%mul3A_841] : memref<6400000xf32, #tpu.memory_space<hbm>> -> memref<2048xf32, #tpu.memory_space<hbm>>
    tpu.enqueue_dma source(%dma_start3A_845 : memref<2048xf32, #tpu.memory_space<hbm>>) target(%arg11 : memref<2048xf32, #tpu.memory_space<vmem>>) target_semaphore(%arg12 : memref<!tpu.dma_semaphore, #tpu.memory_space<semaphore_mem>>)
    %dma_wait3A_846 = tpu.memref_slice %arg2[%mul3A_825] : memref<6400000xi32, #tpu.memory_space<hbm>> -> memref<2048xi32, #tpu.memory_space<hbm>>
    %dma_wait3A_847 = tpu.memref_slice %arg2[%mul3A_825] : memref<6400000xi32, #tpu.memory_space<hbm>> -> memref<2048xi32, #tpu.memory_space<hbm>>
    tpu.wait_dma2 semaphore(%arg12 : memref<!tpu.dma_semaphore, #tpu.memory_space<semaphore_mem>>) src(%dma_wait3A_847 : memref<2048xi32, #tpu.memory_space<hbm>>) dst(%arg7 : memref<2048xi32, #tpu.memory_space<vmem>>)
    %dma_wait3A_848 = tpu.memref_slice %arg3[%mul3A_825] : memref<6400000xf32, #tpu.memory_space<hbm>> -> memref<2048xf32, #tpu.memory_space<hbm>>
    %dma_wait3A_849 = tpu.memref_slice %arg3[%mul3A_825] : memref<6400000xf32, #tpu.memory_space<hbm>> -> memref<2048xf32, #tpu.memory_space<hbm>>
    tpu.wait_dma2 semaphore(%arg12 : memref<!tpu.dma_semaphore, #tpu.memory_space<semaphore_mem>>) src(%dma_wait3A_849 : memref<2048xf32, #tpu.memory_space<hbm>>) dst(%arg10 : memref<2048xf32, #tpu.memory_space<vmem>>)
    %dma_start3A_850 = arith.constant 0 : i32
    %dma_start3A_851 = tpu.memref_slice %arg4[%dma_start3A_850] : memref<65048576xf32, #tpu.memory_space<hbm>> -> memref<65048576xf32, #tpu.memory_space<hbm>>
    tpu.enqueue_indirect_dma source(%arg10 : memref<2048xf32, #tpu.memory_space<vmem>>) target(%dma_start3A_851 : memref<65048576xf32, #tpu.memory_space<hbm>>) offsets(%arg7 : memref<2048xi32, #tpu.memory_space<vmem>>) semaphore(%arg13 : memref<!tpu.dma_semaphore, #tpu.memory_space<semaphore_mem>>)
    %dma_wait3A_852 = arith.constant 0 : i32
    %dma_wait3A_853 = tpu.memref_slice %arg4[%dma_wait3A_852] : memref<65048576xf32, #tpu.memory_space<hbm>> -> memref<65048576xf32, #tpu.memory_space<hbm>>
    tpu.wait_indirect_dma semaphore(%arg13 : memref<!tpu.dma_semaphore, #tpu.memory_space<semaphore_mem>>) src(%arg9 : memref<2048xf32, #tpu.memory_space<vmem>>) dst(%dma_wait3A_853 : memref<65048576xf32, #tpu.memory_space<hbm>>)
    %add3A_854 = arith.constant 1728 : i32
    %add3A_855 = arith.addi %add3A, %add3A_854 : i32
    %mul3A_856 = arith.constant 2048 : i32
    %mul3A_857 = arith.muli %add3A_855, %mul3A_856 : i32
    %dma_start3A_858 = tpu.memref_slice %arg2[%mul3A_857] : memref<6400000xi32, #tpu.memory_space<hbm>> -> memref<2048xi32, #tpu.memory_space<hbm>>
    %dma_start3A_859 = tpu.memref_slice %arg2[%mul3A_857] : memref<6400000xi32, #tpu.memory_space<hbm>> -> memref<2048xi32, #tpu.memory_space<hbm>>
    tpu.enqueue_dma source(%dma_start3A_859 : memref<2048xi32, #tpu.memory_space<hbm>>) target(%arg6 : memref<2048xi32, #tpu.memory_space<vmem>>) target_semaphore(%arg12 : memref<!tpu.dma_semaphore, #tpu.memory_space<semaphore_mem>>)
    %dma_start3A_860 = tpu.memref_slice %arg3[%mul3A_857] : memref<6400000xf32, #tpu.memory_space<hbm>> -> memref<2048xf32, #tpu.memory_space<hbm>>
    %dma_start3A_861 = tpu.memref_slice %arg3[%mul3A_857] : memref<6400000xf32, #tpu.memory_space<hbm>> -> memref<2048xf32, #tpu.memory_space<hbm>>
    tpu.enqueue_dma source(%dma_start3A_861 : memref<2048xf32, #tpu.memory_space<hbm>>) target(%arg9 : memref<2048xf32, #tpu.memory_space<vmem>>) target_semaphore(%arg12 : memref<!tpu.dma_semaphore, #tpu.memory_space<semaphore_mem>>)
    %dma_wait3A_862 = tpu.memref_slice %arg2[%mul3A_841] : memref<6400000xi32, #tpu.memory_space<hbm>> -> memref<2048xi32, #tpu.memory_space<hbm>>
    %dma_wait3A_863 = tpu.memref_slice %arg2[%mul3A_841] : memref<6400000xi32, #tpu.memory_space<hbm>> -> memref<2048xi32, #tpu.memory_space<hbm>>
    tpu.wait_dma2 semaphore(%arg12 : memref<!tpu.dma_semaphore, #tpu.memory_space<semaphore_mem>>) src(%dma_wait3A_863 : memref<2048xi32, #tpu.memory_space<hbm>>) dst(%arg8 : memref<2048xi32, #tpu.memory_space<vmem>>)
    %dma_wait3A_864 = tpu.memref_slice %arg3[%mul3A_841] : memref<6400000xf32, #tpu.memory_space<hbm>> -> memref<2048xf32, #tpu.memory_space<hbm>>
    %dma_wait3A_865 = tpu.memref_slice %arg3[%mul3A_841] : memref<6400000xf32, #tpu.memory_space<hbm>> -> memref<2048xf32, #tpu.memory_space<hbm>>
    tpu.wait_dma2 semaphore(%arg12 : memref<!tpu.dma_semaphore, #tpu.memory_space<semaphore_mem>>) src(%dma_wait3A_865 : memref<2048xf32, #tpu.memory_space<hbm>>) dst(%arg11 : memref<2048xf32, #tpu.memory_space<vmem>>)
    %dma_start3A_866 = arith.constant 0 : i32
    %dma_start3A_867 = tpu.memref_slice %arg4[%dma_start3A_866] : memref<65048576xf32, #tpu.memory_space<hbm>> -> memref<65048576xf32, #tpu.memory_space<hbm>>
    tpu.enqueue_indirect_dma source(%arg11 : memref<2048xf32, #tpu.memory_space<vmem>>) target(%dma_start3A_867 : memref<65048576xf32, #tpu.memory_space<hbm>>) offsets(%arg8 : memref<2048xi32, #tpu.memory_space<vmem>>) semaphore(%arg13 : memref<!tpu.dma_semaphore, #tpu.memory_space<semaphore_mem>>)
    %dma_wait3A_868 = arith.constant 0 : i32
    %dma_wait3A_869 = tpu.memref_slice %arg4[%dma_wait3A_868] : memref<65048576xf32, #tpu.memory_space<hbm>> -> memref<65048576xf32, #tpu.memory_space<hbm>>
    tpu.wait_indirect_dma semaphore(%arg13 : memref<!tpu.dma_semaphore, #tpu.memory_space<semaphore_mem>>) src(%arg10 : memref<2048xf32, #tpu.memory_space<vmem>>) dst(%dma_wait3A_869 : memref<65048576xf32, #tpu.memory_space<hbm>>)
    %add3A_870 = arith.constant 1760 : i32
    %add3A_871 = arith.addi %add3A, %add3A_870 : i32
    %mul3A_872 = arith.constant 2048 : i32
    %mul3A_873 = arith.muli %add3A_871, %mul3A_872 : i32
    %dma_start3A_874 = tpu.memref_slice %arg2[%mul3A_873] : memref<6400000xi32, #tpu.memory_space<hbm>> -> memref<2048xi32, #tpu.memory_space<hbm>>
    %dma_start3A_875 = tpu.memref_slice %arg2[%mul3A_873] : memref<6400000xi32, #tpu.memory_space<hbm>> -> memref<2048xi32, #tpu.memory_space<hbm>>
    tpu.enqueue_dma source(%dma_start3A_875 : memref<2048xi32, #tpu.memory_space<hbm>>) target(%arg7 : memref<2048xi32, #tpu.memory_space<vmem>>) target_semaphore(%arg12 : memref<!tpu.dma_semaphore, #tpu.memory_space<semaphore_mem>>)
    %dma_start3A_876 = tpu.memref_slice %arg3[%mul3A_873] : memref<6400000xf32, #tpu.memory_space<hbm>> -> memref<2048xf32, #tpu.memory_space<hbm>>
    %dma_start3A_877 = tpu.memref_slice %arg3[%mul3A_873] : memref<6400000xf32, #tpu.memory_space<hbm>> -> memref<2048xf32, #tpu.memory_space<hbm>>
    tpu.enqueue_dma source(%dma_start3A_877 : memref<2048xf32, #tpu.memory_space<hbm>>) target(%arg10 : memref<2048xf32, #tpu.memory_space<vmem>>) target_semaphore(%arg12 : memref<!tpu.dma_semaphore, #tpu.memory_space<semaphore_mem>>)
    %dma_wait3A_878 = tpu.memref_slice %arg2[%mul3A_857] : memref<6400000xi32, #tpu.memory_space<hbm>> -> memref<2048xi32, #tpu.memory_space<hbm>>
    %dma_wait3A_879 = tpu.memref_slice %arg2[%mul3A_857] : memref<6400000xi32, #tpu.memory_space<hbm>> -> memref<2048xi32, #tpu.memory_space<hbm>>
    tpu.wait_dma2 semaphore(%arg12 : memref<!tpu.dma_semaphore, #tpu.memory_space<semaphore_mem>>) src(%dma_wait3A_879 : memref<2048xi32, #tpu.memory_space<hbm>>) dst(%arg6 : memref<2048xi32, #tpu.memory_space<vmem>>)
    %dma_wait3A_880 = tpu.memref_slice %arg3[%mul3A_857] : memref<6400000xf32, #tpu.memory_space<hbm>> -> memref<2048xf32, #tpu.memory_space<hbm>>
    %dma_wait3A_881 = tpu.memref_slice %arg3[%mul3A_857] : memref<6400000xf32, #tpu.memory_space<hbm>> -> memref<2048xf32, #tpu.memory_space<hbm>>
    tpu.wait_dma2 semaphore(%arg12 : memref<!tpu.dma_semaphore, #tpu.memory_space<semaphore_mem>>) src(%dma_wait3A_881 : memref<2048xf32, #tpu.memory_space<hbm>>) dst(%arg9 : memref<2048xf32, #tpu.memory_space<vmem>>)
    %dma_start3A_882 = arith.constant 0 : i32
    %dma_start3A_883 = tpu.memref_slice %arg4[%dma_start3A_882] : memref<65048576xf32, #tpu.memory_space<hbm>> -> memref<65048576xf32, #tpu.memory_space<hbm>>
    tpu.enqueue_indirect_dma source(%arg9 : memref<2048xf32, #tpu.memory_space<vmem>>) target(%dma_start3A_883 : memref<65048576xf32, #tpu.memory_space<hbm>>) offsets(%arg6 : memref<2048xi32, #tpu.memory_space<vmem>>) semaphore(%arg13 : memref<!tpu.dma_semaphore, #tpu.memory_space<semaphore_mem>>)
    %dma_wait3A_884 = arith.constant 0 : i32
    %dma_wait3A_885 = tpu.memref_slice %arg4[%dma_wait3A_884] : memref<65048576xf32, #tpu.memory_space<hbm>> -> memref<65048576xf32, #tpu.memory_space<hbm>>
    tpu.wait_indirect_dma semaphore(%arg13 : memref<!tpu.dma_semaphore, #tpu.memory_space<semaphore_mem>>) src(%arg11 : memref<2048xf32, #tpu.memory_space<vmem>>) dst(%dma_wait3A_885 : memref<65048576xf32, #tpu.memory_space<hbm>>)
    %add3A_886 = arith.constant 1792 : i32
    %add3A_887 = arith.addi %add3A, %add3A_886 : i32
    %mul3A_888 = arith.constant 2048 : i32
    %mul3A_889 = arith.muli %add3A_887, %mul3A_888 : i32
    %dma_start3A_890 = tpu.memref_slice %arg2[%mul3A_889] : memref<6400000xi32, #tpu.memory_space<hbm>> -> memref<2048xi32, #tpu.memory_space<hbm>>
    %dma_start3A_891 = tpu.memref_slice %arg2[%mul3A_889] : memref<6400000xi32, #tpu.memory_space<hbm>> -> memref<2048xi32, #tpu.memory_space<hbm>>
    tpu.enqueue_dma source(%dma_start3A_891 : memref<2048xi32, #tpu.memory_space<hbm>>) target(%arg8 : memref<2048xi32, #tpu.memory_space<vmem>>) target_semaphore(%arg12 : memref<!tpu.dma_semaphore, #tpu.memory_space<semaphore_mem>>)
    %dma_start3A_892 = tpu.memref_slice %arg3[%mul3A_889] : memref<6400000xf32, #tpu.memory_space<hbm>> -> memref<2048xf32, #tpu.memory_space<hbm>>
    %dma_start3A_893 = tpu.memref_slice %arg3[%mul3A_889] : memref<6400000xf32, #tpu.memory_space<hbm>> -> memref<2048xf32, #tpu.memory_space<hbm>>
    tpu.enqueue_dma source(%dma_start3A_893 : memref<2048xf32, #tpu.memory_space<hbm>>) target(%arg11 : memref<2048xf32, #tpu.memory_space<vmem>>) target_semaphore(%arg12 : memref<!tpu.dma_semaphore, #tpu.memory_space<semaphore_mem>>)
    %dma_wait3A_894 = tpu.memref_slice %arg2[%mul3A_873] : memref<6400000xi32, #tpu.memory_space<hbm>> -> memref<2048xi32, #tpu.memory_space<hbm>>
    %dma_wait3A_895 = tpu.memref_slice %arg2[%mul3A_873] : memref<6400000xi32, #tpu.memory_space<hbm>> -> memref<2048xi32, #tpu.memory_space<hbm>>
    tpu.wait_dma2 semaphore(%arg12 : memref<!tpu.dma_semaphore, #tpu.memory_space<semaphore_mem>>) src(%dma_wait3A_895 : memref<2048xi32, #tpu.memory_space<hbm>>) dst(%arg7 : memref<2048xi32, #tpu.memory_space<vmem>>)
    %dma_wait3A_896 = tpu.memref_slice %arg3[%mul3A_873] : memref<6400000xf32, #tpu.memory_space<hbm>> -> memref<2048xf32, #tpu.memory_space<hbm>>
    %dma_wait3A_897 = tpu.memref_slice %arg3[%mul3A_873] : memref<6400000xf32, #tpu.memory_space<hbm>> -> memref<2048xf32, #tpu.memory_space<hbm>>
    tpu.wait_dma2 semaphore(%arg12 : memref<!tpu.dma_semaphore, #tpu.memory_space<semaphore_mem>>) src(%dma_wait3A_897 : memref<2048xf32, #tpu.memory_space<hbm>>) dst(%arg10 : memref<2048xf32, #tpu.memory_space<vmem>>)
    %dma_start3A_898 = arith.constant 0 : i32
    %dma_start3A_899 = tpu.memref_slice %arg4[%dma_start3A_898] : memref<65048576xf32, #tpu.memory_space<hbm>> -> memref<65048576xf32, #tpu.memory_space<hbm>>
    tpu.enqueue_indirect_dma source(%arg10 : memref<2048xf32, #tpu.memory_space<vmem>>) target(%dma_start3A_899 : memref<65048576xf32, #tpu.memory_space<hbm>>) offsets(%arg7 : memref<2048xi32, #tpu.memory_space<vmem>>) semaphore(%arg13 : memref<!tpu.dma_semaphore, #tpu.memory_space<semaphore_mem>>)
    %dma_wait3A_900 = arith.constant 0 : i32
    %dma_wait3A_901 = tpu.memref_slice %arg4[%dma_wait3A_900] : memref<65048576xf32, #tpu.memory_space<hbm>> -> memref<65048576xf32, #tpu.memory_space<hbm>>
    tpu.wait_indirect_dma semaphore(%arg13 : memref<!tpu.dma_semaphore, #tpu.memory_space<semaphore_mem>>) src(%arg9 : memref<2048xf32, #tpu.memory_space<vmem>>) dst(%dma_wait3A_901 : memref<65048576xf32, #tpu.memory_space<hbm>>)
    %add3A_902 = arith.constant 1824 : i32
    %add3A_903 = arith.addi %add3A, %add3A_902 : i32
    %mul3A_904 = arith.constant 2048 : i32
    %mul3A_905 = arith.muli %add3A_903, %mul3A_904 : i32
    %dma_start3A_906 = tpu.memref_slice %arg2[%mul3A_905] : memref<6400000xi32, #tpu.memory_space<hbm>> -> memref<2048xi32, #tpu.memory_space<hbm>>
    %dma_start3A_907 = tpu.memref_slice %arg2[%mul3A_905] : memref<6400000xi32, #tpu.memory_space<hbm>> -> memref<2048xi32, #tpu.memory_space<hbm>>
    tpu.enqueue_dma source(%dma_start3A_907 : memref<2048xi32, #tpu.memory_space<hbm>>) target(%arg6 : memref<2048xi32, #tpu.memory_space<vmem>>) target_semaphore(%arg12 : memref<!tpu.dma_semaphore, #tpu.memory_space<semaphore_mem>>)
    %dma_start3A_908 = tpu.memref_slice %arg3[%mul3A_905] : memref<6400000xf32, #tpu.memory_space<hbm>> -> memref<2048xf32, #tpu.memory_space<hbm>>
    %dma_start3A_909 = tpu.memref_slice %arg3[%mul3A_905] : memref<6400000xf32, #tpu.memory_space<hbm>> -> memref<2048xf32, #tpu.memory_space<hbm>>
    tpu.enqueue_dma source(%dma_start3A_909 : memref<2048xf32, #tpu.memory_space<hbm>>) target(%arg9 : memref<2048xf32, #tpu.memory_space<vmem>>) target_semaphore(%arg12 : memref<!tpu.dma_semaphore, #tpu.memory_space<semaphore_mem>>)
    %dma_wait3A_910 = tpu.memref_slice %arg2[%mul3A_889] : memref<6400000xi32, #tpu.memory_space<hbm>> -> memref<2048xi32, #tpu.memory_space<hbm>>
    %dma_wait3A_911 = tpu.memref_slice %arg2[%mul3A_889] : memref<6400000xi32, #tpu.memory_space<hbm>> -> memref<2048xi32, #tpu.memory_space<hbm>>
    tpu.wait_dma2 semaphore(%arg12 : memref<!tpu.dma_semaphore, #tpu.memory_space<semaphore_mem>>) src(%dma_wait3A_911 : memref<2048xi32, #tpu.memory_space<hbm>>) dst(%arg8 : memref<2048xi32, #tpu.memory_space<vmem>>)
    %dma_wait3A_912 = tpu.memref_slice %arg3[%mul3A_889] : memref<6400000xf32, #tpu.memory_space<hbm>> -> memref<2048xf32, #tpu.memory_space<hbm>>
    %dma_wait3A_913 = tpu.memref_slice %arg3[%mul3A_889] : memref<6400000xf32, #tpu.memory_space<hbm>> -> memref<2048xf32, #tpu.memory_space<hbm>>
    tpu.wait_dma2 semaphore(%arg12 : memref<!tpu.dma_semaphore, #tpu.memory_space<semaphore_mem>>) src(%dma_wait3A_913 : memref<2048xf32, #tpu.memory_space<hbm>>) dst(%arg11 : memref<2048xf32, #tpu.memory_space<vmem>>)
    %dma_start3A_914 = arith.constant 0 : i32
    %dma_start3A_915 = tpu.memref_slice %arg4[%dma_start3A_914] : memref<65048576xf32, #tpu.memory_space<hbm>> -> memref<65048576xf32, #tpu.memory_space<hbm>>
    tpu.enqueue_indirect_dma source(%arg11 : memref<2048xf32, #tpu.memory_space<vmem>>) target(%dma_start3A_915 : memref<65048576xf32, #tpu.memory_space<hbm>>) offsets(%arg8 : memref<2048xi32, #tpu.memory_space<vmem>>) semaphore(%arg13 : memref<!tpu.dma_semaphore, #tpu.memory_space<semaphore_mem>>)
    %dma_wait3A_916 = arith.constant 0 : i32
    %dma_wait3A_917 = tpu.memref_slice %arg4[%dma_wait3A_916] : memref<65048576xf32, #tpu.memory_space<hbm>> -> memref<65048576xf32, #tpu.memory_space<hbm>>
    tpu.wait_indirect_dma semaphore(%arg13 : memref<!tpu.dma_semaphore, #tpu.memory_space<semaphore_mem>>) src(%arg10 : memref<2048xf32, #tpu.memory_space<vmem>>) dst(%dma_wait3A_917 : memref<65048576xf32, #tpu.memory_space<hbm>>)
    %add3A_918 = arith.constant 1856 : i32
    %add3A_919 = arith.addi %add3A, %add3A_918 : i32
    %mul3A_920 = arith.constant 2048 : i32
    %mul3A_921 = arith.muli %add3A_919, %mul3A_920 : i32
    %dma_start3A_922 = tpu.memref_slice %arg2[%mul3A_921] : memref<6400000xi32, #tpu.memory_space<hbm>> -> memref<2048xi32, #tpu.memory_space<hbm>>
    %dma_start3A_923 = tpu.memref_slice %arg2[%mul3A_921] : memref<6400000xi32, #tpu.memory_space<hbm>> -> memref<2048xi32, #tpu.memory_space<hbm>>
    tpu.enqueue_dma source(%dma_start3A_923 : memref<2048xi32, #tpu.memory_space<hbm>>) target(%arg7 : memref<2048xi32, #tpu.memory_space<vmem>>) target_semaphore(%arg12 : memref<!tpu.dma_semaphore, #tpu.memory_space<semaphore_mem>>)
    %dma_start3A_924 = tpu.memref_slice %arg3[%mul3A_921] : memref<6400000xf32, #tpu.memory_space<hbm>> -> memref<2048xf32, #tpu.memory_space<hbm>>
    %dma_start3A_925 = tpu.memref_slice %arg3[%mul3A_921] : memref<6400000xf32, #tpu.memory_space<hbm>> -> memref<2048xf32, #tpu.memory_space<hbm>>
    tpu.enqueue_dma source(%dma_start3A_925 : memref<2048xf32, #tpu.memory_space<hbm>>) target(%arg10 : memref<2048xf32, #tpu.memory_space<vmem>>) target_semaphore(%arg12 : memref<!tpu.dma_semaphore, #tpu.memory_space<semaphore_mem>>)
    %dma_wait3A_926 = tpu.memref_slice %arg2[%mul3A_905] : memref<6400000xi32, #tpu.memory_space<hbm>> -> memref<2048xi32, #tpu.memory_space<hbm>>
    %dma_wait3A_927 = tpu.memref_slice %arg2[%mul3A_905] : memref<6400000xi32, #tpu.memory_space<hbm>> -> memref<2048xi32, #tpu.memory_space<hbm>>
    tpu.wait_dma2 semaphore(%arg12 : memref<!tpu.dma_semaphore, #tpu.memory_space<semaphore_mem>>) src(%dma_wait3A_927 : memref<2048xi32, #tpu.memory_space<hbm>>) dst(%arg6 : memref<2048xi32, #tpu.memory_space<vmem>>)
    %dma_wait3A_928 = tpu.memref_slice %arg3[%mul3A_905] : memref<6400000xf32, #tpu.memory_space<hbm>> -> memref<2048xf32, #tpu.memory_space<hbm>>
    %dma_wait3A_929 = tpu.memref_slice %arg3[%mul3A_905] : memref<6400000xf32, #tpu.memory_space<hbm>> -> memref<2048xf32, #tpu.memory_space<hbm>>
    tpu.wait_dma2 semaphore(%arg12 : memref<!tpu.dma_semaphore, #tpu.memory_space<semaphore_mem>>) src(%dma_wait3A_929 : memref<2048xf32, #tpu.memory_space<hbm>>) dst(%arg9 : memref<2048xf32, #tpu.memory_space<vmem>>)
    %dma_start3A_930 = arith.constant 0 : i32
    %dma_start3A_931 = tpu.memref_slice %arg4[%dma_start3A_930] : memref<65048576xf32, #tpu.memory_space<hbm>> -> memref<65048576xf32, #tpu.memory_space<hbm>>
    tpu.enqueue_indirect_dma source(%arg9 : memref<2048xf32, #tpu.memory_space<vmem>>) target(%dma_start3A_931 : memref<65048576xf32, #tpu.memory_space<hbm>>) offsets(%arg6 : memref<2048xi32, #tpu.memory_space<vmem>>) semaphore(%arg13 : memref<!tpu.dma_semaphore, #tpu.memory_space<semaphore_mem>>)
    %dma_wait3A_932 = arith.constant 0 : i32
    %dma_wait3A_933 = tpu.memref_slice %arg4[%dma_wait3A_932] : memref<65048576xf32, #tpu.memory_space<hbm>> -> memref<65048576xf32, #tpu.memory_space<hbm>>
    tpu.wait_indirect_dma semaphore(%arg13 : memref<!tpu.dma_semaphore, #tpu.memory_space<semaphore_mem>>) src(%arg11 : memref<2048xf32, #tpu.memory_space<vmem>>) dst(%dma_wait3A_933 : memref<65048576xf32, #tpu.memory_space<hbm>>)
    %add3A_934 = arith.constant 1888 : i32
    %add3A_935 = arith.addi %add3A, %add3A_934 : i32
    %mul3A_936 = arith.constant 2048 : i32
    %mul3A_937 = arith.muli %add3A_935, %mul3A_936 : i32
    %dma_start3A_938 = tpu.memref_slice %arg2[%mul3A_937] : memref<6400000xi32, #tpu.memory_space<hbm>> -> memref<2048xi32, #tpu.memory_space<hbm>>
    %dma_start3A_939 = tpu.memref_slice %arg2[%mul3A_937] : memref<6400000xi32, #tpu.memory_space<hbm>> -> memref<2048xi32, #tpu.memory_space<hbm>>
    tpu.enqueue_dma source(%dma_start3A_939 : memref<2048xi32, #tpu.memory_space<hbm>>) target(%arg8 : memref<2048xi32, #tpu.memory_space<vmem>>) target_semaphore(%arg12 : memref<!tpu.dma_semaphore, #tpu.memory_space<semaphore_mem>>)
    %dma_start3A_940 = tpu.memref_slice %arg3[%mul3A_937] : memref<6400000xf32, #tpu.memory_space<hbm>> -> memref<2048xf32, #tpu.memory_space<hbm>>
    %dma_start3A_941 = tpu.memref_slice %arg3[%mul3A_937] : memref<6400000xf32, #tpu.memory_space<hbm>> -> memref<2048xf32, #tpu.memory_space<hbm>>
    tpu.enqueue_dma source(%dma_start3A_941 : memref<2048xf32, #tpu.memory_space<hbm>>) target(%arg11 : memref<2048xf32, #tpu.memory_space<vmem>>) target_semaphore(%arg12 : memref<!tpu.dma_semaphore, #tpu.memory_space<semaphore_mem>>)
    %dma_wait3A_942 = tpu.memref_slice %arg2[%mul3A_921] : memref<6400000xi32, #tpu.memory_space<hbm>> -> memref<2048xi32, #tpu.memory_space<hbm>>
    %dma_wait3A_943 = tpu.memref_slice %arg2[%mul3A_921] : memref<6400000xi32, #tpu.memory_space<hbm>> -> memref<2048xi32, #tpu.memory_space<hbm>>
    tpu.wait_dma2 semaphore(%arg12 : memref<!tpu.dma_semaphore, #tpu.memory_space<semaphore_mem>>) src(%dma_wait3A_943 : memref<2048xi32, #tpu.memory_space<hbm>>) dst(%arg7 : memref<2048xi32, #tpu.memory_space<vmem>>)
    %dma_wait3A_944 = tpu.memref_slice %arg3[%mul3A_921] : memref<6400000xf32, #tpu.memory_space<hbm>> -> memref<2048xf32, #tpu.memory_space<hbm>>
    %dma_wait3A_945 = tpu.memref_slice %arg3[%mul3A_921] : memref<6400000xf32, #tpu.memory_space<hbm>> -> memref<2048xf32, #tpu.memory_space<hbm>>
    tpu.wait_dma2 semaphore(%arg12 : memref<!tpu.dma_semaphore, #tpu.memory_space<semaphore_mem>>) src(%dma_wait3A_945 : memref<2048xf32, #tpu.memory_space<hbm>>) dst(%arg10 : memref<2048xf32, #tpu.memory_space<vmem>>)
    %dma_start3A_946 = arith.constant 0 : i32
    %dma_start3A_947 = tpu.memref_slice %arg4[%dma_start3A_946] : memref<65048576xf32, #tpu.memory_space<hbm>> -> memref<65048576xf32, #tpu.memory_space<hbm>>
    tpu.enqueue_indirect_dma source(%arg10 : memref<2048xf32, #tpu.memory_space<vmem>>) target(%dma_start3A_947 : memref<65048576xf32, #tpu.memory_space<hbm>>) offsets(%arg7 : memref<2048xi32, #tpu.memory_space<vmem>>) semaphore(%arg13 : memref<!tpu.dma_semaphore, #tpu.memory_space<semaphore_mem>>)
    %dma_wait3A_948 = arith.constant 0 : i32
    %dma_wait3A_949 = tpu.memref_slice %arg4[%dma_wait3A_948] : memref<65048576xf32, #tpu.memory_space<hbm>> -> memref<65048576xf32, #tpu.memory_space<hbm>>
    tpu.wait_indirect_dma semaphore(%arg13 : memref<!tpu.dma_semaphore, #tpu.memory_space<semaphore_mem>>) src(%arg9 : memref<2048xf32, #tpu.memory_space<vmem>>) dst(%dma_wait3A_949 : memref<65048576xf32, #tpu.memory_space<hbm>>)
    %add3A_950 = arith.constant 1920 : i32
    %add3A_951 = arith.addi %add3A, %add3A_950 : i32
    %mul3A_952 = arith.constant 2048 : i32
    %mul3A_953 = arith.muli %add3A_951, %mul3A_952 : i32
    %dma_start3A_954 = tpu.memref_slice %arg2[%mul3A_953] : memref<6400000xi32, #tpu.memory_space<hbm>> -> memref<2048xi32, #tpu.memory_space<hbm>>
    %dma_start3A_955 = tpu.memref_slice %arg2[%mul3A_953] : memref<6400000xi32, #tpu.memory_space<hbm>> -> memref<2048xi32, #tpu.memory_space<hbm>>
    tpu.enqueue_dma source(%dma_start3A_955 : memref<2048xi32, #tpu.memory_space<hbm>>) target(%arg6 : memref<2048xi32, #tpu.memory_space<vmem>>) target_semaphore(%arg12 : memref<!tpu.dma_semaphore, #tpu.memory_space<semaphore_mem>>)
    %dma_start3A_956 = tpu.memref_slice %arg3[%mul3A_953] : memref<6400000xf32, #tpu.memory_space<hbm>> -> memref<2048xf32, #tpu.memory_space<hbm>>
    %dma_start3A_957 = tpu.memref_slice %arg3[%mul3A_953] : memref<6400000xf32, #tpu.memory_space<hbm>> -> memref<2048xf32, #tpu.memory_space<hbm>>
    tpu.enqueue_dma source(%dma_start3A_957 : memref<2048xf32, #tpu.memory_space<hbm>>) target(%arg9 : memref<2048xf32, #tpu.memory_space<vmem>>) target_semaphore(%arg12 : memref<!tpu.dma_semaphore, #tpu.memory_space<semaphore_mem>>)
    %dma_wait3A_958 = tpu.memref_slice %arg2[%mul3A_937] : memref<6400000xi32, #tpu.memory_space<hbm>> -> memref<2048xi32, #tpu.memory_space<hbm>>
    %dma_wait3A_959 = tpu.memref_slice %arg2[%mul3A_937] : memref<6400000xi32, #tpu.memory_space<hbm>> -> memref<2048xi32, #tpu.memory_space<hbm>>
    tpu.wait_dma2 semaphore(%arg12 : memref<!tpu.dma_semaphore, #tpu.memory_space<semaphore_mem>>) src(%dma_wait3A_959 : memref<2048xi32, #tpu.memory_space<hbm>>) dst(%arg8 : memref<2048xi32, #tpu.memory_space<vmem>>)
    %dma_wait3A_960 = tpu.memref_slice %arg3[%mul3A_937] : memref<6400000xf32, #tpu.memory_space<hbm>> -> memref<2048xf32, #tpu.memory_space<hbm>>
    %dma_wait3A_961 = tpu.memref_slice %arg3[%mul3A_937] : memref<6400000xf32, #tpu.memory_space<hbm>> -> memref<2048xf32, #tpu.memory_space<hbm>>
    tpu.wait_dma2 semaphore(%arg12 : memref<!tpu.dma_semaphore, #tpu.memory_space<semaphore_mem>>) src(%dma_wait3A_961 : memref<2048xf32, #tpu.memory_space<hbm>>) dst(%arg11 : memref<2048xf32, #tpu.memory_space<vmem>>)
    %dma_start3A_962 = arith.constant 0 : i32
    %dma_start3A_963 = tpu.memref_slice %arg4[%dma_start3A_962] : memref<65048576xf32, #tpu.memory_space<hbm>> -> memref<65048576xf32, #tpu.memory_space<hbm>>
    tpu.enqueue_indirect_dma source(%arg11 : memref<2048xf32, #tpu.memory_space<vmem>>) target(%dma_start3A_963 : memref<65048576xf32, #tpu.memory_space<hbm>>) offsets(%arg8 : memref<2048xi32, #tpu.memory_space<vmem>>) semaphore(%arg13 : memref<!tpu.dma_semaphore, #tpu.memory_space<semaphore_mem>>)
    %dma_wait3A_964 = arith.constant 0 : i32
    %dma_wait3A_965 = tpu.memref_slice %arg4[%dma_wait3A_964] : memref<65048576xf32, #tpu.memory_space<hbm>> -> memref<65048576xf32, #tpu.memory_space<hbm>>
    tpu.wait_indirect_dma semaphore(%arg13 : memref<!tpu.dma_semaphore, #tpu.memory_space<semaphore_mem>>) src(%arg10 : memref<2048xf32, #tpu.memory_space<vmem>>) dst(%dma_wait3A_965 : memref<65048576xf32, #tpu.memory_space<hbm>>)
    %add3A_966 = arith.constant 1952 : i32
    %add3A_967 = arith.addi %add3A, %add3A_966 : i32
    %mul3A_968 = arith.constant 2048 : i32
    %mul3A_969 = arith.muli %add3A_967, %mul3A_968 : i32
    %dma_start3A_970 = tpu.memref_slice %arg2[%mul3A_969] : memref<6400000xi32, #tpu.memory_space<hbm>> -> memref<2048xi32, #tpu.memory_space<hbm>>
    %dma_start3A_971 = tpu.memref_slice %arg2[%mul3A_969] : memref<6400000xi32, #tpu.memory_space<hbm>> -> memref<2048xi32, #tpu.memory_space<hbm>>
    tpu.enqueue_dma source(%dma_start3A_971 : memref<2048xi32, #tpu.memory_space<hbm>>) target(%arg7 : memref<2048xi32, #tpu.memory_space<vmem>>) target_semaphore(%arg12 : memref<!tpu.dma_semaphore, #tpu.memory_space<semaphore_mem>>)
    %dma_start3A_972 = tpu.memref_slice %arg3[%mul3A_969] : memref<6400000xf32, #tpu.memory_space<hbm>> -> memref<2048xf32, #tpu.memory_space<hbm>>
    %dma_start3A_973 = tpu.memref_slice %arg3[%mul3A_969] : memref<6400000xf32, #tpu.memory_space<hbm>> -> memref<2048xf32, #tpu.memory_space<hbm>>
    tpu.enqueue_dma source(%dma_start3A_973 : memref<2048xf32, #tpu.memory_space<hbm>>) target(%arg10 : memref<2048xf32, #tpu.memory_space<vmem>>) target_semaphore(%arg12 : memref<!tpu.dma_semaphore, #tpu.memory_space<semaphore_mem>>)
    %dma_wait3A_974 = tpu.memref_slice %arg2[%mul3A_953] : memref<6400000xi32, #tpu.memory_space<hbm>> -> memref<2048xi32, #tpu.memory_space<hbm>>
    %dma_wait3A_975 = tpu.memref_slice %arg2[%mul3A_953] : memref<6400000xi32, #tpu.memory_space<hbm>> -> memref<2048xi32, #tpu.memory_space<hbm>>
    tpu.wait_dma2 semaphore(%arg12 : memref<!tpu.dma_semaphore, #tpu.memory_space<semaphore_mem>>) src(%dma_wait3A_975 : memref<2048xi32, #tpu.memory_space<hbm>>) dst(%arg6 : memref<2048xi32, #tpu.memory_space<vmem>>)
    %dma_wait3A_976 = tpu.memref_slice %arg3[%mul3A_953] : memref<6400000xf32, #tpu.memory_space<hbm>> -> memref<2048xf32, #tpu.memory_space<hbm>>
    %dma_wait3A_977 = tpu.memref_slice %arg3[%mul3A_953] : memref<6400000xf32, #tpu.memory_space<hbm>> -> memref<2048xf32, #tpu.memory_space<hbm>>
    tpu.wait_dma2 semaphore(%arg12 : memref<!tpu.dma_semaphore, #tpu.memory_space<semaphore_mem>>) src(%dma_wait3A_977 : memref<2048xf32, #tpu.memory_space<hbm>>) dst(%arg9 : memref<2048xf32, #tpu.memory_space<vmem>>)
    %dma_start3A_978 = arith.constant 0 : i32
    %dma_start3A_979 = tpu.memref_slice %arg4[%dma_start3A_978] : memref<65048576xf32, #tpu.memory_space<hbm>> -> memref<65048576xf32, #tpu.memory_space<hbm>>
    tpu.enqueue_indirect_dma source(%arg9 : memref<2048xf32, #tpu.memory_space<vmem>>) target(%dma_start3A_979 : memref<65048576xf32, #tpu.memory_space<hbm>>) offsets(%arg6 : memref<2048xi32, #tpu.memory_space<vmem>>) semaphore(%arg13 : memref<!tpu.dma_semaphore, #tpu.memory_space<semaphore_mem>>)
    %dma_wait3A_980 = arith.constant 0 : i32
    %dma_wait3A_981 = tpu.memref_slice %arg4[%dma_wait3A_980] : memref<65048576xf32, #tpu.memory_space<hbm>> -> memref<65048576xf32, #tpu.memory_space<hbm>>
    tpu.wait_indirect_dma semaphore(%arg13 : memref<!tpu.dma_semaphore, #tpu.memory_space<semaphore_mem>>) src(%arg11 : memref<2048xf32, #tpu.memory_space<vmem>>) dst(%dma_wait3A_981 : memref<65048576xf32, #tpu.memory_space<hbm>>)
    %add3A_982 = arith.constant 1984 : i32
    %add3A_983 = arith.addi %add3A, %add3A_982 : i32
    %mul3A_984 = arith.constant 2048 : i32
    %mul3A_985 = arith.muli %add3A_983, %mul3A_984 : i32
    %dma_start3A_986 = tpu.memref_slice %arg2[%mul3A_985] : memref<6400000xi32, #tpu.memory_space<hbm>> -> memref<2048xi32, #tpu.memory_space<hbm>>
    %dma_start3A_987 = tpu.memref_slice %arg2[%mul3A_985] : memref<6400000xi32, #tpu.memory_space<hbm>> -> memref<2048xi32, #tpu.memory_space<hbm>>
    tpu.enqueue_dma source(%dma_start3A_987 : memref<2048xi32, #tpu.memory_space<hbm>>) target(%arg8 : memref<2048xi32, #tpu.memory_space<vmem>>) target_semaphore(%arg12 : memref<!tpu.dma_semaphore, #tpu.memory_space<semaphore_mem>>)
    %dma_start3A_988 = tpu.memref_slice %arg3[%mul3A_985] : memref<6400000xf32, #tpu.memory_space<hbm>> -> memref<2048xf32, #tpu.memory_space<hbm>>
    %dma_start3A_989 = tpu.memref_slice %arg3[%mul3A_985] : memref<6400000xf32, #tpu.memory_space<hbm>> -> memref<2048xf32, #tpu.memory_space<hbm>>
    tpu.enqueue_dma source(%dma_start3A_989 : memref<2048xf32, #tpu.memory_space<hbm>>) target(%arg11 : memref<2048xf32, #tpu.memory_space<vmem>>) target_semaphore(%arg12 : memref<!tpu.dma_semaphore, #tpu.memory_space<semaphore_mem>>)
    %dma_wait3A_990 = tpu.memref_slice %arg2[%mul3A_969] : memref<6400000xi32, #tpu.memory_space<hbm>> -> memref<2048xi32, #tpu.memory_space<hbm>>
    %dma_wait3A_991 = tpu.memref_slice %arg2[%mul3A_969] : memref<6400000xi32, #tpu.memory_space<hbm>> -> memref<2048xi32, #tpu.memory_space<hbm>>
    tpu.wait_dma2 semaphore(%arg12 : memref<!tpu.dma_semaphore, #tpu.memory_space<semaphore_mem>>) src(%dma_wait3A_991 : memref<2048xi32, #tpu.memory_space<hbm>>) dst(%arg7 : memref<2048xi32, #tpu.memory_space<vmem>>)
    %dma_wait3A_992 = tpu.memref_slice %arg3[%mul3A_969] : memref<6400000xf32, #tpu.memory_space<hbm>> -> memref<2048xf32, #tpu.memory_space<hbm>>
    %dma_wait3A_993 = tpu.memref_slice %arg3[%mul3A_969] : memref<6400000xf32, #tpu.memory_space<hbm>> -> memref<2048xf32, #tpu.memory_space<hbm>>
    tpu.wait_dma2 semaphore(%arg12 : memref<!tpu.dma_semaphore, #tpu.memory_space<semaphore_mem>>) src(%dma_wait3A_993 : memref<2048xf32, #tpu.memory_space<hbm>>) dst(%arg10 : memref<2048xf32, #tpu.memory_space<vmem>>)
    %dma_start3A_994 = arith.constant 0 : i32
    %dma_start3A_995 = tpu.memref_slice %arg4[%dma_start3A_994] : memref<65048576xf32, #tpu.memory_space<hbm>> -> memref<65048576xf32, #tpu.memory_space<hbm>>
    tpu.enqueue_indirect_dma source(%arg10 : memref<2048xf32, #tpu.memory_space<vmem>>) target(%dma_start3A_995 : memref<65048576xf32, #tpu.memory_space<hbm>>) offsets(%arg7 : memref<2048xi32, #tpu.memory_space<vmem>>) semaphore(%arg13 : memref<!tpu.dma_semaphore, #tpu.memory_space<semaphore_mem>>)
    %dma_wait3A_996 = arith.constant 0 : i32
    %dma_wait3A_997 = tpu.memref_slice %arg4[%dma_wait3A_996] : memref<65048576xf32, #tpu.memory_space<hbm>> -> memref<65048576xf32, #tpu.memory_space<hbm>>
    tpu.wait_indirect_dma semaphore(%arg13 : memref<!tpu.dma_semaphore, #tpu.memory_space<semaphore_mem>>) src(%arg9 : memref<2048xf32, #tpu.memory_space<vmem>>) dst(%dma_wait3A_997 : memref<65048576xf32, #tpu.memory_space<hbm>>)
    %add3A_998 = arith.constant 2016 : i32
    %add3A_999 = arith.addi %add3A, %add3A_998 : i32
    %mul3A_1000 = arith.constant 2048 : i32
    %mul3A_1001 = arith.muli %add3A_999, %mul3A_1000 : i32
    %dma_start3A_1002 = tpu.memref_slice %arg2[%mul3A_1001] : memref<6400000xi32, #tpu.memory_space<hbm>> -> memref<2048xi32, #tpu.memory_space<hbm>>
    %dma_start3A_1003 = tpu.memref_slice %arg2[%mul3A_1001] : memref<6400000xi32, #tpu.memory_space<hbm>> -> memref<2048xi32, #tpu.memory_space<hbm>>
    tpu.enqueue_dma source(%dma_start3A_1003 : memref<2048xi32, #tpu.memory_space<hbm>>) target(%arg6 : memref<2048xi32, #tpu.memory_space<vmem>>) target_semaphore(%arg12 : memref<!tpu.dma_semaphore, #tpu.memory_space<semaphore_mem>>)
    %dma_start3A_1004 = tpu.memref_slice %arg3[%mul3A_1001] : memref<6400000xf32, #tpu.memory_space<hbm>> -> memref<2048xf32, #tpu.memory_space<hbm>>
    %dma_start3A_1005 = tpu.memref_slice %arg3[%mul3A_1001] : memref<6400000xf32, #tpu.memory_space<hbm>> -> memref<2048xf32, #tpu.memory_space<hbm>>
    tpu.enqueue_dma source(%dma_start3A_1005 : memref<2048xf32, #tpu.memory_space<hbm>>) target(%arg9 : memref<2048xf32, #tpu.memory_space<vmem>>) target_semaphore(%arg12 : memref<!tpu.dma_semaphore, #tpu.memory_space<semaphore_mem>>)
    %dma_wait3A_1006 = tpu.memref_slice %arg2[%mul3A_985] : memref<6400000xi32, #tpu.memory_space<hbm>> -> memref<2048xi32, #tpu.memory_space<hbm>>
    %dma_wait3A_1007 = tpu.memref_slice %arg2[%mul3A_985] : memref<6400000xi32, #tpu.memory_space<hbm>> -> memref<2048xi32, #tpu.memory_space<hbm>>
    tpu.wait_dma2 semaphore(%arg12 : memref<!tpu.dma_semaphore, #tpu.memory_space<semaphore_mem>>) src(%dma_wait3A_1007 : memref<2048xi32, #tpu.memory_space<hbm>>) dst(%arg8 : memref<2048xi32, #tpu.memory_space<vmem>>)
    %dma_wait3A_1008 = tpu.memref_slice %arg3[%mul3A_985] : memref<6400000xf32, #tpu.memory_space<hbm>> -> memref<2048xf32, #tpu.memory_space<hbm>>
    %dma_wait3A_1009 = tpu.memref_slice %arg3[%mul3A_985] : memref<6400000xf32, #tpu.memory_space<hbm>> -> memref<2048xf32, #tpu.memory_space<hbm>>
    tpu.wait_dma2 semaphore(%arg12 : memref<!tpu.dma_semaphore, #tpu.memory_space<semaphore_mem>>) src(%dma_wait3A_1009 : memref<2048xf32, #tpu.memory_space<hbm>>) dst(%arg11 : memref<2048xf32, #tpu.memory_space<vmem>>)
    %dma_start3A_1010 = arith.constant 0 : i32
    %dma_start3A_1011 = tpu.memref_slice %arg4[%dma_start3A_1010] : memref<65048576xf32, #tpu.memory_space<hbm>> -> memref<65048576xf32, #tpu.memory_space<hbm>>
    tpu.enqueue_indirect_dma source(%arg11 : memref<2048xf32, #tpu.memory_space<vmem>>) target(%dma_start3A_1011 : memref<65048576xf32, #tpu.memory_space<hbm>>) offsets(%arg8 : memref<2048xi32, #tpu.memory_space<vmem>>) semaphore(%arg13 : memref<!tpu.dma_semaphore, #tpu.memory_space<semaphore_mem>>)
    %dma_wait3A_1012 = arith.constant 0 : i32
    %dma_wait3A_1013 = tpu.memref_slice %arg4[%dma_wait3A_1012] : memref<65048576xf32, #tpu.memory_space<hbm>> -> memref<65048576xf32, #tpu.memory_space<hbm>>
    tpu.wait_indirect_dma semaphore(%arg13 : memref<!tpu.dma_semaphore, #tpu.memory_space<semaphore_mem>>) src(%arg10 : memref<2048xf32, #tpu.memory_space<vmem>>) dst(%dma_wait3A_1013 : memref<65048576xf32, #tpu.memory_space<hbm>>)
    %add3A_1014 = arith.constant 2048 : i32
    %add3A_1015 = arith.addi %add3A, %add3A_1014 : i32
    %mul3A_1016 = arith.constant 2048 : i32
    %mul3A_1017 = arith.muli %add3A_1015, %mul3A_1016 : i32
    %dma_start3A_1018 = tpu.memref_slice %arg2[%mul3A_1017] : memref<6400000xi32, #tpu.memory_space<hbm>> -> memref<2048xi32, #tpu.memory_space<hbm>>
    %dma_start3A_1019 = tpu.memref_slice %arg2[%mul3A_1017] : memref<6400000xi32, #tpu.memory_space<hbm>> -> memref<2048xi32, #tpu.memory_space<hbm>>
    tpu.enqueue_dma source(%dma_start3A_1019 : memref<2048xi32, #tpu.memory_space<hbm>>) target(%arg7 : memref<2048xi32, #tpu.memory_space<vmem>>) target_semaphore(%arg12 : memref<!tpu.dma_semaphore, #tpu.memory_space<semaphore_mem>>)
    %dma_start3A_1020 = tpu.memref_slice %arg3[%mul3A_1017] : memref<6400000xf32, #tpu.memory_space<hbm>> -> memref<2048xf32, #tpu.memory_space<hbm>>
    %dma_start3A_1021 = tpu.memref_slice %arg3[%mul3A_1017] : memref<6400000xf32, #tpu.memory_space<hbm>> -> memref<2048xf32, #tpu.memory_space<hbm>>
    tpu.enqueue_dma source(%dma_start3A_1021 : memref<2048xf32, #tpu.memory_space<hbm>>) target(%arg10 : memref<2048xf32, #tpu.memory_space<vmem>>) target_semaphore(%arg12 : memref<!tpu.dma_semaphore, #tpu.memory_space<semaphore_mem>>)
    %dma_wait3A_1022 = tpu.memref_slice %arg2[%mul3A_1001] : memref<6400000xi32, #tpu.memory_space<hbm>> -> memref<2048xi32, #tpu.memory_space<hbm>>
    %dma_wait3A_1023 = tpu.memref_slice %arg2[%mul3A_1001] : memref<6400000xi32, #tpu.memory_space<hbm>> -> memref<2048xi32, #tpu.memory_space<hbm>>
    tpu.wait_dma2 semaphore(%arg12 : memref<!tpu.dma_semaphore, #tpu.memory_space<semaphore_mem>>) src(%dma_wait3A_1023 : memref<2048xi32, #tpu.memory_space<hbm>>) dst(%arg6 : memref<2048xi32, #tpu.memory_space<vmem>>)
    %dma_wait3A_1024 = tpu.memref_slice %arg3[%mul3A_1001] : memref<6400000xf32, #tpu.memory_space<hbm>> -> memref<2048xf32, #tpu.memory_space<hbm>>
    %dma_wait3A_1025 = tpu.memref_slice %arg3[%mul3A_1001] : memref<6400000xf32, #tpu.memory_space<hbm>> -> memref<2048xf32, #tpu.memory_space<hbm>>
    tpu.wait_dma2 semaphore(%arg12 : memref<!tpu.dma_semaphore, #tpu.memory_space<semaphore_mem>>) src(%dma_wait3A_1025 : memref<2048xf32, #tpu.memory_space<hbm>>) dst(%arg9 : memref<2048xf32, #tpu.memory_space<vmem>>)
    %dma_start3A_1026 = arith.constant 0 : i32
    %dma_start3A_1027 = tpu.memref_slice %arg4[%dma_start3A_1026] : memref<65048576xf32, #tpu.memory_space<hbm>> -> memref<65048576xf32, #tpu.memory_space<hbm>>
    tpu.enqueue_indirect_dma source(%arg9 : memref<2048xf32, #tpu.memory_space<vmem>>) target(%dma_start3A_1027 : memref<65048576xf32, #tpu.memory_space<hbm>>) offsets(%arg6 : memref<2048xi32, #tpu.memory_space<vmem>>) semaphore(%arg13 : memref<!tpu.dma_semaphore, #tpu.memory_space<semaphore_mem>>)
    %dma_wait3A_1028 = arith.constant 0 : i32
    %dma_wait3A_1029 = tpu.memref_slice %arg4[%dma_wait3A_1028] : memref<65048576xf32, #tpu.memory_space<hbm>> -> memref<65048576xf32, #tpu.memory_space<hbm>>
    tpu.wait_indirect_dma semaphore(%arg13 : memref<!tpu.dma_semaphore, #tpu.memory_space<semaphore_mem>>) src(%arg11 : memref<2048xf32, #tpu.memory_space<vmem>>) dst(%dma_wait3A_1029 : memref<65048576xf32, #tpu.memory_space<hbm>>)
    %add3A_1030 = arith.constant 2080 : i32
    %add3A_1031 = arith.addi %add3A, %add3A_1030 : i32
    %mul3A_1032 = arith.constant 2048 : i32
    %mul3A_1033 = arith.muli %add3A_1031, %mul3A_1032 : i32
    %dma_start3A_1034 = tpu.memref_slice %arg2[%mul3A_1033] : memref<6400000xi32, #tpu.memory_space<hbm>> -> memref<2048xi32, #tpu.memory_space<hbm>>
    %dma_start3A_1035 = tpu.memref_slice %arg2[%mul3A_1033] : memref<6400000xi32, #tpu.memory_space<hbm>> -> memref<2048xi32, #tpu.memory_space<hbm>>
    tpu.enqueue_dma source(%dma_start3A_1035 : memref<2048xi32, #tpu.memory_space<hbm>>) target(%arg8 : memref<2048xi32, #tpu.memory_space<vmem>>) target_semaphore(%arg12 : memref<!tpu.dma_semaphore, #tpu.memory_space<semaphore_mem>>)
    %dma_start3A_1036 = tpu.memref_slice %arg3[%mul3A_1033] : memref<6400000xf32, #tpu.memory_space<hbm>> -> memref<2048xf32, #tpu.memory_space<hbm>>
    %dma_start3A_1037 = tpu.memref_slice %arg3[%mul3A_1033] : memref<6400000xf32, #tpu.memory_space<hbm>> -> memref<2048xf32, #tpu.memory_space<hbm>>
    tpu.enqueue_dma source(%dma_start3A_1037 : memref<2048xf32, #tpu.memory_space<hbm>>) target(%arg11 : memref<2048xf32, #tpu.memory_space<vmem>>) target_semaphore(%arg12 : memref<!tpu.dma_semaphore, #tpu.memory_space<semaphore_mem>>)
    %dma_wait3A_1038 = tpu.memref_slice %arg2[%mul3A_1017] : memref<6400000xi32, #tpu.memory_space<hbm>> -> memref<2048xi32, #tpu.memory_space<hbm>>
    %dma_wait3A_1039 = tpu.memref_slice %arg2[%mul3A_1017] : memref<6400000xi32, #tpu.memory_space<hbm>> -> memref<2048xi32, #tpu.memory_space<hbm>>
    tpu.wait_dma2 semaphore(%arg12 : memref<!tpu.dma_semaphore, #tpu.memory_space<semaphore_mem>>) src(%dma_wait3A_1039 : memref<2048xi32, #tpu.memory_space<hbm>>) dst(%arg7 : memref<2048xi32, #tpu.memory_space<vmem>>)
    %dma_wait3A_1040 = tpu.memref_slice %arg3[%mul3A_1017] : memref<6400000xf32, #tpu.memory_space<hbm>> -> memref<2048xf32, #tpu.memory_space<hbm>>
    %dma_wait3A_1041 = tpu.memref_slice %arg3[%mul3A_1017] : memref<6400000xf32, #tpu.memory_space<hbm>> -> memref<2048xf32, #tpu.memory_space<hbm>>
    tpu.wait_dma2 semaphore(%arg12 : memref<!tpu.dma_semaphore, #tpu.memory_space<semaphore_mem>>) src(%dma_wait3A_1041 : memref<2048xf32, #tpu.memory_space<hbm>>) dst(%arg10 : memref<2048xf32, #tpu.memory_space<vmem>>)
    %dma_start3A_1042 = arith.constant 0 : i32
    %dma_start3A_1043 = tpu.memref_slice %arg4[%dma_start3A_1042] : memref<65048576xf32, #tpu.memory_space<hbm>> -> memref<65048576xf32, #tpu.memory_space<hbm>>
    tpu.enqueue_indirect_dma source(%arg10 : memref<2048xf32, #tpu.memory_space<vmem>>) target(%dma_start3A_1043 : memref<65048576xf32, #tpu.memory_space<hbm>>) offsets(%arg7 : memref<2048xi32, #tpu.memory_space<vmem>>) semaphore(%arg13 : memref<!tpu.dma_semaphore, #tpu.memory_space<semaphore_mem>>)
    %dma_wait3A_1044 = arith.constant 0 : i32
    %dma_wait3A_1045 = tpu.memref_slice %arg4[%dma_wait3A_1044] : memref<65048576xf32, #tpu.memory_space<hbm>> -> memref<65048576xf32, #tpu.memory_space<hbm>>
    tpu.wait_indirect_dma semaphore(%arg13 : memref<!tpu.dma_semaphore, #tpu.memory_space<semaphore_mem>>) src(%arg9 : memref<2048xf32, #tpu.memory_space<vmem>>) dst(%dma_wait3A_1045 : memref<65048576xf32, #tpu.memory_space<hbm>>)
    %add3A_1046 = arith.constant 2112 : i32
    %add3A_1047 = arith.addi %add3A, %add3A_1046 : i32
    %mul3A_1048 = arith.constant 2048 : i32
    %mul3A_1049 = arith.muli %add3A_1047, %mul3A_1048 : i32
    %dma_start3A_1050 = tpu.memref_slice %arg2[%mul3A_1049] : memref<6400000xi32, #tpu.memory_space<hbm>> -> memref<2048xi32, #tpu.memory_space<hbm>>
    %dma_start3A_1051 = tpu.memref_slice %arg2[%mul3A_1049] : memref<6400000xi32, #tpu.memory_space<hbm>> -> memref<2048xi32, #tpu.memory_space<hbm>>
    tpu.enqueue_dma source(%dma_start3A_1051 : memref<2048xi32, #tpu.memory_space<hbm>>) target(%arg6 : memref<2048xi32, #tpu.memory_space<vmem>>) target_semaphore(%arg12 : memref<!tpu.dma_semaphore, #tpu.memory_space<semaphore_mem>>)
    %dma_start3A_1052 = tpu.memref_slice %arg3[%mul3A_1049] : memref<6400000xf32, #tpu.memory_space<hbm>> -> memref<2048xf32, #tpu.memory_space<hbm>>
    %dma_start3A_1053 = tpu.memref_slice %arg3[%mul3A_1049] : memref<6400000xf32, #tpu.memory_space<hbm>> -> memref<2048xf32, #tpu.memory_space<hbm>>
    tpu.enqueue_dma source(%dma_start3A_1053 : memref<2048xf32, #tpu.memory_space<hbm>>) target(%arg9 : memref<2048xf32, #tpu.memory_space<vmem>>) target_semaphore(%arg12 : memref<!tpu.dma_semaphore, #tpu.memory_space<semaphore_mem>>)
    %dma_wait3A_1054 = tpu.memref_slice %arg2[%mul3A_1033] : memref<6400000xi32, #tpu.memory_space<hbm>> -> memref<2048xi32, #tpu.memory_space<hbm>>
    %dma_wait3A_1055 = tpu.memref_slice %arg2[%mul3A_1033] : memref<6400000xi32, #tpu.memory_space<hbm>> -> memref<2048xi32, #tpu.memory_space<hbm>>
    tpu.wait_dma2 semaphore(%arg12 : memref<!tpu.dma_semaphore, #tpu.memory_space<semaphore_mem>>) src(%dma_wait3A_1055 : memref<2048xi32, #tpu.memory_space<hbm>>) dst(%arg8 : memref<2048xi32, #tpu.memory_space<vmem>>)
    %dma_wait3A_1056 = tpu.memref_slice %arg3[%mul3A_1033] : memref<6400000xf32, #tpu.memory_space<hbm>> -> memref<2048xf32, #tpu.memory_space<hbm>>
    %dma_wait3A_1057 = tpu.memref_slice %arg3[%mul3A_1033] : memref<6400000xf32, #tpu.memory_space<hbm>> -> memref<2048xf32, #tpu.memory_space<hbm>>
    tpu.wait_dma2 semaphore(%arg12 : memref<!tpu.dma_semaphore, #tpu.memory_space<semaphore_mem>>) src(%dma_wait3A_1057 : memref<2048xf32, #tpu.memory_space<hbm>>) dst(%arg11 : memref<2048xf32, #tpu.memory_space<vmem>>)
    %dma_start3A_1058 = arith.constant 0 : i32
    %dma_start3A_1059 = tpu.memref_slice %arg4[%dma_start3A_1058] : memref<65048576xf32, #tpu.memory_space<hbm>> -> memref<65048576xf32, #tpu.memory_space<hbm>>
    tpu.enqueue_indirect_dma source(%arg11 : memref<2048xf32, #tpu.memory_space<vmem>>) target(%dma_start3A_1059 : memref<65048576xf32, #tpu.memory_space<hbm>>) offsets(%arg8 : memref<2048xi32, #tpu.memory_space<vmem>>) semaphore(%arg13 : memref<!tpu.dma_semaphore, #tpu.memory_space<semaphore_mem>>)
    %dma_wait3A_1060 = arith.constant 0 : i32
    %dma_wait3A_1061 = tpu.memref_slice %arg4[%dma_wait3A_1060] : memref<65048576xf32, #tpu.memory_space<hbm>> -> memref<65048576xf32, #tpu.memory_space<hbm>>
    tpu.wait_indirect_dma semaphore(%arg13 : memref<!tpu.dma_semaphore, #tpu.memory_space<semaphore_mem>>) src(%arg10 : memref<2048xf32, #tpu.memory_space<vmem>>) dst(%dma_wait3A_1061 : memref<65048576xf32, #tpu.memory_space<hbm>>)
    %add3A_1062 = arith.constant 2144 : i32
    %add3A_1063 = arith.addi %add3A, %add3A_1062 : i32
    %mul3A_1064 = arith.constant 2048 : i32
    %mul3A_1065 = arith.muli %add3A_1063, %mul3A_1064 : i32
    %dma_start3A_1066 = tpu.memref_slice %arg2[%mul3A_1065] : memref<6400000xi32, #tpu.memory_space<hbm>> -> memref<2048xi32, #tpu.memory_space<hbm>>
    %dma_start3A_1067 = tpu.memref_slice %arg2[%mul3A_1065] : memref<6400000xi32, #tpu.memory_space<hbm>> -> memref<2048xi32, #tpu.memory_space<hbm>>
    tpu.enqueue_dma source(%dma_start3A_1067 : memref<2048xi32, #tpu.memory_space<hbm>>) target(%arg7 : memref<2048xi32, #tpu.memory_space<vmem>>) target_semaphore(%arg12 : memref<!tpu.dma_semaphore, #tpu.memory_space<semaphore_mem>>)
    %dma_start3A_1068 = tpu.memref_slice %arg3[%mul3A_1065] : memref<6400000xf32, #tpu.memory_space<hbm>> -> memref<2048xf32, #tpu.memory_space<hbm>>
    %dma_start3A_1069 = tpu.memref_slice %arg3[%mul3A_1065] : memref<6400000xf32, #tpu.memory_space<hbm>> -> memref<2048xf32, #tpu.memory_space<hbm>>
    tpu.enqueue_dma source(%dma_start3A_1069 : memref<2048xf32, #tpu.memory_space<hbm>>) target(%arg10 : memref<2048xf32, #tpu.memory_space<vmem>>) target_semaphore(%arg12 : memref<!tpu.dma_semaphore, #tpu.memory_space<semaphore_mem>>)
    %dma_wait3A_1070 = tpu.memref_slice %arg2[%mul3A_1049] : memref<6400000xi32, #tpu.memory_space<hbm>> -> memref<2048xi32, #tpu.memory_space<hbm>>
    %dma_wait3A_1071 = tpu.memref_slice %arg2[%mul3A_1049] : memref<6400000xi32, #tpu.memory_space<hbm>> -> memref<2048xi32, #tpu.memory_space<hbm>>
    tpu.wait_dma2 semaphore(%arg12 : memref<!tpu.dma_semaphore, #tpu.memory_space<semaphore_mem>>) src(%dma_wait3A_1071 : memref<2048xi32, #tpu.memory_space<hbm>>) dst(%arg6 : memref<2048xi32, #tpu.memory_space<vmem>>)
    %dma_wait3A_1072 = tpu.memref_slice %arg3[%mul3A_1049] : memref<6400000xf32, #tpu.memory_space<hbm>> -> memref<2048xf32, #tpu.memory_space<hbm>>
    %dma_wait3A_1073 = tpu.memref_slice %arg3[%mul3A_1049] : memref<6400000xf32, #tpu.memory_space<hbm>> -> memref<2048xf32, #tpu.memory_space<hbm>>
    tpu.wait_dma2 semaphore(%arg12 : memref<!tpu.dma_semaphore, #tpu.memory_space<semaphore_mem>>) src(%dma_wait3A_1073 : memref<2048xf32, #tpu.memory_space<hbm>>) dst(%arg9 : memref<2048xf32, #tpu.memory_space<vmem>>)
    %dma_start3A_1074 = arith.constant 0 : i32
    %dma_start3A_1075 = tpu.memref_slice %arg4[%dma_start3A_1074] : memref<65048576xf32, #tpu.memory_space<hbm>> -> memref<65048576xf32, #tpu.memory_space<hbm>>
    tpu.enqueue_indirect_dma source(%arg9 : memref<2048xf32, #tpu.memory_space<vmem>>) target(%dma_start3A_1075 : memref<65048576xf32, #tpu.memory_space<hbm>>) offsets(%arg6 : memref<2048xi32, #tpu.memory_space<vmem>>) semaphore(%arg13 : memref<!tpu.dma_semaphore, #tpu.memory_space<semaphore_mem>>)
    %dma_wait3A_1076 = arith.constant 0 : i32
    %dma_wait3A_1077 = tpu.memref_slice %arg4[%dma_wait3A_1076] : memref<65048576xf32, #tpu.memory_space<hbm>> -> memref<65048576xf32, #tpu.memory_space<hbm>>
    tpu.wait_indirect_dma semaphore(%arg13 : memref<!tpu.dma_semaphore, #tpu.memory_space<semaphore_mem>>) src(%arg11 : memref<2048xf32, #tpu.memory_space<vmem>>) dst(%dma_wait3A_1077 : memref<65048576xf32, #tpu.memory_space<hbm>>)
    %add3A_1078 = arith.constant 2176 : i32
    %add3A_1079 = arith.addi %add3A, %add3A_1078 : i32
    %mul3A_1080 = arith.constant 2048 : i32
    %mul3A_1081 = arith.muli %add3A_1079, %mul3A_1080 : i32
    %dma_start3A_1082 = tpu.memref_slice %arg2[%mul3A_1081] : memref<6400000xi32, #tpu.memory_space<hbm>> -> memref<2048xi32, #tpu.memory_space<hbm>>
    %dma_start3A_1083 = tpu.memref_slice %arg2[%mul3A_1081] : memref<6400000xi32, #tpu.memory_space<hbm>> -> memref<2048xi32, #tpu.memory_space<hbm>>
    tpu.enqueue_dma source(%dma_start3A_1083 : memref<2048xi32, #tpu.memory_space<hbm>>) target(%arg8 : memref<2048xi32, #tpu.memory_space<vmem>>) target_semaphore(%arg12 : memref<!tpu.dma_semaphore, #tpu.memory_space<semaphore_mem>>)
    %dma_start3A_1084 = tpu.memref_slice %arg3[%mul3A_1081] : memref<6400000xf32, #tpu.memory_space<hbm>> -> memref<2048xf32, #tpu.memory_space<hbm>>
    %dma_start3A_1085 = tpu.memref_slice %arg3[%mul3A_1081] : memref<6400000xf32, #tpu.memory_space<hbm>> -> memref<2048xf32, #tpu.memory_space<hbm>>
    tpu.enqueue_dma source(%dma_start3A_1085 : memref<2048xf32, #tpu.memory_space<hbm>>) target(%arg11 : memref<2048xf32, #tpu.memory_space<vmem>>) target_semaphore(%arg12 : memref<!tpu.dma_semaphore, #tpu.memory_space<semaphore_mem>>)
    %dma_wait3A_1086 = tpu.memref_slice %arg2[%mul3A_1065] : memref<6400000xi32, #tpu.memory_space<hbm>> -> memref<2048xi32, #tpu.memory_space<hbm>>
    %dma_wait3A_1087 = tpu.memref_slice %arg2[%mul3A_1065] : memref<6400000xi32, #tpu.memory_space<hbm>> -> memref<2048xi32, #tpu.memory_space<hbm>>
    tpu.wait_dma2 semaphore(%arg12 : memref<!tpu.dma_semaphore, #tpu.memory_space<semaphore_mem>>) src(%dma_wait3A_1087 : memref<2048xi32, #tpu.memory_space<hbm>>) dst(%arg7 : memref<2048xi32, #tpu.memory_space<vmem>>)
    %dma_wait3A_1088 = tpu.memref_slice %arg3[%mul3A_1065] : memref<6400000xf32, #tpu.memory_space<hbm>> -> memref<2048xf32, #tpu.memory_space<hbm>>
    %dma_wait3A_1089 = tpu.memref_slice %arg3[%mul3A_1065] : memref<6400000xf32, #tpu.memory_space<hbm>> -> memref<2048xf32, #tpu.memory_space<hbm>>
    tpu.wait_dma2 semaphore(%arg12 : memref<!tpu.dma_semaphore, #tpu.memory_space<semaphore_mem>>) src(%dma_wait3A_1089 : memref<2048xf32, #tpu.memory_space<hbm>>) dst(%arg10 : memref<2048xf32, #tpu.memory_space<vmem>>)
    %dma_start3A_1090 = arith.constant 0 : i32
    %dma_start3A_1091 = tpu.memref_slice %arg4[%dma_start3A_1090] : memref<65048576xf32, #tpu.memory_space<hbm>> -> memref<65048576xf32, #tpu.memory_space<hbm>>
    tpu.enqueue_indirect_dma source(%arg10 : memref<2048xf32, #tpu.memory_space<vmem>>) target(%dma_start3A_1091 : memref<65048576xf32, #tpu.memory_space<hbm>>) offsets(%arg7 : memref<2048xi32, #tpu.memory_space<vmem>>) semaphore(%arg13 : memref<!tpu.dma_semaphore, #tpu.memory_space<semaphore_mem>>)
    %dma_wait3A_1092 = arith.constant 0 : i32
    %dma_wait3A_1093 = tpu.memref_slice %arg4[%dma_wait3A_1092] : memref<65048576xf32, #tpu.memory_space<hbm>> -> memref<65048576xf32, #tpu.memory_space<hbm>>
    tpu.wait_indirect_dma semaphore(%arg13 : memref<!tpu.dma_semaphore, #tpu.memory_space<semaphore_mem>>) src(%arg9 : memref<2048xf32, #tpu.memory_space<vmem>>) dst(%dma_wait3A_1093 : memref<65048576xf32, #tpu.memory_space<hbm>>)
    %add3A_1094 = arith.constant 2208 : i32
    %add3A_1095 = arith.addi %add3A, %add3A_1094 : i32
    %mul3A_1096 = arith.constant 2048 : i32
    %mul3A_1097 = arith.muli %add3A_1095, %mul3A_1096 : i32
    %dma_start3A_1098 = tpu.memref_slice %arg2[%mul3A_1097] : memref<6400000xi32, #tpu.memory_space<hbm>> -> memref<2048xi32, #tpu.memory_space<hbm>>
    %dma_start3A_1099 = tpu.memref_slice %arg2[%mul3A_1097] : memref<6400000xi32, #tpu.memory_space<hbm>> -> memref<2048xi32, #tpu.memory_space<hbm>>
    tpu.enqueue_dma source(%dma_start3A_1099 : memref<2048xi32, #tpu.memory_space<hbm>>) target(%arg6 : memref<2048xi32, #tpu.memory_space<vmem>>) target_semaphore(%arg12 : memref<!tpu.dma_semaphore, #tpu.memory_space<semaphore_mem>>)
    %dma_start3A_1100 = tpu.memref_slice %arg3[%mul3A_1097] : memref<6400000xf32, #tpu.memory_space<hbm>> -> memref<2048xf32, #tpu.memory_space<hbm>>
    %dma_start3A_1101 = tpu.memref_slice %arg3[%mul3A_1097] : memref<6400000xf32, #tpu.memory_space<hbm>> -> memref<2048xf32, #tpu.memory_space<hbm>>
    tpu.enqueue_dma source(%dma_start3A_1101 : memref<2048xf32, #tpu.memory_space<hbm>>) target(%arg9 : memref<2048xf32, #tpu.memory_space<vmem>>) target_semaphore(%arg12 : memref<!tpu.dma_semaphore, #tpu.memory_space<semaphore_mem>>)
    %dma_wait3A_1102 = tpu.memref_slice %arg2[%mul3A_1081] : memref<6400000xi32, #tpu.memory_space<hbm>> -> memref<2048xi32, #tpu.memory_space<hbm>>
    %dma_wait3A_1103 = tpu.memref_slice %arg2[%mul3A_1081] : memref<6400000xi32, #tpu.memory_space<hbm>> -> memref<2048xi32, #tpu.memory_space<hbm>>
    tpu.wait_dma2 semaphore(%arg12 : memref<!tpu.dma_semaphore, #tpu.memory_space<semaphore_mem>>) src(%dma_wait3A_1103 : memref<2048xi32, #tpu.memory_space<hbm>>) dst(%arg8 : memref<2048xi32, #tpu.memory_space<vmem>>)
    %dma_wait3A_1104 = tpu.memref_slice %arg3[%mul3A_1081] : memref<6400000xf32, #tpu.memory_space<hbm>> -> memref<2048xf32, #tpu.memory_space<hbm>>
    %dma_wait3A_1105 = tpu.memref_slice %arg3[%mul3A_1081] : memref<6400000xf32, #tpu.memory_space<hbm>> -> memref<2048xf32, #tpu.memory_space<hbm>>
    tpu.wait_dma2 semaphore(%arg12 : memref<!tpu.dma_semaphore, #tpu.memory_space<semaphore_mem>>) src(%dma_wait3A_1105 : memref<2048xf32, #tpu.memory_space<hbm>>) dst(%arg11 : memref<2048xf32, #tpu.memory_space<vmem>>)
    %dma_start3A_1106 = arith.constant 0 : i32
    %dma_start3A_1107 = tpu.memref_slice %arg4[%dma_start3A_1106] : memref<65048576xf32, #tpu.memory_space<hbm>> -> memref<65048576xf32, #tpu.memory_space<hbm>>
    tpu.enqueue_indirect_dma source(%arg11 : memref<2048xf32, #tpu.memory_space<vmem>>) target(%dma_start3A_1107 : memref<65048576xf32, #tpu.memory_space<hbm>>) offsets(%arg8 : memref<2048xi32, #tpu.memory_space<vmem>>) semaphore(%arg13 : memref<!tpu.dma_semaphore, #tpu.memory_space<semaphore_mem>>)
    %dma_wait3A_1108 = arith.constant 0 : i32
    %dma_wait3A_1109 = tpu.memref_slice %arg4[%dma_wait3A_1108] : memref<65048576xf32, #tpu.memory_space<hbm>> -> memref<65048576xf32, #tpu.memory_space<hbm>>
    tpu.wait_indirect_dma semaphore(%arg13 : memref<!tpu.dma_semaphore, #tpu.memory_space<semaphore_mem>>) src(%arg10 : memref<2048xf32, #tpu.memory_space<vmem>>) dst(%dma_wait3A_1109 : memref<65048576xf32, #tpu.memory_space<hbm>>)
    %add3A_1110 = arith.constant 2240 : i32
    %add3A_1111 = arith.addi %add3A, %add3A_1110 : i32
    %mul3A_1112 = arith.constant 2048 : i32
    %mul3A_1113 = arith.muli %add3A_1111, %mul3A_1112 : i32
    %dma_start3A_1114 = tpu.memref_slice %arg2[%mul3A_1113] : memref<6400000xi32, #tpu.memory_space<hbm>> -> memref<2048xi32, #tpu.memory_space<hbm>>
    %dma_start3A_1115 = tpu.memref_slice %arg2[%mul3A_1113] : memref<6400000xi32, #tpu.memory_space<hbm>> -> memref<2048xi32, #tpu.memory_space<hbm>>
    tpu.enqueue_dma source(%dma_start3A_1115 : memref<2048xi32, #tpu.memory_space<hbm>>) target(%arg7 : memref<2048xi32, #tpu.memory_space<vmem>>) target_semaphore(%arg12 : memref<!tpu.dma_semaphore, #tpu.memory_space<semaphore_mem>>)
    %dma_start3A_1116 = tpu.memref_slice %arg3[%mul3A_1113] : memref<6400000xf32, #tpu.memory_space<hbm>> -> memref<2048xf32, #tpu.memory_space<hbm>>
    %dma_start3A_1117 = tpu.memref_slice %arg3[%mul3A_1113] : memref<6400000xf32, #tpu.memory_space<hbm>> -> memref<2048xf32, #tpu.memory_space<hbm>>
    tpu.enqueue_dma source(%dma_start3A_1117 : memref<2048xf32, #tpu.memory_space<hbm>>) target(%arg10 : memref<2048xf32, #tpu.memory_space<vmem>>) target_semaphore(%arg12 : memref<!tpu.dma_semaphore, #tpu.memory_space<semaphore_mem>>)
    %dma_wait3A_1118 = tpu.memref_slice %arg2[%mul3A_1097] : memref<6400000xi32, #tpu.memory_space<hbm>> -> memref<2048xi32, #tpu.memory_space<hbm>>
    %dma_wait3A_1119 = tpu.memref_slice %arg2[%mul3A_1097] : memref<6400000xi32, #tpu.memory_space<hbm>> -> memref<2048xi32, #tpu.memory_space<hbm>>
    tpu.wait_dma2 semaphore(%arg12 : memref<!tpu.dma_semaphore, #tpu.memory_space<semaphore_mem>>) src(%dma_wait3A_1119 : memref<2048xi32, #tpu.memory_space<hbm>>) dst(%arg6 : memref<2048xi32, #tpu.memory_space<vmem>>)
    %dma_wait3A_1120 = tpu.memref_slice %arg3[%mul3A_1097] : memref<6400000xf32, #tpu.memory_space<hbm>> -> memref<2048xf32, #tpu.memory_space<hbm>>
    %dma_wait3A_1121 = tpu.memref_slice %arg3[%mul3A_1097] : memref<6400000xf32, #tpu.memory_space<hbm>> -> memref<2048xf32, #tpu.memory_space<hbm>>
    tpu.wait_dma2 semaphore(%arg12 : memref<!tpu.dma_semaphore, #tpu.memory_space<semaphore_mem>>) src(%dma_wait3A_1121 : memref<2048xf32, #tpu.memory_space<hbm>>) dst(%arg9 : memref<2048xf32, #tpu.memory_space<vmem>>)
    %dma_start3A_1122 = arith.constant 0 : i32
    %dma_start3A_1123 = tpu.memref_slice %arg4[%dma_start3A_1122] : memref<65048576xf32, #tpu.memory_space<hbm>> -> memref<65048576xf32, #tpu.memory_space<hbm>>
    tpu.enqueue_indirect_dma source(%arg9 : memref<2048xf32, #tpu.memory_space<vmem>>) target(%dma_start3A_1123 : memref<65048576xf32, #tpu.memory_space<hbm>>) offsets(%arg6 : memref<2048xi32, #tpu.memory_space<vmem>>) semaphore(%arg13 : memref<!tpu.dma_semaphore, #tpu.memory_space<semaphore_mem>>)
    %dma_wait3A_1124 = arith.constant 0 : i32
    %dma_wait3A_1125 = tpu.memref_slice %arg4[%dma_wait3A_1124] : memref<65048576xf32, #tpu.memory_space<hbm>> -> memref<65048576xf32, #tpu.memory_space<hbm>>
    tpu.wait_indirect_dma semaphore(%arg13 : memref<!tpu.dma_semaphore, #tpu.memory_space<semaphore_mem>>) src(%arg11 : memref<2048xf32, #tpu.memory_space<vmem>>) dst(%dma_wait3A_1125 : memref<65048576xf32, #tpu.memory_space<hbm>>)
    %add3A_1126 = arith.constant 2272 : i32
    %add3A_1127 = arith.addi %add3A, %add3A_1126 : i32
    %mul3A_1128 = arith.constant 2048 : i32
    %mul3A_1129 = arith.muli %add3A_1127, %mul3A_1128 : i32
    %dma_start3A_1130 = tpu.memref_slice %arg2[%mul3A_1129] : memref<6400000xi32, #tpu.memory_space<hbm>> -> memref<2048xi32, #tpu.memory_space<hbm>>
    %dma_start3A_1131 = tpu.memref_slice %arg2[%mul3A_1129] : memref<6400000xi32, #tpu.memory_space<hbm>> -> memref<2048xi32, #tpu.memory_space<hbm>>
    tpu.enqueue_dma source(%dma_start3A_1131 : memref<2048xi32, #tpu.memory_space<hbm>>) target(%arg8 : memref<2048xi32, #tpu.memory_space<vmem>>) target_semaphore(%arg12 : memref<!tpu.dma_semaphore, #tpu.memory_space<semaphore_mem>>)
    %dma_start3A_1132 = tpu.memref_slice %arg3[%mul3A_1129] : memref<6400000xf32, #tpu.memory_space<hbm>> -> memref<2048xf32, #tpu.memory_space<hbm>>
    %dma_start3A_1133 = tpu.memref_slice %arg3[%mul3A_1129] : memref<6400000xf32, #tpu.memory_space<hbm>> -> memref<2048xf32, #tpu.memory_space<hbm>>
    tpu.enqueue_dma source(%dma_start3A_1133 : memref<2048xf32, #tpu.memory_space<hbm>>) target(%arg11 : memref<2048xf32, #tpu.memory_space<vmem>>) target_semaphore(%arg12 : memref<!tpu.dma_semaphore, #tpu.memory_space<semaphore_mem>>)
    %dma_wait3A_1134 = tpu.memref_slice %arg2[%mul3A_1113] : memref<6400000xi32, #tpu.memory_space<hbm>> -> memref<2048xi32, #tpu.memory_space<hbm>>
    %dma_wait3A_1135 = tpu.memref_slice %arg2[%mul3A_1113] : memref<6400000xi32, #tpu.memory_space<hbm>> -> memref<2048xi32, #tpu.memory_space<hbm>>
    tpu.wait_dma2 semaphore(%arg12 : memref<!tpu.dma_semaphore, #tpu.memory_space<semaphore_mem>>) src(%dma_wait3A_1135 : memref<2048xi32, #tpu.memory_space<hbm>>) dst(%arg7 : memref<2048xi32, #tpu.memory_space<vmem>>)
    %dma_wait3A_1136 = tpu.memref_slice %arg3[%mul3A_1113] : memref<6400000xf32, #tpu.memory_space<hbm>> -> memref<2048xf32, #tpu.memory_space<hbm>>
    %dma_wait3A_1137 = tpu.memref_slice %arg3[%mul3A_1113] : memref<6400000xf32, #tpu.memory_space<hbm>> -> memref<2048xf32, #tpu.memory_space<hbm>>
    tpu.wait_dma2 semaphore(%arg12 : memref<!tpu.dma_semaphore, #tpu.memory_space<semaphore_mem>>) src(%dma_wait3A_1137 : memref<2048xf32, #tpu.memory_space<hbm>>) dst(%arg10 : memref<2048xf32, #tpu.memory_space<vmem>>)
    %dma_start3A_1138 = arith.constant 0 : i32
    %dma_start3A_1139 = tpu.memref_slice %arg4[%dma_start3A_1138] : memref<65048576xf32, #tpu.memory_space<hbm>> -> memref<65048576xf32, #tpu.memory_space<hbm>>
    tpu.enqueue_indirect_dma source(%arg10 : memref<2048xf32, #tpu.memory_space<vmem>>) target(%dma_start3A_1139 : memref<65048576xf32, #tpu.memory_space<hbm>>) offsets(%arg7 : memref<2048xi32, #tpu.memory_space<vmem>>) semaphore(%arg13 : memref<!tpu.dma_semaphore, #tpu.memory_space<semaphore_mem>>)
    %dma_wait3A_1140 = arith.constant 0 : i32
    %dma_wait3A_1141 = tpu.memref_slice %arg4[%dma_wait3A_1140] : memref<65048576xf32, #tpu.memory_space<hbm>> -> memref<65048576xf32, #tpu.memory_space<hbm>>
    tpu.wait_indirect_dma semaphore(%arg13 : memref<!tpu.dma_semaphore, #tpu.memory_space<semaphore_mem>>) src(%arg9 : memref<2048xf32, #tpu.memory_space<vmem>>) dst(%dma_wait3A_1141 : memref<65048576xf32, #tpu.memory_space<hbm>>)
    %add3A_1142 = arith.constant 2304 : i32
    %add3A_1143 = arith.addi %add3A, %add3A_1142 : i32
    %mul3A_1144 = arith.constant 2048 : i32
    %mul3A_1145 = arith.muli %add3A_1143, %mul3A_1144 : i32
    %dma_start3A_1146 = tpu.memref_slice %arg2[%mul3A_1145] : memref<6400000xi32, #tpu.memory_space<hbm>> -> memref<2048xi32, #tpu.memory_space<hbm>>
    %dma_start3A_1147 = tpu.memref_slice %arg2[%mul3A_1145] : memref<6400000xi32, #tpu.memory_space<hbm>> -> memref<2048xi32, #tpu.memory_space<hbm>>
    tpu.enqueue_dma source(%dma_start3A_1147 : memref<2048xi32, #tpu.memory_space<hbm>>) target(%arg6 : memref<2048xi32, #tpu.memory_space<vmem>>) target_semaphore(%arg12 : memref<!tpu.dma_semaphore, #tpu.memory_space<semaphore_mem>>)
    %dma_start3A_1148 = tpu.memref_slice %arg3[%mul3A_1145] : memref<6400000xf32, #tpu.memory_space<hbm>> -> memref<2048xf32, #tpu.memory_space<hbm>>
    %dma_start3A_1149 = tpu.memref_slice %arg3[%mul3A_1145] : memref<6400000xf32, #tpu.memory_space<hbm>> -> memref<2048xf32, #tpu.memory_space<hbm>>
    tpu.enqueue_dma source(%dma_start3A_1149 : memref<2048xf32, #tpu.memory_space<hbm>>) target(%arg9 : memref<2048xf32, #tpu.memory_space<vmem>>) target_semaphore(%arg12 : memref<!tpu.dma_semaphore, #tpu.memory_space<semaphore_mem>>)
    %dma_wait3A_1150 = tpu.memref_slice %arg2[%mul3A_1129] : memref<6400000xi32, #tpu.memory_space<hbm>> -> memref<2048xi32, #tpu.memory_space<hbm>>
    %dma_wait3A_1151 = tpu.memref_slice %arg2[%mul3A_1129] : memref<6400000xi32, #tpu.memory_space<hbm>> -> memref<2048xi32, #tpu.memory_space<hbm>>
    tpu.wait_dma2 semaphore(%arg12 : memref<!tpu.dma_semaphore, #tpu.memory_space<semaphore_mem>>) src(%dma_wait3A_1151 : memref<2048xi32, #tpu.memory_space<hbm>>) dst(%arg8 : memref<2048xi32, #tpu.memory_space<vmem>>)
    %dma_wait3A_1152 = tpu.memref_slice %arg3[%mul3A_1129] : memref<6400000xf32, #tpu.memory_space<hbm>> -> memref<2048xf32, #tpu.memory_space<hbm>>
    %dma_wait3A_1153 = tpu.memref_slice %arg3[%mul3A_1129] : memref<6400000xf32, #tpu.memory_space<hbm>> -> memref<2048xf32, #tpu.memory_space<hbm>>
    tpu.wait_dma2 semaphore(%arg12 : memref<!tpu.dma_semaphore, #tpu.memory_space<semaphore_mem>>) src(%dma_wait3A_1153 : memref<2048xf32, #tpu.memory_space<hbm>>) dst(%arg11 : memref<2048xf32, #tpu.memory_space<vmem>>)
    %dma_start3A_1154 = arith.constant 0 : i32
    %dma_start3A_1155 = tpu.memref_slice %arg4[%dma_start3A_1154] : memref<65048576xf32, #tpu.memory_space<hbm>> -> memref<65048576xf32, #tpu.memory_space<hbm>>
    tpu.enqueue_indirect_dma source(%arg11 : memref<2048xf32, #tpu.memory_space<vmem>>) target(%dma_start3A_1155 : memref<65048576xf32, #tpu.memory_space<hbm>>) offsets(%arg8 : memref<2048xi32, #tpu.memory_space<vmem>>) semaphore(%arg13 : memref<!tpu.dma_semaphore, #tpu.memory_space<semaphore_mem>>)
    %dma_wait3A_1156 = arith.constant 0 : i32
    %dma_wait3A_1157 = tpu.memref_slice %arg4[%dma_wait3A_1156] : memref<65048576xf32, #tpu.memory_space<hbm>> -> memref<65048576xf32, #tpu.memory_space<hbm>>
    tpu.wait_indirect_dma semaphore(%arg13 : memref<!tpu.dma_semaphore, #tpu.memory_space<semaphore_mem>>) src(%arg10 : memref<2048xf32, #tpu.memory_space<vmem>>) dst(%dma_wait3A_1157 : memref<65048576xf32, #tpu.memory_space<hbm>>)
    %add3A_1158 = arith.constant 2336 : i32
    %add3A_1159 = arith.addi %add3A, %add3A_1158 : i32
    %mul3A_1160 = arith.constant 2048 : i32
    %mul3A_1161 = arith.muli %add3A_1159, %mul3A_1160 : i32
    %dma_start3A_1162 = tpu.memref_slice %arg2[%mul3A_1161] : memref<6400000xi32, #tpu.memory_space<hbm>> -> memref<2048xi32, #tpu.memory_space<hbm>>
    %dma_start3A_1163 = tpu.memref_slice %arg2[%mul3A_1161] : memref<6400000xi32, #tpu.memory_space<hbm>> -> memref<2048xi32, #tpu.memory_space<hbm>>
    tpu.enqueue_dma source(%dma_start3A_1163 : memref<2048xi32, #tpu.memory_space<hbm>>) target(%arg7 : memref<2048xi32, #tpu.memory_space<vmem>>) target_semaphore(%arg12 : memref<!tpu.dma_semaphore, #tpu.memory_space<semaphore_mem>>)
    %dma_start3A_1164 = tpu.memref_slice %arg3[%mul3A_1161] : memref<6400000xf32, #tpu.memory_space<hbm>> -> memref<2048xf32, #tpu.memory_space<hbm>>
    %dma_start3A_1165 = tpu.memref_slice %arg3[%mul3A_1161] : memref<6400000xf32, #tpu.memory_space<hbm>> -> memref<2048xf32, #tpu.memory_space<hbm>>
    tpu.enqueue_dma source(%dma_start3A_1165 : memref<2048xf32, #tpu.memory_space<hbm>>) target(%arg10 : memref<2048xf32, #tpu.memory_space<vmem>>) target_semaphore(%arg12 : memref<!tpu.dma_semaphore, #tpu.memory_space<semaphore_mem>>)
    %dma_wait3A_1166 = tpu.memref_slice %arg2[%mul3A_1145] : memref<6400000xi32, #tpu.memory_space<hbm>> -> memref<2048xi32, #tpu.memory_space<hbm>>
    %dma_wait3A_1167 = tpu.memref_slice %arg2[%mul3A_1145] : memref<6400000xi32, #tpu.memory_space<hbm>> -> memref<2048xi32, #tpu.memory_space<hbm>>
    tpu.wait_dma2 semaphore(%arg12 : memref<!tpu.dma_semaphore, #tpu.memory_space<semaphore_mem>>) src(%dma_wait3A_1167 : memref<2048xi32, #tpu.memory_space<hbm>>) dst(%arg6 : memref<2048xi32, #tpu.memory_space<vmem>>)
    %dma_wait3A_1168 = tpu.memref_slice %arg3[%mul3A_1145] : memref<6400000xf32, #tpu.memory_space<hbm>> -> memref<2048xf32, #tpu.memory_space<hbm>>
    %dma_wait3A_1169 = tpu.memref_slice %arg3[%mul3A_1145] : memref<6400000xf32, #tpu.memory_space<hbm>> -> memref<2048xf32, #tpu.memory_space<hbm>>
    tpu.wait_dma2 semaphore(%arg12 : memref<!tpu.dma_semaphore, #tpu.memory_space<semaphore_mem>>) src(%dma_wait3A_1169 : memref<2048xf32, #tpu.memory_space<hbm>>) dst(%arg9 : memref<2048xf32, #tpu.memory_space<vmem>>)
    %dma_start3A_1170 = arith.constant 0 : i32
    %dma_start3A_1171 = tpu.memref_slice %arg4[%dma_start3A_1170] : memref<65048576xf32, #tpu.memory_space<hbm>> -> memref<65048576xf32, #tpu.memory_space<hbm>>
    tpu.enqueue_indirect_dma source(%arg9 : memref<2048xf32, #tpu.memory_space<vmem>>) target(%dma_start3A_1171 : memref<65048576xf32, #tpu.memory_space<hbm>>) offsets(%arg6 : memref<2048xi32, #tpu.memory_space<vmem>>) semaphore(%arg13 : memref<!tpu.dma_semaphore, #tpu.memory_space<semaphore_mem>>)
    %dma_wait3A_1172 = arith.constant 0 : i32
    %dma_wait3A_1173 = tpu.memref_slice %arg4[%dma_wait3A_1172] : memref<65048576xf32, #tpu.memory_space<hbm>> -> memref<65048576xf32, #tpu.memory_space<hbm>>
    tpu.wait_indirect_dma semaphore(%arg13 : memref<!tpu.dma_semaphore, #tpu.memory_space<semaphore_mem>>) src(%arg11 : memref<2048xf32, #tpu.memory_space<vmem>>) dst(%dma_wait3A_1173 : memref<65048576xf32, #tpu.memory_space<hbm>>)
    %add3A_1174 = arith.constant 2368 : i32
    %add3A_1175 = arith.addi %add3A, %add3A_1174 : i32
    %mul3A_1176 = arith.constant 2048 : i32
    %mul3A_1177 = arith.muli %add3A_1175, %mul3A_1176 : i32
    %dma_start3A_1178 = tpu.memref_slice %arg2[%mul3A_1177] : memref<6400000xi32, #tpu.memory_space<hbm>> -> memref<2048xi32, #tpu.memory_space<hbm>>
    %dma_start3A_1179 = tpu.memref_slice %arg2[%mul3A_1177] : memref<6400000xi32, #tpu.memory_space<hbm>> -> memref<2048xi32, #tpu.memory_space<hbm>>
    tpu.enqueue_dma source(%dma_start3A_1179 : memref<2048xi32, #tpu.memory_space<hbm>>) target(%arg8 : memref<2048xi32, #tpu.memory_space<vmem>>) target_semaphore(%arg12 : memref<!tpu.dma_semaphore, #tpu.memory_space<semaphore_mem>>)
    %dma_start3A_1180 = tpu.memref_slice %arg3[%mul3A_1177] : memref<6400000xf32, #tpu.memory_space<hbm>> -> memref<2048xf32, #tpu.memory_space<hbm>>
    %dma_start3A_1181 = tpu.memref_slice %arg3[%mul3A_1177] : memref<6400000xf32, #tpu.memory_space<hbm>> -> memref<2048xf32, #tpu.memory_space<hbm>>
    tpu.enqueue_dma source(%dma_start3A_1181 : memref<2048xf32, #tpu.memory_space<hbm>>) target(%arg11 : memref<2048xf32, #tpu.memory_space<vmem>>) target_semaphore(%arg12 : memref<!tpu.dma_semaphore, #tpu.memory_space<semaphore_mem>>)
    %dma_wait3A_1182 = tpu.memref_slice %arg2[%mul3A_1161] : memref<6400000xi32, #tpu.memory_space<hbm>> -> memref<2048xi32, #tpu.memory_space<hbm>>
    %dma_wait3A_1183 = tpu.memref_slice %arg2[%mul3A_1161] : memref<6400000xi32, #tpu.memory_space<hbm>> -> memref<2048xi32, #tpu.memory_space<hbm>>
    tpu.wait_dma2 semaphore(%arg12 : memref<!tpu.dma_semaphore, #tpu.memory_space<semaphore_mem>>) src(%dma_wait3A_1183 : memref<2048xi32, #tpu.memory_space<hbm>>) dst(%arg7 : memref<2048xi32, #tpu.memory_space<vmem>>)
    %dma_wait3A_1184 = tpu.memref_slice %arg3[%mul3A_1161] : memref<6400000xf32, #tpu.memory_space<hbm>> -> memref<2048xf32, #tpu.memory_space<hbm>>
    %dma_wait3A_1185 = tpu.memref_slice %arg3[%mul3A_1161] : memref<6400000xf32, #tpu.memory_space<hbm>> -> memref<2048xf32, #tpu.memory_space<hbm>>
    tpu.wait_dma2 semaphore(%arg12 : memref<!tpu.dma_semaphore, #tpu.memory_space<semaphore_mem>>) src(%dma_wait3A_1185 : memref<2048xf32, #tpu.memory_space<hbm>>) dst(%arg10 : memref<2048xf32, #tpu.memory_space<vmem>>)
    %dma_start3A_1186 = arith.constant 0 : i32
    %dma_start3A_1187 = tpu.memref_slice %arg4[%dma_start3A_1186] : memref<65048576xf32, #tpu.memory_space<hbm>> -> memref<65048576xf32, #tpu.memory_space<hbm>>
    tpu.enqueue_indirect_dma source(%arg10 : memref<2048xf32, #tpu.memory_space<vmem>>) target(%dma_start3A_1187 : memref<65048576xf32, #tpu.memory_space<hbm>>) offsets(%arg7 : memref<2048xi32, #tpu.memory_space<vmem>>) semaphore(%arg13 : memref<!tpu.dma_semaphore, #tpu.memory_space<semaphore_mem>>)
    %dma_wait3A_1188 = arith.constant 0 : i32
    %dma_wait3A_1189 = tpu.memref_slice %arg4[%dma_wait3A_1188] : memref<65048576xf32, #tpu.memory_space<hbm>> -> memref<65048576xf32, #tpu.memory_space<hbm>>
    tpu.wait_indirect_dma semaphore(%arg13 : memref<!tpu.dma_semaphore, #tpu.memory_space<semaphore_mem>>) src(%arg9 : memref<2048xf32, #tpu.memory_space<vmem>>) dst(%dma_wait3A_1189 : memref<65048576xf32, #tpu.memory_space<hbm>>)
    %add3A_1190 = arith.constant 2400 : i32
    %add3A_1191 = arith.addi %add3A, %add3A_1190 : i32
    %mul3A_1192 = arith.constant 2048 : i32
    %mul3A_1193 = arith.muli %add3A_1191, %mul3A_1192 : i32
    %dma_start3A_1194 = tpu.memref_slice %arg2[%mul3A_1193] : memref<6400000xi32, #tpu.memory_space<hbm>> -> memref<2048xi32, #tpu.memory_space<hbm>>
    %dma_start3A_1195 = tpu.memref_slice %arg2[%mul3A_1193] : memref<6400000xi32, #tpu.memory_space<hbm>> -> memref<2048xi32, #tpu.memory_space<hbm>>
    tpu.enqueue_dma source(%dma_start3A_1195 : memref<2048xi32, #tpu.memory_space<hbm>>) target(%arg6 : memref<2048xi32, #tpu.memory_space<vmem>>) target_semaphore(%arg12 : memref<!tpu.dma_semaphore, #tpu.memory_space<semaphore_mem>>)
    %dma_start3A_1196 = tpu.memref_slice %arg3[%mul3A_1193] : memref<6400000xf32, #tpu.memory_space<hbm>> -> memref<2048xf32, #tpu.memory_space<hbm>>
    %dma_start3A_1197 = tpu.memref_slice %arg3[%mul3A_1193] : memref<6400000xf32, #tpu.memory_space<hbm>> -> memref<2048xf32, #tpu.memory_space<hbm>>
    tpu.enqueue_dma source(%dma_start3A_1197 : memref<2048xf32, #tpu.memory_space<hbm>>) target(%arg9 : memref<2048xf32, #tpu.memory_space<vmem>>) target_semaphore(%arg12 : memref<!tpu.dma_semaphore, #tpu.memory_space<semaphore_mem>>)
    %dma_wait3A_1198 = tpu.memref_slice %arg2[%mul3A_1177] : memref<6400000xi32, #tpu.memory_space<hbm>> -> memref<2048xi32, #tpu.memory_space<hbm>>
    %dma_wait3A_1199 = tpu.memref_slice %arg2[%mul3A_1177] : memref<6400000xi32, #tpu.memory_space<hbm>> -> memref<2048xi32, #tpu.memory_space<hbm>>
    tpu.wait_dma2 semaphore(%arg12 : memref<!tpu.dma_semaphore, #tpu.memory_space<semaphore_mem>>) src(%dma_wait3A_1199 : memref<2048xi32, #tpu.memory_space<hbm>>) dst(%arg8 : memref<2048xi32, #tpu.memory_space<vmem>>)
    %dma_wait3A_1200 = tpu.memref_slice %arg3[%mul3A_1177] : memref<6400000xf32, #tpu.memory_space<hbm>> -> memref<2048xf32, #tpu.memory_space<hbm>>
    %dma_wait3A_1201 = tpu.memref_slice %arg3[%mul3A_1177] : memref<6400000xf32, #tpu.memory_space<hbm>> -> memref<2048xf32, #tpu.memory_space<hbm>>
    tpu.wait_dma2 semaphore(%arg12 : memref<!tpu.dma_semaphore, #tpu.memory_space<semaphore_mem>>) src(%dma_wait3A_1201 : memref<2048xf32, #tpu.memory_space<hbm>>) dst(%arg11 : memref<2048xf32, #tpu.memory_space<vmem>>)
    %dma_start3A_1202 = arith.constant 0 : i32
    %dma_start3A_1203 = tpu.memref_slice %arg4[%dma_start3A_1202] : memref<65048576xf32, #tpu.memory_space<hbm>> -> memref<65048576xf32, #tpu.memory_space<hbm>>
    tpu.enqueue_indirect_dma source(%arg11 : memref<2048xf32, #tpu.memory_space<vmem>>) target(%dma_start3A_1203 : memref<65048576xf32, #tpu.memory_space<hbm>>) offsets(%arg8 : memref<2048xi32, #tpu.memory_space<vmem>>) semaphore(%arg13 : memref<!tpu.dma_semaphore, #tpu.memory_space<semaphore_mem>>)
    %dma_wait3A_1204 = arith.constant 0 : i32
    %dma_wait3A_1205 = tpu.memref_slice %arg4[%dma_wait3A_1204] : memref<65048576xf32, #tpu.memory_space<hbm>> -> memref<65048576xf32, #tpu.memory_space<hbm>>
    tpu.wait_indirect_dma semaphore(%arg13 : memref<!tpu.dma_semaphore, #tpu.memory_space<semaphore_mem>>) src(%arg10 : memref<2048xf32, #tpu.memory_space<vmem>>) dst(%dma_wait3A_1205 : memref<65048576xf32, #tpu.memory_space<hbm>>)
    %add3A_1206 = arith.constant 2432 : i32
    %add3A_1207 = arith.addi %add3A, %add3A_1206 : i32
    %mul3A_1208 = arith.constant 2048 : i32
    %mul3A_1209 = arith.muli %add3A_1207, %mul3A_1208 : i32
    %dma_start3A_1210 = tpu.memref_slice %arg2[%mul3A_1209] : memref<6400000xi32, #tpu.memory_space<hbm>> -> memref<2048xi32, #tpu.memory_space<hbm>>
    %dma_start3A_1211 = tpu.memref_slice %arg2[%mul3A_1209] : memref<6400000xi32, #tpu.memory_space<hbm>> -> memref<2048xi32, #tpu.memory_space<hbm>>
    tpu.enqueue_dma source(%dma_start3A_1211 : memref<2048xi32, #tpu.memory_space<hbm>>) target(%arg7 : memref<2048xi32, #tpu.memory_space<vmem>>) target_semaphore(%arg12 : memref<!tpu.dma_semaphore, #tpu.memory_space<semaphore_mem>>)
    %dma_start3A_1212 = tpu.memref_slice %arg3[%mul3A_1209] : memref<6400000xf32, #tpu.memory_space<hbm>> -> memref<2048xf32, #tpu.memory_space<hbm>>
    %dma_start3A_1213 = tpu.memref_slice %arg3[%mul3A_1209] : memref<6400000xf32, #tpu.memory_space<hbm>> -> memref<2048xf32, #tpu.memory_space<hbm>>
    tpu.enqueue_dma source(%dma_start3A_1213 : memref<2048xf32, #tpu.memory_space<hbm>>) target(%arg10 : memref<2048xf32, #tpu.memory_space<vmem>>) target_semaphore(%arg12 : memref<!tpu.dma_semaphore, #tpu.memory_space<semaphore_mem>>)
    %dma_wait3A_1214 = tpu.memref_slice %arg2[%mul3A_1193] : memref<6400000xi32, #tpu.memory_space<hbm>> -> memref<2048xi32, #tpu.memory_space<hbm>>
    %dma_wait3A_1215 = tpu.memref_slice %arg2[%mul3A_1193] : memref<6400000xi32, #tpu.memory_space<hbm>> -> memref<2048xi32, #tpu.memory_space<hbm>>
    tpu.wait_dma2 semaphore(%arg12 : memref<!tpu.dma_semaphore, #tpu.memory_space<semaphore_mem>>) src(%dma_wait3A_1215 : memref<2048xi32, #tpu.memory_space<hbm>>) dst(%arg6 : memref<2048xi32, #tpu.memory_space<vmem>>)
    %dma_wait3A_1216 = tpu.memref_slice %arg3[%mul3A_1193] : memref<6400000xf32, #tpu.memory_space<hbm>> -> memref<2048xf32, #tpu.memory_space<hbm>>
    %dma_wait3A_1217 = tpu.memref_slice %arg3[%mul3A_1193] : memref<6400000xf32, #tpu.memory_space<hbm>> -> memref<2048xf32, #tpu.memory_space<hbm>>
    tpu.wait_dma2 semaphore(%arg12 : memref<!tpu.dma_semaphore, #tpu.memory_space<semaphore_mem>>) src(%dma_wait3A_1217 : memref<2048xf32, #tpu.memory_space<hbm>>) dst(%arg9 : memref<2048xf32, #tpu.memory_space<vmem>>)
    %dma_start3A_1218 = arith.constant 0 : i32
    %dma_start3A_1219 = tpu.memref_slice %arg4[%dma_start3A_1218] : memref<65048576xf32, #tpu.memory_space<hbm>> -> memref<65048576xf32, #tpu.memory_space<hbm>>
    tpu.enqueue_indirect_dma source(%arg9 : memref<2048xf32, #tpu.memory_space<vmem>>) target(%dma_start3A_1219 : memref<65048576xf32, #tpu.memory_space<hbm>>) offsets(%arg6 : memref<2048xi32, #tpu.memory_space<vmem>>) semaphore(%arg13 : memref<!tpu.dma_semaphore, #tpu.memory_space<semaphore_mem>>)
    %dma_wait3A_1220 = arith.constant 0 : i32
    %dma_wait3A_1221 = tpu.memref_slice %arg4[%dma_wait3A_1220] : memref<65048576xf32, #tpu.memory_space<hbm>> -> memref<65048576xf32, #tpu.memory_space<hbm>>
    tpu.wait_indirect_dma semaphore(%arg13 : memref<!tpu.dma_semaphore, #tpu.memory_space<semaphore_mem>>) src(%arg11 : memref<2048xf32, #tpu.memory_space<vmem>>) dst(%dma_wait3A_1221 : memref<65048576xf32, #tpu.memory_space<hbm>>)
    %add3A_1222 = arith.constant 2464 : i32
    %add3A_1223 = arith.addi %add3A, %add3A_1222 : i32
    %mul3A_1224 = arith.constant 2048 : i32
    %mul3A_1225 = arith.muli %add3A_1223, %mul3A_1224 : i32
    %dma_start3A_1226 = tpu.memref_slice %arg2[%mul3A_1225] : memref<6400000xi32, #tpu.memory_space<hbm>> -> memref<2048xi32, #tpu.memory_space<hbm>>
    %dma_start3A_1227 = tpu.memref_slice %arg2[%mul3A_1225] : memref<6400000xi32, #tpu.memory_space<hbm>> -> memref<2048xi32, #tpu.memory_space<hbm>>
    tpu.enqueue_dma source(%dma_start3A_1227 : memref<2048xi32, #tpu.memory_space<hbm>>) target(%arg8 : memref<2048xi32, #tpu.memory_space<vmem>>) target_semaphore(%arg12 : memref<!tpu.dma_semaphore, #tpu.memory_space<semaphore_mem>>)
    %dma_start3A_1228 = tpu.memref_slice %arg3[%mul3A_1225] : memref<6400000xf32, #tpu.memory_space<hbm>> -> memref<2048xf32, #tpu.memory_space<hbm>>
    %dma_start3A_1229 = tpu.memref_slice %arg3[%mul3A_1225] : memref<6400000xf32, #tpu.memory_space<hbm>> -> memref<2048xf32, #tpu.memory_space<hbm>>
    tpu.enqueue_dma source(%dma_start3A_1229 : memref<2048xf32, #tpu.memory_space<hbm>>) target(%arg11 : memref<2048xf32, #tpu.memory_space<vmem>>) target_semaphore(%arg12 : memref<!tpu.dma_semaphore, #tpu.memory_space<semaphore_mem>>)
    %dma_wait3A_1230 = tpu.memref_slice %arg2[%mul3A_1209] : memref<6400000xi32, #tpu.memory_space<hbm>> -> memref<2048xi32, #tpu.memory_space<hbm>>
    %dma_wait3A_1231 = tpu.memref_slice %arg2[%mul3A_1209] : memref<6400000xi32, #tpu.memory_space<hbm>> -> memref<2048xi32, #tpu.memory_space<hbm>>
    tpu.wait_dma2 semaphore(%arg12 : memref<!tpu.dma_semaphore, #tpu.memory_space<semaphore_mem>>) src(%dma_wait3A_1231 : memref<2048xi32, #tpu.memory_space<hbm>>) dst(%arg7 : memref<2048xi32, #tpu.memory_space<vmem>>)
    %dma_wait3A_1232 = tpu.memref_slice %arg3[%mul3A_1209] : memref<6400000xf32, #tpu.memory_space<hbm>> -> memref<2048xf32, #tpu.memory_space<hbm>>
    %dma_wait3A_1233 = tpu.memref_slice %arg3[%mul3A_1209] : memref<6400000xf32, #tpu.memory_space<hbm>> -> memref<2048xf32, #tpu.memory_space<hbm>>
    tpu.wait_dma2 semaphore(%arg12 : memref<!tpu.dma_semaphore, #tpu.memory_space<semaphore_mem>>) src(%dma_wait3A_1233 : memref<2048xf32, #tpu.memory_space<hbm>>) dst(%arg10 : memref<2048xf32, #tpu.memory_space<vmem>>)
    %dma_start3A_1234 = arith.constant 0 : i32
    %dma_start3A_1235 = tpu.memref_slice %arg4[%dma_start3A_1234] : memref<65048576xf32, #tpu.memory_space<hbm>> -> memref<65048576xf32, #tpu.memory_space<hbm>>
    tpu.enqueue_indirect_dma source(%arg10 : memref<2048xf32, #tpu.memory_space<vmem>>) target(%dma_start3A_1235 : memref<65048576xf32, #tpu.memory_space<hbm>>) offsets(%arg7 : memref<2048xi32, #tpu.memory_space<vmem>>) semaphore(%arg13 : memref<!tpu.dma_semaphore, #tpu.memory_space<semaphore_mem>>)
    %dma_wait3A_1236 = arith.constant 0 : i32
    %dma_wait3A_1237 = tpu.memref_slice %arg4[%dma_wait3A_1236] : memref<65048576xf32, #tpu.memory_space<hbm>> -> memref<65048576xf32, #tpu.memory_space<hbm>>
    tpu.wait_indirect_dma semaphore(%arg13 : memref<!tpu.dma_semaphore, #tpu.memory_space<semaphore_mem>>) src(%arg9 : memref<2048xf32, #tpu.memory_space<vmem>>) dst(%dma_wait3A_1237 : memref<65048576xf32, #tpu.memory_space<hbm>>)
    %add3A_1238 = arith.constant 2496 : i32
    %add3A_1239 = arith.addi %add3A, %add3A_1238 : i32
    %mul3A_1240 = arith.constant 2048 : i32
    %mul3A_1241 = arith.muli %add3A_1239, %mul3A_1240 : i32
    %dma_start3A_1242 = tpu.memref_slice %arg2[%mul3A_1241] : memref<6400000xi32, #tpu.memory_space<hbm>> -> memref<2048xi32, #tpu.memory_space<hbm>>
    %dma_start3A_1243 = tpu.memref_slice %arg2[%mul3A_1241] : memref<6400000xi32, #tpu.memory_space<hbm>> -> memref<2048xi32, #tpu.memory_space<hbm>>
    tpu.enqueue_dma source(%dma_start3A_1243 : memref<2048xi32, #tpu.memory_space<hbm>>) target(%arg6 : memref<2048xi32, #tpu.memory_space<vmem>>) target_semaphore(%arg12 : memref<!tpu.dma_semaphore, #tpu.memory_space<semaphore_mem>>)
    %dma_start3A_1244 = tpu.memref_slice %arg3[%mul3A_1241] : memref<6400000xf32, #tpu.memory_space<hbm>> -> memref<2048xf32, #tpu.memory_space<hbm>>
    %dma_start3A_1245 = tpu.memref_slice %arg3[%mul3A_1241] : memref<6400000xf32, #tpu.memory_space<hbm>> -> memref<2048xf32, #tpu.memory_space<hbm>>
    tpu.enqueue_dma source(%dma_start3A_1245 : memref<2048xf32, #tpu.memory_space<hbm>>) target(%arg9 : memref<2048xf32, #tpu.memory_space<vmem>>) target_semaphore(%arg12 : memref<!tpu.dma_semaphore, #tpu.memory_space<semaphore_mem>>)
    %dma_wait3A_1246 = tpu.memref_slice %arg2[%mul3A_1225] : memref<6400000xi32, #tpu.memory_space<hbm>> -> memref<2048xi32, #tpu.memory_space<hbm>>
    %dma_wait3A_1247 = tpu.memref_slice %arg2[%mul3A_1225] : memref<6400000xi32, #tpu.memory_space<hbm>> -> memref<2048xi32, #tpu.memory_space<hbm>>
    tpu.wait_dma2 semaphore(%arg12 : memref<!tpu.dma_semaphore, #tpu.memory_space<semaphore_mem>>) src(%dma_wait3A_1247 : memref<2048xi32, #tpu.memory_space<hbm>>) dst(%arg8 : memref<2048xi32, #tpu.memory_space<vmem>>)
    %dma_wait3A_1248 = tpu.memref_slice %arg3[%mul3A_1225] : memref<6400000xf32, #tpu.memory_space<hbm>> -> memref<2048xf32, #tpu.memory_space<hbm>>
    %dma_wait3A_1249 = tpu.memref_slice %arg3[%mul3A_1225] : memref<6400000xf32, #tpu.memory_space<hbm>> -> memref<2048xf32, #tpu.memory_space<hbm>>
    tpu.wait_dma2 semaphore(%arg12 : memref<!tpu.dma_semaphore, #tpu.memory_space<semaphore_mem>>) src(%dma_wait3A_1249 : memref<2048xf32, #tpu.memory_space<hbm>>) dst(%arg11 : memref<2048xf32, #tpu.memory_space<vmem>>)
    %dma_start3A_1250 = arith.constant 0 : i32
    %dma_start3A_1251 = tpu.memref_slice %arg4[%dma_start3A_1250] : memref<65048576xf32, #tpu.memory_space<hbm>> -> memref<65048576xf32, #tpu.memory_space<hbm>>
    tpu.enqueue_indirect_dma source(%arg11 : memref<2048xf32, #tpu.memory_space<vmem>>) target(%dma_start3A_1251 : memref<65048576xf32, #tpu.memory_space<hbm>>) offsets(%arg8 : memref<2048xi32, #tpu.memory_space<vmem>>) semaphore(%arg13 : memref<!tpu.dma_semaphore, #tpu.memory_space<semaphore_mem>>)
    %dma_wait3A_1252 = arith.constant 0 : i32
    %dma_wait3A_1253 = tpu.memref_slice %arg4[%dma_wait3A_1252] : memref<65048576xf32, #tpu.memory_space<hbm>> -> memref<65048576xf32, #tpu.memory_space<hbm>>
    tpu.wait_indirect_dma semaphore(%arg13 : memref<!tpu.dma_semaphore, #tpu.memory_space<semaphore_mem>>) src(%arg10 : memref<2048xf32, #tpu.memory_space<vmem>>) dst(%dma_wait3A_1253 : memref<65048576xf32, #tpu.memory_space<hbm>>)
    %add3A_1254 = arith.constant 2528 : i32
    %add3A_1255 = arith.addi %add3A, %add3A_1254 : i32
    %mul3A_1256 = arith.constant 2048 : i32
    %mul3A_1257 = arith.muli %add3A_1255, %mul3A_1256 : i32
    %dma_start3A_1258 = tpu.memref_slice %arg2[%mul3A_1257] : memref<6400000xi32, #tpu.memory_space<hbm>> -> memref<2048xi32, #tpu.memory_space<hbm>>
    %dma_start3A_1259 = tpu.memref_slice %arg2[%mul3A_1257] : memref<6400000xi32, #tpu.memory_space<hbm>> -> memref<2048xi32, #tpu.memory_space<hbm>>
    tpu.enqueue_dma source(%dma_start3A_1259 : memref<2048xi32, #tpu.memory_space<hbm>>) target(%arg7 : memref<2048xi32, #tpu.memory_space<vmem>>) target_semaphore(%arg12 : memref<!tpu.dma_semaphore, #tpu.memory_space<semaphore_mem>>)
    %dma_start3A_1260 = tpu.memref_slice %arg3[%mul3A_1257] : memref<6400000xf32, #tpu.memory_space<hbm>> -> memref<2048xf32, #tpu.memory_space<hbm>>
    %dma_start3A_1261 = tpu.memref_slice %arg3[%mul3A_1257] : memref<6400000xf32, #tpu.memory_space<hbm>> -> memref<2048xf32, #tpu.memory_space<hbm>>
    tpu.enqueue_dma source(%dma_start3A_1261 : memref<2048xf32, #tpu.memory_space<hbm>>) target(%arg10 : memref<2048xf32, #tpu.memory_space<vmem>>) target_semaphore(%arg12 : memref<!tpu.dma_semaphore, #tpu.memory_space<semaphore_mem>>)
    %dma_wait3A_1262 = tpu.memref_slice %arg2[%mul3A_1241] : memref<6400000xi32, #tpu.memory_space<hbm>> -> memref<2048xi32, #tpu.memory_space<hbm>>
    %dma_wait3A_1263 = tpu.memref_slice %arg2[%mul3A_1241] : memref<6400000xi32, #tpu.memory_space<hbm>> -> memref<2048xi32, #tpu.memory_space<hbm>>
    tpu.wait_dma2 semaphore(%arg12 : memref<!tpu.dma_semaphore, #tpu.memory_space<semaphore_mem>>) src(%dma_wait3A_1263 : memref<2048xi32, #tpu.memory_space<hbm>>) dst(%arg6 : memref<2048xi32, #tpu.memory_space<vmem>>)
    %dma_wait3A_1264 = tpu.memref_slice %arg3[%mul3A_1241] : memref<6400000xf32, #tpu.memory_space<hbm>> -> memref<2048xf32, #tpu.memory_space<hbm>>
    %dma_wait3A_1265 = tpu.memref_slice %arg3[%mul3A_1241] : memref<6400000xf32, #tpu.memory_space<hbm>> -> memref<2048xf32, #tpu.memory_space<hbm>>
    tpu.wait_dma2 semaphore(%arg12 : memref<!tpu.dma_semaphore, #tpu.memory_space<semaphore_mem>>) src(%dma_wait3A_1265 : memref<2048xf32, #tpu.memory_space<hbm>>) dst(%arg9 : memref<2048xf32, #tpu.memory_space<vmem>>)
    %dma_start3A_1266 = arith.constant 0 : i32
    %dma_start3A_1267 = tpu.memref_slice %arg4[%dma_start3A_1266] : memref<65048576xf32, #tpu.memory_space<hbm>> -> memref<65048576xf32, #tpu.memory_space<hbm>>
    tpu.enqueue_indirect_dma source(%arg9 : memref<2048xf32, #tpu.memory_space<vmem>>) target(%dma_start3A_1267 : memref<65048576xf32, #tpu.memory_space<hbm>>) offsets(%arg6 : memref<2048xi32, #tpu.memory_space<vmem>>) semaphore(%arg13 : memref<!tpu.dma_semaphore, #tpu.memory_space<semaphore_mem>>)
    %dma_wait3A_1268 = arith.constant 0 : i32
    %dma_wait3A_1269 = tpu.memref_slice %arg4[%dma_wait3A_1268] : memref<65048576xf32, #tpu.memory_space<hbm>> -> memref<65048576xf32, #tpu.memory_space<hbm>>
    tpu.wait_indirect_dma semaphore(%arg13 : memref<!tpu.dma_semaphore, #tpu.memory_space<semaphore_mem>>) src(%arg11 : memref<2048xf32, #tpu.memory_space<vmem>>) dst(%dma_wait3A_1269 : memref<65048576xf32, #tpu.memory_space<hbm>>)
    %add3A_1270 = arith.constant 2560 : i32
    %add3A_1271 = arith.addi %add3A, %add3A_1270 : i32
    %mul3A_1272 = arith.constant 2048 : i32
    %mul3A_1273 = arith.muli %add3A_1271, %mul3A_1272 : i32
    %dma_start3A_1274 = tpu.memref_slice %arg2[%mul3A_1273] : memref<6400000xi32, #tpu.memory_space<hbm>> -> memref<2048xi32, #tpu.memory_space<hbm>>
    %dma_start3A_1275 = tpu.memref_slice %arg2[%mul3A_1273] : memref<6400000xi32, #tpu.memory_space<hbm>> -> memref<2048xi32, #tpu.memory_space<hbm>>
    tpu.enqueue_dma source(%dma_start3A_1275 : memref<2048xi32, #tpu.memory_space<hbm>>) target(%arg8 : memref<2048xi32, #tpu.memory_space<vmem>>) target_semaphore(%arg12 : memref<!tpu.dma_semaphore, #tpu.memory_space<semaphore_mem>>)
    %dma_start3A_1276 = tpu.memref_slice %arg3[%mul3A_1273] : memref<6400000xf32, #tpu.memory_space<hbm>> -> memref<2048xf32, #tpu.memory_space<hbm>>
    %dma_start3A_1277 = tpu.memref_slice %arg3[%mul3A_1273] : memref<6400000xf32, #tpu.memory_space<hbm>> -> memref<2048xf32, #tpu.memory_space<hbm>>
    tpu.enqueue_dma source(%dma_start3A_1277 : memref<2048xf32, #tpu.memory_space<hbm>>) target(%arg11 : memref<2048xf32, #tpu.memory_space<vmem>>) target_semaphore(%arg12 : memref<!tpu.dma_semaphore, #tpu.memory_space<semaphore_mem>>)
    %dma_wait3A_1278 = tpu.memref_slice %arg2[%mul3A_1257] : memref<6400000xi32, #tpu.memory_space<hbm>> -> memref<2048xi32, #tpu.memory_space<hbm>>
    %dma_wait3A_1279 = tpu.memref_slice %arg2[%mul3A_1257] : memref<6400000xi32, #tpu.memory_space<hbm>> -> memref<2048xi32, #tpu.memory_space<hbm>>
    tpu.wait_dma2 semaphore(%arg12 : memref<!tpu.dma_semaphore, #tpu.memory_space<semaphore_mem>>) src(%dma_wait3A_1279 : memref<2048xi32, #tpu.memory_space<hbm>>) dst(%arg7 : memref<2048xi32, #tpu.memory_space<vmem>>)
    %dma_wait3A_1280 = tpu.memref_slice %arg3[%mul3A_1257] : memref<6400000xf32, #tpu.memory_space<hbm>> -> memref<2048xf32, #tpu.memory_space<hbm>>
    %dma_wait3A_1281 = tpu.memref_slice %arg3[%mul3A_1257] : memref<6400000xf32, #tpu.memory_space<hbm>> -> memref<2048xf32, #tpu.memory_space<hbm>>
    tpu.wait_dma2 semaphore(%arg12 : memref<!tpu.dma_semaphore, #tpu.memory_space<semaphore_mem>>) src(%dma_wait3A_1281 : memref<2048xf32, #tpu.memory_space<hbm>>) dst(%arg10 : memref<2048xf32, #tpu.memory_space<vmem>>)
    %dma_start3A_1282 = arith.constant 0 : i32
    %dma_start3A_1283 = tpu.memref_slice %arg4[%dma_start3A_1282] : memref<65048576xf32, #tpu.memory_space<hbm>> -> memref<65048576xf32, #tpu.memory_space<hbm>>
    tpu.enqueue_indirect_dma source(%arg10 : memref<2048xf32, #tpu.memory_space<vmem>>) target(%dma_start3A_1283 : memref<65048576xf32, #tpu.memory_space<hbm>>) offsets(%arg7 : memref<2048xi32, #tpu.memory_space<vmem>>) semaphore(%arg13 : memref<!tpu.dma_semaphore, #tpu.memory_space<semaphore_mem>>)
    %dma_wait3A_1284 = arith.constant 0 : i32
    %dma_wait3A_1285 = tpu.memref_slice %arg4[%dma_wait3A_1284] : memref<65048576xf32, #tpu.memory_space<hbm>> -> memref<65048576xf32, #tpu.memory_space<hbm>>
    tpu.wait_indirect_dma semaphore(%arg13 : memref<!tpu.dma_semaphore, #tpu.memory_space<semaphore_mem>>) src(%arg9 : memref<2048xf32, #tpu.memory_space<vmem>>) dst(%dma_wait3A_1285 : memref<65048576xf32, #tpu.memory_space<hbm>>)
    %add3A_1286 = arith.constant 2592 : i32
    %add3A_1287 = arith.addi %add3A, %add3A_1286 : i32
    %mul3A_1288 = arith.constant 2048 : i32
    %mul3A_1289 = arith.muli %add3A_1287, %mul3A_1288 : i32
    %dma_start3A_1290 = tpu.memref_slice %arg2[%mul3A_1289] : memref<6400000xi32, #tpu.memory_space<hbm>> -> memref<2048xi32, #tpu.memory_space<hbm>>
    %dma_start3A_1291 = tpu.memref_slice %arg2[%mul3A_1289] : memref<6400000xi32, #tpu.memory_space<hbm>> -> memref<2048xi32, #tpu.memory_space<hbm>>
    tpu.enqueue_dma source(%dma_start3A_1291 : memref<2048xi32, #tpu.memory_space<hbm>>) target(%arg6 : memref<2048xi32, #tpu.memory_space<vmem>>) target_semaphore(%arg12 : memref<!tpu.dma_semaphore, #tpu.memory_space<semaphore_mem>>)
    %dma_start3A_1292 = tpu.memref_slice %arg3[%mul3A_1289] : memref<6400000xf32, #tpu.memory_space<hbm>> -> memref<2048xf32, #tpu.memory_space<hbm>>
    %dma_start3A_1293 = tpu.memref_slice %arg3[%mul3A_1289] : memref<6400000xf32, #tpu.memory_space<hbm>> -> memref<2048xf32, #tpu.memory_space<hbm>>
    tpu.enqueue_dma source(%dma_start3A_1293 : memref<2048xf32, #tpu.memory_space<hbm>>) target(%arg9 : memref<2048xf32, #tpu.memory_space<vmem>>) target_semaphore(%arg12 : memref<!tpu.dma_semaphore, #tpu.memory_space<semaphore_mem>>)
    %dma_wait3A_1294 = tpu.memref_slice %arg2[%mul3A_1273] : memref<6400000xi32, #tpu.memory_space<hbm>> -> memref<2048xi32, #tpu.memory_space<hbm>>
    %dma_wait3A_1295 = tpu.memref_slice %arg2[%mul3A_1273] : memref<6400000xi32, #tpu.memory_space<hbm>> -> memref<2048xi32, #tpu.memory_space<hbm>>
    tpu.wait_dma2 semaphore(%arg12 : memref<!tpu.dma_semaphore, #tpu.memory_space<semaphore_mem>>) src(%dma_wait3A_1295 : memref<2048xi32, #tpu.memory_space<hbm>>) dst(%arg8 : memref<2048xi32, #tpu.memory_space<vmem>>)
    %dma_wait3A_1296 = tpu.memref_slice %arg3[%mul3A_1273] : memref<6400000xf32, #tpu.memory_space<hbm>> -> memref<2048xf32, #tpu.memory_space<hbm>>
    %dma_wait3A_1297 = tpu.memref_slice %arg3[%mul3A_1273] : memref<6400000xf32, #tpu.memory_space<hbm>> -> memref<2048xf32, #tpu.memory_space<hbm>>
    tpu.wait_dma2 semaphore(%arg12 : memref<!tpu.dma_semaphore, #tpu.memory_space<semaphore_mem>>) src(%dma_wait3A_1297 : memref<2048xf32, #tpu.memory_space<hbm>>) dst(%arg11 : memref<2048xf32, #tpu.memory_space<vmem>>)
    %dma_start3A_1298 = arith.constant 0 : i32
    %dma_start3A_1299 = tpu.memref_slice %arg4[%dma_start3A_1298] : memref<65048576xf32, #tpu.memory_space<hbm>> -> memref<65048576xf32, #tpu.memory_space<hbm>>
    tpu.enqueue_indirect_dma source(%arg11 : memref<2048xf32, #tpu.memory_space<vmem>>) target(%dma_start3A_1299 : memref<65048576xf32, #tpu.memory_space<hbm>>) offsets(%arg8 : memref<2048xi32, #tpu.memory_space<vmem>>) semaphore(%arg13 : memref<!tpu.dma_semaphore, #tpu.memory_space<semaphore_mem>>)
    %dma_wait3A_1300 = arith.constant 0 : i32
    %dma_wait3A_1301 = tpu.memref_slice %arg4[%dma_wait3A_1300] : memref<65048576xf32, #tpu.memory_space<hbm>> -> memref<65048576xf32, #tpu.memory_space<hbm>>
    tpu.wait_indirect_dma semaphore(%arg13 : memref<!tpu.dma_semaphore, #tpu.memory_space<semaphore_mem>>) src(%arg10 : memref<2048xf32, #tpu.memory_space<vmem>>) dst(%dma_wait3A_1301 : memref<65048576xf32, #tpu.memory_space<hbm>>)
    %add3A_1302 = arith.constant 2624 : i32
    %add3A_1303 = arith.addi %add3A, %add3A_1302 : i32
    %mul3A_1304 = arith.constant 2048 : i32
    %mul3A_1305 = arith.muli %add3A_1303, %mul3A_1304 : i32
    %dma_start3A_1306 = tpu.memref_slice %arg2[%mul3A_1305] : memref<6400000xi32, #tpu.memory_space<hbm>> -> memref<2048xi32, #tpu.memory_space<hbm>>
    %dma_start3A_1307 = tpu.memref_slice %arg2[%mul3A_1305] : memref<6400000xi32, #tpu.memory_space<hbm>> -> memref<2048xi32, #tpu.memory_space<hbm>>
    tpu.enqueue_dma source(%dma_start3A_1307 : memref<2048xi32, #tpu.memory_space<hbm>>) target(%arg7 : memref<2048xi32, #tpu.memory_space<vmem>>) target_semaphore(%arg12 : memref<!tpu.dma_semaphore, #tpu.memory_space<semaphore_mem>>)
    %dma_start3A_1308 = tpu.memref_slice %arg3[%mul3A_1305] : memref<6400000xf32, #tpu.memory_space<hbm>> -> memref<2048xf32, #tpu.memory_space<hbm>>
    %dma_start3A_1309 = tpu.memref_slice %arg3[%mul3A_1305] : memref<6400000xf32, #tpu.memory_space<hbm>> -> memref<2048xf32, #tpu.memory_space<hbm>>
    tpu.enqueue_dma source(%dma_start3A_1309 : memref<2048xf32, #tpu.memory_space<hbm>>) target(%arg10 : memref<2048xf32, #tpu.memory_space<vmem>>) target_semaphore(%arg12 : memref<!tpu.dma_semaphore, #tpu.memory_space<semaphore_mem>>)
    %dma_wait3A_1310 = tpu.memref_slice %arg2[%mul3A_1289] : memref<6400000xi32, #tpu.memory_space<hbm>> -> memref<2048xi32, #tpu.memory_space<hbm>>
    %dma_wait3A_1311 = tpu.memref_slice %arg2[%mul3A_1289] : memref<6400000xi32, #tpu.memory_space<hbm>> -> memref<2048xi32, #tpu.memory_space<hbm>>
    tpu.wait_dma2 semaphore(%arg12 : memref<!tpu.dma_semaphore, #tpu.memory_space<semaphore_mem>>) src(%dma_wait3A_1311 : memref<2048xi32, #tpu.memory_space<hbm>>) dst(%arg6 : memref<2048xi32, #tpu.memory_space<vmem>>)
    %dma_wait3A_1312 = tpu.memref_slice %arg3[%mul3A_1289] : memref<6400000xf32, #tpu.memory_space<hbm>> -> memref<2048xf32, #tpu.memory_space<hbm>>
    %dma_wait3A_1313 = tpu.memref_slice %arg3[%mul3A_1289] : memref<6400000xf32, #tpu.memory_space<hbm>> -> memref<2048xf32, #tpu.memory_space<hbm>>
    tpu.wait_dma2 semaphore(%arg12 : memref<!tpu.dma_semaphore, #tpu.memory_space<semaphore_mem>>) src(%dma_wait3A_1313 : memref<2048xf32, #tpu.memory_space<hbm>>) dst(%arg9 : memref<2048xf32, #tpu.memory_space<vmem>>)
    %dma_start3A_1314 = arith.constant 0 : i32
    %dma_start3A_1315 = tpu.memref_slice %arg4[%dma_start3A_1314] : memref<65048576xf32, #tpu.memory_space<hbm>> -> memref<65048576xf32, #tpu.memory_space<hbm>>
    tpu.enqueue_indirect_dma source(%arg9 : memref<2048xf32, #tpu.memory_space<vmem>>) target(%dma_start3A_1315 : memref<65048576xf32, #tpu.memory_space<hbm>>) offsets(%arg6 : memref<2048xi32, #tpu.memory_space<vmem>>) semaphore(%arg13 : memref<!tpu.dma_semaphore, #tpu.memory_space<semaphore_mem>>)
    %dma_wait3A_1316 = arith.constant 0 : i32
    %dma_wait3A_1317 = tpu.memref_slice %arg4[%dma_wait3A_1316] : memref<65048576xf32, #tpu.memory_space<hbm>> -> memref<65048576xf32, #tpu.memory_space<hbm>>
    tpu.wait_indirect_dma semaphore(%arg13 : memref<!tpu.dma_semaphore, #tpu.memory_space<semaphore_mem>>) src(%arg11 : memref<2048xf32, #tpu.memory_space<vmem>>) dst(%dma_wait3A_1317 : memref<65048576xf32, #tpu.memory_space<hbm>>)
    %add3A_1318 = arith.constant 2656 : i32
    %add3A_1319 = arith.addi %add3A, %add3A_1318 : i32
    %mul3A_1320 = arith.constant 2048 : i32
    %mul3A_1321 = arith.muli %add3A_1319, %mul3A_1320 : i32
    %dma_start3A_1322 = tpu.memref_slice %arg2[%mul3A_1321] : memref<6400000xi32, #tpu.memory_space<hbm>> -> memref<2048xi32, #tpu.memory_space<hbm>>
    %dma_start3A_1323 = tpu.memref_slice %arg2[%mul3A_1321] : memref<6400000xi32, #tpu.memory_space<hbm>> -> memref<2048xi32, #tpu.memory_space<hbm>>
    tpu.enqueue_dma source(%dma_start3A_1323 : memref<2048xi32, #tpu.memory_space<hbm>>) target(%arg8 : memref<2048xi32, #tpu.memory_space<vmem>>) target_semaphore(%arg12 : memref<!tpu.dma_semaphore, #tpu.memory_space<semaphore_mem>>)
    %dma_start3A_1324 = tpu.memref_slice %arg3[%mul3A_1321] : memref<6400000xf32, #tpu.memory_space<hbm>> -> memref<2048xf32, #tpu.memory_space<hbm>>
    %dma_start3A_1325 = tpu.memref_slice %arg3[%mul3A_1321] : memref<6400000xf32, #tpu.memory_space<hbm>> -> memref<2048xf32, #tpu.memory_space<hbm>>
    tpu.enqueue_dma source(%dma_start3A_1325 : memref<2048xf32, #tpu.memory_space<hbm>>) target(%arg11 : memref<2048xf32, #tpu.memory_space<vmem>>) target_semaphore(%arg12 : memref<!tpu.dma_semaphore, #tpu.memory_space<semaphore_mem>>)
    %dma_wait3A_1326 = tpu.memref_slice %arg2[%mul3A_1305] : memref<6400000xi32, #tpu.memory_space<hbm>> -> memref<2048xi32, #tpu.memory_space<hbm>>
    %dma_wait3A_1327 = tpu.memref_slice %arg2[%mul3A_1305] : memref<6400000xi32, #tpu.memory_space<hbm>> -> memref<2048xi32, #tpu.memory_space<hbm>>
    tpu.wait_dma2 semaphore(%arg12 : memref<!tpu.dma_semaphore, #tpu.memory_space<semaphore_mem>>) src(%dma_wait3A_1327 : memref<2048xi32, #tpu.memory_space<hbm>>) dst(%arg7 : memref<2048xi32, #tpu.memory_space<vmem>>)
    %dma_wait3A_1328 = tpu.memref_slice %arg3[%mul3A_1305] : memref<6400000xf32, #tpu.memory_space<hbm>> -> memref<2048xf32, #tpu.memory_space<hbm>>
    %dma_wait3A_1329 = tpu.memref_slice %arg3[%mul3A_1305] : memref<6400000xf32, #tpu.memory_space<hbm>> -> memref<2048xf32, #tpu.memory_space<hbm>>
    tpu.wait_dma2 semaphore(%arg12 : memref<!tpu.dma_semaphore, #tpu.memory_space<semaphore_mem>>) src(%dma_wait3A_1329 : memref<2048xf32, #tpu.memory_space<hbm>>) dst(%arg10 : memref<2048xf32, #tpu.memory_space<vmem>>)
    %dma_start3A_1330 = arith.constant 0 : i32
    %dma_start3A_1331 = tpu.memref_slice %arg4[%dma_start3A_1330] : memref<65048576xf32, #tpu.memory_space<hbm>> -> memref<65048576xf32, #tpu.memory_space<hbm>>
    tpu.enqueue_indirect_dma source(%arg10 : memref<2048xf32, #tpu.memory_space<vmem>>) target(%dma_start3A_1331 : memref<65048576xf32, #tpu.memory_space<hbm>>) offsets(%arg7 : memref<2048xi32, #tpu.memory_space<vmem>>) semaphore(%arg13 : memref<!tpu.dma_semaphore, #tpu.memory_space<semaphore_mem>>)
    %dma_wait3A_1332 = arith.constant 0 : i32
    %dma_wait3A_1333 = tpu.memref_slice %arg4[%dma_wait3A_1332] : memref<65048576xf32, #tpu.memory_space<hbm>> -> memref<65048576xf32, #tpu.memory_space<hbm>>
    tpu.wait_indirect_dma semaphore(%arg13 : memref<!tpu.dma_semaphore, #tpu.memory_space<semaphore_mem>>) src(%arg9 : memref<2048xf32, #tpu.memory_space<vmem>>) dst(%dma_wait3A_1333 : memref<65048576xf32, #tpu.memory_space<hbm>>)
    %add3A_1334 = arith.constant 2688 : i32
    %add3A_1335 = arith.addi %add3A, %add3A_1334 : i32
    %mul3A_1336 = arith.constant 2048 : i32
    %mul3A_1337 = arith.muli %add3A_1335, %mul3A_1336 : i32
    %dma_start3A_1338 = tpu.memref_slice %arg2[%mul3A_1337] : memref<6400000xi32, #tpu.memory_space<hbm>> -> memref<2048xi32, #tpu.memory_space<hbm>>
    %dma_start3A_1339 = tpu.memref_slice %arg2[%mul3A_1337] : memref<6400000xi32, #tpu.memory_space<hbm>> -> memref<2048xi32, #tpu.memory_space<hbm>>
    tpu.enqueue_dma source(%dma_start3A_1339 : memref<2048xi32, #tpu.memory_space<hbm>>) target(%arg6 : memref<2048xi32, #tpu.memory_space<vmem>>) target_semaphore(%arg12 : memref<!tpu.dma_semaphore, #tpu.memory_space<semaphore_mem>>)
    %dma_start3A_1340 = tpu.memref_slice %arg3[%mul3A_1337] : memref<6400000xf32, #tpu.memory_space<hbm>> -> memref<2048xf32, #tpu.memory_space<hbm>>
    %dma_start3A_1341 = tpu.memref_slice %arg3[%mul3A_1337] : memref<6400000xf32, #tpu.memory_space<hbm>> -> memref<2048xf32, #tpu.memory_space<hbm>>
    tpu.enqueue_dma source(%dma_start3A_1341 : memref<2048xf32, #tpu.memory_space<hbm>>) target(%arg9 : memref<2048xf32, #tpu.memory_space<vmem>>) target_semaphore(%arg12 : memref<!tpu.dma_semaphore, #tpu.memory_space<semaphore_mem>>)
    %dma_wait3A_1342 = tpu.memref_slice %arg2[%mul3A_1321] : memref<6400000xi32, #tpu.memory_space<hbm>> -> memref<2048xi32, #tpu.memory_space<hbm>>
    %dma_wait3A_1343 = tpu.memref_slice %arg2[%mul3A_1321] : memref<6400000xi32, #tpu.memory_space<hbm>> -> memref<2048xi32, #tpu.memory_space<hbm>>
    tpu.wait_dma2 semaphore(%arg12 : memref<!tpu.dma_semaphore, #tpu.memory_space<semaphore_mem>>) src(%dma_wait3A_1343 : memref<2048xi32, #tpu.memory_space<hbm>>) dst(%arg8 : memref<2048xi32, #tpu.memory_space<vmem>>)
    %dma_wait3A_1344 = tpu.memref_slice %arg3[%mul3A_1321] : memref<6400000xf32, #tpu.memory_space<hbm>> -> memref<2048xf32, #tpu.memory_space<hbm>>
    %dma_wait3A_1345 = tpu.memref_slice %arg3[%mul3A_1321] : memref<6400000xf32, #tpu.memory_space<hbm>> -> memref<2048xf32, #tpu.memory_space<hbm>>
    tpu.wait_dma2 semaphore(%arg12 : memref<!tpu.dma_semaphore, #tpu.memory_space<semaphore_mem>>) src(%dma_wait3A_1345 : memref<2048xf32, #tpu.memory_space<hbm>>) dst(%arg11 : memref<2048xf32, #tpu.memory_space<vmem>>)
    %dma_start3A_1346 = arith.constant 0 : i32
    %dma_start3A_1347 = tpu.memref_slice %arg4[%dma_start3A_1346] : memref<65048576xf32, #tpu.memory_space<hbm>> -> memref<65048576xf32, #tpu.memory_space<hbm>>
    tpu.enqueue_indirect_dma source(%arg11 : memref<2048xf32, #tpu.memory_space<vmem>>) target(%dma_start3A_1347 : memref<65048576xf32, #tpu.memory_space<hbm>>) offsets(%arg8 : memref<2048xi32, #tpu.memory_space<vmem>>) semaphore(%arg13 : memref<!tpu.dma_semaphore, #tpu.memory_space<semaphore_mem>>)
    %dma_wait3A_1348 = arith.constant 0 : i32
    %dma_wait3A_1349 = tpu.memref_slice %arg4[%dma_wait3A_1348] : memref<65048576xf32, #tpu.memory_space<hbm>> -> memref<65048576xf32, #tpu.memory_space<hbm>>
    tpu.wait_indirect_dma semaphore(%arg13 : memref<!tpu.dma_semaphore, #tpu.memory_space<semaphore_mem>>) src(%arg10 : memref<2048xf32, #tpu.memory_space<vmem>>) dst(%dma_wait3A_1349 : memref<65048576xf32, #tpu.memory_space<hbm>>)
    %add3A_1350 = arith.constant 2720 : i32
    %add3A_1351 = arith.addi %add3A, %add3A_1350 : i32
    %mul3A_1352 = arith.constant 2048 : i32
    %mul3A_1353 = arith.muli %add3A_1351, %mul3A_1352 : i32
    %dma_start3A_1354 = tpu.memref_slice %arg2[%mul3A_1353] : memref<6400000xi32, #tpu.memory_space<hbm>> -> memref<2048xi32, #tpu.memory_space<hbm>>
    %dma_start3A_1355 = tpu.memref_slice %arg2[%mul3A_1353] : memref<6400000xi32, #tpu.memory_space<hbm>> -> memref<2048xi32, #tpu.memory_space<hbm>>
    tpu.enqueue_dma source(%dma_start3A_1355 : memref<2048xi32, #tpu.memory_space<hbm>>) target(%arg7 : memref<2048xi32, #tpu.memory_space<vmem>>) target_semaphore(%arg12 : memref<!tpu.dma_semaphore, #tpu.memory_space<semaphore_mem>>)
    %dma_start3A_1356 = tpu.memref_slice %arg3[%mul3A_1353] : memref<6400000xf32, #tpu.memory_space<hbm>> -> memref<2048xf32, #tpu.memory_space<hbm>>
    %dma_start3A_1357 = tpu.memref_slice %arg3[%mul3A_1353] : memref<6400000xf32, #tpu.memory_space<hbm>> -> memref<2048xf32, #tpu.memory_space<hbm>>
    tpu.enqueue_dma source(%dma_start3A_1357 : memref<2048xf32, #tpu.memory_space<hbm>>) target(%arg10 : memref<2048xf32, #tpu.memory_space<vmem>>) target_semaphore(%arg12 : memref<!tpu.dma_semaphore, #tpu.memory_space<semaphore_mem>>)
    %dma_wait3A_1358 = tpu.memref_slice %arg2[%mul3A_1337] : memref<6400000xi32, #tpu.memory_space<hbm>> -> memref<2048xi32, #tpu.memory_space<hbm>>
    %dma_wait3A_1359 = tpu.memref_slice %arg2[%mul3A_1337] : memref<6400000xi32, #tpu.memory_space<hbm>> -> memref<2048xi32, #tpu.memory_space<hbm>>
    tpu.wait_dma2 semaphore(%arg12 : memref<!tpu.dma_semaphore, #tpu.memory_space<semaphore_mem>>) src(%dma_wait3A_1359 : memref<2048xi32, #tpu.memory_space<hbm>>) dst(%arg6 : memref<2048xi32, #tpu.memory_space<vmem>>)
    %dma_wait3A_1360 = tpu.memref_slice %arg3[%mul3A_1337] : memref<6400000xf32, #tpu.memory_space<hbm>> -> memref<2048xf32, #tpu.memory_space<hbm>>
    %dma_wait3A_1361 = tpu.memref_slice %arg3[%mul3A_1337] : memref<6400000xf32, #tpu.memory_space<hbm>> -> memref<2048xf32, #tpu.memory_space<hbm>>
    tpu.wait_dma2 semaphore(%arg12 : memref<!tpu.dma_semaphore, #tpu.memory_space<semaphore_mem>>) src(%dma_wait3A_1361 : memref<2048xf32, #tpu.memory_space<hbm>>) dst(%arg9 : memref<2048xf32, #tpu.memory_space<vmem>>)
    %dma_start3A_1362 = arith.constant 0 : i32
    %dma_start3A_1363 = tpu.memref_slice %arg4[%dma_start3A_1362] : memref<65048576xf32, #tpu.memory_space<hbm>> -> memref<65048576xf32, #tpu.memory_space<hbm>>
    tpu.enqueue_indirect_dma source(%arg9 : memref<2048xf32, #tpu.memory_space<vmem>>) target(%dma_start3A_1363 : memref<65048576xf32, #tpu.memory_space<hbm>>) offsets(%arg6 : memref<2048xi32, #tpu.memory_space<vmem>>) semaphore(%arg13 : memref<!tpu.dma_semaphore, #tpu.memory_space<semaphore_mem>>)
    %dma_wait3A_1364 = arith.constant 0 : i32
    %dma_wait3A_1365 = tpu.memref_slice %arg4[%dma_wait3A_1364] : memref<65048576xf32, #tpu.memory_space<hbm>> -> memref<65048576xf32, #tpu.memory_space<hbm>>
    tpu.wait_indirect_dma semaphore(%arg13 : memref<!tpu.dma_semaphore, #tpu.memory_space<semaphore_mem>>) src(%arg11 : memref<2048xf32, #tpu.memory_space<vmem>>) dst(%dma_wait3A_1365 : memref<65048576xf32, #tpu.memory_space<hbm>>)
    %add3A_1366 = arith.constant 2752 : i32
    %add3A_1367 = arith.addi %add3A, %add3A_1366 : i32
    %mul3A_1368 = arith.constant 2048 : i32
    %mul3A_1369 = arith.muli %add3A_1367, %mul3A_1368 : i32
    %dma_start3A_1370 = tpu.memref_slice %arg2[%mul3A_1369] : memref<6400000xi32, #tpu.memory_space<hbm>> -> memref<2048xi32, #tpu.memory_space<hbm>>
    %dma_start3A_1371 = tpu.memref_slice %arg2[%mul3A_1369] : memref<6400000xi32, #tpu.memory_space<hbm>> -> memref<2048xi32, #tpu.memory_space<hbm>>
    tpu.enqueue_dma source(%dma_start3A_1371 : memref<2048xi32, #tpu.memory_space<hbm>>) target(%arg8 : memref<2048xi32, #tpu.memory_space<vmem>>) target_semaphore(%arg12 : memref<!tpu.dma_semaphore, #tpu.memory_space<semaphore_mem>>)
    %dma_start3A_1372 = tpu.memref_slice %arg3[%mul3A_1369] : memref<6400000xf32, #tpu.memory_space<hbm>> -> memref<2048xf32, #tpu.memory_space<hbm>>
    %dma_start3A_1373 = tpu.memref_slice %arg3[%mul3A_1369] : memref<6400000xf32, #tpu.memory_space<hbm>> -> memref<2048xf32, #tpu.memory_space<hbm>>
    tpu.enqueue_dma source(%dma_start3A_1373 : memref<2048xf32, #tpu.memory_space<hbm>>) target(%arg11 : memref<2048xf32, #tpu.memory_space<vmem>>) target_semaphore(%arg12 : memref<!tpu.dma_semaphore, #tpu.memory_space<semaphore_mem>>)
    %dma_wait3A_1374 = tpu.memref_slice %arg2[%mul3A_1353] : memref<6400000xi32, #tpu.memory_space<hbm>> -> memref<2048xi32, #tpu.memory_space<hbm>>
    %dma_wait3A_1375 = tpu.memref_slice %arg2[%mul3A_1353] : memref<6400000xi32, #tpu.memory_space<hbm>> -> memref<2048xi32, #tpu.memory_space<hbm>>
    tpu.wait_dma2 semaphore(%arg12 : memref<!tpu.dma_semaphore, #tpu.memory_space<semaphore_mem>>) src(%dma_wait3A_1375 : memref<2048xi32, #tpu.memory_space<hbm>>) dst(%arg7 : memref<2048xi32, #tpu.memory_space<vmem>>)
    %dma_wait3A_1376 = tpu.memref_slice %arg3[%mul3A_1353] : memref<6400000xf32, #tpu.memory_space<hbm>> -> memref<2048xf32, #tpu.memory_space<hbm>>
    %dma_wait3A_1377 = tpu.memref_slice %arg3[%mul3A_1353] : memref<6400000xf32, #tpu.memory_space<hbm>> -> memref<2048xf32, #tpu.memory_space<hbm>>
    tpu.wait_dma2 semaphore(%arg12 : memref<!tpu.dma_semaphore, #tpu.memory_space<semaphore_mem>>) src(%dma_wait3A_1377 : memref<2048xf32, #tpu.memory_space<hbm>>) dst(%arg10 : memref<2048xf32, #tpu.memory_space<vmem>>)
    %dma_start3A_1378 = arith.constant 0 : i32
    %dma_start3A_1379 = tpu.memref_slice %arg4[%dma_start3A_1378] : memref<65048576xf32, #tpu.memory_space<hbm>> -> memref<65048576xf32, #tpu.memory_space<hbm>>
    tpu.enqueue_indirect_dma source(%arg10 : memref<2048xf32, #tpu.memory_space<vmem>>) target(%dma_start3A_1379 : memref<65048576xf32, #tpu.memory_space<hbm>>) offsets(%arg7 : memref<2048xi32, #tpu.memory_space<vmem>>) semaphore(%arg13 : memref<!tpu.dma_semaphore, #tpu.memory_space<semaphore_mem>>)
    %dma_wait3A_1380 = arith.constant 0 : i32
    %dma_wait3A_1381 = tpu.memref_slice %arg4[%dma_wait3A_1380] : memref<65048576xf32, #tpu.memory_space<hbm>> -> memref<65048576xf32, #tpu.memory_space<hbm>>
    tpu.wait_indirect_dma semaphore(%arg13 : memref<!tpu.dma_semaphore, #tpu.memory_space<semaphore_mem>>) src(%arg9 : memref<2048xf32, #tpu.memory_space<vmem>>) dst(%dma_wait3A_1381 : memref<65048576xf32, #tpu.memory_space<hbm>>)
    %add3A_1382 = arith.constant 2784 : i32
    %add3A_1383 = arith.addi %add3A, %add3A_1382 : i32
    %mul3A_1384 = arith.constant 2048 : i32
    %mul3A_1385 = arith.muli %add3A_1383, %mul3A_1384 : i32
    %dma_start3A_1386 = tpu.memref_slice %arg2[%mul3A_1385] : memref<6400000xi32, #tpu.memory_space<hbm>> -> memref<2048xi32, #tpu.memory_space<hbm>>
    %dma_start3A_1387 = tpu.memref_slice %arg2[%mul3A_1385] : memref<6400000xi32, #tpu.memory_space<hbm>> -> memref<2048xi32, #tpu.memory_space<hbm>>
    tpu.enqueue_dma source(%dma_start3A_1387 : memref<2048xi32, #tpu.memory_space<hbm>>) target(%arg6 : memref<2048xi32, #tpu.memory_space<vmem>>) target_semaphore(%arg12 : memref<!tpu.dma_semaphore, #tpu.memory_space<semaphore_mem>>)
    %dma_start3A_1388 = tpu.memref_slice %arg3[%mul3A_1385] : memref<6400000xf32, #tpu.memory_space<hbm>> -> memref<2048xf32, #tpu.memory_space<hbm>>
    %dma_start3A_1389 = tpu.memref_slice %arg3[%mul3A_1385] : memref<6400000xf32, #tpu.memory_space<hbm>> -> memref<2048xf32, #tpu.memory_space<hbm>>
    tpu.enqueue_dma source(%dma_start3A_1389 : memref<2048xf32, #tpu.memory_space<hbm>>) target(%arg9 : memref<2048xf32, #tpu.memory_space<vmem>>) target_semaphore(%arg12 : memref<!tpu.dma_semaphore, #tpu.memory_space<semaphore_mem>>)
    %dma_wait3A_1390 = tpu.memref_slice %arg2[%mul3A_1369] : memref<6400000xi32, #tpu.memory_space<hbm>> -> memref<2048xi32, #tpu.memory_space<hbm>>
    %dma_wait3A_1391 = tpu.memref_slice %arg2[%mul3A_1369] : memref<6400000xi32, #tpu.memory_space<hbm>> -> memref<2048xi32, #tpu.memory_space<hbm>>
    tpu.wait_dma2 semaphore(%arg12 : memref<!tpu.dma_semaphore, #tpu.memory_space<semaphore_mem>>) src(%dma_wait3A_1391 : memref<2048xi32, #tpu.memory_space<hbm>>) dst(%arg8 : memref<2048xi32, #tpu.memory_space<vmem>>)
    %dma_wait3A_1392 = tpu.memref_slice %arg3[%mul3A_1369] : memref<6400000xf32, #tpu.memory_space<hbm>> -> memref<2048xf32, #tpu.memory_space<hbm>>
    %dma_wait3A_1393 = tpu.memref_slice %arg3[%mul3A_1369] : memref<6400000xf32, #tpu.memory_space<hbm>> -> memref<2048xf32, #tpu.memory_space<hbm>>
    tpu.wait_dma2 semaphore(%arg12 : memref<!tpu.dma_semaphore, #tpu.memory_space<semaphore_mem>>) src(%dma_wait3A_1393 : memref<2048xf32, #tpu.memory_space<hbm>>) dst(%arg11 : memref<2048xf32, #tpu.memory_space<vmem>>)
    %dma_start3A_1394 = arith.constant 0 : i32
    %dma_start3A_1395 = tpu.memref_slice %arg4[%dma_start3A_1394] : memref<65048576xf32, #tpu.memory_space<hbm>> -> memref<65048576xf32, #tpu.memory_space<hbm>>
    tpu.enqueue_indirect_dma source(%arg11 : memref<2048xf32, #tpu.memory_space<vmem>>) target(%dma_start3A_1395 : memref<65048576xf32, #tpu.memory_space<hbm>>) offsets(%arg8 : memref<2048xi32, #tpu.memory_space<vmem>>) semaphore(%arg13 : memref<!tpu.dma_semaphore, #tpu.memory_space<semaphore_mem>>)
    %dma_wait3A_1396 = arith.constant 0 : i32
    %dma_wait3A_1397 = tpu.memref_slice %arg4[%dma_wait3A_1396] : memref<65048576xf32, #tpu.memory_space<hbm>> -> memref<65048576xf32, #tpu.memory_space<hbm>>
    tpu.wait_indirect_dma semaphore(%arg13 : memref<!tpu.dma_semaphore, #tpu.memory_space<semaphore_mem>>) src(%arg10 : memref<2048xf32, #tpu.memory_space<vmem>>) dst(%dma_wait3A_1397 : memref<65048576xf32, #tpu.memory_space<hbm>>)
    %add3A_1398 = arith.constant 2816 : i32
    %add3A_1399 = arith.addi %add3A, %add3A_1398 : i32
    %mul3A_1400 = arith.constant 2048 : i32
    %mul3A_1401 = arith.muli %add3A_1399, %mul3A_1400 : i32
    %dma_start3A_1402 = tpu.memref_slice %arg2[%mul3A_1401] : memref<6400000xi32, #tpu.memory_space<hbm>> -> memref<2048xi32, #tpu.memory_space<hbm>>
    %dma_start3A_1403 = tpu.memref_slice %arg2[%mul3A_1401] : memref<6400000xi32, #tpu.memory_space<hbm>> -> memref<2048xi32, #tpu.memory_space<hbm>>
    tpu.enqueue_dma source(%dma_start3A_1403 : memref<2048xi32, #tpu.memory_space<hbm>>) target(%arg7 : memref<2048xi32, #tpu.memory_space<vmem>>) target_semaphore(%arg12 : memref<!tpu.dma_semaphore, #tpu.memory_space<semaphore_mem>>)
    %dma_start3A_1404 = tpu.memref_slice %arg3[%mul3A_1401] : memref<6400000xf32, #tpu.memory_space<hbm>> -> memref<2048xf32, #tpu.memory_space<hbm>>
    %dma_start3A_1405 = tpu.memref_slice %arg3[%mul3A_1401] : memref<6400000xf32, #tpu.memory_space<hbm>> -> memref<2048xf32, #tpu.memory_space<hbm>>
    tpu.enqueue_dma source(%dma_start3A_1405 : memref<2048xf32, #tpu.memory_space<hbm>>) target(%arg10 : memref<2048xf32, #tpu.memory_space<vmem>>) target_semaphore(%arg12 : memref<!tpu.dma_semaphore, #tpu.memory_space<semaphore_mem>>)
    %dma_wait3A_1406 = tpu.memref_slice %arg2[%mul3A_1385] : memref<6400000xi32, #tpu.memory_space<hbm>> -> memref<2048xi32, #tpu.memory_space<hbm>>
    %dma_wait3A_1407 = tpu.memref_slice %arg2[%mul3A_1385] : memref<6400000xi32, #tpu.memory_space<hbm>> -> memref<2048xi32, #tpu.memory_space<hbm>>
    tpu.wait_dma2 semaphore(%arg12 : memref<!tpu.dma_semaphore, #tpu.memory_space<semaphore_mem>>) src(%dma_wait3A_1407 : memref<2048xi32, #tpu.memory_space<hbm>>) dst(%arg6 : memref<2048xi32, #tpu.memory_space<vmem>>)
    %dma_wait3A_1408 = tpu.memref_slice %arg3[%mul3A_1385] : memref<6400000xf32, #tpu.memory_space<hbm>> -> memref<2048xf32, #tpu.memory_space<hbm>>
    %dma_wait3A_1409 = tpu.memref_slice %arg3[%mul3A_1385] : memref<6400000xf32, #tpu.memory_space<hbm>> -> memref<2048xf32, #tpu.memory_space<hbm>>
    tpu.wait_dma2 semaphore(%arg12 : memref<!tpu.dma_semaphore, #tpu.memory_space<semaphore_mem>>) src(%dma_wait3A_1409 : memref<2048xf32, #tpu.memory_space<hbm>>) dst(%arg9 : memref<2048xf32, #tpu.memory_space<vmem>>)
    %dma_start3A_1410 = arith.constant 0 : i32
    %dma_start3A_1411 = tpu.memref_slice %arg4[%dma_start3A_1410] : memref<65048576xf32, #tpu.memory_space<hbm>> -> memref<65048576xf32, #tpu.memory_space<hbm>>
    tpu.enqueue_indirect_dma source(%arg9 : memref<2048xf32, #tpu.memory_space<vmem>>) target(%dma_start3A_1411 : memref<65048576xf32, #tpu.memory_space<hbm>>) offsets(%arg6 : memref<2048xi32, #tpu.memory_space<vmem>>) semaphore(%arg13 : memref<!tpu.dma_semaphore, #tpu.memory_space<semaphore_mem>>)
    %dma_wait3A_1412 = arith.constant 0 : i32
    %dma_wait3A_1413 = tpu.memref_slice %arg4[%dma_wait3A_1412] : memref<65048576xf32, #tpu.memory_space<hbm>> -> memref<65048576xf32, #tpu.memory_space<hbm>>
    tpu.wait_indirect_dma semaphore(%arg13 : memref<!tpu.dma_semaphore, #tpu.memory_space<semaphore_mem>>) src(%arg11 : memref<2048xf32, #tpu.memory_space<vmem>>) dst(%dma_wait3A_1413 : memref<65048576xf32, #tpu.memory_space<hbm>>)
    %add3A_1414 = arith.constant 2848 : i32
    %add3A_1415 = arith.addi %add3A, %add3A_1414 : i32
    %mul3A_1416 = arith.constant 2048 : i32
    %mul3A_1417 = arith.muli %add3A_1415, %mul3A_1416 : i32
    %dma_start3A_1418 = tpu.memref_slice %arg2[%mul3A_1417] : memref<6400000xi32, #tpu.memory_space<hbm>> -> memref<2048xi32, #tpu.memory_space<hbm>>
    %dma_start3A_1419 = tpu.memref_slice %arg2[%mul3A_1417] : memref<6400000xi32, #tpu.memory_space<hbm>> -> memref<2048xi32, #tpu.memory_space<hbm>>
    tpu.enqueue_dma source(%dma_start3A_1419 : memref<2048xi32, #tpu.memory_space<hbm>>) target(%arg8 : memref<2048xi32, #tpu.memory_space<vmem>>) target_semaphore(%arg12 : memref<!tpu.dma_semaphore, #tpu.memory_space<semaphore_mem>>)
    %dma_start3A_1420 = tpu.memref_slice %arg3[%mul3A_1417] : memref<6400000xf32, #tpu.memory_space<hbm>> -> memref<2048xf32, #tpu.memory_space<hbm>>
    %dma_start3A_1421 = tpu.memref_slice %arg3[%mul3A_1417] : memref<6400000xf32, #tpu.memory_space<hbm>> -> memref<2048xf32, #tpu.memory_space<hbm>>
    tpu.enqueue_dma source(%dma_start3A_1421 : memref<2048xf32, #tpu.memory_space<hbm>>) target(%arg11 : memref<2048xf32, #tpu.memory_space<vmem>>) target_semaphore(%arg12 : memref<!tpu.dma_semaphore, #tpu.memory_space<semaphore_mem>>)
    %dma_wait3A_1422 = tpu.memref_slice %arg2[%mul3A_1401] : memref<6400000xi32, #tpu.memory_space<hbm>> -> memref<2048xi32, #tpu.memory_space<hbm>>
    %dma_wait3A_1423 = tpu.memref_slice %arg2[%mul3A_1401] : memref<6400000xi32, #tpu.memory_space<hbm>> -> memref<2048xi32, #tpu.memory_space<hbm>>
    tpu.wait_dma2 semaphore(%arg12 : memref<!tpu.dma_semaphore, #tpu.memory_space<semaphore_mem>>) src(%dma_wait3A_1423 : memref<2048xi32, #tpu.memory_space<hbm>>) dst(%arg7 : memref<2048xi32, #tpu.memory_space<vmem>>)
    %dma_wait3A_1424 = tpu.memref_slice %arg3[%mul3A_1401] : memref<6400000xf32, #tpu.memory_space<hbm>> -> memref<2048xf32, #tpu.memory_space<hbm>>
    %dma_wait3A_1425 = tpu.memref_slice %arg3[%mul3A_1401] : memref<6400000xf32, #tpu.memory_space<hbm>> -> memref<2048xf32, #tpu.memory_space<hbm>>
    tpu.wait_dma2 semaphore(%arg12 : memref<!tpu.dma_semaphore, #tpu.memory_space<semaphore_mem>>) src(%dma_wait3A_1425 : memref<2048xf32, #tpu.memory_space<hbm>>) dst(%arg10 : memref<2048xf32, #tpu.memory_space<vmem>>)
    %dma_start3A_1426 = arith.constant 0 : i32
    %dma_start3A_1427 = tpu.memref_slice %arg4[%dma_start3A_1426] : memref<65048576xf32, #tpu.memory_space<hbm>> -> memref<65048576xf32, #tpu.memory_space<hbm>>
    tpu.enqueue_indirect_dma source(%arg10 : memref<2048xf32, #tpu.memory_space<vmem>>) target(%dma_start3A_1427 : memref<65048576xf32, #tpu.memory_space<hbm>>) offsets(%arg7 : memref<2048xi32, #tpu.memory_space<vmem>>) semaphore(%arg13 : memref<!tpu.dma_semaphore, #tpu.memory_space<semaphore_mem>>)
    %dma_wait3A_1428 = arith.constant 0 : i32
    %dma_wait3A_1429 = tpu.memref_slice %arg4[%dma_wait3A_1428] : memref<65048576xf32, #tpu.memory_space<hbm>> -> memref<65048576xf32, #tpu.memory_space<hbm>>
    tpu.wait_indirect_dma semaphore(%arg13 : memref<!tpu.dma_semaphore, #tpu.memory_space<semaphore_mem>>) src(%arg9 : memref<2048xf32, #tpu.memory_space<vmem>>) dst(%dma_wait3A_1429 : memref<65048576xf32, #tpu.memory_space<hbm>>)
    %add3A_1430 = arith.constant 2880 : i32
    %add3A_1431 = arith.addi %add3A, %add3A_1430 : i32
    %mul3A_1432 = arith.constant 2048 : i32
    %mul3A_1433 = arith.muli %add3A_1431, %mul3A_1432 : i32
    %dma_start3A_1434 = tpu.memref_slice %arg2[%mul3A_1433] : memref<6400000xi32, #tpu.memory_space<hbm>> -> memref<2048xi32, #tpu.memory_space<hbm>>
    %dma_start3A_1435 = tpu.memref_slice %arg2[%mul3A_1433] : memref<6400000xi32, #tpu.memory_space<hbm>> -> memref<2048xi32, #tpu.memory_space<hbm>>
    tpu.enqueue_dma source(%dma_start3A_1435 : memref<2048xi32, #tpu.memory_space<hbm>>) target(%arg6 : memref<2048xi32, #tpu.memory_space<vmem>>) target_semaphore(%arg12 : memref<!tpu.dma_semaphore, #tpu.memory_space<semaphore_mem>>)
    %dma_start3A_1436 = tpu.memref_slice %arg3[%mul3A_1433] : memref<6400000xf32, #tpu.memory_space<hbm>> -> memref<2048xf32, #tpu.memory_space<hbm>>
    %dma_start3A_1437 = tpu.memref_slice %arg3[%mul3A_1433] : memref<6400000xf32, #tpu.memory_space<hbm>> -> memref<2048xf32, #tpu.memory_space<hbm>>
    tpu.enqueue_dma source(%dma_start3A_1437 : memref<2048xf32, #tpu.memory_space<hbm>>) target(%arg9 : memref<2048xf32, #tpu.memory_space<vmem>>) target_semaphore(%arg12 : memref<!tpu.dma_semaphore, #tpu.memory_space<semaphore_mem>>)
    %dma_wait3A_1438 = tpu.memref_slice %arg2[%mul3A_1417] : memref<6400000xi32, #tpu.memory_space<hbm>> -> memref<2048xi32, #tpu.memory_space<hbm>>
    %dma_wait3A_1439 = tpu.memref_slice %arg2[%mul3A_1417] : memref<6400000xi32, #tpu.memory_space<hbm>> -> memref<2048xi32, #tpu.memory_space<hbm>>
    tpu.wait_dma2 semaphore(%arg12 : memref<!tpu.dma_semaphore, #tpu.memory_space<semaphore_mem>>) src(%dma_wait3A_1439 : memref<2048xi32, #tpu.memory_space<hbm>>) dst(%arg8 : memref<2048xi32, #tpu.memory_space<vmem>>)
    %dma_wait3A_1440 = tpu.memref_slice %arg3[%mul3A_1417] : memref<6400000xf32, #tpu.memory_space<hbm>> -> memref<2048xf32, #tpu.memory_space<hbm>>
    %dma_wait3A_1441 = tpu.memref_slice %arg3[%mul3A_1417] : memref<6400000xf32, #tpu.memory_space<hbm>> -> memref<2048xf32, #tpu.memory_space<hbm>>
    tpu.wait_dma2 semaphore(%arg12 : memref<!tpu.dma_semaphore, #tpu.memory_space<semaphore_mem>>) src(%dma_wait3A_1441 : memref<2048xf32, #tpu.memory_space<hbm>>) dst(%arg11 : memref<2048xf32, #tpu.memory_space<vmem>>)
    %dma_start3A_1442 = arith.constant 0 : i32
    %dma_start3A_1443 = tpu.memref_slice %arg4[%dma_start3A_1442] : memref<65048576xf32, #tpu.memory_space<hbm>> -> memref<65048576xf32, #tpu.memory_space<hbm>>
    tpu.enqueue_indirect_dma source(%arg11 : memref<2048xf32, #tpu.memory_space<vmem>>) target(%dma_start3A_1443 : memref<65048576xf32, #tpu.memory_space<hbm>>) offsets(%arg8 : memref<2048xi32, #tpu.memory_space<vmem>>) semaphore(%arg13 : memref<!tpu.dma_semaphore, #tpu.memory_space<semaphore_mem>>)
    %dma_wait3A_1444 = arith.constant 0 : i32
    %dma_wait3A_1445 = tpu.memref_slice %arg4[%dma_wait3A_1444] : memref<65048576xf32, #tpu.memory_space<hbm>> -> memref<65048576xf32, #tpu.memory_space<hbm>>
    tpu.wait_indirect_dma semaphore(%arg13 : memref<!tpu.dma_semaphore, #tpu.memory_space<semaphore_mem>>) src(%arg10 : memref<2048xf32, #tpu.memory_space<vmem>>) dst(%dma_wait3A_1445 : memref<65048576xf32, #tpu.memory_space<hbm>>)
    %add3A_1446 = arith.constant 2912 : i32
    %add3A_1447 = arith.addi %add3A, %add3A_1446 : i32
    %mul3A_1448 = arith.constant 2048 : i32
    %mul3A_1449 = arith.muli %add3A_1447, %mul3A_1448 : i32
    %dma_start3A_1450 = tpu.memref_slice %arg2[%mul3A_1449] : memref<6400000xi32, #tpu.memory_space<hbm>> -> memref<2048xi32, #tpu.memory_space<hbm>>
    %dma_start3A_1451 = tpu.memref_slice %arg2[%mul3A_1449] : memref<6400000xi32, #tpu.memory_space<hbm>> -> memref<2048xi32, #tpu.memory_space<hbm>>
    tpu.enqueue_dma source(%dma_start3A_1451 : memref<2048xi32, #tpu.memory_space<hbm>>) target(%arg7 : memref<2048xi32, #tpu.memory_space<vmem>>) target_semaphore(%arg12 : memref<!tpu.dma_semaphore, #tpu.memory_space<semaphore_mem>>)
    %dma_start3A_1452 = tpu.memref_slice %arg3[%mul3A_1449] : memref<6400000xf32, #tpu.memory_space<hbm>> -> memref<2048xf32, #tpu.memory_space<hbm>>
    %dma_start3A_1453 = tpu.memref_slice %arg3[%mul3A_1449] : memref<6400000xf32, #tpu.memory_space<hbm>> -> memref<2048xf32, #tpu.memory_space<hbm>>
    tpu.enqueue_dma source(%dma_start3A_1453 : memref<2048xf32, #tpu.memory_space<hbm>>) target(%arg10 : memref<2048xf32, #tpu.memory_space<vmem>>) target_semaphore(%arg12 : memref<!tpu.dma_semaphore, #tpu.memory_space<semaphore_mem>>)
    %dma_wait3A_1454 = tpu.memref_slice %arg2[%mul3A_1433] : memref<6400000xi32, #tpu.memory_space<hbm>> -> memref<2048xi32, #tpu.memory_space<hbm>>
    %dma_wait3A_1455 = tpu.memref_slice %arg2[%mul3A_1433] : memref<6400000xi32, #tpu.memory_space<hbm>> -> memref<2048xi32, #tpu.memory_space<hbm>>
    tpu.wait_dma2 semaphore(%arg12 : memref<!tpu.dma_semaphore, #tpu.memory_space<semaphore_mem>>) src(%dma_wait3A_1455 : memref<2048xi32, #tpu.memory_space<hbm>>) dst(%arg6 : memref<2048xi32, #tpu.memory_space<vmem>>)
    %dma_wait3A_1456 = tpu.memref_slice %arg3[%mul3A_1433] : memref<6400000xf32, #tpu.memory_space<hbm>> -> memref<2048xf32, #tpu.memory_space<hbm>>
    %dma_wait3A_1457 = tpu.memref_slice %arg3[%mul3A_1433] : memref<6400000xf32, #tpu.memory_space<hbm>> -> memref<2048xf32, #tpu.memory_space<hbm>>
    tpu.wait_dma2 semaphore(%arg12 : memref<!tpu.dma_semaphore, #tpu.memory_space<semaphore_mem>>) src(%dma_wait3A_1457 : memref<2048xf32, #tpu.memory_space<hbm>>) dst(%arg9 : memref<2048xf32, #tpu.memory_space<vmem>>)
    %dma_start3A_1458 = arith.constant 0 : i32
    %dma_start3A_1459 = tpu.memref_slice %arg4[%dma_start3A_1458] : memref<65048576xf32, #tpu.memory_space<hbm>> -> memref<65048576xf32, #tpu.memory_space<hbm>>
    tpu.enqueue_indirect_dma source(%arg9 : memref<2048xf32, #tpu.memory_space<vmem>>) target(%dma_start3A_1459 : memref<65048576xf32, #tpu.memory_space<hbm>>) offsets(%arg6 : memref<2048xi32, #tpu.memory_space<vmem>>) semaphore(%arg13 : memref<!tpu.dma_semaphore, #tpu.memory_space<semaphore_mem>>)
    %dma_wait3A_1460 = arith.constant 0 : i32
    %dma_wait3A_1461 = tpu.memref_slice %arg4[%dma_wait3A_1460] : memref<65048576xf32, #tpu.memory_space<hbm>> -> memref<65048576xf32, #tpu.memory_space<hbm>>
    tpu.wait_indirect_dma semaphore(%arg13 : memref<!tpu.dma_semaphore, #tpu.memory_space<semaphore_mem>>) src(%arg11 : memref<2048xf32, #tpu.memory_space<vmem>>) dst(%dma_wait3A_1461 : memref<65048576xf32, #tpu.memory_space<hbm>>)
    %add3A_1462 = arith.constant 2944 : i32
    %add3A_1463 = arith.addi %add3A, %add3A_1462 : i32
    %mul3A_1464 = arith.constant 2048 : i32
    %mul3A_1465 = arith.muli %add3A_1463, %mul3A_1464 : i32
    %dma_start3A_1466 = tpu.memref_slice %arg2[%mul3A_1465] : memref<6400000xi32, #tpu.memory_space<hbm>> -> memref<2048xi32, #tpu.memory_space<hbm>>
    %dma_start3A_1467 = tpu.memref_slice %arg2[%mul3A_1465] : memref<6400000xi32, #tpu.memory_space<hbm>> -> memref<2048xi32, #tpu.memory_space<hbm>>
    tpu.enqueue_dma source(%dma_start3A_1467 : memref<2048xi32, #tpu.memory_space<hbm>>) target(%arg8 : memref<2048xi32, #tpu.memory_space<vmem>>) target_semaphore(%arg12 : memref<!tpu.dma_semaphore, #tpu.memory_space<semaphore_mem>>)
    %dma_start3A_1468 = tpu.memref_slice %arg3[%mul3A_1465] : memref<6400000xf32, #tpu.memory_space<hbm>> -> memref<2048xf32, #tpu.memory_space<hbm>>
    %dma_start3A_1469 = tpu.memref_slice %arg3[%mul3A_1465] : memref<6400000xf32, #tpu.memory_space<hbm>> -> memref<2048xf32, #tpu.memory_space<hbm>>
    tpu.enqueue_dma source(%dma_start3A_1469 : memref<2048xf32, #tpu.memory_space<hbm>>) target(%arg11 : memref<2048xf32, #tpu.memory_space<vmem>>) target_semaphore(%arg12 : memref<!tpu.dma_semaphore, #tpu.memory_space<semaphore_mem>>)
    %dma_wait3A_1470 = tpu.memref_slice %arg2[%mul3A_1449] : memref<6400000xi32, #tpu.memory_space<hbm>> -> memref<2048xi32, #tpu.memory_space<hbm>>
    %dma_wait3A_1471 = tpu.memref_slice %arg2[%mul3A_1449] : memref<6400000xi32, #tpu.memory_space<hbm>> -> memref<2048xi32, #tpu.memory_space<hbm>>
    tpu.wait_dma2 semaphore(%arg12 : memref<!tpu.dma_semaphore, #tpu.memory_space<semaphore_mem>>) src(%dma_wait3A_1471 : memref<2048xi32, #tpu.memory_space<hbm>>) dst(%arg7 : memref<2048xi32, #tpu.memory_space<vmem>>)
    %dma_wait3A_1472 = tpu.memref_slice %arg3[%mul3A_1449] : memref<6400000xf32, #tpu.memory_space<hbm>> -> memref<2048xf32, #tpu.memory_space<hbm>>
    %dma_wait3A_1473 = tpu.memref_slice %arg3[%mul3A_1449] : memref<6400000xf32, #tpu.memory_space<hbm>> -> memref<2048xf32, #tpu.memory_space<hbm>>
    tpu.wait_dma2 semaphore(%arg12 : memref<!tpu.dma_semaphore, #tpu.memory_space<semaphore_mem>>) src(%dma_wait3A_1473 : memref<2048xf32, #tpu.memory_space<hbm>>) dst(%arg10 : memref<2048xf32, #tpu.memory_space<vmem>>)
    %dma_start3A_1474 = arith.constant 0 : i32
    %dma_start3A_1475 = tpu.memref_slice %arg4[%dma_start3A_1474] : memref<65048576xf32, #tpu.memory_space<hbm>> -> memref<65048576xf32, #tpu.memory_space<hbm>>
    tpu.enqueue_indirect_dma source(%arg10 : memref<2048xf32, #tpu.memory_space<vmem>>) target(%dma_start3A_1475 : memref<65048576xf32, #tpu.memory_space<hbm>>) offsets(%arg7 : memref<2048xi32, #tpu.memory_space<vmem>>) semaphore(%arg13 : memref<!tpu.dma_semaphore, #tpu.memory_space<semaphore_mem>>)
    %dma_wait3A_1476 = arith.constant 0 : i32
    %dma_wait3A_1477 = tpu.memref_slice %arg4[%dma_wait3A_1476] : memref<65048576xf32, #tpu.memory_space<hbm>> -> memref<65048576xf32, #tpu.memory_space<hbm>>
    tpu.wait_indirect_dma semaphore(%arg13 : memref<!tpu.dma_semaphore, #tpu.memory_space<semaphore_mem>>) src(%arg9 : memref<2048xf32, #tpu.memory_space<vmem>>) dst(%dma_wait3A_1477 : memref<65048576xf32, #tpu.memory_space<hbm>>)
    %add3A_1478 = arith.constant 2976 : i32
    %add3A_1479 = arith.addi %add3A, %add3A_1478 : i32
    %mul3A_1480 = arith.constant 2048 : i32
    %mul3A_1481 = arith.muli %add3A_1479, %mul3A_1480 : i32
    %dma_start3A_1482 = tpu.memref_slice %arg2[%mul3A_1481] : memref<6400000xi32, #tpu.memory_space<hbm>> -> memref<2048xi32, #tpu.memory_space<hbm>>
    %dma_start3A_1483 = tpu.memref_slice %arg2[%mul3A_1481] : memref<6400000xi32, #tpu.memory_space<hbm>> -> memref<2048xi32, #tpu.memory_space<hbm>>
    tpu.enqueue_dma source(%dma_start3A_1483 : memref<2048xi32, #tpu.memory_space<hbm>>) target(%arg6 : memref<2048xi32, #tpu.memory_space<vmem>>) target_semaphore(%arg12 : memref<!tpu.dma_semaphore, #tpu.memory_space<semaphore_mem>>)
    %dma_start3A_1484 = tpu.memref_slice %arg3[%mul3A_1481] : memref<6400000xf32, #tpu.memory_space<hbm>> -> memref<2048xf32, #tpu.memory_space<hbm>>
    %dma_start3A_1485 = tpu.memref_slice %arg3[%mul3A_1481] : memref<6400000xf32, #tpu.memory_space<hbm>> -> memref<2048xf32, #tpu.memory_space<hbm>>
    tpu.enqueue_dma source(%dma_start3A_1485 : memref<2048xf32, #tpu.memory_space<hbm>>) target(%arg9 : memref<2048xf32, #tpu.memory_space<vmem>>) target_semaphore(%arg12 : memref<!tpu.dma_semaphore, #tpu.memory_space<semaphore_mem>>)
    %dma_wait3A_1486 = tpu.memref_slice %arg2[%mul3A_1465] : memref<6400000xi32, #tpu.memory_space<hbm>> -> memref<2048xi32, #tpu.memory_space<hbm>>
    %dma_wait3A_1487 = tpu.memref_slice %arg2[%mul3A_1465] : memref<6400000xi32, #tpu.memory_space<hbm>> -> memref<2048xi32, #tpu.memory_space<hbm>>
    tpu.wait_dma2 semaphore(%arg12 : memref<!tpu.dma_semaphore, #tpu.memory_space<semaphore_mem>>) src(%dma_wait3A_1487 : memref<2048xi32, #tpu.memory_space<hbm>>) dst(%arg8 : memref<2048xi32, #tpu.memory_space<vmem>>)
    %dma_wait3A_1488 = tpu.memref_slice %arg3[%mul3A_1465] : memref<6400000xf32, #tpu.memory_space<hbm>> -> memref<2048xf32, #tpu.memory_space<hbm>>
    %dma_wait3A_1489 = tpu.memref_slice %arg3[%mul3A_1465] : memref<6400000xf32, #tpu.memory_space<hbm>> -> memref<2048xf32, #tpu.memory_space<hbm>>
    tpu.wait_dma2 semaphore(%arg12 : memref<!tpu.dma_semaphore, #tpu.memory_space<semaphore_mem>>) src(%dma_wait3A_1489 : memref<2048xf32, #tpu.memory_space<hbm>>) dst(%arg11 : memref<2048xf32, #tpu.memory_space<vmem>>)
    %dma_start3A_1490 = arith.constant 0 : i32
    %dma_start3A_1491 = tpu.memref_slice %arg4[%dma_start3A_1490] : memref<65048576xf32, #tpu.memory_space<hbm>> -> memref<65048576xf32, #tpu.memory_space<hbm>>
    tpu.enqueue_indirect_dma source(%arg11 : memref<2048xf32, #tpu.memory_space<vmem>>) target(%dma_start3A_1491 : memref<65048576xf32, #tpu.memory_space<hbm>>) offsets(%arg8 : memref<2048xi32, #tpu.memory_space<vmem>>) semaphore(%arg13 : memref<!tpu.dma_semaphore, #tpu.memory_space<semaphore_mem>>)
    %dma_wait3A_1492 = arith.constant 0 : i32
    %dma_wait3A_1493 = tpu.memref_slice %arg4[%dma_wait3A_1492] : memref<65048576xf32, #tpu.memory_space<hbm>> -> memref<65048576xf32, #tpu.memory_space<hbm>>
    tpu.wait_indirect_dma semaphore(%arg13 : memref<!tpu.dma_semaphore, #tpu.memory_space<semaphore_mem>>) src(%arg10 : memref<2048xf32, #tpu.memory_space<vmem>>) dst(%dma_wait3A_1493 : memref<65048576xf32, #tpu.memory_space<hbm>>)
    %add3A_1494 = arith.constant 3008 : i32
    %add3A_1495 = arith.addi %add3A, %add3A_1494 : i32
    %mul3A_1496 = arith.constant 2048 : i32
    %mul3A_1497 = arith.muli %add3A_1495, %mul3A_1496 : i32
    %dma_start3A_1498 = tpu.memref_slice %arg2[%mul3A_1497] : memref<6400000xi32, #tpu.memory_space<hbm>> -> memref<2048xi32, #tpu.memory_space<hbm>>
    %dma_start3A_1499 = tpu.memref_slice %arg2[%mul3A_1497] : memref<6400000xi32, #tpu.memory_space<hbm>> -> memref<2048xi32, #tpu.memory_space<hbm>>
    tpu.enqueue_dma source(%dma_start3A_1499 : memref<2048xi32, #tpu.memory_space<hbm>>) target(%arg7 : memref<2048xi32, #tpu.memory_space<vmem>>) target_semaphore(%arg12 : memref<!tpu.dma_semaphore, #tpu.memory_space<semaphore_mem>>)
    %dma_start3A_1500 = tpu.memref_slice %arg3[%mul3A_1497] : memref<6400000xf32, #tpu.memory_space<hbm>> -> memref<2048xf32, #tpu.memory_space<hbm>>
    %dma_start3A_1501 = tpu.memref_slice %arg3[%mul3A_1497] : memref<6400000xf32, #tpu.memory_space<hbm>> -> memref<2048xf32, #tpu.memory_space<hbm>>
    tpu.enqueue_dma source(%dma_start3A_1501 : memref<2048xf32, #tpu.memory_space<hbm>>) target(%arg10 : memref<2048xf32, #tpu.memory_space<vmem>>) target_semaphore(%arg12 : memref<!tpu.dma_semaphore, #tpu.memory_space<semaphore_mem>>)
    %dma_wait3A_1502 = tpu.memref_slice %arg2[%mul3A_1481] : memref<6400000xi32, #tpu.memory_space<hbm>> -> memref<2048xi32, #tpu.memory_space<hbm>>
    %dma_wait3A_1503 = tpu.memref_slice %arg2[%mul3A_1481] : memref<6400000xi32, #tpu.memory_space<hbm>> -> memref<2048xi32, #tpu.memory_space<hbm>>
    tpu.wait_dma2 semaphore(%arg12 : memref<!tpu.dma_semaphore, #tpu.memory_space<semaphore_mem>>) src(%dma_wait3A_1503 : memref<2048xi32, #tpu.memory_space<hbm>>) dst(%arg6 : memref<2048xi32, #tpu.memory_space<vmem>>)
    %dma_wait3A_1504 = tpu.memref_slice %arg3[%mul3A_1481] : memref<6400000xf32, #tpu.memory_space<hbm>> -> memref<2048xf32, #tpu.memory_space<hbm>>
    %dma_wait3A_1505 = tpu.memref_slice %arg3[%mul3A_1481] : memref<6400000xf32, #tpu.memory_space<hbm>> -> memref<2048xf32, #tpu.memory_space<hbm>>
    tpu.wait_dma2 semaphore(%arg12 : memref<!tpu.dma_semaphore, #tpu.memory_space<semaphore_mem>>) src(%dma_wait3A_1505 : memref<2048xf32, #tpu.memory_space<hbm>>) dst(%arg9 : memref<2048xf32, #tpu.memory_space<vmem>>)
    %dma_start3A_1506 = arith.constant 0 : i32
    %dma_start3A_1507 = tpu.memref_slice %arg4[%dma_start3A_1506] : memref<65048576xf32, #tpu.memory_space<hbm>> -> memref<65048576xf32, #tpu.memory_space<hbm>>
    tpu.enqueue_indirect_dma source(%arg9 : memref<2048xf32, #tpu.memory_space<vmem>>) target(%dma_start3A_1507 : memref<65048576xf32, #tpu.memory_space<hbm>>) offsets(%arg6 : memref<2048xi32, #tpu.memory_space<vmem>>) semaphore(%arg13 : memref<!tpu.dma_semaphore, #tpu.memory_space<semaphore_mem>>)
    %dma_wait3A_1508 = arith.constant 0 : i32
    %dma_wait3A_1509 = tpu.memref_slice %arg4[%dma_wait3A_1508] : memref<65048576xf32, #tpu.memory_space<hbm>> -> memref<65048576xf32, #tpu.memory_space<hbm>>
    tpu.wait_indirect_dma semaphore(%arg13 : memref<!tpu.dma_semaphore, #tpu.memory_space<semaphore_mem>>) src(%arg11 : memref<2048xf32, #tpu.memory_space<vmem>>) dst(%dma_wait3A_1509 : memref<65048576xf32, #tpu.memory_space<hbm>>)
    %add3A_1510 = arith.constant 3040 : i32
    %add3A_1511 = arith.addi %add3A, %add3A_1510 : i32
    %mul3A_1512 = arith.constant 2048 : i32
    %mul3A_1513 = arith.muli %add3A_1511, %mul3A_1512 : i32
    %dma_start3A_1514 = tpu.memref_slice %arg2[%mul3A_1513] : memref<6400000xi32, #tpu.memory_space<hbm>> -> memref<2048xi32, #tpu.memory_space<hbm>>
    %dma_start3A_1515 = tpu.memref_slice %arg2[%mul3A_1513] : memref<6400000xi32, #tpu.memory_space<hbm>> -> memref<2048xi32, #tpu.memory_space<hbm>>
    tpu.enqueue_dma source(%dma_start3A_1515 : memref<2048xi32, #tpu.memory_space<hbm>>) target(%arg8 : memref<2048xi32, #tpu.memory_space<vmem>>) target_semaphore(%arg12 : memref<!tpu.dma_semaphore, #tpu.memory_space<semaphore_mem>>)
    %dma_start3A_1516 = tpu.memref_slice %arg3[%mul3A_1513] : memref<6400000xf32, #tpu.memory_space<hbm>> -> memref<2048xf32, #tpu.memory_space<hbm>>
    %dma_start3A_1517 = tpu.memref_slice %arg3[%mul3A_1513] : memref<6400000xf32, #tpu.memory_space<hbm>> -> memref<2048xf32, #tpu.memory_space<hbm>>
    tpu.enqueue_dma source(%dma_start3A_1517 : memref<2048xf32, #tpu.memory_space<hbm>>) target(%arg11 : memref<2048xf32, #tpu.memory_space<vmem>>) target_semaphore(%arg12 : memref<!tpu.dma_semaphore, #tpu.memory_space<semaphore_mem>>)
    %dma_wait3A_1518 = tpu.memref_slice %arg2[%mul3A_1497] : memref<6400000xi32, #tpu.memory_space<hbm>> -> memref<2048xi32, #tpu.memory_space<hbm>>
    %dma_wait3A_1519 = tpu.memref_slice %arg2[%mul3A_1497] : memref<6400000xi32, #tpu.memory_space<hbm>> -> memref<2048xi32, #tpu.memory_space<hbm>>
    tpu.wait_dma2 semaphore(%arg12 : memref<!tpu.dma_semaphore, #tpu.memory_space<semaphore_mem>>) src(%dma_wait3A_1519 : memref<2048xi32, #tpu.memory_space<hbm>>) dst(%arg7 : memref<2048xi32, #tpu.memory_space<vmem>>)
    %dma_wait3A_1520 = tpu.memref_slice %arg3[%mul3A_1497] : memref<6400000xf32, #tpu.memory_space<hbm>> -> memref<2048xf32, #tpu.memory_space<hbm>>
    %dma_wait3A_1521 = tpu.memref_slice %arg3[%mul3A_1497] : memref<6400000xf32, #tpu.memory_space<hbm>> -> memref<2048xf32, #tpu.memory_space<hbm>>
    tpu.wait_dma2 semaphore(%arg12 : memref<!tpu.dma_semaphore, #tpu.memory_space<semaphore_mem>>) src(%dma_wait3A_1521 : memref<2048xf32, #tpu.memory_space<hbm>>) dst(%arg10 : memref<2048xf32, #tpu.memory_space<vmem>>)
    %dma_start3A_1522 = arith.constant 0 : i32
    %dma_start3A_1523 = tpu.memref_slice %arg4[%dma_start3A_1522] : memref<65048576xf32, #tpu.memory_space<hbm>> -> memref<65048576xf32, #tpu.memory_space<hbm>>
    tpu.enqueue_indirect_dma source(%arg10 : memref<2048xf32, #tpu.memory_space<vmem>>) target(%dma_start3A_1523 : memref<65048576xf32, #tpu.memory_space<hbm>>) offsets(%arg7 : memref<2048xi32, #tpu.memory_space<vmem>>) semaphore(%arg13 : memref<!tpu.dma_semaphore, #tpu.memory_space<semaphore_mem>>)
    %dma_wait3A_1524 = arith.constant 0 : i32
    %dma_wait3A_1525 = tpu.memref_slice %arg4[%dma_wait3A_1524] : memref<65048576xf32, #tpu.memory_space<hbm>> -> memref<65048576xf32, #tpu.memory_space<hbm>>
    tpu.wait_indirect_dma semaphore(%arg13 : memref<!tpu.dma_semaphore, #tpu.memory_space<semaphore_mem>>) src(%arg9 : memref<2048xf32, #tpu.memory_space<vmem>>) dst(%dma_wait3A_1525 : memref<65048576xf32, #tpu.memory_space<hbm>>)
    %add3A_1526 = arith.constant 3072 : i32
    %add3A_1527 = arith.addi %add3A, %add3A_1526 : i32
    %mul3A_1528 = arith.constant 2048 : i32
    %mul3A_1529 = arith.muli %add3A_1527, %mul3A_1528 : i32
    %dma_start3A_1530 = tpu.memref_slice %arg2[%mul3A_1529] : memref<6400000xi32, #tpu.memory_space<hbm>> -> memref<2048xi32, #tpu.memory_space<hbm>>
    %dma_start3A_1531 = tpu.memref_slice %arg2[%mul3A_1529] : memref<6400000xi32, #tpu.memory_space<hbm>> -> memref<2048xi32, #tpu.memory_space<hbm>>
    tpu.enqueue_dma source(%dma_start3A_1531 : memref<2048xi32, #tpu.memory_space<hbm>>) target(%arg6 : memref<2048xi32, #tpu.memory_space<vmem>>) target_semaphore(%arg12 : memref<!tpu.dma_semaphore, #tpu.memory_space<semaphore_mem>>)
    %dma_start3A_1532 = tpu.memref_slice %arg3[%mul3A_1529] : memref<6400000xf32, #tpu.memory_space<hbm>> -> memref<2048xf32, #tpu.memory_space<hbm>>
    %dma_start3A_1533 = tpu.memref_slice %arg3[%mul3A_1529] : memref<6400000xf32, #tpu.memory_space<hbm>> -> memref<2048xf32, #tpu.memory_space<hbm>>
    tpu.enqueue_dma source(%dma_start3A_1533 : memref<2048xf32, #tpu.memory_space<hbm>>) target(%arg9 : memref<2048xf32, #tpu.memory_space<vmem>>) target_semaphore(%arg12 : memref<!tpu.dma_semaphore, #tpu.memory_space<semaphore_mem>>)
    %dma_wait3A_1534 = tpu.memref_slice %arg2[%mul3A_1513] : memref<6400000xi32, #tpu.memory_space<hbm>> -> memref<2048xi32, #tpu.memory_space<hbm>>
    %dma_wait3A_1535 = tpu.memref_slice %arg2[%mul3A_1513] : memref<6400000xi32, #tpu.memory_space<hbm>> -> memref<2048xi32, #tpu.memory_space<hbm>>
    tpu.wait_dma2 semaphore(%arg12 : memref<!tpu.dma_semaphore, #tpu.memory_space<semaphore_mem>>) src(%dma_wait3A_1535 : memref<2048xi32, #tpu.memory_space<hbm>>) dst(%arg8 : memref<2048xi32, #tpu.memory_space<vmem>>)
    %dma_wait3A_1536 = tpu.memref_slice %arg3[%mul3A_1513] : memref<6400000xf32, #tpu.memory_space<hbm>> -> memref<2048xf32, #tpu.memory_space<hbm>>
    %dma_wait3A_1537 = tpu.memref_slice %arg3[%mul3A_1513] : memref<6400000xf32, #tpu.memory_space<hbm>> -> memref<2048xf32, #tpu.memory_space<hbm>>
    tpu.wait_dma2 semaphore(%arg12 : memref<!tpu.dma_semaphore, #tpu.memory_space<semaphore_mem>>) src(%dma_wait3A_1537 : memref<2048xf32, #tpu.memory_space<hbm>>) dst(%arg11 : memref<2048xf32, #tpu.memory_space<vmem>>)
    %dma_start3A_1538 = arith.constant 0 : i32
    %dma_start3A_1539 = tpu.memref_slice %arg4[%dma_start3A_1538] : memref<65048576xf32, #tpu.memory_space<hbm>> -> memref<65048576xf32, #tpu.memory_space<hbm>>
    tpu.enqueue_indirect_dma source(%arg11 : memref<2048xf32, #tpu.memory_space<vmem>>) target(%dma_start3A_1539 : memref<65048576xf32, #tpu.memory_space<hbm>>) offsets(%arg8 : memref<2048xi32, #tpu.memory_space<vmem>>) semaphore(%arg13 : memref<!tpu.dma_semaphore, #tpu.memory_space<semaphore_mem>>)
    %dma_wait3A_1540 = arith.constant 0 : i32
    %dma_wait3A_1541 = tpu.memref_slice %arg4[%dma_wait3A_1540] : memref<65048576xf32, #tpu.memory_space<hbm>> -> memref<65048576xf32, #tpu.memory_space<hbm>>
    tpu.wait_indirect_dma semaphore(%arg13 : memref<!tpu.dma_semaphore, #tpu.memory_space<semaphore_mem>>) src(%arg10 : memref<2048xf32, #tpu.memory_space<vmem>>) dst(%dma_wait3A_1541 : memref<65048576xf32, #tpu.memory_space<hbm>>)
    %dma_wait3A_1542 = tpu.memref_slice %arg2[%mul3A_1529] : memref<6400000xi32, #tpu.memory_space<hbm>> -> memref<2048xi32, #tpu.memory_space<hbm>>
    %dma_wait3A_1543 = tpu.memref_slice %arg2[%mul3A_1529] : memref<6400000xi32, #tpu.memory_space<hbm>> -> memref<2048xi32, #tpu.memory_space<hbm>>
    tpu.wait_dma2 semaphore(%arg12 : memref<!tpu.dma_semaphore, #tpu.memory_space<semaphore_mem>>) src(%dma_wait3A_1543 : memref<2048xi32, #tpu.memory_space<hbm>>) dst(%arg6 : memref<2048xi32, #tpu.memory_space<vmem>>)
    %dma_wait3A_1544 = tpu.memref_slice %arg3[%mul3A_1529] : memref<6400000xf32, #tpu.memory_space<hbm>> -> memref<2048xf32, #tpu.memory_space<hbm>>
    %dma_wait3A_1545 = tpu.memref_slice %arg3[%mul3A_1529] : memref<6400000xf32, #tpu.memory_space<hbm>> -> memref<2048xf32, #tpu.memory_space<hbm>>
    tpu.wait_dma2 semaphore(%arg12 : memref<!tpu.dma_semaphore, #tpu.memory_space<semaphore_mem>>) src(%dma_wait3A_1545 : memref<2048xf32, #tpu.memory_space<hbm>>) dst(%arg9 : memref<2048xf32, #tpu.memory_space<vmem>>)
    %dma_start3A_1546 = arith.constant 0 : i32
    %dma_start3A_1547 = tpu.memref_slice %arg4[%dma_start3A_1546] : memref<65048576xf32, #tpu.memory_space<hbm>> -> memref<65048576xf32, #tpu.memory_space<hbm>>
    tpu.enqueue_indirect_dma source(%arg9 : memref<2048xf32, #tpu.memory_space<vmem>>) target(%dma_start3A_1547 : memref<65048576xf32, #tpu.memory_space<hbm>>) offsets(%arg6 : memref<2048xi32, #tpu.memory_space<vmem>>) semaphore(%arg13 : memref<!tpu.dma_semaphore, #tpu.memory_space<semaphore_mem>>)
    %dma_wait3A_1548 = arith.constant 0 : i32
    %dma_wait3A_1549 = tpu.memref_slice %arg4[%dma_wait3A_1548] : memref<65048576xf32, #tpu.memory_space<hbm>> -> memref<65048576xf32, #tpu.memory_space<hbm>>
    tpu.wait_indirect_dma semaphore(%arg13 : memref<!tpu.dma_semaphore, #tpu.memory_space<semaphore_mem>>) src(%arg11 : memref<2048xf32, #tpu.memory_space<vmem>>) dst(%dma_wait3A_1549 : memref<65048576xf32, #tpu.memory_space<hbm>>)
    %dma_wait3A_1550 = arith.constant 0 : i32
    %dma_wait3A_1551 = tpu.memref_slice %arg4[%dma_wait3A_1550] : memref<65048576xf32, #tpu.memory_space<hbm>> -> memref<65048576xf32, #tpu.memory_space<hbm>>
    tpu.wait_indirect_dma semaphore(%arg13 : memref<!tpu.dma_semaphore, #tpu.memory_space<semaphore_mem>>) src(%arg9 : memref<2048xf32, #tpu.memory_space<vmem>>) dst(%dma_wait3A_1551 : memref<65048576xf32, #tpu.memory_space<hbm>>)
    %convert_element_type3A = arith.extui %lt3A_1 : i1 to i32
    %cond3A = arith.constant 0 : i32
    %cond3A_1552 = arith.cmpi ne, %convert_element_type3A, %cond3A : i32
    scf.if %cond3A_1552 {
      %add3A_1553 = arith.constant 3104 : i32
      %add3A_1554 = arith.addi %add3A, %add3A_1553 : i32
      %mul3A_1555 = arith.constant 2048 : i32
      %mul3A_1556 = arith.muli %add3A_1554, %mul3A_1555 : i32
      %dma_start3A_1557 = tpu.memref_slice %arg2[%mul3A_1556] : memref<6400000xi32, #tpu.memory_space<hbm>> -> memref<2048xi32, #tpu.memory_space<hbm>>
      %dma_start3A_1558 = tpu.memref_slice %arg2[%mul3A_1556] : memref<6400000xi32, #tpu.memory_space<hbm>> -> memref<2048xi32, #tpu.memory_space<hbm>>
      tpu.enqueue_dma source(%dma_start3A_1558 : memref<2048xi32, #tpu.memory_space<hbm>>) target(%arg7 : memref<2048xi32, #tpu.memory_space<vmem>>) target_semaphore(%arg12 : memref<!tpu.dma_semaphore, #tpu.memory_space<semaphore_mem>>)
      %dma_start3A_1559 = tpu.memref_slice %arg3[%mul3A_1556] : memref<6400000xf32, #tpu.memory_space<hbm>> -> memref<2048xf32, #tpu.memory_space<hbm>>
      %dma_start3A_1560 = tpu.memref_slice %arg3[%mul3A_1556] : memref<6400000xf32, #tpu.memory_space<hbm>> -> memref<2048xf32, #tpu.memory_space<hbm>>
      tpu.enqueue_dma source(%dma_start3A_1560 : memref<2048xf32, #tpu.memory_space<hbm>>) target(%arg10 : memref<2048xf32, #tpu.memory_space<vmem>>) target_semaphore(%arg12 : memref<!tpu.dma_semaphore, #tpu.memory_space<semaphore_mem>>)
      %dma_wait3A_1561 = tpu.memref_slice %arg2[%mul3A_1556] : memref<6400000xi32, #tpu.memory_space<hbm>> -> memref<2048xi32, #tpu.memory_space<hbm>>
      %dma_wait3A_1562 = tpu.memref_slice %arg2[%mul3A_1556] : memref<6400000xi32, #tpu.memory_space<hbm>> -> memref<2048xi32, #tpu.memory_space<hbm>>
      tpu.wait_dma2 semaphore(%arg12 : memref<!tpu.dma_semaphore, #tpu.memory_space<semaphore_mem>>) src(%dma_wait3A_1562 : memref<2048xi32, #tpu.memory_space<hbm>>) dst(%arg7 : memref<2048xi32, #tpu.memory_space<vmem>>)
      %dma_wait3A_1563 = tpu.memref_slice %arg3[%mul3A_1556] : memref<6400000xf32, #tpu.memory_space<hbm>> -> memref<2048xf32, #tpu.memory_space<hbm>>
      %dma_wait3A_1564 = tpu.memref_slice %arg3[%mul3A_1556] : memref<6400000xf32, #tpu.memory_space<hbm>> -> memref<2048xf32, #tpu.memory_space<hbm>>
      tpu.wait_dma2 semaphore(%arg12 : memref<!tpu.dma_semaphore, #tpu.memory_space<semaphore_mem>>) src(%dma_wait3A_1564 : memref<2048xf32, #tpu.memory_space<hbm>>) dst(%arg10 : memref<2048xf32, #tpu.memory_space<vmem>>)
      %dma_start3A_1565 = arith.constant 0 : i32
      %dma_start3A_1566 = tpu.memref_slice %arg4[%dma_start3A_1565] : memref<65048576xf32, #tpu.memory_space<hbm>> -> memref<65048576xf32, #tpu.memory_space<hbm>>
      tpu.enqueue_indirect_dma source(%arg10 : memref<2048xf32, #tpu.memory_space<vmem>>) target(%dma_start3A_1566 : memref<65048576xf32, #tpu.memory_space<hbm>>) offsets(%arg7 : memref<2048xi32, #tpu.memory_space<vmem>>) semaphore(%arg13 : memref<!tpu.dma_semaphore, #tpu.memory_space<semaphore_mem>>)
      %dma_wait3A_1567 = arith.constant 0 : i32
      %dma_wait3A_1568 = tpu.memref_slice %arg4[%dma_wait3A_1567] : memref<65048576xf32, #tpu.memory_space<hbm>> -> memref<65048576xf32, #tpu.memory_space<hbm>>
      tpu.wait_indirect_dma semaphore(%arg13 : memref<!tpu.dma_semaphore, #tpu.memory_space<semaphore_mem>>) src(%arg10 : memref<2048xf32, #tpu.memory_space<vmem>>) dst(%dma_wait3A_1568 : memref<65048576xf32, #tpu.memory_space<hbm>>)
    } else {
    }
    return
  }
}

module attributes {stable_mosaic.version = 14 : i64} {
  func.func @_redirect_body(%arg0: i32, %arg1: memref<256000xi32, #tpu.memory_space<vmem>>, %arg2: memref<256000xi32, #tpu.memory_space<vmem>>, %arg3: memref<256000xi32, #tpu.memory_space<vmem>>) attributes {dimension_semantics = [#tpu.dimension_semantics<arbitrary>], iteration_bounds = array<i64: 25>, scalar_prefetch = 0 : i64, scratch_operands = 0 : i64, tpu.core_type = #tpu.core_type<tc>, window_params = [{transform_indices = @transform_0, window_bounds = array<i64: 256000>}, {transform_indices = @transform_1, window_bounds = array<i64: 256000>}, {transform_indices = @transform_2, window_bounds = array<i64: 256000>}]} {
    %get3A = arith.constant 0 : index
    %get3A_0 = vector.load %arg1[%get3A] : memref<256000xi32, #tpu.memory_space<vmem>>, vector<256000xi32>
    %get3A_1 = arith.constant 0 : index
    %get3A_2 = vector.load %arg2[%get3A_1] : memref<256000xi32, #tpu.memory_space<vmem>>, vector<256000xi32>
    %slice3A = vector.extract_strided_slice %get3A_0 {offsets = [1], sizes = [255999], strides = [1]} : vector<256000xi32> to vector<255999xi32>
    %slice3A_3 = vector.extract_strided_slice %get3A_2 {offsets = [0], sizes = [1], strides = [1]} : vector<256000xi32> to vector<1xi32>
    %concatenate3A = tpu.concatenate %slice3A, %slice3A_3 in 0 : vector<255999xi32>, vector<1xi32> -> vector<256000xi32>
    %and3A = arith.constant 1048575 : i32
    %and3A_4 = vector.broadcast %and3A : i32 to vector<256000xi32>
    %and3A_5 = arith.andi %get3A_0, %and3A_4 : vector<256000xi32>
    %add3A = arith.constant 64000000 : i32
    %add3A_6 = vector.broadcast %add3A : i32 to vector<256000xi32>
    %add3A_7 = arith.addi %add3A_6, %and3A_5 : vector<256000xi32>
    %eq3A = arith.cmpi eq, %concatenate3A, %get3A_0 : vector<256000xi32>
    %select_n3A = arith.select %eq3A, %add3A_7, %get3A_0 : vector<256000xi1>, vector<256000xi32>
    %swap3A = arith.constant 0 : index
    %swap3A_8 = vector.load %arg3[%swap3A] : memref<256000xi32, #tpu.memory_space<vmem>>, vector<256000xi32>
    tpu.vector_store %arg3[%swap3A], %select_n3A {strides = array<i32>} : memref<256000xi32, #tpu.memory_space<vmem>>, vector<256000xi32>,
    return
  }
  func.func @transform_0(%arg0: i32) -> i32 {
    %c0_i32 = arith.constant 0 : i32
    return %arg0 : i32
  }
  func.func @transform_1(%arg0: i32) -> i32 {
    %add3A = arith.constant 1 : i32
    %add3A_0 = arith.addi %arg0, %add3A : i32
    %c0_i32 = arith.constant 0 : i32
    return %add3A_0 : i32
  }
  func.func @transform_2(%arg0: i32) -> i32 {
    %c0_i32 = arith.constant 0 : i32
    return %arg0 : i32
  }
}

</mosaic_0001>

<sc_bundles>
// kernel: kernel.4.cloned.1.call-start
scs
__scs_entry_jumppad:
0x0: {  	(pc) =	sbr.rel $0x88, $3  }
0x1: {  	(tag) =	ssettag $0x0;
	lr =	simm.s32 $0x1  }
0x2: {  	[smem:$0x3F9E] =	sst lr;
	_ =	strace $0xD0000000  }
0x3: {  	_ = 	snop  }
0x4: {  	_ = 	snop  }
0x5: {  	_ = 	snop  }
0x6: {  	_ = 	snop  }
0x7: {  	_ = 	snop  }
__scs_overlays_trampoline_lowered:
0x8: {  	[smem:$0x3FAD] =	sst s0  }
0x9: {  	[smem:$0x3FAE] =	sst s1  }
0xa: {  	[smem:$0x3FAF] =	sst s2  }
0xb: {  	[smem:$0x3FB0] =	sst s3  }
0xc: {  	[smem:$0x3FB1] =	sst s4  }
0xd: {  	[smem:$0x3FB2] =	sst s5  }
0xe: {  	[smem:$0x3FB3] =	sst s6  }
0xf: {  	[smem:$0x3FB4] =	sst s7  }
0x10: {  	[smem:$0x3FB5] =	sst s8  }
0x11: {  	[smem:$0x3FB6] =	sst s9;
	s0 =	simm.s32 @!p0 $0x0  }
0x12: {  	s1 =	sld [smem:$0x3F9C];
	s0 =	simm.s32 @p0 $0x1  }
0x13: {  	[smem:$0x3FB7] =	sst s0;
	s0 =	simm.s32 @!p1 $0x0  }
0x14: {  	s2 =	sld [smem:$0x3F9B];
	s0 =	simm.s32 @p1 $0x1  }
0x15: {  	[smem:$0x3FB8] =	sst s0;
	s0 =	simm.s32 @!p2 $0x0  }
0x16: {  	s3 =	sld [smem:$0x3FDB];
	s0 =	simm.s32 @p2 $0x1  }
0x17: {  	s4 =	simm.s32 $0x1BF5;
	[smem:$0x3FBA] =	sst s0  }
0x18: {  	s0 =	sld [smem:$0x3F9D];
	_ =	swait.ge [sflag:s4], $0x0  }
0x19: {  	s7 =	sld [smem:$0x3F9E]  }
0x1a: {  	s8 =	sadd.s32 $0xFFFFE003, lr  }
0x1b: {  	s9 =	sadd.s32 $0xFFFFFEF7, lr;
	s5 =	simm.s32 $0xFFFFFFFF;
	p2 =	slt.u32 s8, $0xFFFFF086  }
0x1c: {  	p1 =	slt.u32 s9, $0xF7A;
	s5 =	simm.s32 @!p2 $0x0  }
0x1d: {  	s5 =	simm.s32 @p1 $0x1;
	p0 =	seq.s32 s7, s2  }
0x1e: {  	s7 =	smul.u32 @!p0 $0xF7A, s2;
	p2 =	seq.s32 @!p0 s5, $0x0  }
0x1f: {  	s9 =	smul.u32 $0xF7A, s1;
	s8 =	simm.s32 @!p0 $0x1BF5;
	p2 =	por !p2, p0  }
0x20: {  	[sflag:s8] =	ssyncset.s32 @!p0 $0xFFFFF086;
	s6 =	sadd.s32 @!p0 s3, s7;
	s7 =	simm.s32 @!p0 $0x108  }
0x21: {  	s3 =	sadd.s32 s3, s9;
	s6 =	sadd.s32 @!p0 $0x88, s6;
	s7 =	simm.s32 @p2 $0x1082  }
0x22: {  	[simem:s7], [sflag:s8] =	dma.local @!p0 [hbm:s6], $0xF7A  }
0x23: {  	s9 =	sor.u32 $0xD0000000, s2;
	s6 =	simm.s32 $0x108;
	_ =	swait.ge @!p0 [sflag:s8], $0x0  }
0x24: {  	s3 =	sadd.s32 $0x88, s3;
	s6 =	simm.s32 @!p1 $0x1082;
	[sflag:s4] =	ssyncset.s32 $0xFFFFF086  }
0x25: {  	[simem:s6], [sflag:s4] =	dma.local [hbm:s3], $0xF7A  }
0x26: {  	[smem:$0x3F9E] =	sst s1;
	(tag) =	ssettag s2;
	_ =	strace s9  }
0x27: {  	s1 =	sld [smem:$0x3FAE]  }
0x28: {  	s2 =	sld [smem:$0x3FAF]  }
0x29: {  	s4 =	sld [smem:$0x3FB1]  }
0x2a: {  	p0 =	seq.s32 s5, $0x0;
	s5 =	sld [smem:$0x3FB2]  }
0x2b: {  	s6 =	sld [smem:$0x3FB3]  }
0x2c: {  	s7 =	sld [smem:$0x3FB4]  }
0x2d: {  	s3 =	simm.s32 $0x108;
	s8 =	sld [smem:$0x3FB5]  }
0x2e: {  	s3 =	simm.s32 @!p0 $0x1082;
	s9 =	sld [smem:$0x3FB6]  }
0x2f: {  	lr =	sadd.s32 s0, s3;
	s0 =	sld [smem:$0x3FAD]  }
0x30: {  	s3 =	sld [smem:$0x3FB0]  }
0x31: {  	[smem:$0x3FB9] =	sst s10  }
0x32: {  	s10 =	sld [smem:$0x3FB7];
	_ =	sdelay $0x3  }
0x33: {  	p0 =	seq.s32 s10, $0x1;
	s10 =	sld [smem:$0x3FB9];
	_ =	sdelay $0x3  }
0x34: {  	[smem:$0x3FB9] =	sst s10  }
0x35: {  	s10 =	sld [smem:$0x3FB8];
	_ =	sdelay $0x3  }
0x36: {  	p1 =	seq.s32 s10, $0x1;
	s10 =	sld [smem:$0x3FB9];
	_ =	sdelay $0x3  }
0x37: {  	[smem:$0x3FB9] =	sst s10  }
0x38: {  	s10 =	sld [smem:$0x3FBA]  }
0x39: {  	_ = 	snop;
	(pc) =	sbr.ind lr, $3  }
0x3a: {  	_ = 	snop  }
0x3b: {  	_ = 	snop  }
0x3c: {  	p2 =	seq.s32 s10, $0x1;
	s10 =	sld [smem:$0x3FB9]  }
0x3d: {  	_ =	shalt  }
0x3e: {  	_ =	shalt  }
0x3f: {  	_ =	shalt  }
0x40: {  	_ =	shalt  }
0x41: {  	_ =	shalt  }
0x42: {  	_ =	shalt  }
0x43: {  	_ =	shalt  }
0x44: {  	_ =	shalt  }
0x45: {  	_ =	shalt  }
0x46: {  	_ =	shalt  }
0x47: {  	_ =	shalt  }
0x48: {  	_ =	shalt  }
0x49: {  	_ =	shalt  }
0x4a: {  	_ =	shalt  }
0x4b: {  	_ =	shalt  }
0x4c: {  	_ =	shalt  }
0x4d: {  	_ =	shalt  }
0x4e: {  	_ =	shalt  }
0x4f: {  	_ =	shalt  }
0x50: {  	_ =	shalt  }
0x51: {  	_ =	shalt  }
0x52: {  	_ =	shalt  }
0x53: {  	_ =	shalt  }
0x54: {  	_ =	shalt  }
0x55: {  	_ =	shalt  }
0x56: {  	_ =	shalt  }
0x57: {  	_ =	shalt  }
0x58: {  	_ =	shalt  }
0x59: {  	_ =	shalt  }
0x5a: {  	_ =	shalt  }
0x5b: {  	_ =	shalt  }
0x5c: {  	_ =	shalt  }
0x5d: {  	_ =	shalt  }
0x5e: {  	_ =	shalt  }
0x5f: {  	_ =	shalt  }
0x60: {  	_ =	shalt  }
0x61: {  	_ =	shalt  }
0x62: {  	_ =	shalt  }
0x63: {  	_ =	shalt  }
0x64: {  	_ =	shalt  }
0x65: {  	_ =	shalt  }
0x66: {  	_ =	shalt  }
0x67: {  	_ =	shalt  }
0x68: {  	_ =	shalt  }
0x69: {  	_ =	shalt  }
0x6a: {  	_ =	shalt  }
0x6b: {  	_ =	shalt  }
0x6c: {  	_ =	shalt  }
0x6d: {  	_ =	shalt  }
0x6e: {  	_ =	shalt  }
0x6f: {  	_ =	shalt  }
0x70: {  	_ =	shalt  }
0x71: {  	_ =	shalt  }
0x72: {  	_ =	shalt  }
0x73: {  	_ =	shalt  }
0x74: {  	_ =	shalt  }
0x75: {  	_ =	shalt  }
0x76: {  	_ =	shalt  }
0x77: {  	_ =	shalt  }
0x78: {  	_ =	shalt  }
0x79: {  	_ =	shalt  }
0x7a: {  	_ =	shalt  }
0x7b: {  	_ =	shalt  }
0x7c: {  	_ =	shalt  }
0x7d: {  	_ =	shalt  }
0x7e: {  	_ =	shalt  }
0x7f: {  	_ =	shalt  }
0x80: {  	_ =	shalt  }
0x81: {  	_ =	shalt  }
0x82: {  	_ =	shalt  }
0x83: {  	_ =	shalt  }
0x84: {  	_ =	shalt  }
0x85: {  	_ =	shalt  }
0x86: {  	_ =	shalt  }
0x87: {  	_ =	shalt  }
.Lfunc_end0:
.L_simem_size_0:
called_computation.1_lowered:
.L_overlay_start_0:
0x88: {  	s2 =	sld [smem:$0x3FD9]  }
0x89: {  	s3 =	sld [smem:$0x3FFE];
	_ =	sdelay $0x1  }
0x8a: {  	s1 =	srdreg.scid  }
0x8b: {  	s0 =	sand.u32 $0x1, s1  }
0x8c: {  	s16 =	sshll.u32 s0, $0xA;
	s2 =	sadd.s32 s3, s2  }
0x8d: {  	s2 =	sadd.s32 s2, s16  }
0x8e: {  	[smem:$0x3FC5] =	sst s2  }
0x8f: {  	_ = 	snop  }
0x90: {  	(tm) =	ssettm $0x1  }
0x91: {  	s17 =	sld [smem:$0x3FFB];
	_ =	sdelay $0x3  }
0x92: {  	_ =	strace s17  }
0x93: {  	s2 =	sld [smem:$0x3FFC];
	_ =	sdelay $0x3  }
0x94: {  	_ =	strace s2  }
0x95: {  	s2 =	sld [smem:$0x3FFD];
	_ =	sdelay $0x3  }
0x96: {  	_ =	strace s2  }
0x97: {  	_ =	strace $0x8FFFFFFF  }
0x98: {  	s18 =	sld [smem:$0x3FDB];
	_ =	sdelay $0x1  }
0x99: {  	s19 =	simm.s32 $_scs_section_size  }
0x9a: {  	s4 =	simm.s32 $_size__tile_overlayer_lowered;
	s5 =	simm.s32 $_tile_overlayer_lowered  }
0x9b: {  	s22 =	simm.s32 $0x1BFF;
	s21 =	sshll.u32 s5, $0x1;
	s2 =	sadd.s32 s19, s18  }
0x9c: {  	s6 =	simm.s32 $0x0;
	s20 =	sshll.u32 s4, $0x1;
	s4 =	sadd.s32 s21, s2  }
0x9d: {  	[timem:s6], [sflag:s22] =	dma.local [hbm:s4], s20  }
0x9e: {  	_ =	swait.ge [sflag:s22], s20  }
0x9f: {  	s3 =	ssub.s32 $0x0, s20;
	[sflag:s22] =	ssyncset.done $0x0  }
0xa0: {  	[sflag:s22] =	ssyncadd.s32 s3;
	_ =	sdelay $0x1  }
0xa1: {  	s23 =	simm.s32 $0x1B8B  }
0xa2: {  	_ =	swait.ge [sflag:s23], $0x1  }
0xa3: {  	[sflag:s23] =	ssyncset.done $0x0  }
0xa4: {  	s25 =	simm.s32 $0x1B8E;
	s24 =	sld [smem:$0x3FFE];
	[sflag:s23] =	ssyncadd.s32 $0xFFFFFFFF  }
0xa5: {  	s26 =	simm.s32 $execute0_lowered;
	[smem:$0x3FD2] =	sst s25  }
0xa6: {  	s4 =	sshll.u32 s26, $0x1;
	_ =	strace $0x80000046;
	[dreg:$0x1] =	wrdreg $0xFFFFFFFF  }
0xa7: {  	s28 =	simm.s32 $_size_execute0_lowered;
	s2 =	sadd.s32 s2, s4;
	[dreg:$0x0] =	wrdreg $0x0  }
0xa8: {  	s4 =	sshll.u32 s28, $0x1;
	[dreg:$0x2] =	wrdreg s2  }
0xa9: {  	[dreg:$0x3] =	wrdreg s4  }
0xaa: {  	[dreg:$0x4] =	wrdreg $0xC0  }
0xab: {  	_ =	task [dreg:s6], $0x5FFFF  }
0xac: {  	[dreg:$0x1] =	wrdreg $0xFFFFFFFF  }
0xad: {  	[dreg:$0x0] =	wrdreg $0x60  }
0xae: {  	[dreg:$0x2] =	wrdreg s24  }
0xaf: {  	[dreg:$0x3] =	wrdreg $0x9  }
0xb0: {  	_ =	task.clear_ibuf [dreg:s6], $0x4FFFF;
	_ =	strace $0x90000046  }
0xb1: {  	s29 =	simm.s32 $0x9;
	_ =	strace $0x80000048  }
0xb2: {  	_ =	swait.ge [sflag:s29], $0x1  }
0xb3: {  	[sflag:s29] =	ssyncadd.s32 $0xFFFFFFFF  }
0xb4: {  	_ =	strace $0x90000048  }
0xb5: {  	_ =	sfence  }
0xb6: {  	s30 =	sld [smem:$0x0];
	_ =	sdelay $0x2  }
0xb7: {  	s31 =	sshll.u32 s1, $0xD;
	s1 =	sshrl.u32 s1, $0x2  }
0xb8: {  	s3 =	sand.u32 $0x4000, s31;
	s1 =	sadd.s32 s1, s30  }
0xb9: {  	s0 =	sor.u32 s3, s0;
	s1 =	sshll.u32 s1, $0x11  }
0xba: {  	s0 =	sor.u32 s1, s0  }
0xbb: {  	s0 =	sadd.s32 $0x8F2B, s0  }
0xbc: {  	[sflag:s0] =	ssyncadd.remote.s32 $0x1  }
0xbd: {  	_ =	sfence.sel $0xFFFF  }
0xbe: {  	[dreg:$0x0] =	wrdreg $0xFFFFFFFF;
	(pc) =	sbr.abs _section_cstart, $3  }
0xbf: {  	[dreg:$0x1] =	wrdreg $0xFFFFFFFF  }
0xc0: {  	_ =	task.clear_ibuf [dreg:s6], $0x2FFFF;
	_ =	strace $0x9FFFFFFF  }
0xc1: {  	(tm) =	ssettm $0x7FFFFFFF  }
tec
execute0_lowered:
.L_overlay_start_1:
0x0: {  	(tag) =	ssettag $0x1  }
0x1: {  	s1 =	srdreg.scid;
	s0 =	stileid.u32  }
0x2: {  	s3 =	rddreg [dreg:$0x0];
	s4 =	sand.u32 $0x1, s1;
	s5 =	sshll.u32 s0, $0x1  }
0x3: {  	s2 =	simm.s32 $0x0;
	s1 =	rddreg [dreg:$0x1];
	s21 =	sor.u32 s4, s5  }
0x4: {  	[smem:$0x7FF] =	sst s2;
	s18 =	sadd.s32 $0xC3800, s3;
	s17 =	sshll.u32 s21, $0x8  }
0x5: {  	s19 =	sadd.s32 $0x200, s3;
	_ =	strace $0x80000047;
	s9 =	sadd.s32 s18, s17  }
0x6: {  	s10 =	sadd.s32 s19, s17;
	s6 =	sor.u32 $0x2000, s17;
	[dreg:$0x2] =	wrdreg s9  }
0x7: {  	[dreg:$0x3] =	wrdreg s10;
	s11 =	sadd.s32 s18, s6  }
0x8: {  	s13 =	sor.u32 $0x4000, s17;
	s12 =	sadd.s32 s19, s6;
	[dreg:$0x4] =	wrdreg s11  }
0x9: {  	s14 =	sadd.s32 s18, s13;
	[dreg:$0x5] =	wrdreg s12  }
0xa: {  	s16 =	sor.u32 $0x6000, s17;
	s15 =	sadd.s32 s19, s13;
	[dreg:$0x6] =	wrdreg s14  }
0xb: {  	s20 =	sadd.s32 s18, s16;
	[dreg:$0x7] =	wrdreg s15  }
0xc: {  	s23 =	sor.u32 $0x8000, s17;
	s22 =	sadd.s32 s19, s16;
	[dreg:$0x8] =	wrdreg s20  }
0xd: {  	s24 =	sadd.s32 s18, s23;
	[dreg:$0x9] =	wrdreg s22  }
0xe: {  	s26 =	sor.u32 $0xA000, s17;
	s25 =	sadd.s32 s19, s23;
	[dreg:$0xa] =	wrdreg s24  }
0xf: {  	s29 =	sadd.s32 s18, s26;
	[dreg:$0xb] =	wrdreg s25  }
0x10: {  	s31 =	sor.u32 $0xC000, s17;
	s30 =	sadd.s32 s19, s26;
	[dreg:$0xc] =	wrdreg s29  }
0x11: {  	s7 =	sadd.s32 s18, s31;
	[dreg:$0xd] =	wrdreg s30  }
0x12: {  	s8 =	sadd.s32 s19, s31;
	s9 =	sor.u32 $0xE000, s17;
	[dreg:$0xe] =	wrdreg s7  }
0x13: {  	[dreg:$0xf] =	wrdreg s8;
	s10 =	sadd.s32 s18, s9  }
0x14: {  	s11 =	sadd.s32 s19, s9;
	s12 =	sor.u32 $0x10000, s17;
	[dreg:$0x10] =	wrdreg s10  }
0x15: {  	[dreg:$0x11] =	wrdreg s11;
	s13 =	sadd.s32 s18, s12  }
0x16: {  	s15 =	sor.u32 $0x12000, s17;
	s14 =	sadd.s32 s19, s12;
	[dreg:$0x12] =	wrdreg s13  }
0x17: {  	s16 =	sadd.s32 s18, s15;
	[dreg:$0x13] =	wrdreg s14  }
0x18: {  	s22 =	sor.u32 $0x14000, s17;
	s20 =	sadd.s32 s19, s15;
	[dreg:$0x14] =	wrdreg s16  }
0x19: {  	s23 =	sadd.s32 s18, s22;
	[dreg:$0x15] =	wrdreg s20  }
0x1a: {  	s25 =	sor.u32 $0x16000, s17;
	s24 =	sadd.s32 s19, s22;
	[dreg:$0x16] =	wrdreg s23  }
0x1b: {  	s26 =	sadd.s32 s18, s25;
	[dreg:$0x17] =	wrdreg s24  }
0x1c: {  	s30 =	sor.u32 $0x18000, s17;
	s29 =	sadd.s32 s19, s25;
	[dreg:$0x18] =	wrdreg s26  }
0x1d: {  	s31 =	sadd.s32 s18, s30;
	[dreg:$0x19] =	wrdreg s29  }
0x1e: {  	s7 =	sor.u32 $0x1A000, s17;
	s6 =	sadd.s32 s19, s30;
	[dreg:$0x1a] =	wrdreg s31  }
0x1f: {  	s8 =	sadd.s32 s18, s7;
	[dreg:$0x1b] =	wrdreg s6  }
0x20: {  	s9 =	sadd.s32 s19, s7;
	s10 =	sor.u32 $0x1C000, s17;
	[dreg:$0x1c] =	wrdreg s8  }
0x21: {  	[dreg:$0x1d] =	wrdreg s9;
	s11 =	sadd.s32 s18, s10  }
0x22: {  	s12 =	sadd.s32 s19, s10;
	s13 =	sor.u32 $0x1E000, s17;
	[dreg:$0x1e] =	wrdreg s11  }
0x23: {  	[dreg:$0x1f] =	wrdreg s12;
	s14 =	sadd.s32 s18, s13  }
0x24: {  	s16 =	sor.u32 $0x20000, s17;
	s15 =	sadd.s32 s19, s13;
	[smem:$0x768] =	sst s14  }
0x25: {  	s20 =	sadd.s32 s18, s16;
	[smem:$0x769] =	sst s15  }
0x26: {  	s23 =	sor.u32 $0x22000, s17;
	s22 =	sadd.s32 s19, s16;
	[smem:$0x76A] =	sst s20  }
0x27: {  	s24 =	sadd.s32 s18, s23;
	[smem:$0x76B] =	sst s22  }
0x28: {  	s26 =	sor.u32 $0x24000, s17;
	s25 =	sadd.s32 s19, s23;
	[smem:$0x76C] =	sst s24  }
0x29: {  	s29 =	sadd.s32 s18, s26;
	[smem:$0x76D] =	sst s25  }
0x2a: {  	s31 =	sor.u32 $0x26000, s17;
	s30 =	sadd.s32 s19, s26;
	[smem:$0x76E] =	sst s29  }
0x2b: {  	s7 =	sadd.s32 s18, s31;
	[smem:$0x76F] =	sst s30  }
0x2c: {  	s9 =	sor.u32 $0x28000, s17;
	s8 =	sadd.s32 s19, s31;
	[smem:$0x770] =	sst s7  }
0x2d: {  	s10 =	sadd.s32 s18, s9;
	[smem:$0x771] =	sst s8  }
0x2e: {  	s11 =	sadd.s32 s19, s9;
	s12 =	sor.u32 $0x2A000, s17;
	[smem:$0x772] =	sst s10  }
0x2f: {  	[smem:$0x773] =	sst s11;
	s13 =	sadd.s32 s18, s12  }
0x30: {  	s14 =	sadd.s32 s19, s12;
	s15 =	sor.u32 $0x2C000, s17;
	[smem:$0x774] =	sst s13  }
0x31: {  	[smem:$0x775] =	sst s14;
	s16 =	sadd.s32 s18, s15  }
0x32: {  	s22 =	sor.u32 $0x2E000, s17;
	s20 =	sadd.s32 s19, s15;
	[smem:$0x776] =	sst s16  }
0x33: {  	s23 =	sadd.s32 s18, s22;
	[smem:$0x777] =	sst s20  }
0x34: {  	s25 =	sor.u32 $0x30000, s17;
	s24 =	sadd.s32 s19, s22;
	[smem:$0x778] =	sst s23  }
0x35: {  	s26 =	sadd.s32 s18, s25;
	[smem:$0x779] =	sst s24  }
0x36: {  	s30 =	sor.u32 $0x32000, s17;
	s29 =	sadd.s32 s19, s25;
	[smem:$0x77A] =	sst s26  }
0x37: {  	s31 =	sadd.s32 s18, s30;
	[smem:$0x77B] =	sst s29  }
0x38: {  	s7 =	sor.u32 $0x34000, s17;
	s6 =	sadd.s32 s19, s30;
	[smem:$0x77C] =	sst s31  }
0x39: {  	s8 =	sadd.s32 s18, s7;
	[smem:$0x77D] =	sst s6  }
0x3a: {  	s10 =	sor.u32 $0x36000, s17;
	s9 =	sadd.s32 s19, s7;
	[smem:$0x77E] =	sst s8  }
0x3b: {  	s11 =	sadd.s32 s18, s10;
	[smem:$0x77F] =	sst s9  }
0x3c: {  	s12 =	sadd.s32 s19, s10;
	s13 =	sor.u32 $0x38000, s17;
	[smem:$0x780] =	sst s11  }
0x3d: {  	[smem:$0x781] =	sst s12;
	s14 =	sadd.s32 s18, s13  }
0x3e: {  	s15 =	sadd.s32 s19, s13;
	s16 =	sor.u32 $0x3A000, s17;
	[smem:$0x782] =	sst s14  }
0x3f: {  	[smem:$0x783] =	sst s15;
	s20 =	sadd.s32 s18, s16  }
0x40: {  	s23 =	sor.u32 $0x3C000, s17;
	s22 =	sadd.s32 s19, s16;
	[smem:$0x784] =	sst s20  }
0x41: {  	s24 =	sadd.s32 s18, s23;
	[smem:$0x785] =	sst s22  }
0x42: {  	s26 =	sor.u32 $0x3E000, s17;
	s25 =	sadd.s32 s19, s23;
	[smem:$0x786] =	sst s24  }
0x43: {  	s29 =	sadd.s32 s18, s26;
	[smem:$0x787] =	sst s25  }
0x44: {  	s31 =	sor.u32 $0x40000, s17;
	s30 =	sadd.s32 s19, s26;
	[smem:$0x788] =	sst s29  }
0x45: {  	s7 =	sadd.s32 s18, s31;
	[smem:$0x789] =	sst s30  }
0x46: {  	s9 =	sor.u32 $0x42000, s17;
	s8 =	sadd.s32 s19, s31;
	[smem:$0x78A] =	sst s7  }
0x47: {  	s10 =	sadd.s32 s18, s9;
	[smem:$0x78B] =	sst s8  }
0x48: {  	s12 =	sor.u32 $0x44000, s17;
	s11 =	sadd.s32 s19, s9;
	[smem:$0x78C] =	sst s10  }
0x49: {  	s13 =	sadd.s32 s18, s12;
	[smem:$0x78D] =	sst s11  }
0x4a: {  	s14 =	sadd.s32 s19, s12;
	s15 =	sor.u32 $0x46000, s17;
	[smem:$0x78E] =	sst s13  }
0x4b: {  	[smem:$0x78F] =	sst s14;
	s16 =	sadd.s32 s18, s15  }
0x4c: {  	s20 =	sadd.s32 s19, s15;
	s22 =	sor.u32 $0x48000, s17;
	[smem:$0x790] =	sst s16  }
0x4d: {  	[smem:$0x791] =	sst s20;
	s23 =	sadd.s32 s18, s22  }
0x4e: {  	s25 =	sor.u32 $0x4A000, s17;
	s24 =	sadd.s32 s19, s22;
	[smem:$0x792] =	sst s23  }
0x4f: {  	s26 =	sadd.s32 s18, s25;
	[smem:$0x793] =	sst s24  }
0x50: {  	s30 =	sor.u32 $0x4C000, s17;
	s29 =	sadd.s32 s19, s25;
	[smem:$0x794] =	sst s26  }
0x51: {  	s31 =	sadd.s32 s18, s30;
	[smem:$0x795] =	sst s29  }
0x52: {  	s7 =	sor.u32 $0x4E000, s17;
	s6 =	sadd.s32 s19, s30;
	[smem:$0x796] =	sst s31  }
0x53: {  	s8 =	sadd.s32 s18, s7;
	[smem:$0x797] =	sst s6  }
0x54: {  	s10 =	sor.u32 $0x50000, s17;
	s9 =	sadd.s32 s19, s7;
	[smem:$0x798] =	sst s8  }
0x55: {  	s11 =	sadd.s32 s18, s10;
	[smem:$0x799] =	sst s9  }
0x56: {  	s13 =	sor.u32 $0x52000, s17;
	s12 =	sadd.s32 s19, s10;
	[smem:$0x79A] =	sst s11  }
0x57: {  	s14 =	sadd.s32 s18, s13;
	[smem:$0x79B] =	sst s12  }
0x58: {  	s15 =	sadd.s32 s19, s13;
	s16 =	sor.u32 $0x54000, s17;
	[smem:$0x79C] =	sst s14  }
0x59: {  	[smem:$0x79D] =	sst s15;
	s20 =	sadd.s32 s18, s16  }
0x5a: {  	s22 =	sadd.s32 s19, s16;
	s23 =	sor.u32 $0x56000, s17;
	[smem:$0x79E] =	sst s20  }
0x5b: {  	[smem:$0x79F] =	sst s22;
	s24 =	sadd.s32 s18, s23  }
0x5c: {  	s26 =	sor.u32 $0x58000, s17;
	s25 =	sadd.s32 s19, s23;
	[smem:$0x7A0] =	sst s24  }
0x5d: {  	s29 =	sadd.s32 s18, s26;
	[smem:$0x7A1] =	sst s25  }
0x5e: {  	s31 =	sor.u32 $0x5A000, s17;
	s30 =	sadd.s32 s19, s26;
	[smem:$0x7A2] =	sst s29  }
0x5f: {  	s7 =	sadd.s32 s18, s31;
	[smem:$0x7A3] =	sst s30  }
0x60: {  	s9 =	sor.u32 $0x5C000, s17;
	s8 =	sadd.s32 s19, s31;
	[smem:$0x7A4] =	sst s7  }
0x61: {  	s10 =	sadd.s32 s18, s9;
	[smem:$0x7A5] =	sst s8  }
0x62: {  	s12 =	sor.u32 $0x5E000, s17;
	s11 =	sadd.s32 s19, s9;
	[smem:$0x7A6] =	sst s10  }
0x63: {  	s13 =	sadd.s32 s18, s12;
	[smem:$0x7A7] =	sst s11  }
0x64: {  	s15 =	sor.u32 $0x60000, s17;
	s14 =	sadd.s32 s19, s12;
	[smem:$0x7A8] =	sst s13  }
0x65: {  	s16 =	sadd.s32 s18, s15;
	[smem:$0x7A9] =	sst s14  }
0x66: {  	s20 =	sadd.s32 s19, s15;
	s22 =	sor.u32 $0x62000, s17;
	[smem:$0x7AA] =	sst s16  }
0x67: {  	[smem:$0x7AB] =	sst s20;
	s23 =	sadd.s32 s18, s22  }
0x68: {  	s24 =	sadd.s32 s19, s22;
	s25 =	sor.u32 $0x64000, s17;
	[smem:$0x7AC] =	sst s23  }
0x69: {  	[smem:$0x7AD] =	sst s24;
	s26 =	sadd.s32 s18, s25  }
0x6a: {  	s30 =	sor.u32 $0x66000, s17;
	s29 =	sadd.s32 s19, s25;
	[smem:$0x7AE] =	sst s26  }
0x6b: {  	s31 =	sadd.s32 s18, s30;
	[smem:$0x7AF] =	sst s29  }
0x6c: {  	s7 =	sor.u32 $0x68000, s17;
	s6 =	sadd.s32 s19, s30;
	[smem:$0x7B0] =	sst s31  }
0x6d: {  	s8 =	sadd.s32 s18, s7;
	[smem:$0x7B1] =	sst s6  }
0x6e: {  	s10 =	sor.u32 $0x6A000, s17;
	s9 =	sadd.s32 s19, s7;
	[smem:$0x7B2] =	sst s8  }
0x6f: {  	s11 =	sadd.s32 s18, s10;
	[smem:$0x7B3] =	sst s9  }
0x70: {  	s13 =	sor.u32 $0x6C000, s17;
	s12 =	sadd.s32 s19, s10;
	[smem:$0x7B4] =	sst s11  }
0x71: {  	s14 =	sadd.s32 s18, s13;
	[smem:$0x7B5] =	sst s12  }
0x72: {  	s16 =	sor.u32 $0x6E000, s17;
	s15 =	sadd.s32 s19, s13;
	[smem:$0x7B6] =	sst s14  }
0x73: {  	s20 =	sadd.s32 s18, s16;
	[smem:$0x7B7] =	sst s15  }
0x74: {  	s22 =	sadd.s32 s19, s16;
	s23 =	sor.u32 $0x70000, s17;
	[smem:$0x7B8] =	sst s20  }
0x75: {  	[smem:$0x7B9] =	sst s22;
	s24 =	sadd.s32 s18, s23  }
0x76: {  	s25 =	sadd.s32 s19, s23;
	s26 =	sor.u32 $0x72000, s17;
	[smem:$0x7BA] =	sst s24  }
0x77: {  	[smem:$0x7BB] =	sst s25;
	s29 =	sadd.s32 s18, s26  }
0x78: {  	s31 =	sor.u32 $0x74000, s17;
	s30 =	sadd.s32 s19, s26;
	[smem:$0x7BC] =	sst s29  }
0x79: {  	s7 =	sadd.s32 s18, s31;
	[smem:$0x7BD] =	sst s30  }
0x7a: {  	s9 =	sor.u32 $0x76000, s17;
	s8 =	sadd.s32 s19, s31;
	[smem:$0x7BE] =	sst s7  }
0x7b: {  	s10 =	sadd.s32 s18, s9;
	[smem:$0x7BF] =	sst s8  }
0x7c: {  	s12 =	sor.u32 $0x78000, s17;
	s11 =	sadd.s32 s19, s9;
	[smem:$0x7C0] =	sst s10  }
0x7d: {  	s13 =	sadd.s32 s18, s12;
	[smem:$0x7C1] =	sst s11  }
0x7e: {  	s15 =	sor.u32 $0x7A000, s17;
	s14 =	sadd.s32 s19, s12;
	[smem:$0x7C2] =	sst s13  }
0x7f: {  	s16 =	sadd.s32 s18, s15;
	[smem:$0x7C3] =	sst s14  }
0x80: {  	s22 =	sor.u32 $0x7C000, s17;
	s20 =	sadd.s32 s19, s15;
	[smem:$0x7C4] =	sst s16  }
0x81: {  	s23 =	sadd.s32 s18, s22;
	[smem:$0x7C5] =	sst s20  }
0x82: {  	s24 =	sadd.s32 s19, s22;
	s25 =	sor.u32 $0x7E000, s17;
	[smem:$0x7C6] =	sst s23  }
0x83: {  	[smem:$0x7C7] =	sst s24;
	s26 =	sadd.s32 s18, s25  }
0x84: {  	s29 =	sadd.s32 s19, s25;
	s30 =	sor.u32 $0x80000, s17;
	[smem:$0x7C8] =	sst s26  }
0x85: {  	[smem:$0x7C9] =	sst s29;
	s31 =	sadd.s32 s18, s30  }
0x86: {  	s7 =	sor.u32 $0x82000, s17;
	s6 =	sadd.s32 s19, s30;
	[smem:$0x7CA] =	sst s31  }
0x87: {  	s8 =	sadd.s32 s18, s7;
	[smem:$0x7CB] =	sst s6  }
0x88: {  	s10 =	sor.u32 $0x84000, s17;
	s9 =	sadd.s32 s19, s7;
	[smem:$0x7CC] =	sst s8  }
0x89: {  	s11 =	sadd.s32 s18, s10;
	[smem:$0x7CD] =	sst s9  }
0x8a: {  	s13 =	sor.u32 $0x86000, s17;
	s12 =	sadd.s32 s19, s10;
	[smem:$0x7CE] =	sst s11  }
0x8b: {  	s14 =	sadd.s32 s18, s13;
	[smem:$0x7CF] =	sst s12  }
0x8c: {  	s16 =	sor.u32 $0x88000, s17;
	s15 =	sadd.s32 s19, s13;
	[smem:$0x7D0] =	sst s14  }
0x8d: {  	s20 =	sadd.s32 s18, s16;
	[smem:$0x7D1] =	sst s15  }
0x8e: {  	s23 =	sor.u32 $0x8A000, s17;
	s22 =	sadd.s32 s19, s16;
	[smem:$0x7D2] =	sst s20  }
0x8f: {  	s24 =	sadd.s32 s18, s23;
	[smem:$0x7D3] =	sst s22  }
0x90: {  	s25 =	sadd.s32 s19, s23;
	s26 =	sor.u32 $0x8C000, s17;
	[smem:$0x7D4] =	sst s24  }
0x91: {  	[smem:$0x7D5] =	sst s25;
	s29 =	sadd.s32 s18, s26  }
0x92: {  	s30 =	sadd.s32 s19, s26;
	s31 =	sor.u32 $0x8E000, s17;
	[smem:$0x7D6] =	sst s29  }
0x93: {  	[smem:$0x7D7] =	sst s30;
	s7 =	sadd.s32 s18, s31  }
0x94: {  	s9 =	sor.u32 $0x90000, s17;
	s8 =	sadd.s32 s19, s31;
	[smem:$0x7D8] =	sst s7  }
0x95: {  	s10 =	sadd.s32 s18, s9;
	[smem:$0x7D9] =	sst s8  }
0x96: {  	s12 =	sor.u32 $0x92000, s17;
	s11 =	sadd.s32 s19, s9;
	[smem:$0x7DA] =	sst s10  }
0x97: {  	s13 =	sadd.s32 s18, s12;
	[smem:$0x7DB] =	sst s11  }
0x98: {  	s15 =	sor.u32 $0x94000, s17;
	s14 =	sadd.s32 s19, s12;
	[smem:$0x7DC] =	sst s13  }
0x99: {  	s16 =	sadd.s32 s18, s15;
	[smem:$0x7DD] =	sst s14  }
0x9a: {  	s22 =	sor.u32 $0x96000, s17;
	s20 =	sadd.s32 s19, s15;
	[smem:$0x7DE] =	sst s16  }
0x9b: {  	s23 =	sadd.s32 s18, s22;
	[smem:$0x7DF] =	sst s20  }
0x9c: {  	s25 =	sor.u32 $0x98000, s17;
	s24 =	sadd.s32 s19, s22;
	[smem:$0x7E0] =	sst s23  }
0x9d: {  	s26 =	sadd.s32 s18, s25;
	[smem:$0x7E1] =	sst s24  }
0x9e: {  	s29 =	sadd.s32 s19, s25;
	s30 =	sor.u32 $0x9A000, s17;
	[smem:$0x7E2] =	sst s26  }
0x9f: {  	[smem:$0x7E3] =	sst s29;
	s31 =	sadd.s32 s18, s30  }
0xa0: {  	s6 =	sadd.s32 s19, s30;
	s7 =	sor.u32 $0x9C000, s17;
	[smem:$0x7E4] =	sst s31  }
0xa1: {  	[smem:$0x7E5] =	sst s6;
	s8 =	sadd.s32 s18, s7  }
0xa2: {  	s10 =	sor.u32 $0x9E000, s17;
	s9 =	sadd.s32 s19, s7;
	[smem:$0x7E6] =	sst s8  }
0xa3: {  	s11 =	sadd.s32 s18, s10;
	[smem:$0x7E7] =	sst s9  }
0xa4: {  	s13 =	sor.u32 $0xA0000, s17;
	s12 =	sadd.s32 s19, s10;
	[smem:$0x7E8] =	sst s11  }
0xa5: {  	s28 =	simm.s32 $0x2;
	s14 =	sadd.s32 s18, s13;
	[smem:$0x7E9] =	sst s12  }
0xa6: {  	s16 =	sor.u32 $0xA2000, s17;
	s15 =	sadd.s32 s19, s13;
	[smem:$0x7EA] =	sst s14  }
0xa7: {  	s3 =	sadd.s32 $0x186E00, s3;
	s20 =	sadd.s32 s18, s16;
	[smem:$0x7EB] =	sst s15  }
0xa8: {  	s23 =	sor.u32 $0xA4000, s17;
	s22 =	sadd.s32 s19, s16;
	[smem:$0x7EC] =	sst s20  }
0xa9: {  	s4 =	ssub.s32 $0x2, s4;
	s24 =	sadd.s32 s18, s23;
	[smem:$0x7ED] =	sst s22  }
0xaa: {  	s26 =	sor.u32 $0xA6000, s17;
	s25 =	sadd.s32 s19, s23;
	[smem:$0x7EE] =	sst s24  }
0xab: {  	p0 =	sgt.u32 s21, $0x14;
	s29 =	sadd.s32 s18, s26;
	[smem:$0x7EF] =	sst s25  }
0xac: {  	s30 =	sadd.s32 s19, s26;
	s31 =	sor.u32 $0xA8000, s17;
	[smem:$0x7F0] =	sst s29  }
0xad: {  	s21 =	simm.s32 $0x1800;
	[smem:$0x7F1] =	sst s30;
	s7 =	sadd.s32 s18, s31  }
0xae: {  	s8 =	sadd.s32 s19, s31;
	s9 =	sor.u32 $0xAA000, s17;
	s12 =	sor.u32 $0xAC000, s17  }
0xaf: {  	s15 =	sor.u32 $0xAE000, s17;
	s22 =	sor.u32 $0xB0000, s17;
	[smem:$0x7F2] =	sst s7  }
0xb0: {  	s25 =	sor.u32 $0xB2000, s17;
	[smem:$0x7F3] =	sst s8;
	s10 =	sadd.s32 s18, s9  }
0xb1: {  	s30 =	sor.u32 $0xB4000, s17;
	s11 =	sadd.s32 s19, s9;
	[smem:$0x7F4] =	sst s10  }
0xb2: {  	s31 =	sor.u32 $0xB6000, s17;
	s13 =	sadd.s32 s18, s12;
	[smem:$0x7F5] =	sst s11  }
0xb3: {  	s14 =	sadd.s32 s19, s12;
	s16 =	sadd.s32 s18, s15;
	[smem:$0x7F6] =	sst s13  }
0xb4: {  	s20 =	sadd.s32 s19, s15;
	s7 =	sshrl.u32 s4, $0x1;
	[smem:$0x7F7] =	sst s14  }
0xb5: {  	s23 =	sadd.s32 s18, s22;
	s24 =	sadd.s32 s19, s22;
	[smem:$0x7F8] =	sst s16  }
0xb6: {  	s26 =	sadd.s32 s18, s25;
	s29 =	sadd.s32 s19, s25;
	[smem:$0x7F9] =	sst s20  }
0xb7: {  	s5 =	sadd.s32 s19, s30;
	s6 =	sadd.s32 s18, s31;
	[smem:$0x7FA] =	sst s23  }
0xb8: {  	s9 =	sor.u32 $0xB8000, s17;
	s15 =	sor.u32 $0xBE000, s17;
	[smem:$0x7FB] =	sst s24  }
0xb9: {  	s22 =	sor.u32 $0xC0000, s17;
	s25 =	simm.s32 $0x1000;
	[smem:$0x7FC] =	sst s26  }
0xba: {  	s20 =	ssub.s32 s4, s7;
	[smem:$0x7FD] =	sst s29;
	s4 =	sadd.s32 s18, s30  }
0xbb: {  	s7 =	sadd.s32 s19, s31;
	s8 =	sadd.s32 s18, s9;
	s11 =	sor.u32 $0xBA000, s17  }
0xbc: {  	s9 =	sadd.s32 s19, s9;
	s13 =	sor.u32 $0xBC000, s17;
	s14 =	sadd.s32 s18, s15  }
0xbd: {  	s15 =	sadd.s32 s19, s15;
	s16 =	sadd.s32 s18, s22;
	s23 =	sor.u32 $0xC2000, s17  }
0xbe: {  	s17 =	sadd.s32 s19, s22;
	s22 =	simm.s32 $0x800;
	s24 =	simm.s32 $0x1  }
0xbf: {  	s26 =	simm.s32 $0x2800;
	s10 =	sadd.s32 s18, s11;
	s11 =	sadd.s32 s19, s11  }
0xc0: {  	s12 =	sadd.s32 s18, s13;
	s13 =	sadd.s32 s19, s13;
	s18 =	sadd.s32 s18, s23  }
0xc1: {  	s19 =	sadd.s32 s19, s23;
	s20 =	smax.u32 s20, $0x1;
	s23 =	simm.s32 $0x2000  }
.LBB2_1:
0xc2: {  	s29 =	rddreg [dreg:$0x2]  }
0xc3: {  	[tilespmem:s2], [sflag:$0x1] =	stream.linear.gather [hbm4b:s29+s2], $0x800, $0x38;
	[tilespmem:$0x3000] =	vst v63  }
0xc4: {  	s30 =	rddreg [dreg:$0x3]  }
0xc5: {  	[tilespmem:s21], [sflag:$0x1] =	stream.linear.gather [hbm4b:s30+s2], $0x800, $0x38;
	[tilespmem:$0x3000] =	vst v63  }
0xc6: {  	s29 =	rddreg [dreg:$0x4]  }
0xc7: {  	[tilespmem:s22], [sflag:$0x1] =	stream.linear.gather [hbm4b:s29+s2], $0x800, $0x38;
	[tilespmem:$0x3000] =	vst v63  }
0xc8: {  	s31 =	rddreg [dreg:$0x5]  }
0xc9: {  	[tilespmem:s23], [sflag:$0x1] =	stream.linear.gather [hbm4b:s31+s2], $0x800, $0x38;
	[tilespmem:$0x3000] =	vst v63  }
0xca: {  	_ =	swait.ge [sflag:s24], $0x800  }
0xcb: {  	[sflag:s24] =	ssyncset.done $0x0  }
0xcc: {  	[sflag:s24] =	ssyncadd.s32 $0xFFFFF800  }
0xcd: {  	_ =	swait.ge [sflag:s24], $0x800  }
0xce: {  	[sflag:s24] =	ssyncset.done $0x0  }
0xcf: {  	[sflag:s24] =	ssyncadd.s32 $0xFFFFF800  }
0xd0: {  	[hbm4b:s3+s22] =	stream.indirect.scatter [tilespmem:s21], [sflag:$0x2], $0x1, s2, s22, $0xb8;
	[tilespmem:$0x3000] =	vst v63  }
0xd1: {  	s29 =	rddreg [dreg:$0x6]  }
0xd2: {  	[tilespmem:s25], [sflag:$0x1] =	stream.linear.gather [hbm4b:s29+s2], $0x800, $0x38;
	[tilespmem:$0x3000] =	vst v63  }
0xd3: {  	s31 =	rddreg [dreg:$0x7]  }
0xd4: {  	[tilespmem:s26], [sflag:$0x1] =	stream.linear.gather [hbm4b:s31+s2], $0x800, $0x38;
	[tilespmem:$0x3000] =	vst v63  }
0xd5: {  	_ =	swait.ge [sflag:s24], $0x800  }
0xd6: {  	[sflag:s24] =	ssyncset.done $0x0  }
0xd7: {  	[sflag:s24] =	ssyncadd.s32 $0xFFFFF800  }
0xd8: {  	_ =	swait.ge [sflag:s24], $0x800  }
0xd9: {  	[sflag:s24] =	ssyncset.done $0x0  }
0xda: {  	[sflag:s24] =	ssyncadd.s32 $0xFFFFF800  }
0xdb: {  	[hbm4b:s3+s22] =	stream.indirect.scatter [tilespmem:s23], [sflag:$0x2], $0x1, s22, s22, $0xb8;
	[tilespmem:$0x3000] =	vst v63  }
0xdc: {  	_ =	swait.ge [sflag:s28], $0x800  }
0xdd: {  	[sflag:s28] =	ssyncset.done $0x0  }
0xde: {  	s29 =	rddreg [dreg:$0x8];
	[sflag:s28] =	ssyncadd.s32 $0xFFFFF800  }
0xdf: {  	[tilespmem:s2], [sflag:$0x1] =	stream.linear.gather [hbm4b:s29+s2], $0x800, $0x38;
	[tilespmem:$0x3000] =	vst v63  }
0xe0: {  	s31 =	rddreg [dreg:$0x9]  }
0xe1: {  	[tilespmem:s21], [sflag:$0x1] =	stream.linear.gather [hbm4b:s31+s2], $0x800, $0x38;
	[tilespmem:$0x3000] =	vst v63  }
0xe2: {  	_ =	swait.ge [sflag:s24], $0x800  }
0xe3: {  	[sflag:s24] =	ssyncset.done $0x0  }
0xe4: {  	[sflag:s24] =	ssyncadd.s32 $0xFFFFF800  }
0xe5: {  	_ =	swait.ge [sflag:s24], $0x800  }
0xe6: {  	[sflag:s24] =	ssyncset.done $0x0  }
0xe7: {  	[sflag:s24] =	ssyncadd.s32 $0xFFFFF800  }
0xe8: {  	[hbm4b:s3+s22] =	stream.indirect.scatter [tilespmem:s26], [sflag:$0x2], $0x1, s25, s22, $0xb8;
	[tilespmem:$0x3000] =	vst v63  }
0xe9: {  	_ =	swait.ge [sflag:s28], $0x800  }
0xea: {  	[sflag:s28] =	ssyncset.done $0x0  }
0xeb: {  	s29 =	rddreg [dreg:$0xa];
	[sflag:s28] =	ssyncadd.s32 $0xFFFFF800  }
0xec: {  	[tilespmem:s22], [sflag:$0x1] =	stream.linear.gather [hbm4b:s29+s2], $0x800, $0x38;
	[tilespmem:$0x3000] =	vst v63  }
0xed: {  	s31 =	rddreg [dreg:$0xb]  }
0xee: {  	[tilespmem:s23], [sflag:$0x1] =	stream.linear.gather [hbm4b:s31+s2], $0x800, $0x38;
	[tilespmem:$0x3000] =	vst v63  }
0xef: {  	_ =	swait.ge [sflag:s24], $0x800  }
0xf0: {  	[sflag:s24] =	ssyncset.done $0x0  }
0xf1: {  	[sflag:s24] =	ssyncadd.s32 $0xFFFFF800  }
0xf2: {  	_ =	swait.ge [sflag:s24], $0x800  }
0xf3: {  	[sflag:s24] =	ssyncset.done $0x0  }
0xf4: {  	[sflag:s24] =	ssyncadd.s32 $0xFFFFF800  }
0xf5: {  	[hbm4b:s3+s22] =	stream.indirect.scatter [tilespmem:s21], [sflag:$0x2], $0x1, s2, s22, $0xb8;
	[tilespmem:$0x3000] =	vst v63  }
0xf6: {  	_ =	swait.ge [sflag:s28], $0x800  }
0xf7: {  	[sflag:s28] =	ssyncset.done $0x0  }
0xf8: {  	s29 =	rddreg [dreg:$0xc];
	[sflag:s28] =	ssyncadd.s32 $0xFFFFF800  }
0xf9: {  	[tilespmem:s25], [sflag:$0x1] =	stream.linear.gather [hbm4b:s29+s2], $0x800, $0x38;
	[tilespmem:$0x3000] =	vst v63  }
0xfa: {  	s31 =	rddreg [dreg:$0xd]  }
0xfb: {  	[tilespmem:s26], [sflag:$0x1] =	stream.linear.gather [hbm4b:s31+s2], $0x800, $0x38;
	[tilespmem:$0x3000] =	vst v63  }
0xfc: {  	_ =	swait.ge [sflag:s24], $0x800  }
0xfd: {  	[sflag:s24] =	ssyncset.done $0x0  }
0xfe: {  	[sflag:s24] =	ssyncadd.s32 $0xFFFFF800  }
0xff: {  	_ =	swait.ge [sflag:s24], $0x800  }
0x100: {  	[sflag:s24] =	ssyncset.done $0x0  }
0x101: {  	[sflag:s24] =	ssyncadd.s32 $0xFFFFF800  }
0x102: {  	[hbm4b:s3+s22] =	stream.indirect.scatter [tilespmem:s23], [sflag:$0x2], $0x1, s22, s22, $0xb8;
	[tilespmem:$0x3000] =	vst v63  }
0x103: {  	_ =	swait.ge [sflag:s28], $0x800  }
0x104: {  	[sflag:s28] =	ssyncset.done $0x0  }
0x105: {  	s29 =	rddreg [dreg:$0xe];
	[sflag:s28] =	ssyncadd.s32 $0xFFFFF800  }
0x106: {  	[tilespmem:s2], [sflag:$0x1] =	stream.linear.gather [hbm4b:s29+s2], $0x800, $0x38;
	[tilespmem:$0x3000] =	vst v63  }
0x107: {  	s31 =	rddreg [dreg:$0xf]  }
0x108: {  	[tilespmem:s21], [sflag:$0x1] =	stream.linear.gather [hbm4b:s31+s2], $0x800, $0x38;
	[tilespmem:$0x3000] =	vst v63  }
0x109: {  	_ =	swait.ge [sflag:s24], $0x800  }
0x10a: {  	[sflag:s24] =	ssyncset.done $0x0  }
0x10b: {  	[sflag:s24] =	ssyncadd.s32 $0xFFFFF800  }
0x10c: {  	_ =	swait.ge [sflag:s24], $0x800  }
0x10d: {  	[sflag:s24] =	ssyncset.done $0x0  }
0x10e: {  	[sflag:s24] =	ssyncadd.s32 $0xFFFFF800  }
0x10f: {  	[hbm4b:s3+s22] =	stream.indirect.scatter [tilespmem:s26], [sflag:$0x2], $0x1, s25, s22, $0xb8;
	[tilespmem:$0x3000] =	vst v63  }
0x110: {  	_ =	swait.ge [sflag:s28], $0x800  }
0x111: {  	[sflag:s28] =	ssyncset.done $0x0  }
0x112: {  	s29 =	rddreg [dreg:$0x10];
	[sflag:s28] =	ssyncadd.s32 $0xFFFFF800  }
0x113: {  	[tilespmem:s22], [sflag:$0x1] =	stream.linear.gather [hbm4b:s29+s2], $0x800, $0x38;
	[tilespmem:$0x3000] =	vst v63  }
0x114: {  	s31 =	rddreg [dreg:$0x11]  }
0x115: {  	[tilespmem:s23], [sflag:$0x1] =	stream.linear.gather [hbm4b:s31+s2], $0x800, $0x38;
	[tilespmem:$0x3000] =	vst v63  }
0x116: {  	_ =	swait.ge [sflag:s24], $0x800  }
0x117: {  	[sflag:s24] =	ssyncset.done $0x0  }
0x118: {  	[sflag:s24] =	ssyncadd.s32 $0xFFFFF800  }
0x119: {  	_ =	swait.ge [sflag:s24], $0x800  }
0x11a: {  	[sflag:s24] =	ssyncset.done $0x0  }
0x11b: {  	[sflag:s24] =	ssyncadd.s32 $0xFFFFF800  }
0x11c: {  	[hbm4b:s3+s22] =	stream.indirect.scatter [tilespmem:s21], [sflag:$0x2], $0x1, s2, s22, $0xb8;
	[tilespmem:$0x3000] =	vst v63  }
0x11d: {  	_ =	swait.ge [sflag:s28], $0x800  }
0x11e: {  	[sflag:s28] =	ssyncset.done $0x0  }
0x11f: {  	s29 =	rddreg [dreg:$0x12];
	[sflag:s28] =	ssyncadd.s32 $0xFFFFF800  }
0x120: {  	[tilespmem:s25], [sflag:$0x1] =	stream.linear.gather [hbm4b:s29+s2], $0x800, $0x38;
	[tilespmem:$0x3000] =	vst v63  }
0x121: {  	s31 =	rddreg [dreg:$0x13]  }
0x122: {  	[tilespmem:s26], [sflag:$0x1] =	stream.linear.gather [hbm4b:s31+s2], $0x800, $0x38;
	[tilespmem:$0x3000] =	vst v63  }
0x123: {  	_ =	swait.ge [sflag:s24], $0x800  }
0x124: {  	[sflag:s24] =	ssyncset.done $0x0  }
0x125: {  	[sflag:s24] =	ssyncadd.s32 $0xFFFFF800  }
0x126: {  	_ =	swait.ge [sflag:s24], $0x800  }
0x127: {  	[sflag:s24] =	ssyncset.done $0x0  }
0x128: {  	[sflag:s24] =	ssyncadd.s32 $0xFFFFF800  }
0x129: {  	[hbm4b:s3+s22] =	stream.indirect.scatter [tilespmem:s23], [sflag:$0x2], $0x1, s22, s22, $0xb8;
	[tilespmem:$0x3000] =	vst v63  }
0x12a: {  	_ =	swait.ge [sflag:s28], $0x800  }
0x12b: {  	[sflag:s28] =	ssyncset.done $0x0  }
0x12c: {  	s29 =	rddreg [dreg:$0x14];
	[sflag:s28] =	ssyncadd.s32 $0xFFFFF800  }
0x12d: {  	[tilespmem:s2], [sflag:$0x1] =	stream.linear.gather [hbm4b:s29+s2], $0x800, $0x38;
	[tilespmem:$0x3000] =	vst v63  }
0x12e: {  	s31 =	rddreg [dreg:$0x15]  }
0x12f: {  	[tilespmem:s21], [sflag:$0x1] =	stream.linear.gather [hbm4b:s31+s2], $0x800, $0x38;
	[tilespmem:$0x3000] =	vst v63  }
0x130: {  	_ =	swait.ge [sflag:s24], $0x800  }
0x131: {  	[sflag:s24] =	ssyncset.done $0x0  }
0x132: {  	[sflag:s24] =	ssyncadd.s32 $0xFFFFF800  }
0x133: {  	_ =	swait.ge [sflag:s24], $0x800  }
0x134: {  	[sflag:s24] =	ssyncset.done $0x0  }
0x135: {  	[sflag:s24] =	ssyncadd.s32 $0xFFFFF800  }
0x136: {  	[hbm4b:s3+s22] =	stream.indirect.scatter [tilespmem:s26], [sflag:$0x2], $0x1, s25, s22, $0xb8;
	[tilespmem:$0x3000] =	vst v63  }
0x137: {  	_ =	swait.ge [sflag:s28], $0x800  }
0x138: {  	[sflag:s28] =	ssyncset.done $0x0  }
0x139: {  	s29 =	rddreg [dreg:$0x16];
	[sflag:s28] =	ssyncadd.s32 $0xFFFFF800  }
0x13a: {  	[tilespmem:s22], [sflag:$0x1] =	stream.linear.gather [hbm4b:s29+s2], $0x800, $0x38;
	[tilespmem:$0x3000] =	vst v63  }
0x13b: {  	s31 =	rddreg [dreg:$0x17]  }
0x13c: {  	[tilespmem:s23], [sflag:$0x1] =	stream.linear.gather [hbm4b:s31+s2], $0x800, $0x38;
	[tilespmem:$0x3000] =	vst v63  }
0x13d: {  	_ =	swait.ge [sflag:s24], $0x800  }
0x13e: {  	[sflag:s24] =	ssyncset.done $0x0  }
0x13f: {  	[sflag:s24] =	ssyncadd.s32 $0xFFFFF800  }
0x140: {  	_ =	swait.ge [sflag:s24], $0x800  }
0x141: {  	[sflag:s24] =	ssyncset.done $0x0  }
0x142: {  	[sflag:s24] =	ssyncadd.s32 $0xFFFFF800  }
0x143: {  	[hbm4b:s3+s22] =	stream.indirect.scatter [tilespmem:s21], [sflag:$0x2], $0x1, s2, s22, $0xb8;
	[tilespmem:$0x3000] =	vst v63  }
0x144: {  	_ =	swait.ge [sflag:s28], $0x800  }
0x145: {  	[sflag:s28] =	ssyncset.done $0x0  }
0x146: {  	s29 =	rddreg [dreg:$0x18];
	[sflag:s28] =	ssyncadd.s32 $0xFFFFF800  }
0x147: {  	[tilespmem:s25], [sflag:$0x1] =	stream.linear.gather [hbm4b:s29+s2], $0x800, $0x38;
	[tilespmem:$0x3000] =	vst v63  }
0x148: {  	s31 =	rddreg [dreg:$0x19]  }
0x149: {  	[tilespmem:s26], [sflag:$0x1] =	stream.linear.gather [hbm4b:s31+s2], $0x800, $0x38;
	[tilespmem:$0x3000] =	vst v63  }
0x14a: {  	_ =	swait.ge [sflag:s24], $0x800  }
0x14b: {  	[sflag:s24] =	ssyncset.done $0x0  }
0x14c: {  	[sflag:s24] =	ssyncadd.s32 $0xFFFFF800  }
0x14d: {  	_ =	swait.ge [sflag:s24], $0x800  }
0x14e: {  	[sflag:s24] =	ssyncset.done $0x0  }
0x14f: {  	[sflag:s24] =	ssyncadd.s32 $0xFFFFF800  }
0x150: {  	[hbm4b:s3+s22] =	stream.indirect.scatter [tilespmem:s23], [sflag:$0x2], $0x1, s22, s22, $0xb8;
	[tilespmem:$0x3000] =	vst v63  }
0x151: {  	_ =	swait.ge [sflag:s28], $0x800  }
0x152: {  	[sflag:s28] =	ssyncset.done $0x0  }
0x153: {  	s29 =	rddreg [dreg:$0x1a];
	[sflag:s28] =	ssyncadd.s32 $0xFFFFF800  }
0x154: {  	[tilespmem:s2], [sflag:$0x1] =	stream.linear.gather [hbm4b:s29+s2], $0x800, $0x38;
	[tilespmem:$0x3000] =	vst v63  }
0x155: {  	s31 =	rddreg [dreg:$0x1b]  }
0x156: {  	[tilespmem:s21], [sflag:$0x1] =	stream.linear.gather [hbm4b:s31+s2], $0x800, $0x38;
	[tilespmem:$0x3000] =	vst v63  }
0x157: {  	_ =	swait.ge [sflag:s24], $0x800  }
0x158: {  	[sflag:s24] =	ssyncset.done $0x0  }
0x159: {  	[sflag:s24] =	ssyncadd.s32 $0xFFFFF800  }
0x15a: {  	_ =	swait.ge [sflag:s24], $0x800  }
0x15b: {  	[sflag:s24] =	ssyncset.done $0x0  }
0x15c: {  	[sflag:s24] =	ssyncadd.s32 $0xFFFFF800  }
0x15d: {  	[hbm4b:s3+s22] =	stream.indirect.scatter [tilespmem:s26], [sflag:$0x2], $0x1, s25, s22, $0xb8;
	[tilespmem:$0x3000] =	vst v63  }
0x15e: {  	_ =	swait.ge [sflag:s28], $0x800  }
0x15f: {  	[sflag:s28] =	ssyncset.done $0x0  }
0x160: {  	s29 =	rddreg [dreg:$0x1c];
	[sflag:s28] =	ssyncadd.s32 $0xFFFFF800  }
0x161: {  	[tilespmem:s22], [sflag:$0x1] =	stream.linear.gather [hbm4b:s29+s2], $0x800, $0x38;
	[tilespmem:$0x3000] =	vst v63  }
0x162: {  	s31 =	rddreg [dreg:$0x1d]  }
0x163: {  	[tilespmem:s23], [sflag:$0x1] =	stream.linear.gather [hbm4b:s31+s2], $0x800, $0x38;
	[tilespmem:$0x3000] =	vst v63  }
0x164: {  	_ =	swait.ge [sflag:s24], $0x800  }
0x165: {  	[sflag:s24] =	ssyncset.done $0x0  }
0x166: {  	[sflag:s24] =	ssyncadd.s32 $0xFFFFF800  }
0x167: {  	_ =	swait.ge [sflag:s24], $0x800  }
0x168: {  	[sflag:s24] =	ssyncset.done $0x0  }
0x169: {  	[sflag:s24] =	ssyncadd.s32 $0xFFFFF800  }
0x16a: {  	[hbm4b:s3+s22] =	stream.indirect.scatter [tilespmem:s21], [sflag:$0x2], $0x1, s2, s22, $0xb8;
	[tilespmem:$0x3000] =	vst v63  }
0x16b: {  	_ =	swait.ge [sflag:s28], $0x800  }
0x16c: {  	[sflag:s28] =	ssyncset.done $0x0  }
0x16d: {  	s29 =	rddreg [dreg:$0x1e];
	[sflag:s28] =	ssyncadd.s32 $0xFFFFF800  }
0x16e: {  	[tilespmem:s25], [sflag:$0x1] =	stream.linear.gather [hbm4b:s29+s2], $0x800, $0x38;
	[tilespmem:$0x3000] =	vst v63  }
0x16f: {  	s31 =	rddreg [dreg:$0x1f]  }
0x170: {  	[tilespmem:s26], [sflag:$0x1] =	stream.linear.gather [hbm4b:s31+s2], $0x800, $0x38;
	[tilespmem:$0x3000] =	vst v63  }
0x171: {  	_ =	swait.ge [sflag:s24], $0x800  }
0x172: {  	[sflag:s24] =	ssyncset.done $0x0  }
0x173: {  	[sflag:s24] =	ssyncadd.s32 $0xFFFFF800  }
0x174: {  	_ =	swait.ge [sflag:s24], $0x800  }
0x175: {  	[sflag:s24] =	ssyncset.done $0x0  }
0x176: {  	[sflag:s24] =	ssyncadd.s32 $0xFFFFF800  }
0x177: {  	[hbm4b:s3+s22] =	stream.indirect.scatter [tilespmem:s23], [sflag:$0x2], $0x1, s22, s22, $0xb8;
	[tilespmem:$0x3000] =	vst v63  }
0x178: {  	_ =	swait.ge [sflag:s28], $0x800  }
0x179: {  	s29 =	sld [smem:$0x768]  }
0x17a: {  	[sflag:s28] =	ssyncset.done $0x0  }
0x17b: {  	s31 =	sld [smem:$0x769];
	[sflag:s28] =	ssyncadd.s32 $0xFFFFF800  }
0x17c: {  	[tilespmem:s2], [sflag:$0x1] =	stream.linear.gather [hbm4b:s29+s2], $0x800, $0x38;
	[tilespmem:$0x3000] =	vst v63  }
0x17d: {  	_ = 	snop  }
0x17e: {  	[tilespmem:s21], [sflag:$0x1] =	stream.linear.gather [hbm4b:s31+s2], $0x800, $0x38;
	[tilespmem:$0x3000] =	vst v63  }
0x17f: {  	_ =	swait.ge [sflag:s24], $0x800  }
0x180: {  	[sflag:s24] =	ssyncset.done $0x0  }
0x181: {  	[sflag:s24] =	ssyncadd.s32 $0xFFFFF800  }
0x182: {  	_ =	swait.ge [sflag:s24], $0x800  }
0x183: {  	[sflag:s24] =	ssyncset.done $0x0  }
0x184: {  	[sflag:s24] =	ssyncadd.s32 $0xFFFFF800  }
0x185: {  	[hbm4b:s3+s22] =	stream.indirect.scatter [tilespmem:s26], [sflag:$0x2], $0x1, s25, s22, $0xb8;
	[tilespmem:$0x3000] =	vst v63  }
0x186: {  	_ =	swait.ge [sflag:s28], $0x800  }
0x187: {  	s29 =	sld [smem:$0x76A]  }
0x188: {  	[sflag:s28] =	ssyncset.done $0x0  }
0x189: {  	s31 =	sld [smem:$0x76B];
	[sflag:s28] =	ssyncadd.s32 $0xFFFFF800  }
0x18a: {  	[tilespmem:s22], [sflag:$0x1] =	stream.linear.gather [hbm4b:s29+s2], $0x800, $0x38;
	[tilespmem:$0x3000] =	vst v63  }
0x18b: {  	_ = 	snop  }
0x18c: {  	[tilespmem:s23], [sflag:$0x1] =	stream.linear.gather [hbm4b:s31+s2], $0x800, $0x38;
	[tilespmem:$0x3000] =	vst v63  }
0x18d: {  	_ =	swait.ge [sflag:s24], $0x800  }
0x18e: {  	[sflag:s24] =	ssyncset.done $0x0  }
0x18f: {  	[sflag:s24] =	ssyncadd.s32 $0xFFFFF800  }
0x190: {  	_ =	swait.ge [sflag:s24], $0x800  }
0x191: {  	[sflag:s24] =	ssyncset.done $0x0  }
0x192: {  	[sflag:s24] =	ssyncadd.s32 $0xFFFFF800  }
0x193: {  	[hbm4b:s3+s22] =	stream.indirect.scatter [tilespmem:s21], [sflag:$0x2], $0x1, s2, s22, $0xb8;
	[tilespmem:$0x3000] =	vst v63  }
0x194: {  	_ =	swait.ge [sflag:s28], $0x800  }
0x195: {  	s29 =	sld [smem:$0x76C]  }
0x196: {  	[sflag:s28] =	ssyncset.done $0x0  }
0x197: {  	s31 =	sld [smem:$0x76D];
	[sflag:s28] =	ssyncadd.s32 $0xFFFFF800  }
0x198: {  	[tilespmem:s25], [sflag:$0x1] =	stream.linear.gather [hbm4b:s29+s2], $0x800, $0x38;
	[tilespmem:$0x3000] =	vst v63  }
0x199: {  	_ = 	snop  }
0x19a: {  	[tilespmem:s26], [sflag:$0x1] =	stream.linear.gather [hbm4b:s31+s2], $0x800, $0x38;
	[tilespmem:$0x3000] =	vst v63  }
0x19b: {  	_ =	swait.ge [sflag:s24], $0x800  }
0x19c: {  	[sflag:s24] =	ssyncset.done $0x0  }
0x19d: {  	[sflag:s24] =	ssyncadd.s32 $0xFFFFF800  }
0x19e: {  	_ =	swait.ge [sflag:s24], $0x800  }
0x19f: {  	[sflag:s24] =	ssyncset.done $0x0  }
0x1a0: {  	[sflag:s24] =	ssyncadd.s32 $0xFFFFF800  }
0x1a1: {  	[hbm4b:s3+s22] =	stream.indirect.scatter [tilespmem:s23], [sflag:$0x2], $0x1, s22, s22, $0xb8;
	[tilespmem:$0x3000] =	vst v63  }
0x1a2: {  	_ =	swait.ge [sflag:s28], $0x800  }
0x1a3: {  	s29 =	sld [smem:$0x76E]  }
0x1a4: {  	[sflag:s28] =	ssyncset.done $0x0  }
0x1a5: {  	s31 =	sld [smem:$0x76F];
	[sflag:s28] =	ssyncadd.s32 $0xFFFFF800  }
0x1a6: {  	[tilespmem:s2], [sflag:$0x1] =	stream.linear.gather [hbm4b:s29+s2], $0x800, $0x38;
	[tilespmem:$0x3000] =	vst v63  }
0x1a7: {  	_ = 	snop  }
0x1a8: {  	[tilespmem:s21], [sflag:$0x1] =	stream.linear.gather [hbm4b:s31+s2], $0x800, $0x38;
	[tilespmem:$0x3000] =	vst v63  }
0x1a9: {  	_ =	swait.ge [sflag:s24], $0x800  }
0x1aa: {  	[sflag:s24] =	ssyncset.done $0x0  }
0x1ab: {  	[sflag:s24] =	ssyncadd.s32 $0xFFFFF800  }
0x1ac: {  	_ =	swait.ge [sflag:s24], $0x800  }
0x1ad: {  	[sflag:s24] =	ssyncset.done $0x0  }
0x1ae: {  	[sflag:s24] =	ssyncadd.s32 $0xFFFFF800  }
0x1af: {  	[hbm4b:s3+s22] =	stream.indirect.scatter [tilespmem:s26], [sflag:$0x2], $0x1, s25, s22, $0xb8;
	[tilespmem:$0x3000] =	vst v63  }
0x1b0: {  	_ =	swait.ge [sflag:s28], $0x800  }
0x1b1: {  	s29 =	sld [smem:$0x770]  }
0x1b2: {  	[sflag:s28] =	ssyncset.done $0x0  }
0x1b3: {  	s31 =	sld [smem:$0x771];
	[sflag:s28] =	ssyncadd.s32 $0xFFFFF800  }
0x1b4: {  	[tilespmem:s22], [sflag:$0x1] =	stream.linear.gather [hbm4b:s29+s2], $0x800, $0x38;
	[tilespmem:$0x3000] =	vst v63  }
0x1b5: {  	_ = 	snop  }
0x1b6: {  	[tilespmem:s23], [sflag:$0x1] =	stream.linear.gather [hbm4b:s31+s2], $0x800, $0x38;
	[tilespmem:$0x3000] =	vst v63  }
0x1b7: {  	_ =	swait.ge [sflag:s24], $0x800  }
0x1b8: {  	[sflag:s24] =	ssyncset.done $0x0  }
0x1b9: {  	[sflag:s24] =	ssyncadd.s32 $0xFFFFF800  }
0x1ba: {  	_ =	swait.ge [sflag:s24], $0x800  }
0x1bb: {  	[sflag:s24] =	ssyncset.done $0x0  }
0x1bc: {  	[sflag:s24] =	ssyncadd.s32 $0xFFFFF800  }
0x1bd: {  	[hbm4b:s3+s22] =	stream.indirect.scatter [tilespmem:s21], [sflag:$0x2], $0x1, s2, s22, $0xb8;
	[tilespmem:$0x3000] =	vst v63  }
0x1be: {  	_ =	swait.ge [sflag:s28], $0x800  }
0x1bf: {  	s29 =	sld [smem:$0x772]  }
0x1c0: {  	[sflag:s28] =	ssyncset.done $0x0  }
0x1c1: {  	s31 =	sld [smem:$0x773];
	[sflag:s28] =	ssyncadd.s32 $0xFFFFF800  }
0x1c2: {  	[tilespmem:s25], [sflag:$0x1] =	stream.linear.gather [hbm4b:s29+s2], $0x800, $0x38;
	[tilespmem:$0x3000] =	vst v63  }
0x1c3: {  	_ = 	snop  }
0x1c4: {  	[tilespmem:s26], [sflag:$0x1] =	stream.linear.gather [hbm4b:s31+s2], $0x800, $0x38;
	[tilespmem:$0x3000] =	vst v63  }
0x1c5: {  	_ =	swait.ge [sflag:s24], $0x800  }
0x1c6: {  	[sflag:s24] =	ssyncset.done $0x0  }
0x1c7: {  	[sflag:s24] =	ssyncadd.s32 $0xFFFFF800  }
0x1c8: {  	_ =	swait.ge [sflag:s24], $0x800  }
0x1c9: {  	[sflag:s24] =	ssyncset.done $0x0  }
0x1ca: {  	[sflag:s24] =	ssyncadd.s32 $0xFFFFF800  }
0x1cb: {  	[hbm4b:s3+s22] =	stream.indirect.scatter [tilespmem:s23], [sflag:$0x2], $0x1, s22, s22, $0xb8;
	[tilespmem:$0x3000] =	vst v63  }
0x1cc: {  	_ =	swait.ge [sflag:s28], $0x800  }
0x1cd: {  	s29 =	sld [smem:$0x774]  }
0x1ce: {  	[sflag:s28] =	ssyncset.done $0x0  }
0x1cf: {  	s31 =	sld [smem:$0x775];
	[sflag:s28] =	ssyncadd.s32 $0xFFFFF800  }
0x1d0: {  	[tilespmem:s2], [sflag:$0x1] =	stream.linear.gather [hbm4b:s29+s2], $0x800, $0x38;
	[tilespmem:$0x3000] =	vst v63  }
0x1d1: {  	_ = 	snop  }
0x1d2: {  	[tilespmem:s21], [sflag:$0x1] =	stream.linear.gather [hbm4b:s31+s2], $0x800, $0x38;
	[tilespmem:$0x3000] =	vst v63  }
0x1d3: {  	_ =	swait.ge [sflag:s24], $0x800  }
0x1d4: {  	[sflag:s24] =	ssyncset.done $0x0  }
0x1d5: {  	[sflag:s24] =	ssyncadd.s32 $0xFFFFF800  }
0x1d6: {  	_ =	swait.ge [sflag:s24], $0x800  }
0x1d7: {  	[sflag:s24] =	ssyncset.done $0x0  }
0x1d8: {  	[sflag:s24] =	ssyncadd.s32 $0xFFFFF800  }
0x1d9: {  	[hbm4b:s3+s22] =	stream.indirect.scatter [tilespmem:s26], [sflag:$0x2], $0x1, s25, s22, $0xb8;
	[tilespmem:$0x3000] =	vst v63  }
0x1da: {  	_ =	swait.ge [sflag:s28], $0x800  }
0x1db: {  	s29 =	sld [smem:$0x776]  }
0x1dc: {  	[sflag:s28] =	ssyncset.done $0x0  }
0x1dd: {  	s31 =	sld [smem:$0x777];
	[sflag:s28] =	ssyncadd.s32 $0xFFFFF800  }
0x1de: {  	[tilespmem:s22], [sflag:$0x1] =	stream.linear.gather [hbm4b:s29+s2], $0x800, $0x38;
	[tilespmem:$0x3000] =	vst v63  }
0x1df: {  	_ = 	snop  }
0x1e0: {  	[tilespmem:s23], [sflag:$0x1] =	stream.linear.gather [hbm4b:s31+s2], $0x800, $0x38;
	[tilespmem:$0x3000] =	vst v63  }
0x1e1: {  	_ =	swait.ge [sflag:s24], $0x800  }
0x1e2: {  	[sflag:s24] =	ssyncset.done $0x0  }
0x1e3: {  	[sflag:s24] =	ssyncadd.s32 $0xFFFFF800  }
0x1e4: {  	_ =	swait.ge [sflag:s24], $0x800  }
0x1e5: {  	[sflag:s24] =	ssyncset.done $0x0  }
0x1e6: {  	[sflag:s24] =	ssyncadd.s32 $0xFFFFF800  }
0x1e7: {  	[hbm4b:s3+s22] =	stream.indirect.scatter [tilespmem:s21], [sflag:$0x2], $0x1, s2, s22, $0xb8;
	[tilespmem:$0x3000] =	vst v63  }
0x1e8: {  	_ =	swait.ge [sflag:s28], $0x800  }
0x1e9: {  	s29 =	sld [smem:$0x778]  }
0x1ea: {  	[sflag:s28] =	ssyncset.done $0x0  }
0x1eb: {  	s31 =	sld [smem:$0x779];
	[sflag:s28] =	ssyncadd.s32 $0xFFFFF800  }
0x1ec: {  	[tilespmem:s25], [sflag:$0x1] =	stream.linear.gather [hbm4b:s29+s2], $0x800, $0x38;
	[tilespmem:$0x3000] =	vst v63  }
0x1ed: {  	_ = 	snop  }
0x1ee: {  	[tilespmem:s26], [sflag:$0x1] =	stream.linear.gather [hbm4b:s31+s2], $0x800, $0x38;
	[tilespmem:$0x3000] =	vst v63  }
0x1ef: {  	_ =	swait.ge [sflag:s24], $0x800  }
0x1f0: {  	[sflag:s24] =	ssyncset.done $0x0  }
0x1f1: {  	[sflag:s24] =	ssyncadd.s32 $0xFFFFF800  }
0x1f2: {  	_ =	swait.ge [sflag:s24], $0x800  }
0x1f3: {  	[sflag:s24] =	ssyncset.done $0x0  }
0x1f4: {  	[sflag:s24] =	ssyncadd.s32 $0xFFFFF800  }
0x1f5: {  	[hbm4b:s3+s22] =	stream.indirect.scatter [tilespmem:s23], [sflag:$0x2], $0x1, s22, s22, $0xb8;
	[tilespmem:$0x3000] =	vst v63  }
0x1f6: {  	_ =	swait.ge [sflag:s28], $0x800  }
0x1f7: {  	s29 =	sld [smem:$0x77A]  }
0x1f8: {  	[sflag:s28] =	ssyncset.done $0x0  }
0x1f9: {  	s31 =	sld [smem:$0x77B];
	[sflag:s28] =	ssyncadd.s32 $0xFFFFF800  }
0x1fa: {  	[tilespmem:s2], [sflag:$0x1] =	stream.linear.gather [hbm4b:s29+s2], $0x800, $0x38;
	[tilespmem:$0x3000] =	vst v63  }
0x1fb: {  	_ = 	snop  }
0x1fc: {  	[tilespmem:s21], [sflag:$0x1] =	stream.linear.gather [hbm4b:s31+s2], $0x800, $0x38;
	[tilespmem:$0x3000] =	vst v63  }
0x1fd: {  	_ =	swait.ge [sflag:s24], $0x800  }
0x1fe: {  	[sflag:s24] =	ssyncset.done $0x0  }
0x1ff: {  	[sflag:s24] =	ssyncadd.s32 $0xFFFFF800  }
0x200: {  	_ =	swait.ge [sflag:s24], $0x800  }
0x201: {  	[sflag:s24] =	ssyncset.done $0x0  }
0x202: {  	[sflag:s24] =	ssyncadd.s32 $0xFFFFF800  }
0x203: {  	[hbm4b:s3+s22] =	stream.indirect.scatter [tilespmem:s26], [sflag:$0x2], $0x1, s25, s22, $0xb8;
	[tilespmem:$0x3000] =	vst v63  }
0x204: {  	_ =	swait.ge [sflag:s28], $0x800  }
0x205: {  	s29 =	sld [smem:$0x77C]  }
0x206: {  	[sflag:s28] =	ssyncset.done $0x0  }
0x207: {  	s31 =	sld [smem:$0x77D];
	[sflag:s28] =	ssyncadd.s32 $0xFFFFF800  }
0x208: {  	[tilespmem:s22], [sflag:$0x1] =	stream.linear.gather [hbm4b:s29+s2], $0x800, $0x38;
	[tilespmem:$0x3000] =	vst v63  }
0x209: {  	_ = 	snop  }
0x20a: {  	[tilespmem:s23], [sflag:$0x1] =	stream.linear.gather [hbm4b:s31+s2], $0x800, $0x38;
	[tilespmem:$0x3000] =	vst v63  }
0x20b: {  	_ =	swait.ge [sflag:s24], $0x800  }
0x20c: {  	[sflag:s24] =	ssyncset.done $0x0  }
0x20d: {  	[sflag:s24] =	ssyncadd.s32 $0xFFFFF800  }
0x20e: {  	_ =	swait.ge [sflag:s24], $0x800  }
0x20f: {  	[sflag:s24] =	ssyncset.done $0x0  }
0x210: {  	[sflag:s24] =	ssyncadd.s32 $0xFFFFF800  }
0x211: {  	[hbm4b:s3+s22] =	stream.indirect.scatter [tilespmem:s21], [sflag:$0x2], $0x1, s2, s22, $0xb8;
	[tilespmem:$0x3000] =	vst v63  }
0x212: {  	_ =	swait.ge [sflag:s28], $0x800  }
0x213: {  	s29 =	sld [smem:$0x77E]  }
0x214: {  	[sflag:s28] =	ssyncset.done $0x0  }
0x215: {  	s31 =	sld [smem:$0x77F];
	[sflag:s28] =	ssyncadd.s32 $0xFFFFF800  }
0x216: {  	[tilespmem:s25], [sflag:$0x1] =	stream.linear.gather [hbm4b:s29+s2], $0x800, $0x38;
	[tilespmem:$0x3000] =	vst v63  }
0x217: {  	_ = 	snop  }
0x218: {  	[tilespmem:s26], [sflag:$0x1] =	stream.linear.gather [hbm4b:s31+s2], $0x800, $0x38;
	[tilespmem:$0x3000] =	vst v63  }
0x219: {  	_ =	swait.ge [sflag:s24], $0x800  }
0x21a: {  	[sflag:s24] =	ssyncset.done $0x0  }
0x21b: {  	[sflag:s24] =	ssyncadd.s32 $0xFFFFF800  }
0x21c: {  	_ =	swait.ge [sflag:s24], $0x800  }
0x21d: {  	[sflag:s24] =	ssyncset.done $0x0  }
0x21e: {  	[sflag:s24] =	ssyncadd.s32 $0xFFFFF800  }
0x21f: {  	[hbm4b:s3+s22] =	stream.indirect.scatter [tilespmem:s23], [sflag:$0x2], $0x1, s22, s22, $0xb8;
	[tilespmem:$0x3000] =	vst v63  }
0x220: {  	_ =	swait.ge [sflag:s28], $0x800  }
0x221: {  	s29 =	sld [smem:$0x780]  }
0x222: {  	[sflag:s28] =	ssyncset.done $0x0  }
0x223: {  	s31 =	sld [smem:$0x781];
	[sflag:s28] =	ssyncadd.s32 $0xFFFFF800  }
0x224: {  	[tilespmem:s2], [sflag:$0x1] =	stream.linear.gather [hbm4b:s29+s2], $0x800, $0x38;
	[tilespmem:$0x3000] =	vst v63  }
0x225: {  	_ = 	snop  }
0x226: {  	[tilespmem:s21], [sflag:$0x1] =	stream.linear.gather [hbm4b:s31+s2], $0x800, $0x38;
	[tilespmem:$0x3000] =	vst v63  }
0x227: {  	_ =	swait.ge [sflag:s24], $0x800  }
0x228: {  	[sflag:s24] =	ssyncset.done $0x0  }
0x229: {  	[sflag:s24] =	ssyncadd.s32 $0xFFFFF800  }
0x22a: {  	_ =	swait.ge [sflag:s24], $0x800  }
0x22b: {  	[sflag:s24] =	ssyncset.done $0x0  }
0x22c: {  	[sflag:s24] =	ssyncadd.s32 $0xFFFFF800  }
0x22d: {  	[hbm4b:s3+s22] =	stream.indirect.scatter [tilespmem:s26], [sflag:$0x2], $0x1, s25, s22, $0xb8;
	[tilespmem:$0x3000] =	vst v63  }
0x22e: {  	_ =	swait.ge [sflag:s28], $0x800  }
0x22f: {  	s29 =	sld [smem:$0x782]  }
0x230: {  	[sflag:s28] =	ssyncset.done $0x0  }
0x231: {  	s31 =	sld [smem:$0x783];
	[sflag:s28] =	ssyncadd.s32 $0xFFFFF800  }
0x232: {  	[tilespmem:s22], [sflag:$0x1] =	stream.linear.gather [hbm4b:s29+s2], $0x800, $0x38;
	[tilespmem:$0x3000] =	vst v63  }
0x233: {  	_ = 	snop  }
0x234: {  	[tilespmem:s23], [sflag:$0x1] =	stream.linear.gather [hbm4b:s31+s2], $0x800, $0x38;
	[tilespmem:$0x3000] =	vst v63  }
0x235: {  	_ =	swait.ge [sflag:s24], $0x800  }
0x236: {  	[sflag:s24] =	ssyncset.done $0x0  }
0x237: {  	[sflag:s24] =	ssyncadd.s32 $0xFFFFF800  }
0x238: {  	_ =	swait.ge [sflag:s24], $0x800  }
0x239: {  	[sflag:s24] =	ssyncset.done $0x0  }
0x23a: {  	[sflag:s24] =	ssyncadd.s32 $0xFFFFF800  }
0x23b: {  	[hbm4b:s3+s22] =	stream.indirect.scatter [tilespmem:s21], [sflag:$0x2], $0x1, s2, s22, $0xb8;
	[tilespmem:$0x3000] =	vst v63  }
0x23c: {  	_ =	swait.ge [sflag:s28], $0x800  }
0x23d: {  	s29 =	sld [smem:$0x784]  }
0x23e: {  	[sflag:s28] =	ssyncset.done $0x0  }
0x23f: {  	s31 =	sld [smem:$0x785];
	[sflag:s28] =	ssyncadd.s32 $0xFFFFF800  }
0x240: {  	[tilespmem:s25], [sflag:$0x1] =	stream.linear.gather [hbm4b:s29+s2], $0x800, $0x38;
	[tilespmem:$0x3000] =	vst v63  }
0x241: {  	_ = 	snop  }
0x242: {  	[tilespmem:s26], [sflag:$0x1] =	stream.linear.gather [hbm4b:s31+s2], $0x800, $0x38;
	[tilespmem:$0x3000] =	vst v63  }
0x243: {  	_ =	swait.ge [sflag:s24], $0x800  }
0x244: {  	[sflag:s24] =	ssyncset.done $0x0  }
0x245: {  	[sflag:s24] =	ssyncadd.s32 $0xFFFFF800  }
0x246: {  	_ =	swait.ge [sflag:s24], $0x800  }
0x247: {  	[sflag:s24] =	ssyncset.done $0x0  }
0x248: {  	[sflag:s24] =	ssyncadd.s32 $0xFFFFF800  }
0x249: {  	[hbm4b:s3+s22] =	stream.indirect.scatter [tilespmem:s23], [sflag:$0x2], $0x1, s22, s22, $0xb8;
	[tilespmem:$0x3000] =	vst v63  }
0x24a: {  	_ =	swait.ge [sflag:s28], $0x800  }
0x24b: {  	s29 =	sld [smem:$0x786]  }
0x24c: {  	[sflag:s28] =	ssyncset.done $0x0  }
0x24d: {  	s31 =	sld [smem:$0x787];
	[sflag:s28] =	ssyncadd.s32 $0xFFFFF800  }
0x24e: {  	[tilespmem:s2], [sflag:$0x1] =	stream.linear.gather [hbm4b:s29+s2], $0x800, $0x38;
	[tilespmem:$0x3000] =	vst v63  }
0x24f: {  	_ = 	snop  }
0x250: {  	[tilespmem:s21], [sflag:$0x1] =	stream.linear.gather [hbm4b:s31+s2], $0x800, $0x38;
	[tilespmem:$0x3000] =	vst v63  }
0x251: {  	_ =	swait.ge [sflag:s24], $0x800  }
0x252: {  	[sflag:s24] =	ssyncset.done $0x0  }
0x253: {  	[sflag:s24] =	ssyncadd.s32 $0xFFFFF800  }
0x254: {  	_ =	swait.ge [sflag:s24], $0x800  }
0x255: {  	[sflag:s24] =	ssyncset.done $0x0  }
0x256: {  	[sflag:s24] =	ssyncadd.s32 $0xFFFFF800  }
0x257: {  	[hbm4b:s3+s22] =	stream.indirect.scatter [tilespmem:s26], [sflag:$0x2], $0x1, s25, s22, $0xb8;
	[tilespmem:$0x3000] =	vst v63  }
0x258: {  	_ =	swait.ge [sflag:s28], $0x800  }
0x259: {  	s29 =	sld [smem:$0x788]  }
0x25a: {  	[sflag:s28] =	ssyncset.done $0x0  }
0x25b: {  	s31 =	sld [smem:$0x789];
	[sflag:s28] =	ssyncadd.s32 $0xFFFFF800  }
0x25c: {  	[tilespmem:s22], [sflag:$0x1] =	stream.linear.gather [hbm4b:s29+s2], $0x800, $0x38;
	[tilespmem:$0x3000] =	vst v63  }
0x25d: {  	_ = 	snop  }
0x25e: {  	[tilespmem:s23], [sflag:$0x1] =	stream.linear.gather [hbm4b:s31+s2], $0x800, $0x38;
	[tilespmem:$0x3000] =	vst v63  }
0x25f: {  	_ =	swait.ge [sflag:s24], $0x800  }
0x260: {  	[sflag:s24] =	ssyncset.done $0x0  }
0x261: {  	[sflag:s24] =	ssyncadd.s32 $0xFFFFF800  }
0x262: {  	_ =	swait.ge [sflag:s24], $0x800  }
0x263: {  	[sflag:s24] =	ssyncset.done $0x0  }
0x264: {  	[sflag:s24] =	ssyncadd.s32 $0xFFFFF800  }
0x265: {  	[hbm4b:s3+s22] =	stream.indirect.scatter [tilespmem:s21], [sflag:$0x2], $0x1, s2, s22, $0xb8;
	[tilespmem:$0x3000] =	vst v63  }
0x266: {  	_ =	swait.ge [sflag:s28], $0x800  }
0x267: {  	s29 =	sld [smem:$0x78A]  }
0x268: {  	[sflag:s28] =	ssyncset.done $0x0  }
0x269: {  	s31 =	sld [smem:$0x78B];
	[sflag:s28] =	ssyncadd.s32 $0xFFFFF800  }
0x26a: {  	[tilespmem:s25], [sflag:$0x1] =	stream.linear.gather [hbm4b:s29+s2], $0x800, $0x38;
	[tilespmem:$0x3000] =	vst v63  }
0x26b: {  	_ = 	snop  }
0x26c: {  	[tilespmem:s26], [sflag:$0x1] =	stream.linear.gather [hbm4b:s31+s2], $0x800, $0x38;
	[tilespmem:$0x3000] =	vst v63  }
0x26d: {  	_ =	swait.ge [sflag:s24], $0x800  }
0x26e: {  	[sflag:s24] =	ssyncset.done $0x0  }
0x26f: {  	[sflag:s24] =	ssyncadd.s32 $0xFFFFF800  }
0x270: {  	_ =	swait.ge [sflag:s24], $0x800  }
0x271: {  	[sflag:s24] =	ssyncset.done $0x0  }
0x272: {  	[sflag:s24] =	ssyncadd.s32 $0xFFFFF800  }
0x273: {  	[hbm4b:s3+s22] =	stream.indirect.scatter [tilespmem:s23], [sflag:$0x2], $0x1, s22, s22, $0xb8;
	[tilespmem:$0x3000] =	vst v63  }
0x274: {  	_ =	swait.ge [sflag:s28], $0x800  }
0x275: {  	s29 =	sld [smem:$0x78C]  }
0x276: {  	[sflag:s28] =	ssyncset.done $0x0  }
0x277: {  	s31 =	sld [smem:$0x78D];
	[sflag:s28] =	ssyncadd.s32 $0xFFFFF800  }
0x278: {  	[tilespmem:s2], [sflag:$0x1] =	stream.linear.gather [hbm4b:s29+s2], $0x800, $0x38;
	[tilespmem:$0x3000] =	vst v63  }
0x279: {  	_ = 	snop  }
0x27a: {  	[tilespmem:s21], [sflag:$0x1] =	stream.linear.gather [hbm4b:s31+s2], $0x800, $0x38;
	[tilespmem:$0x3000] =	vst v63  }
0x27b: {  	_ =	swait.ge [sflag:s24], $0x800  }
0x27c: {  	[sflag:s24] =	ssyncset.done $0x0  }
0x27d: {  	[sflag:s24] =	ssyncadd.s32 $0xFFFFF800  }
0x27e: {  	_ =	swait.ge [sflag:s24], $0x800  }
0x27f: {  	[sflag:s24] =	ssyncset.done $0x0  }
0x280: {  	[sflag:s24] =	ssyncadd.s32 $0xFFFFF800  }
0x281: {  	[hbm4b:s3+s22] =	stream.indirect.scatter [tilespmem:s26], [sflag:$0x2], $0x1, s25, s22, $0xb8;
	[tilespmem:$0x3000] =	vst v63  }
0x282: {  	_ =	swait.ge [sflag:s28], $0x800  }
0x283: {  	s29 =	sld [smem:$0x78E]  }
0x284: {  	[sflag:s28] =	ssyncset.done $0x0  }
0x285: {  	s31 =	sld [smem:$0x78F];
	[sflag:s28] =	ssyncadd.s32 $0xFFFFF800  }
0x286: {  	[tilespmem:s22], [sflag:$0x1] =	stream.linear.gather [hbm4b:s29+s2], $0x800, $0x38;
	[tilespmem:$0x3000] =	vst v63  }
0x287: {  	_ = 	snop  }
0x288: {  	[tilespmem:s23], [sflag:$0x1] =	stream.linear.gather [hbm4b:s31+s2], $0x800, $0x38;
	[tilespmem:$0x3000] =	vst v63  }
0x289: {  	_ =	swait.ge [sflag:s24], $0x800  }
0x28a: {  	[sflag:s24] =	ssyncset.done $0x0  }
0x28b: {  	[sflag:s24] =	ssyncadd.s32 $0xFFFFF800  }
0x28c: {  	_ =	swait.ge [sflag:s24], $0x800  }
0x28d: {  	[sflag:s24] =	ssyncset.done $0x0  }
0x28e: {  	[sflag:s24] =	ssyncadd.s32 $0xFFFFF800  }
0x28f: {  	[hbm4b:s3+s22] =	stream.indirect.scatter [tilespmem:s21], [sflag:$0x2], $0x1, s2, s22, $0xb8;
	[tilespmem:$0x3000] =	vst v63  }
0x290: {  	_ =	swait.ge [sflag:s28], $0x800  }
0x291: {  	s29 =	sld [smem:$0x790]  }
0x292: {  	[sflag:s28] =	ssyncset.done $0x0  }
0x293: {  	s31 =	sld [smem:$0x791];
	[sflag:s28] =	ssyncadd.s32 $0xFFFFF800  }
0x294: {  	[tilespmem:s25], [sflag:$0x1] =	stream.linear.gather [hbm4b:s29+s2], $0x800, $0x38;
	[tilespmem:$0x3000] =	vst v63  }
0x295: {  	_ = 	snop  }
0x296: {  	[tilespmem:s26], [sflag:$0x1] =	stream.linear.gather [hbm4b:s31+s2], $0x800, $0x38;
	[tilespmem:$0x3000] =	vst v63  }
0x297: {  	_ =	swait.ge [sflag:s24], $0x800  }
0x298: {  	[sflag:s24] =	ssyncset.done $0x0  }
0x299: {  	[sflag:s24] =	ssyncadd.s32 $0xFFFFF800  }
0x29a: {  	_ =	swait.ge [sflag:s24], $0x800  }
0x29b: {  	[sflag:s24] =	ssyncset.done $0x0  }
0x29c: {  	[sflag:s24] =	ssyncadd.s32 $0xFFFFF800  }
0x29d: {  	[hbm4b:s3+s22] =	stream.indirect.scatter [tilespmem:s23], [sflag:$0x2], $0x1, s22, s22, $0xb8;
	[tilespmem:$0x3000] =	vst v63  }
0x29e: {  	_ =	swait.ge [sflag:s28], $0x800  }
0x29f: {  	s29 =	sld [smem:$0x792]  }
0x2a0: {  	[sflag:s28] =	ssyncset.done $0x0  }
0x2a1: {  	s31 =	sld [smem:$0x793];
	[sflag:s28] =	ssyncadd.s32 $0xFFFFF800  }
0x2a2: {  	[tilespmem:s2], [sflag:$0x1] =	stream.linear.gather [hbm4b:s29+s2], $0x800, $0x38;
	[tilespmem:$0x3000] =	vst v63  }
0x2a3: {  	_ = 	snop  }
0x2a4: {  	[tilespmem:s21], [sflag:$0x1] =	stream.linear.gather [hbm4b:s31+s2], $0x800, $0x38;
	[tilespmem:$0x3000] =	vst v63  }
0x2a5: {  	_ =	swait.ge [sflag:s24], $0x800  }
0x2a6: {  	[sflag:s24] =	ssyncset.done $0x0  }
0x2a7: {  	[sflag:s24] =	ssyncadd.s32 $0xFFFFF800  }
0x2a8: {  	_ =	swait.ge [sflag:s24], $0x800  }
0x2a9: {  	[sflag:s24] =	ssyncset.done $0x0  }
0x2aa: {  	[sflag:s24] =	ssyncadd.s32 $0xFFFFF800  }
0x2ab: {  	[hbm4b:s3+s22] =	stream.indirect.scatter [tilespmem:s26], [sflag:$0x2], $0x1, s25, s22, $0xb8;
	[tilespmem:$0x3000] =	vst v63  }
0x2ac: {  	_ =	swait.ge [sflag:s28], $0x800  }
0x2ad: {  	s29 =	sld [smem:$0x794]  }
0x2ae: {  	[sflag:s28] =	ssyncset.done $0x0  }
0x2af: {  	s31 =	sld [smem:$0x795];
	[sflag:s28] =	ssyncadd.s32 $0xFFFFF800  }
0x2b0: {  	[tilespmem:s22], [sflag:$0x1] =	stream.linear.gather [hbm4b:s29+s2], $0x800, $0x38;
	[tilespmem:$0x3000] =	vst v63  }
0x2b1: {  	_ = 	snop  }
0x2b2: {  	[tilespmem:s23], [sflag:$0x1] =	stream.linear.gather [hbm4b:s31+s2], $0x800, $0x38;
	[tilespmem:$0x3000] =	vst v63  }
0x2b3: {  	_ =	swait.ge [sflag:s24], $0x800  }
0x2b4: {  	[sflag:s24] =	ssyncset.done $0x0  }
0x2b5: {  	[sflag:s24] =	ssyncadd.s32 $0xFFFFF800  }
0x2b6: {  	_ =	swait.ge [sflag:s24], $0x800  }
0x2b7: {  	[sflag:s24] =	ssyncset.done $0x0  }
0x2b8: {  	[sflag:s24] =	ssyncadd.s32 $0xFFFFF800  }
0x2b9: {  	[hbm4b:s3+s22] =	stream.indirect.scatter [tilespmem:s21], [sflag:$0x2], $0x1, s2, s22, $0xb8;
	[tilespmem:$0x3000] =	vst v63  }
0x2ba: {  	_ =	swait.ge [sflag:s28], $0x800  }
0x2bb: {  	s29 =	sld [smem:$0x796]  }
0x2bc: {  	[sflag:s28] =	ssyncset.done $0x0  }
0x2bd: {  	s31 =	sld [smem:$0x797];
	[sflag:s28] =	ssyncadd.s32 $0xFFFFF800  }
0x2be: {  	[tilespmem:s25], [sflag:$0x1] =	stream.linear.gather [hbm4b:s29+s2], $0x800, $0x38;
	[tilespmem:$0x3000] =	vst v63  }
0x2bf: {  	_ = 	snop  }
0x2c0: {  	[tilespmem:s26], [sflag:$0x1] =	stream.linear.gather [hbm4b:s31+s2], $0x800, $0x38;
	[tilespmem:$0x3000] =	vst v63  }
0x2c1: {  	_ =	swait.ge [sflag:s24], $0x800  }
0x2c2: {  	[sflag:s24] =	ssyncset.done $0x0  }
0x2c3: {  	[sflag:s24] =	ssyncadd.s32 $0xFFFFF800  }
0x2c4: {  	_ =	swait.ge [sflag:s24], $0x800  }
0x2c5: {  	[sflag:s24] =	ssyncset.done $0x0  }
0x2c6: {  	[sflag:s24] =	ssyncadd.s32 $0xFFFFF800  }
0x2c7: {  	[hbm4b:s3+s22] =	stream.indirect.scatter [tilespmem:s23], [sflag:$0x2], $0x1, s22, s22, $0xb8;
	[tilespmem:$0x3000] =	vst v63  }
0x2c8: {  	_ =	swait.ge [sflag:s28], $0x800  }
0x2c9: {  	s29 =	sld [smem:$0x798]  }
0x2ca: {  	[sflag:s28] =	ssyncset.done $0x0  }
0x2cb: {  	s31 =	sld [smem:$0x799];
	[sflag:s28] =	ssyncadd.s32 $0xFFFFF800  }
0x2cc: {  	[tilespmem:s2], [sflag:$0x1] =	stream.linear.gather [hbm4b:s29+s2], $0x800, $0x38;
	[tilespmem:$0x3000] =	vst v63  }
0x2cd: {  	_ = 	snop  }
0x2ce: {  	[tilespmem:s21], [sflag:$0x1] =	stream.linear.gather [hbm4b:s31+s2], $0x800, $0x38;
	[tilespmem:$0x3000] =	vst v63  }
0x2cf: {  	_ =	swait.ge [sflag:s24], $0x800  }
0x2d0: {  	[sflag:s24] =	ssyncset.done $0x0  }
0x2d1: {  	[sflag:s24] =	ssyncadd.s32 $0xFFFFF800  }
0x2d2: {  	_ =	swait.ge [sflag:s24], $0x800  }
0x2d3: {  	[sflag:s24] =	ssyncset.done $0x0  }
0x2d4: {  	[sflag:s24] =	ssyncadd.s32 $0xFFFFF800  }
0x2d5: {  	[hbm4b:s3+s22] =	stream.indirect.scatter [tilespmem:s26], [sflag:$0x2], $0x1, s25, s22, $0xb8;
	[tilespmem:$0x3000] =	vst v63  }
0x2d6: {  	_ =	swait.ge [sflag:s28], $0x800  }
0x2d7: {  	s29 =	sld [smem:$0x79A]  }
0x2d8: {  	[sflag:s28] =	ssyncset.done $0x0  }
0x2d9: {  	s31 =	sld [smem:$0x79B];
	[sflag:s28] =	ssyncadd.s32 $0xFFFFF800  }
0x2da: {  	[tilespmem:s22], [sflag:$0x1] =	stream.linear.gather [hbm4b:s29+s2], $0x800, $0x38;
	[tilespmem:$0x3000] =	vst v63  }
0x2db: {  	_ = 	snop  }
0x2dc: {  	[tilespmem:s23], [sflag:$0x1] =	stream.linear.gather [hbm4b:s31+s2], $0x800, $0x38;
	[tilespmem:$0x3000] =	vst v63  }
0x2dd: {  	_ =	swait.ge [sflag:s24], $0x800  }
0x2de: {  	[sflag:s24] =	ssyncset.done $0x0  }
0x2df: {  	[sflag:s24] =	ssyncadd.s32 $0xFFFFF800  }
0x2e0: {  	_ =	swait.ge [sflag:s24], $0x800  }
0x2e1: {  	[sflag:s24] =	ssyncset.done $0x0  }
0x2e2: {  	[sflag:s24] =	ssyncadd.s32 $0xFFFFF800  }
0x2e3: {  	[hbm4b:s3+s22] =	stream.indirect.scatter [tilespmem:s21], [sflag:$0x2], $0x1, s2, s22, $0xb8;
	[tilespmem:$0x3000] =	vst v63  }
0x2e4: {  	_ =	swait.ge [sflag:s28], $0x800  }
0x2e5: {  	s29 =	sld [smem:$0x79C]  }
0x2e6: {  	[sflag:s28] =	ssyncset.done $0x0  }
0x2e7: {  	s31 =	sld [smem:$0x79D];
	[sflag:s28] =	ssyncadd.s32 $0xFFFFF800  }
0x2e8: {  	[tilespmem:s25], [sflag:$0x1] =	stream.linear.gather [hbm4b:s29+s2], $0x800, $0x38;
	[tilespmem:$0x3000] =	vst v63  }
0x2e9: {  	_ = 	snop  }
0x2ea: {  	[tilespmem:s26], [sflag:$0x1] =	stream.linear.gather [hbm4b:s31+s2], $0x800, $0x38;
	[tilespmem:$0x3000] =	vst v63  }
0x2eb: {  	_ =	swait.ge [sflag:s24], $0x800  }
0x2ec: {  	[sflag:s24] =	ssyncset.done $0x0  }
0x2ed: {  	[sflag:s24] =	ssyncadd.s32 $0xFFFFF800  }
0x2ee: {  	_ =	swait.ge [sflag:s24], $0x800  }
0x2ef: {  	[sflag:s24] =	ssyncset.done $0x0  }
0x2f0: {  	[sflag:s24] =	ssyncadd.s32 $0xFFFFF800  }
0x2f1: {  	[hbm4b:s3+s22] =	stream.indirect.scatter [tilespmem:s23], [sflag:$0x2], $0x1, s22, s22, $0xb8;
	[tilespmem:$0x3000] =	vst v63  }
0x2f2: {  	_ =	swait.ge [sflag:s28], $0x800  }
0x2f3: {  	s29 =	sld [smem:$0x79E]  }
0x2f4: {  	[sflag:s28] =	ssyncset.done $0x0  }
0x2f5: {  	s31 =	sld [smem:$0x79F];
	[sflag:s28] =	ssyncadd.s32 $0xFFFFF800  }
0x2f6: {  	[tilespmem:s2], [sflag:$0x1] =	stream.linear.gather [hbm4b:s29+s2], $0x800, $0x38;
	[tilespmem:$0x3000] =	vst v63  }
0x2f7: {  	_ = 	snop  }
0x2f8: {  	[tilespmem:s21], [sflag:$0x1] =	stream.linear.gather [hbm4b:s31+s2], $0x800, $0x38;
	[tilespmem:$0x3000] =	vst v63  }
0x2f9: {  	_ =	swait.ge [sflag:s24], $0x800  }
0x2fa: {  	[sflag:s24] =	ssyncset.done $0x0  }
0x2fb: {  	[sflag:s24] =	ssyncadd.s32 $0xFFFFF800  }
0x2fc: {  	_ =	swait.ge [sflag:s24], $0x800  }
0x2fd: {  	[sflag:s24] =	ssyncset.done $0x0  }
0x2fe: {  	[sflag:s24] =	ssyncadd.s32 $0xFFFFF800  }
0x2ff: {  	[hbm4b:s3+s22] =	stream.indirect.scatter [tilespmem:s26], [sflag:$0x2], $0x1, s25, s22, $0xb8;
	[tilespmem:$0x3000] =	vst v63  }
0x300: {  	_ =	swait.ge [sflag:s28], $0x800  }
0x301: {  	s29 =	sld [smem:$0x7A0]  }
0x302: {  	[sflag:s28] =	ssyncset.done $0x0  }
0x303: {  	s31 =	sld [smem:$0x7A1];
	[sflag:s28] =	ssyncadd.s32 $0xFFFFF800  }
0x304: {  	[tilespmem:s22], [sflag:$0x1] =	stream.linear.gather [hbm4b:s29+s2], $0x800, $0x38;
	[tilespmem:$0x3000] =	vst v63  }
0x305: {  	_ = 	snop  }
0x306: {  	[tilespmem:s23], [sflag:$0x1] =	stream.linear.gather [hbm4b:s31+s2], $0x800, $0x38;
	[tilespmem:$0x3000] =	vst v63  }
0x307: {  	_ =	swait.ge [sflag:s24], $0x800  }
0x308: {  	[sflag:s24] =	ssyncset.done $0x0  }
0x309: {  	[sflag:s24] =	ssyncadd.s32 $0xFFFFF800  }
0x30a: {  	_ =	swait.ge [sflag:s24], $0x800  }
0x30b: {  	[sflag:s24] =	ssyncset.done $0x0  }
0x30c: {  	[sflag:s24] =	ssyncadd.s32 $0xFFFFF800  }
0x30d: {  	[hbm4b:s3+s22] =	stream.indirect.scatter [tilespmem:s21], [sflag:$0x2], $0x1, s2, s22, $0xb8;
	[tilespmem:$0x3000] =	vst v63  }
0x30e: {  	_ =	swait.ge [sflag:s28], $0x800  }
0x30f: {  	s29 =	sld [smem:$0x7A2]  }
0x310: {  	[sflag:s28] =	ssyncset.done $0x0  }
0x311: {  	s31 =	sld [smem:$0x7A3];
	[sflag:s28] =	ssyncadd.s32 $0xFFFFF800  }
0x312: {  	[tilespmem:s25], [sflag:$0x1] =	stream.linear.gather [hbm4b:s29+s2], $0x800, $0x38;
	[tilespmem:$0x3000] =	vst v63  }
0x313: {  	_ = 	snop  }
0x314: {  	[tilespmem:s26], [sflag:$0x1] =	stream.linear.gather [hbm4b:s31+s2], $0x800, $0x38;
	[tilespmem:$0x3000] =	vst v63  }
0x315: {  	_ =	swait.ge [sflag:s24], $0x800  }
0x316: {  	[sflag:s24] =	ssyncset.done $0x0  }
0x317: {  	[sflag:s24] =	ssyncadd.s32 $0xFFFFF800  }
0x318: {  	_ =	swait.ge [sflag:s24], $0x800  }
0x319: {  	[sflag:s24] =	ssyncset.done $0x0  }
0x31a: {  	[sflag:s24] =	ssyncadd.s32 $0xFFFFF800  }
0x31b: {  	[hbm4b:s3+s22] =	stream.indirect.scatter [tilespmem:s23], [sflag:$0x2], $0x1, s22, s22, $0xb8;
	[tilespmem:$0x3000] =	vst v63  }
0x31c: {  	_ =	swait.ge [sflag:s28], $0x800  }
0x31d: {  	s29 =	sld [smem:$0x7A4]  }
0x31e: {  	[sflag:s28] =	ssyncset.done $0x0  }
0x31f: {  	s31 =	sld [smem:$0x7A5];
	[sflag:s28] =	ssyncadd.s32 $0xFFFFF800  }
0x320: {  	[tilespmem:s2], [sflag:$0x1] =	stream.linear.gather [hbm4b:s29+s2], $0x800, $0x38;
	[tilespmem:$0x3000] =	vst v63  }
0x321: {  	_ = 	snop  }
0x322: {  	[tilespmem:s21], [sflag:$0x1] =	stream.linear.gather [hbm4b:s31+s2], $0x800, $0x38;
	[tilespmem:$0x3000] =	vst v63  }
0x323: {  	_ =	swait.ge [sflag:s24], $0x800  }
0x324: {  	[sflag:s24] =	ssyncset.done $0x0  }
0x325: {  	[sflag:s24] =	ssyncadd.s32 $0xFFFFF800  }
0x326: {  	_ =	swait.ge [sflag:s24], $0x800  }
0x327: {  	[sflag:s24] =	ssyncset.done $0x0  }
0x328: {  	[sflag:s24] =	ssyncadd.s32 $0xFFFFF800  }
0x329: {  	[hbm4b:s3+s22] =	stream.indirect.scatter [tilespmem:s26], [sflag:$0x2], $0x1, s25, s22, $0xb8;
	[tilespmem:$0x3000] =	vst v63  }
0x32a: {  	_ =	swait.ge [sflag:s28], $0x800  }
0x32b: {  	s29 =	sld [smem:$0x7A6]  }
0x32c: {  	[sflag:s28] =	ssyncset.done $0x0  }
0x32d: {  	s31 =	sld [smem:$0x7A7];
	[sflag:s28] =	ssyncadd.s32 $0xFFFFF800  }
0x32e: {  	[tilespmem:s22], [sflag:$0x1] =	stream.linear.gather [hbm4b:s29+s2], $0x800, $0x38;
	[tilespmem:$0x3000] =	vst v63  }
0x32f: {  	_ = 	snop  }
0x330: {  	[tilespmem:s23], [sflag:$0x1] =	stream.linear.gather [hbm4b:s31+s2], $0x800, $0x38;
	[tilespmem:$0x3000] =	vst v63  }
0x331: {  	_ =	swait.ge [sflag:s24], $0x800  }
0x332: {  	[sflag:s24] =	ssyncset.done $0x0  }
0x333: {  	[sflag:s24] =	ssyncadd.s32 $0xFFFFF800  }
0x334: {  	_ =	swait.ge [sflag:s24], $0x800  }
0x335: {  	[sflag:s24] =	ssyncset.done $0x0  }
0x336: {  	[sflag:s24] =	ssyncadd.s32 $0xFFFFF800  }
0x337: {  	[hbm4b:s3+s22] =	stream.indirect.scatter [tilespmem:s21], [sflag:$0x2], $0x1, s2, s22, $0xb8;
	[tilespmem:$0x3000] =	vst v63  }
0x338: {  	_ =	swait.ge [sflag:s28], $0x800  }
0x339: {  	s29 =	sld [smem:$0x7A8]  }
0x33a: {  	[sflag:s28] =	ssyncset.done $0x0  }
0x33b: {  	s31 =	sld [smem:$0x7A9];
	[sflag:s28] =	ssyncadd.s32 $0xFFFFF800  }
0x33c: {  	[tilespmem:s25], [sflag:$0x1] =	stream.linear.gather [hbm4b:s29+s2], $0x800, $0x38;
	[tilespmem:$0x3000] =	vst v63  }
0x33d: {  	_ = 	snop  }
0x33e: {  	[tilespmem:s26], [sflag:$0x1] =	stream.linear.gather [hbm4b:s31+s2], $0x800, $0x38;
	[tilespmem:$0x3000] =	vst v63  }
0x33f: {  	_ =	swait.ge [sflag:s24], $0x800  }
0x340: {  	[sflag:s24] =	ssyncset.done $0x0  }
0x341: {  	[sflag:s24] =	ssyncadd.s32 $0xFFFFF800  }
0x342: {  	_ =	swait.ge [sflag:s24], $0x800  }
0x343: {  	[sflag:s24] =	ssyncset.done $0x0  }
0x344: {  	[sflag:s24] =	ssyncadd.s32 $0xFFFFF800  }
0x345: {  	[hbm4b:s3+s22] =	stream.indirect.scatter [tilespmem:s23], [sflag:$0x2], $0x1, s22, s22, $0xb8;
	[tilespmem:$0x3000] =	vst v63  }
0x346: {  	_ =	swait.ge [sflag:s28], $0x800  }
0x347: {  	s29 =	sld [smem:$0x7AA]  }
0x348: {  	[sflag:s28] =	ssyncset.done $0x0  }
0x349: {  	s31 =	sld [smem:$0x7AB];
	[sflag:s28] =	ssyncadd.s32 $0xFFFFF800  }
0x34a: {  	[tilespmem:s2], [sflag:$0x1] =	stream.linear.gather [hbm4b:s29+s2], $0x800, $0x38;
	[tilespmem:$0x3000] =	vst v63  }
0x34b: {  	_ = 	snop  }
0x34c: {  	[tilespmem:s21], [sflag:$0x1] =	stream.linear.gather [hbm4b:s31+s2], $0x800, $0x38;
	[tilespmem:$0x3000] =	vst v63  }
0x34d: {  	_ =	swait.ge [sflag:s24], $0x800  }
0x34e: {  	[sflag:s24] =	ssyncset.done $0x0  }
0x34f: {  	[sflag:s24] =	ssyncadd.s32 $0xFFFFF800  }
0x350: {  	_ =	swait.ge [sflag:s24], $0x800  }
0x351: {  	[sflag:s24] =	ssyncset.done $0x0  }
0x352: {  	[sflag:s24] =	ssyncadd.s32 $0xFFFFF800  }
0x353: {  	[hbm4b:s3+s22] =	stream.indirect.scatter [tilespmem:s26], [sflag:$0x2], $0x1, s25, s22, $0xb8;
	[tilespmem:$0x3000] =	vst v63  }
0x354: {  	_ =	swait.ge [sflag:s28], $0x800  }
0x355: {  	s29 =	sld [smem:$0x7AC]  }
0x356: {  	[sflag:s28] =	ssyncset.done $0x0  }
0x357: {  	s31 =	sld [smem:$0x7AD];
	[sflag:s28] =	ssyncadd.s32 $0xFFFFF800  }
0x358: {  	[tilespmem:s22], [sflag:$0x1] =	stream.linear.gather [hbm4b:s29+s2], $0x800, $0x38;
	[tilespmem:$0x3000] =	vst v63  }
0x359: {  	_ = 	snop  }
0x35a: {  	[tilespmem:s23], [sflag:$0x1] =	stream.linear.gather [hbm4b:s31+s2], $0x800, $0x38;
	[tilespmem:$0x3000] =	vst v63  }
0x35b: {  	_ =	swait.ge [sflag:s24], $0x800  }
0x35c: {  	[sflag:s24] =	ssyncset.done $0x0  }
0x35d: {  	[sflag:s24] =	ssyncadd.s32 $0xFFFFF800  }
0x35e: {  	_ =	swait.ge [sflag:s24], $0x800  }
0x35f: {  	[sflag:s24] =	ssyncset.done $0x0  }
0x360: {  	[sflag:s24] =	ssyncadd.s32 $0xFFFFF800  }
0x361: {  	[hbm4b:s3+s22] =	stream.indirect.scatter [tilespmem:s21], [sflag:$0x2], $0x1, s2, s22, $0xb8;
	[tilespmem:$0x3000] =	vst v63  }
0x362: {  	_ =	swait.ge [sflag:s28], $0x800  }
0x363: {  	s29 =	sld [smem:$0x7AE]  }
0x364: {  	[sflag:s28] =	ssyncset.done $0x0  }
0x365: {  	s31 =	sld [smem:$0x7AF];
	[sflag:s28] =	ssyncadd.s32 $0xFFFFF800  }
0x366: {  	[tilespmem:s25], [sflag:$0x1] =	stream.linear.gather [hbm4b:s29+s2], $0x800, $0x38;
	[tilespmem:$0x3000] =	vst v63  }
0x367: {  	_ = 	snop  }
0x368: {  	[tilespmem:s26], [sflag:$0x1] =	stream.linear.gather [hbm4b:s31+s2], $0x800, $0x38;
	[tilespmem:$0x3000] =	vst v63  }
0x369: {  	_ =	swait.ge [sflag:s24], $0x800  }
0x36a: {  	[sflag:s24] =	ssyncset.done $0x0  }
0x36b: {  	[sflag:s24] =	ssyncadd.s32 $0xFFFFF800  }
0x36c: {  	_ =	swait.ge [sflag:s24], $0x800  }
0x36d: {  	[sflag:s24] =	ssyncset.done $0x0  }
0x36e: {  	[sflag:s24] =	ssyncadd.s32 $0xFFFFF800  }
0x36f: {  	[hbm4b:s3+s22] =	stream.indirect.scatter [tilespmem:s23], [sflag:$0x2], $0x1, s22, s22, $0xb8;
	[tilespmem:$0x3000] =	vst v63  }
0x370: {  	_ =	swait.ge [sflag:s28], $0x800  }
0x371: {  	s29 =	sld [smem:$0x7B0]  }
0x372: {  	[sflag:s28] =	ssyncset.done $0x0  }
0x373: {  	s31 =	sld [smem:$0x7B1];
	[sflag:s28] =	ssyncadd.s32 $0xFFFFF800  }
0x374: {  	[tilespmem:s2], [sflag:$0x1] =	stream.linear.gather [hbm4b:s29+s2], $0x800, $0x38;
	[tilespmem:$0x3000] =	vst v63  }
0x375: {  	_ = 	snop  }
0x376: {  	[tilespmem:s21], [sflag:$0x1] =	stream.linear.gather [hbm4b:s31+s2], $0x800, $0x38;
	[tilespmem:$0x3000] =	vst v63  }
0x377: {  	_ =	swait.ge [sflag:s24], $0x800  }
0x378: {  	[sflag:s24] =	ssyncset.done $0x0  }
0x379: {  	[sflag:s24] =	ssyncadd.s32 $0xFFFFF800  }
0x37a: {  	_ =	swait.ge [sflag:s24], $0x800  }
0x37b: {  	[sflag:s24] =	ssyncset.done $0x0  }
0x37c: {  	[sflag:s24] =	ssyncadd.s32 $0xFFFFF800  }
0x37d: {  	[hbm4b:s3+s22] =	stream.indirect.scatter [tilespmem:s26], [sflag:$0x2], $0x1, s25, s22, $0xb8;
	[tilespmem:$0x3000] =	vst v63  }
0x37e: {  	_ =	swait.ge [sflag:s28], $0x800  }
0x37f: {  	[sflag:s28] =	ssyncset.done $0x0  }
0x380: {  	[sflag:s28] =	ssyncadd.s32 $0xFFFFF800  }
0x381: {  	s29 =	sld [smem:$0x7B2];
	_ =	sdelay $0x1  }
0x382: {  	s31 =	sld [smem:$0x7B3]  }
0x383: {  	[tilespmem:s22], [sflag:$0x1] =	stream.linear.gather [hbm4b:s29+s2], $0x800, $0x38;
	[tilespmem:$0x3000] =	vst v63  }
0x384: {  	_ = 	snop  }
0x385: {  	[tilespmem:s23], [sflag:$0x1] =	stream.linear.gather [hbm4b:s31+s2], $0x800, $0x38;
	[tilespmem:$0x3000] =	vst v63  }
0x386: {  	_ =	swait.ge [sflag:s24], $0x800  }
0x387: {  	[sflag:s24] =	ssyncset.done $0x0  }
0x388: {  	[sflag:s24] =	ssyncadd.s32 $0xFFFFF800  }
0x389: {  	_ =	swait.ge [sflag:s24], $0x800  }
0x38a: {  	[sflag:s24] =	ssyncset.done $0x0  }
0x38b: {  	[sflag:s24] =	ssyncadd.s32 $0xFFFFF800  }
0x38c: {  	[hbm4b:s3+s22] =	stream.indirect.scatter [tilespmem:s21], [sflag:$0x2], $0x1, s2, s22, $0xb8;
	[tilespmem:$0x3000] =	vst v63  }
0x38d: {  	_ =	swait.ge [sflag:s28], $0x800  }
0x38e: {  	s29 =	sld [smem:$0x7B4]  }
0x38f: {  	[sflag:s28] =	ssyncset.done $0x0  }
0x390: {  	s31 =	sld [smem:$0x7B5];
	[sflag:s28] =	ssyncadd.s32 $0xFFFFF800  }
0x391: {  	[tilespmem:s25], [sflag:$0x1] =	stream.linear.gather [hbm4b:s29+s2], $0x800, $0x38;
	[tilespmem:$0x3000] =	vst v63  }
0x392: {  	_ = 	snop  }
0x393: {  	[tilespmem:s26], [sflag:$0x1] =	stream.linear.gather [hbm4b:s31+s2], $0x800, $0x38;
	[tilespmem:$0x3000] =	vst v63  }
0x394: {  	_ =	swait.ge [sflag:s24], $0x800  }
0x395: {  	[sflag:s24] =	ssyncset.done $0x0  }
0x396: {  	[sflag:s24] =	ssyncadd.s32 $0xFFFFF800  }
0x397: {  	_ =	swait.ge [sflag:s24], $0x800  }
0x398: {  	[sflag:s24] =	ssyncset.done $0x0  }
0x399: {  	[sflag:s24] =	ssyncadd.s32 $0xFFFFF800  }
0x39a: {  	[hbm4b:s3+s22] =	stream.indirect.scatter [tilespmem:s23], [sflag:$0x2], $0x1, s22, s22, $0xb8;
	[tilespmem:$0x3000] =	vst v63  }
0x39b: {  	_ =	swait.ge [sflag:s28], $0x800  }
0x39c: {  	s29 =	sld [smem:$0x7B6]  }
0x39d: {  	[sflag:s28] =	ssyncset.done $0x0  }
0x39e: {  	s31 =	sld [smem:$0x7B7];
	[sflag:s28] =	ssyncadd.s32 $0xFFFFF800  }
0x39f: {  	[tilespmem:s2], [sflag:$0x1] =	stream.linear.gather [hbm4b:s29+s2], $0x800, $0x38;
	[tilespmem:$0x3000] =	vst v63  }
0x3a0: {  	_ = 	snop  }
0x3a1: {  	[tilespmem:s21], [sflag:$0x1] =	stream.linear.gather [hbm4b:s31+s2], $0x800, $0x38;
	[tilespmem:$0x3000] =	vst v63  }
0x3a2: {  	_ =	swait.ge [sflag:s24], $0x800  }
0x3a3: {  	[sflag:s24] =	ssyncset.done $0x0  }
0x3a4: {  	[sflag:s24] =	ssyncadd.s32 $0xFFFFF800  }
0x3a5: {  	_ =	swait.ge [sflag:s24], $0x800  }
0x3a6: {  	[sflag:s24] =	ssyncset.done $0x0  }
0x3a7: {  	[sflag:s24] =	ssyncadd.s32 $0xFFFFF800  }
0x3a8: {  	[hbm4b:s3+s22] =	stream.indirect.scatter [tilespmem:s26], [sflag:$0x2], $0x1, s25, s22, $0xb8;
	[tilespmem:$0x3000] =	vst v63  }
0x3a9: {  	_ =	swait.ge [sflag:s28], $0x800  }
0x3aa: {  	s29 =	sld [smem:$0x7B8]  }
0x3ab: {  	[sflag:s28] =	ssyncset.done $0x0  }
0x3ac: {  	s31 =	sld [smem:$0x7B9];
	[sflag:s28] =	ssyncadd.s32 $0xFFFFF800  }
0x3ad: {  	[tilespmem:s22], [sflag:$0x1] =	stream.linear.gather [hbm4b:s29+s2], $0x800, $0x38;
	[tilespmem:$0x3000] =	vst v63  }
0x3ae: {  	_ = 	snop  }
0x3af: {  	[tilespmem:s23], [sflag:$0x1] =	stream.linear.gather [hbm4b:s31+s2], $0x800, $0x38;
	[tilespmem:$0x3000] =	vst v63  }
0x3b0: {  	_ =	swait.ge [sflag:s24], $0x800  }
0x3b1: {  	[sflag:s24] =	ssyncset.done $0x0  }
0x3b2: {  	[sflag:s24] =	ssyncadd.s32 $0xFFFFF800  }
0x3b3: {  	_ =	swait.ge [sflag:s24], $0x800  }
0x3b4: {  	[sflag:s24] =	ssyncset.done $0x0  }
0x3b5: {  	[sflag:s24] =	ssyncadd.s32 $0xFFFFF800  }
0x3b6: {  	[hbm4b:s3+s22] =	stream.indirect.scatter [tilespmem:s21], [sflag:$0x2], $0x1, s2, s22, $0xb8;
	[tilespmem:$0x3000] =	vst v63  }
0x3b7: {  	_ =	swait.ge [sflag:s28], $0x800  }
0x3b8: {  	s29 =	sld [smem:$0x7BA]  }
0x3b9: {  	[sflag:s28] =	ssyncset.done $0x0  }
0x3ba: {  	s31 =	sld [smem:$0x7BB];
	[sflag:s28] =	ssyncadd.s32 $0xFFFFF800  }
0x3bb: {  	[tilespmem:s25], [sflag:$0x1] =	stream.linear.gather [hbm4b:s29+s2], $0x800, $0x38;
	[tilespmem:$0x3000] =	vst v63  }
0x3bc: {  	_ = 	snop  }
0x3bd: {  	[tilespmem:s26], [sflag:$0x1] =	stream.linear.gather [hbm4b:s31+s2], $0x800, $0x38;
	[tilespmem:$0x3000] =	vst v63  }
0x3be: {  	_ =	swait.ge [sflag:s24], $0x800  }
0x3bf: {  	[sflag:s24] =	ssyncset.done $0x0  }
0x3c0: {  	[sflag:s24] =	ssyncadd.s32 $0xFFFFF800  }
0x3c1: {  	_ =	swait.ge [sflag:s24], $0x800  }
0x3c2: {  	[sflag:s24] =	ssyncset.done $0x0  }
0x3c3: {  	[sflag:s24] =	ssyncadd.s32 $0xFFFFF800  }
0x3c4: {  	[hbm4b:s3+s22] =	stream.indirect.scatter [tilespmem:s23], [sflag:$0x2], $0x1, s22, s22, $0xb8;
	[tilespmem:$0x3000] =	vst v63  }
0x3c5: {  	_ =	swait.ge [sflag:s28], $0x800  }
0x3c6: {  	s29 =	sld [smem:$0x7BC]  }
0x3c7: {  	[sflag:s28] =	ssyncset.done $0x0  }
0x3c8: {  	s31 =	sld [smem:$0x7BD];
	[sflag:s28] =	ssyncadd.s32 $0xFFFFF800  }
0x3c9: {  	[tilespmem:s2], [sflag:$0x1] =	stream.linear.gather [hbm4b:s29+s2], $0x800, $0x38;
	[tilespmem:$0x3000] =	vst v63  }
0x3ca: {  	_ = 	snop  }
0x3cb: {  	[tilespmem:s21], [sflag:$0x1] =	stream.linear.gather [hbm4b:s31+s2], $0x800, $0x38;
	[tilespmem:$0x3000] =	vst v63  }
0x3cc: {  	_ =	swait.ge [sflag:s24], $0x800  }
0x3cd: {  	[sflag:s24] =	ssyncset.done $0x0  }
0x3ce: {  	[sflag:s24] =	ssyncadd.s32 $0xFFFFF800  }
0x3cf: {  	_ =	swait.ge [sflag:s24], $0x800  }
0x3d0: {  	[sflag:s24] =	ssyncset.done $0x0  }
0x3d1: {  	[sflag:s24] =	ssyncadd.s32 $0xFFFFF800  }
0x3d2: {  	[hbm4b:s3+s22] =	stream.indirect.scatter [tilespmem:s26], [sflag:$0x2], $0x1, s25, s22, $0xb8;
	[tilespmem:$0x3000] =	vst v63  }
0x3d3: {  	_ =	swait.ge [sflag:s28], $0x800  }
0x3d4: {  	s29 =	sld [smem:$0x7BE]  }
0x3d5: {  	[sflag:s28] =	ssyncset.done $0x0  }
0x3d6: {  	s31 =	sld [smem:$0x7BF];
	[sflag:s28] =	ssyncadd.s32 $0xFFFFF800  }
0x3d7: {  	[tilespmem:s22], [sflag:$0x1] =	stream.linear.gather [hbm4b:s29+s2], $0x800, $0x38;
	[tilespmem:$0x3000] =	vst v63  }
0x3d8: {  	_ = 	snop  }
0x3d9: {  	[tilespmem:s23], [sflag:$0x1] =	stream.linear.gather [hbm4b:s31+s2], $0x800, $0x38;
	[tilespmem:$0x3000] =	vst v63  }
0x3da: {  	_ =	swait.ge [sflag:s24], $0x800  }
0x3db: {  	[sflag:s24] =	ssyncset.done $0x0  }
0x3dc: {  	[sflag:s24] =	ssyncadd.s32 $0xFFFFF800  }
0x3dd: {  	_ =	swait.ge [sflag:s24], $0x800  }
0x3de: {  	[sflag:s24] =	ssyncset.done $0x0  }
0x3df: {  	[sflag:s24] =	ssyncadd.s32 $0xFFFFF800  }
0x3e0: {  	[hbm4b:s3+s22] =	stream.indirect.scatter [tilespmem:s21], [sflag:$0x2], $0x1, s2, s22, $0xb8;
	[tilespmem:$0x3000] =	vst v63  }
0x3e1: {  	_ =	swait.ge [sflag:s28], $0x800  }
0x3e2: {  	s29 =	sld [smem:$0x7C0]  }
0x3e3: {  	[sflag:s28] =	ssyncset.done $0x0  }
0x3e4: {  	s31 =	sld [smem:$0x7C1];
	[sflag:s28] =	ssyncadd.s32 $0xFFFFF800  }
0x3e5: {  	[tilespmem:s25], [sflag:$0x1] =	stream.linear.gather [hbm4b:s29+s2], $0x800, $0x38;
	[tilespmem:$0x3000] =	vst v63  }
0x3e6: {  	_ = 	snop  }
0x3e7: {  	[tilespmem:s26], [sflag:$0x1] =	stream.linear.gather [hbm4b:s31+s2], $0x800, $0x38;
	[tilespmem:$0x3000] =	vst v63  }
0x3e8: {  	_ =	swait.ge [sflag:s24], $0x800  }
0x3e9: {  	[sflag:s24] =	ssyncset.done $0x0  }
0x3ea: {  	[sflag:s24] =	ssyncadd.s32 $0xFFFFF800  }
0x3eb: {  	_ =	swait.ge [sflag:s24], $0x800  }
0x3ec: {  	[sflag:s24] =	ssyncset.done $0x0  }
0x3ed: {  	[sflag:s24] =	ssyncadd.s32 $0xFFFFF800  }
0x3ee: {  	[hbm4b:s3+s22] =	stream.indirect.scatter [tilespmem:s23], [sflag:$0x2], $0x1, s22, s22, $0xb8;
	[tilespmem:$0x3000] =	vst v63  }
0x3ef: {  	_ =	swait.ge [sflag:s28], $0x800  }
0x3f0: {  	s29 =	sld [smem:$0x7C2]  }
0x3f1: {  	[sflag:s28] =	ssyncset.done $0x0  }
0x3f2: {  	s31 =	sld [smem:$0x7C3];
	[sflag:s28] =	ssyncadd.s32 $0xFFFFF800  }
0x3f3: {  	[tilespmem:s2], [sflag:$0x1] =	stream.linear.gather [hbm4b:s29+s2], $0x800, $0x38;
	[tilespmem:$0x3000] =	vst v63  }
0x3f4: {  	_ = 	snop  }
0x3f5: {  	[tilespmem:s21], [sflag:$0x1] =	stream.linear.gather [hbm4b:s31+s2], $0x800, $0x38;
	[tilespmem:$0x3000] =	vst v63  }
0x3f6: {  	_ =	swait.ge [sflag:s24], $0x800  }
0x3f7: {  	[sflag:s24] =	ssyncset.done $0x0  }
0x3f8: {  	[sflag:s24] =	ssyncadd.s32 $0xFFFFF800  }
0x3f9: {  	_ =	swait.ge [sflag:s24], $0x800  }
0x3fa: {  	[sflag:s24] =	ssyncset.done $0x0  }
0x3fb: {  	[sflag:s24] =	ssyncadd.s32 $0xFFFFF800  }
0x3fc: {  	[hbm4b:s3+s22] =	stream.indirect.scatter [tilespmem:s26], [sflag:$0x2], $0x1, s25, s22, $0xb8;
	[tilespmem:$0x3000] =	vst v63  }
0x3fd: {  	_ =	swait.ge [sflag:s28], $0x800  }
0x3fe: {  	s29 =	sld [smem:$0x7C4]  }
0x3ff: {  	[sflag:s28] =	ssyncset.done $0x0  }
0x400: {  	s31 =	sld [smem:$0x7C5];
	[sflag:s28] =	ssyncadd.s32 $0xFFFFF800  }
0x401: {  	[tilespmem:s22], [sflag:$0x1] =	stream.linear.gather [hbm4b:s29+s2], $0x800, $0x38;
	[tilespmem:$0x3000] =	vst v63  }
0x402: {  	_ = 	snop  }
0x403: {  	[tilespmem:s23], [sflag:$0x1] =	stream.linear.gather [hbm4b:s31+s2], $0x800, $0x38;
	[tilespmem:$0x3000] =	vst v63  }
0x404: {  	_ =	swait.ge [sflag:s24], $0x800  }
0x405: {  	[sflag:s24] =	ssyncset.done $0x0  }
0x406: {  	[sflag:s24] =	ssyncadd.s32 $0xFFFFF800  }
0x407: {  	_ =	swait.ge [sflag:s24], $0x800  }
0x408: {  	[sflag:s24] =	ssyncset.done $0x0  }
0x409: {  	[sflag:s24] =	ssyncadd.s32 $0xFFFFF800  }
0x40a: {  	[hbm4b:s3+s22] =	stream.indirect.scatter [tilespmem:s21], [sflag:$0x2], $0x1, s2, s22, $0xb8;
	[tilespmem:$0x3000] =	vst v63  }
0x40b: {  	_ =	swait.ge [sflag:s28], $0x800  }
0x40c: {  	s29 =	sld [smem:$0x7C6]  }
0x40d: {  	[sflag:s28] =	ssyncset.done $0x0  }
0x40e: {  	s31 =	sld [smem:$0x7C7];
	[sflag:s28] =	ssyncadd.s32 $0xFFFFF800  }
0x40f: {  	[tilespmem:s25], [sflag:$0x1] =	stream.linear.gather [hbm4b:s29+s2], $0x800, $0x38;
	[tilespmem:$0x3000] =	vst v63  }
0x410: {  	_ = 	snop  }
0x411: {  	[tilespmem:s26], [sflag:$0x1] =	stream.linear.gather [hbm4b:s31+s2], $0x800, $0x38;
	[tilespmem:$0x3000] =	vst v63  }
0x412: {  	_ =	swait.ge [sflag:s24], $0x800  }
0x413: {  	[sflag:s24] =	ssyncset.done $0x0  }
0x414: {  	[sflag:s24] =	ssyncadd.s32 $0xFFFFF800  }
0x415: {  	_ =	swait.ge [sflag:s24], $0x800  }
0x416: {  	[sflag:s24] =	ssyncset.done $0x0  }
0x417: {  	[sflag:s24] =	ssyncadd.s32 $0xFFFFF800  }
0x418: {  	[hbm4b:s3+s22] =	stream.indirect.scatter [tilespmem:s23], [sflag:$0x2], $0x1, s22, s22, $0xb8;
	[tilespmem:$0x3000] =	vst v63  }
0x419: {  	_ =	swait.ge [sflag:s28], $0x800  }
0x41a: {  	s29 =	sld [smem:$0x7C8]  }
0x41b: {  	[sflag:s28] =	ssyncset.done $0x0  }
0x41c: {  	s31 =	sld [smem:$0x7C9];
	[sflag:s28] =	ssyncadd.s32 $0xFFFFF800  }
0x41d: {  	[tilespmem:s2], [sflag:$0x1] =	stream.linear.gather [hbm4b:s29+s2], $0x800, $0x38;
	[tilespmem:$0x3000] =	vst v63  }
0x41e: {  	_ = 	snop  }
0x41f: {  	[tilespmem:s21], [sflag:$0x1] =	stream.linear.gather [hbm4b:s31+s2], $0x800, $0x38;
	[tilespmem:$0x3000] =	vst v63  }
0x420: {  	_ =	swait.ge [sflag:s24], $0x800  }
0x421: {  	[sflag:s24] =	ssyncset.done $0x0  }
0x422: {  	[sflag:s24] =	ssyncadd.s32 $0xFFFFF800  }
0x423: {  	_ =	swait.ge [sflag:s24], $0x800  }
0x424: {  	[sflag:s24] =	ssyncset.done $0x0  }
0x425: {  	[sflag:s24] =	ssyncadd.s32 $0xFFFFF800  }
0x426: {  	[hbm4b:s3+s22] =	stream.indirect.scatter [tilespmem:s26], [sflag:$0x2], $0x1, s25, s22, $0xb8;
	[tilespmem:$0x3000] =	vst v63  }
0x427: {  	_ =	swait.ge [sflag:s28], $0x800  }
0x428: {  	s29 =	sld [smem:$0x7CA]  }
0x429: {  	[sflag:s28] =	ssyncset.done $0x0  }
0x42a: {  	s31 =	sld [smem:$0x7CB];
	[sflag:s28] =	ssyncadd.s32 $0xFFFFF800  }
0x42b: {  	[tilespmem:s22], [sflag:$0x1] =	stream.linear.gather [hbm4b:s29+s2], $0x800, $0x38;
	[tilespmem:$0x3000] =	vst v63  }
0x42c: {  	_ = 	snop  }
0x42d: {  	[tilespmem:s23], [sflag:$0x1] =	stream.linear.gather [hbm4b:s31+s2], $0x800, $0x38;
	[tilespmem:$0x3000] =	vst v63  }
0x42e: {  	_ =	swait.ge [sflag:s24], $0x800  }
0x42f: {  	[sflag:s24] =	ssyncset.done $0x0  }
0x430: {  	[sflag:s24] =	ssyncadd.s32 $0xFFFFF800  }
0x431: {  	_ =	swait.ge [sflag:s24], $0x800  }
0x432: {  	[sflag:s24] =	ssyncset.done $0x0  }
0x433: {  	[sflag:s24] =	ssyncadd.s32 $0xFFFFF800  }
0x434: {  	[hbm4b:s3+s22] =	stream.indirect.scatter [tilespmem:s21], [sflag:$0x2], $0x1, s2, s22, $0xb8;
	[tilespmem:$0x3000] =	vst v63  }
0x435: {  	_ =	swait.ge [sflag:s28], $0x800  }
0x436: {  	s29 =	sld [smem:$0x7CC]  }
0x437: {  	[sflag:s28] =	ssyncset.done $0x0  }
0x438: {  	s31 =	sld [smem:$0x7CD];
	[sflag:s28] =	ssyncadd.s32 $0xFFFFF800  }
0x439: {  	[tilespmem:s25], [sflag:$0x1] =	stream.linear.gather [hbm4b:s29+s2], $0x800, $0x38;
	[tilespmem:$0x3000] =	vst v63  }
0x43a: {  	_ = 	snop  }
0x43b: {  	[tilespmem:s26], [sflag:$0x1] =	stream.linear.gather [hbm4b:s31+s2], $0x800, $0x38;
	[tilespmem:$0x3000] =	vst v63  }
0x43c: {  	_ =	swait.ge [sflag:s24], $0x800  }
0x43d: {  	[sflag:s24] =	ssyncset.done $0x0  }
0x43e: {  	[sflag:s24] =	ssyncadd.s32 $0xFFFFF800  }
0x43f: {  	_ =	swait.ge [sflag:s24], $0x800  }
0x440: {  	[sflag:s24] =	ssyncset.done $0x0  }
0x441: {  	[sflag:s24] =	ssyncadd.s32 $0xFFFFF800  }
0x442: {  	[hbm4b:s3+s22] =	stream.indirect.scatter [tilespmem:s23], [sflag:$0x2], $0x1, s22, s22, $0xb8;
	[tilespmem:$0x3000] =	vst v63  }
0x443: {  	_ =	swait.ge [sflag:s28], $0x800  }
0x444: {  	s29 =	sld [smem:$0x7CE]  }
0x445: {  	[sflag:s28] =	ssyncset.done $0x0  }
0x446: {  	s31 =	sld [smem:$0x7CF];
	[sflag:s28] =	ssyncadd.s32 $0xFFFFF800  }
0x447: {  	[tilespmem:s2], [sflag:$0x1] =	stream.linear.gather [hbm4b:s29+s2], $0x800, $0x38;
	[tilespmem:$0x3000] =	vst v63  }
0x448: {  	_ = 	snop  }
0x449: {  	[tilespmem:s21], [sflag:$0x1] =	stream.linear.gather [hbm4b:s31+s2], $0x800, $0x38;
	[tilespmem:$0x3000] =	vst v63  }
0x44a: {  	_ =	swait.ge [sflag:s24], $0x800  }
0x44b: {  	[sflag:s24] =	ssyncset.done $0x0  }
0x44c: {  	[sflag:s24] =	ssyncadd.s32 $0xFFFFF800  }
0x44d: {  	_ =	swait.ge [sflag:s24], $0x800  }
0x44e: {  	[sflag:s24] =	ssyncset.done $0x0  }
0x44f: {  	[sflag:s24] =	ssyncadd.s32 $0xFFFFF800  }
0x450: {  	[hbm4b:s3+s22] =	stream.indirect.scatter [tilespmem:s26], [sflag:$0x2], $0x1, s25, s22, $0xb8;
	[tilespmem:$0x3000] =	vst v63  }
0x451: {  	_ =	swait.ge [sflag:s28], $0x800  }
0x452: {  	s29 =	sld [smem:$0x7D0]  }
0x453: {  	[sflag:s28] =	ssyncset.done $0x0  }
0x454: {  	s31 =	sld [smem:$0x7D1];
	[sflag:s28] =	ssyncadd.s32 $0xFFFFF800  }
0x455: {  	[tilespmem:s22], [sflag:$0x1] =	stream.linear.gather [hbm4b:s29+s2], $0x800, $0x38;
	[tilespmem:$0x3000] =	vst v63  }
0x456: {  	_ = 	snop  }
0x457: {  	[tilespmem:s23], [sflag:$0x1] =	stream.linear.gather [hbm4b:s31+s2], $0x800, $0x38;
	[tilespmem:$0x3000] =	vst v63  }
0x458: {  	_ =	swait.ge [sflag:s24], $0x800  }
0x459: {  	[sflag:s24] =	ssyncset.done $0x0  }
0x45a: {  	[sflag:s24] =	ssyncadd.s32 $0xFFFFF800  }
0x45b: {  	_ =	swait.ge [sflag:s24], $0x800  }
0x45c: {  	[sflag:s24] =	ssyncset.done $0x0  }
0x45d: {  	[sflag:s24] =	ssyncadd.s32 $0xFFFFF800  }
0x45e: {  	[hbm4b:s3+s22] =	stream.indirect.scatter [tilespmem:s21], [sflag:$0x2], $0x1, s2, s22, $0xb8;
	[tilespmem:$0x3000] =	vst v63  }
0x45f: {  	_ =	swait.ge [sflag:s28], $0x800  }
0x460: {  	s29 =	sld [smem:$0x7D2]  }
0x461: {  	[sflag:s28] =	ssyncset.done $0x0  }
0x462: {  	s31 =	sld [smem:$0x7D3];
	[sflag:s28] =	ssyncadd.s32 $0xFFFFF800  }
0x463: {  	[tilespmem:s25], [sflag:$0x1] =	stream.linear.gather [hbm4b:s29+s2], $0x800, $0x38;
	[tilespmem:$0x3000] =	vst v63  }
0x464: {  	_ = 	snop  }
0x465: {  	[tilespmem:s26], [sflag:$0x1] =	stream.linear.gather [hbm4b:s31+s2], $0x800, $0x38;
	[tilespmem:$0x3000] =	vst v63  }
0x466: {  	_ =	swait.ge [sflag:s24], $0x800  }
0x467: {  	[sflag:s24] =	ssyncset.done $0x0  }
0x468: {  	[sflag:s24] =	ssyncadd.s32 $0xFFFFF800  }
0x469: {  	_ =	swait.ge [sflag:s24], $0x800  }
0x46a: {  	[sflag:s24] =	ssyncset.done $0x0  }
0x46b: {  	[sflag:s24] =	ssyncadd.s32 $0xFFFFF800  }
0x46c: {  	[hbm4b:s3+s22] =	stream.indirect.scatter [tilespmem:s23], [sflag:$0x2], $0x1, s22, s22, $0xb8;
	[tilespmem:$0x3000] =	vst v63  }
0x46d: {  	_ =	swait.ge [sflag:s28], $0x800  }
0x46e: {  	s29 =	sld [smem:$0x7D4]  }
0x46f: {  	[sflag:s28] =	ssyncset.done $0x0  }
0x470: {  	s31 =	sld [smem:$0x7D5];
	[sflag:s28] =	ssyncadd.s32 $0xFFFFF800  }
0x471: {  	[tilespmem:s2], [sflag:$0x1] =	stream.linear.gather [hbm4b:s29+s2], $0x800, $0x38;
	[tilespmem:$0x3000] =	vst v63  }
0x472: {  	_ = 	snop  }
0x473: {  	[tilespmem:s21], [sflag:$0x1] =	stream.linear.gather [hbm4b:s31+s2], $0x800, $0x38;
	[tilespmem:$0x3000] =	vst v63  }
0x474: {  	_ =	swait.ge [sflag:s24], $0x800  }
0x475: {  	[sflag:s24] =	ssyncset.done $0x0  }
0x476: {  	[sflag:s24] =	ssyncadd.s32 $0xFFFFF800  }
0x477: {  	_ =	swait.ge [sflag:s24], $0x800  }
0x478: {  	[sflag:s24] =	ssyncset.done $0x0  }
0x479: {  	[sflag:s24] =	ssyncadd.s32 $0xFFFFF800  }
0x47a: {  	[hbm4b:s3+s22] =	stream.indirect.scatter [tilespmem:s26], [sflag:$0x2], $0x1, s25, s22, $0xb8;
	[tilespmem:$0x3000] =	vst v63  }
0x47b: {  	_ =	swait.ge [sflag:s28], $0x800  }
0x47c: {  	s29 =	sld [smem:$0x7D6]  }
0x47d: {  	[sflag:s28] =	ssyncset.done $0x0  }
0x47e: {  	s31 =	sld [smem:$0x7D7];
	[sflag:s28] =	ssyncadd.s32 $0xFFFFF800  }
0x47f: {  	[tilespmem:s22], [sflag:$0x1] =	stream.linear.gather [hbm4b:s29+s2], $0x800, $0x38;
	[tilespmem:$0x3000] =	vst v63  }
0x480: {  	_ = 	snop  }
0x481: {  	[tilespmem:s23], [sflag:$0x1] =	stream.linear.gather [hbm4b:s31+s2], $0x800, $0x38;
	[tilespmem:$0x3000] =	vst v63  }
0x482: {  	_ =	swait.ge [sflag:s24], $0x800  }
0x483: {  	[sflag:s24] =	ssyncset.done $0x0  }
0x484: {  	[sflag:s24] =	ssyncadd.s32 $0xFFFFF800  }
0x485: {  	_ =	swait.ge [sflag:s24], $0x800  }
0x486: {  	[sflag:s24] =	ssyncset.done $0x0  }
0x487: {  	[sflag:s24] =	ssyncadd.s32 $0xFFFFF800  }
0x488: {  	[hbm4b:s3+s22] =	stream.indirect.scatter [tilespmem:s21], [sflag:$0x2], $0x1, s2, s22, $0xb8;
	[tilespmem:$0x3000] =	vst v63  }
0x489: {  	_ =	swait.ge [sflag:s28], $0x800  }
0x48a: {  	s29 =	sld [smem:$0x7D8]  }
0x48b: {  	[sflag:s28] =	ssyncset.done $0x0  }
0x48c: {  	s31 =	sld [smem:$0x7D9];
	[sflag:s28] =	ssyncadd.s32 $0xFFFFF800  }
0x48d: {  	[tilespmem:s25], [sflag:$0x1] =	stream.linear.gather [hbm4b:s29+s2], $0x800, $0x38;
	[tilespmem:$0x3000] =	vst v63  }
0x48e: {  	_ = 	snop  }
0x48f: {  	[tilespmem:s26], [sflag:$0x1] =	stream.linear.gather [hbm4b:s31+s2], $0x800, $0x38;
	[tilespmem:$0x3000] =	vst v63  }
0x490: {  	_ =	swait.ge [sflag:s24], $0x800  }
0x491: {  	[sflag:s24] =	ssyncset.done $0x0  }
0x492: {  	[sflag:s24] =	ssyncadd.s32 $0xFFFFF800  }
0x493: {  	_ =	swait.ge [sflag:s24], $0x800  }
0x494: {  	[sflag:s24] =	ssyncset.done $0x0  }
0x495: {  	[sflag:s24] =	ssyncadd.s32 $0xFFFFF800  }
0x496: {  	[hbm4b:s3+s22] =	stream.indirect.scatter [tilespmem:s23], [sflag:$0x2], $0x1, s22, s22, $0xb8;
	[tilespmem:$0x3000] =	vst v63  }
0x497: {  	_ =	swait.ge [sflag:s28], $0x800  }
0x498: {  	s29 =	sld [smem:$0x7DA]  }
0x499: {  	[sflag:s28] =	ssyncset.done $0x0  }
0x49a: {  	s31 =	sld [smem:$0x7DB];
	[sflag:s28] =	ssyncadd.s32 $0xFFFFF800  }
0x49b: {  	[tilespmem:s2], [sflag:$0x1] =	stream.linear.gather [hbm4b:s29+s2], $0x800, $0x38;
	[tilespmem:$0x3000] =	vst v63  }
0x49c: {  	_ = 	snop  }
0x49d: {  	[tilespmem:s21], [sflag:$0x1] =	stream.linear.gather [hbm4b:s31+s2], $0x800, $0x38;
	[tilespmem:$0x3000] =	vst v63  }
0x49e: {  	_ =	swait.ge [sflag:s24], $0x800  }
0x49f: {  	[sflag:s24] =	ssyncset.done $0x0  }
0x4a0: {  	[sflag:s24] =	ssyncadd.s32 $0xFFFFF800  }
0x4a1: {  	_ =	swait.ge [sflag:s24], $0x800  }
0x4a2: {  	[sflag:s24] =	ssyncset.done $0x0  }
0x4a3: {  	[sflag:s24] =	ssyncadd.s32 $0xFFFFF800  }
0x4a4: {  	[hbm4b:s3+s22] =	stream.indirect.scatter [tilespmem:s26], [sflag:$0x2], $0x1, s25, s22, $0xb8;
	[tilespmem:$0x3000] =	vst v63  }
0x4a5: {  	_ =	swait.ge [sflag:s28], $0x800  }
0x4a6: {  	s29 =	sld [smem:$0x7DC]  }
0x4a7: {  	[sflag:s28] =	ssyncset.done $0x0  }
0x4a8: {  	s31 =	sld [smem:$0x7DD];
	[sflag:s28] =	ssyncadd.s32 $0xFFFFF800  }
0x4a9: {  	[tilespmem:s22], [sflag:$0x1] =	stream.linear.gather [hbm4b:s29+s2], $0x800, $0x38;
	[tilespmem:$0x3000] =	vst v63  }
0x4aa: {  	_ = 	snop  }
0x4ab: {  	[tilespmem:s23], [sflag:$0x1] =	stream.linear.gather [hbm4b:s31+s2], $0x800, $0x38;
	[tilespmem:$0x3000] =	vst v63  }
0x4ac: {  	_ =	swait.ge [sflag:s24], $0x800  }
0x4ad: {  	[sflag:s24] =	ssyncset.done $0x0  }
0x4ae: {  	[sflag:s24] =	ssyncadd.s32 $0xFFFFF800  }
0x4af: {  	_ =	swait.ge [sflag:s24], $0x800  }
0x4b0: {  	[sflag:s24] =	ssyncset.done $0x0  }
0x4b1: {  	[sflag:s24] =	ssyncadd.s32 $0xFFFFF800  }
0x4b2: {  	[hbm4b:s3+s22] =	stream.indirect.scatter [tilespmem:s21], [sflag:$0x2], $0x1, s2, s22, $0xb8;
	[tilespmem:$0x3000] =	vst v63  }
0x4b3: {  	_ =	swait.ge [sflag:s28], $0x800  }
0x4b4: {  	s29 =	sld [smem:$0x7DE]  }
0x4b5: {  	[sflag:s28] =	ssyncset.done $0x0  }
0x4b6: {  	s31 =	sld [smem:$0x7DF];
	[sflag:s28] =	ssyncadd.s32 $0xFFFFF800  }
0x4b7: {  	[tilespmem:s25], [sflag:$0x1] =	stream.linear.gather [hbm4b:s29+s2], $0x800, $0x38;
	[tilespmem:$0x3000] =	vst v63  }
0x4b8: {  	_ = 	snop  }
0x4b9: {  	[tilespmem:s26], [sflag:$0x1] =	stream.linear.gather [hbm4b:s31+s2], $0x800, $0x38;
	[tilespmem:$0x3000] =	vst v63  }
0x4ba: {  	_ =	swait.ge [sflag:s24], $0x800  }
0x4bb: {  	[sflag:s24] =	ssyncset.done $0x0  }
0x4bc: {  	[sflag:s24] =	ssyncadd.s32 $0xFFFFF800  }
0x4bd: {  	_ =	swait.ge [sflag:s24], $0x800  }
0x4be: {  	[sflag:s24] =	ssyncset.done $0x0  }
0x4bf: {  	[sflag:s24] =	ssyncadd.s32 $0xFFFFF800  }
0x4c0: {  	[hbm4b:s3+s22] =	stream.indirect.scatter [tilespmem:s23], [sflag:$0x2], $0x1, s22, s22, $0xb8;
	[tilespmem:$0x3000] =	vst v63  }
0x4c1: {  	_ =	swait.ge [sflag:s28], $0x800  }
0x4c2: {  	s29 =	sld [smem:$0x7E0]  }
0x4c3: {  	[sflag:s28] =	ssyncset.done $0x0  }
0x4c4: {  	s31 =	sld [smem:$0x7E1];
	[sflag:s28] =	ssyncadd.s32 $0xFFFFF800  }
0x4c5: {  	[tilespmem:s2], [sflag:$0x1] =	stream.linear.gather [hbm4b:s29+s2], $0x800, $0x38;
	[tilespmem:$0x3000] =	vst v63  }
0x4c6: {  	_ = 	snop  }
0x4c7: {  	[tilespmem:s21], [sflag:$0x1] =	stream.linear.gather [hbm4b:s31+s2], $0x800, $0x38;
	[tilespmem:$0x3000] =	vst v63  }
0x4c8: {  	_ =	swait.ge [sflag:s24], $0x800  }
0x4c9: {  	[sflag:s24] =	ssyncset.done $0x0  }
0x4ca: {  	[sflag:s24] =	ssyncadd.s32 $0xFFFFF800  }
0x4cb: {  	_ =	swait.ge [sflag:s24], $0x800  }
0x4cc: {  	[sflag:s24] =	ssyncset.done $0x0  }
0x4cd: {  	[sflag:s24] =	ssyncadd.s32 $0xFFFFF800  }
0x4ce: {  	[hbm4b:s3+s22] =	stream.indirect.scatter [tilespmem:s26], [sflag:$0x2], $0x1, s25, s22, $0xb8;
	[tilespmem:$0x3000] =	vst v63  }
0x4cf: {  	_ =	swait.ge [sflag:s28], $0x800  }
0x4d0: {  	s29 =	sld [smem:$0x7E2]  }
0x4d1: {  	[sflag:s28] =	ssyncset.done $0x0  }
0x4d2: {  	s31 =	sld [smem:$0x7E3];
	[sflag:s28] =	ssyncadd.s32 $0xFFFFF800  }
0x4d3: {  	[tilespmem:s22], [sflag:$0x1] =	stream.linear.gather [hbm4b:s29+s2], $0x800, $0x38;
	[tilespmem:$0x3000] =	vst v63  }
0x4d4: {  	_ = 	snop  }
0x4d5: {  	[tilespmem:s23], [sflag:$0x1] =	stream.linear.gather [hbm4b:s31+s2], $0x800, $0x38;
	[tilespmem:$0x3000] =	vst v63  }
0x4d6: {  	_ =	swait.ge [sflag:s24], $0x800  }
0x4d7: {  	[sflag:s24] =	ssyncset.done $0x0  }
0x4d8: {  	[sflag:s24] =	ssyncadd.s32 $0xFFFFF800  }
0x4d9: {  	_ =	swait.ge [sflag:s24], $0x800  }
0x4da: {  	[sflag:s24] =	ssyncset.done $0x0  }
0x4db: {  	[sflag:s24] =	ssyncadd.s32 $0xFFFFF800  }
0x4dc: {  	[hbm4b:s3+s22] =	stream.indirect.scatter [tilespmem:s21], [sflag:$0x2], $0x1, s2, s22, $0xb8;
	[tilespmem:$0x3000] =	vst v63  }
0x4dd: {  	_ =	swait.ge [sflag:s28], $0x800  }
0x4de: {  	s29 =	sld [smem:$0x7E4]  }
0x4df: {  	[sflag:s28] =	ssyncset.done $0x0  }
0x4e0: {  	s31 =	sld [smem:$0x7E5];
	[sflag:s28] =	ssyncadd.s32 $0xFFFFF800  }
0x4e1: {  	[tilespmem:s25], [sflag:$0x1] =	stream.linear.gather [hbm4b:s29+s2], $0x800, $0x38;
	[tilespmem:$0x3000] =	vst v63  }
0x4e2: {  	_ = 	snop  }
0x4e3: {  	[tilespmem:s26], [sflag:$0x1] =	stream.linear.gather [hbm4b:s31+s2], $0x800, $0x38;
	[tilespmem:$0x3000] =	vst v63  }
0x4e4: {  	_ =	swait.ge [sflag:s24], $0x800  }
0x4e5: {  	[sflag:s24] =	ssyncset.done $0x0  }
0x4e6: {  	[sflag:s24] =	ssyncadd.s32 $0xFFFFF800  }
0x4e7: {  	_ =	swait.ge [sflag:s24], $0x800  }
0x4e8: {  	[sflag:s24] =	ssyncset.done $0x0  }
0x4e9: {  	[sflag:s24] =	ssyncadd.s32 $0xFFFFF800  }
0x4ea: {  	[hbm4b:s3+s22] =	stream.indirect.scatter [tilespmem:s23], [sflag:$0x2], $0x1, s22, s22, $0xb8;
	[tilespmem:$0x3000] =	vst v63  }
0x4eb: {  	_ =	swait.ge [sflag:s28], $0x800  }
0x4ec: {  	s29 =	sld [smem:$0x7E6]  }
0x4ed: {  	[sflag:s28] =	ssyncset.done $0x0  }
0x4ee: {  	s31 =	sld [smem:$0x7E7];
	[sflag:s28] =	ssyncadd.s32 $0xFFFFF800  }
0x4ef: {  	[tilespmem:s2], [sflag:$0x1] =	stream.linear.gather [hbm4b:s29+s2], $0x800, $0x38;
	[tilespmem:$0x3000] =	vst v63  }
0x4f0: {  	_ = 	snop  }
0x4f1: {  	[tilespmem:s21], [sflag:$0x1] =	stream.linear.gather [hbm4b:s31+s2], $0x800, $0x38;
	[tilespmem:$0x3000] =	vst v63  }
0x4f2: {  	_ =	swait.ge [sflag:s24], $0x800  }
0x4f3: {  	[sflag:s24] =	ssyncset.done $0x0  }
0x4f4: {  	[sflag:s24] =	ssyncadd.s32 $0xFFFFF800  }
0x4f5: {  	_ =	swait.ge [sflag:s24], $0x800  }
0x4f6: {  	[sflag:s24] =	ssyncset.done $0x0  }
0x4f7: {  	[sflag:s24] =	ssyncadd.s32 $0xFFFFF800  }
0x4f8: {  	[hbm4b:s3+s22] =	stream.indirect.scatter [tilespmem:s26], [sflag:$0x2], $0x1, s25, s22, $0xb8;
	[tilespmem:$0x3000] =	vst v63  }
0x4f9: {  	_ =	swait.ge [sflag:s28], $0x800  }
0x4fa: {  	s29 =	sld [smem:$0x7E8]  }
0x4fb: {  	[sflag:s28] =	ssyncset.done $0x0  }
0x4fc: {  	s31 =	sld [smem:$0x7E9];
	[sflag:s28] =	ssyncadd.s32 $0xFFFFF800  }
0x4fd: {  	[tilespmem:s22], [sflag:$0x1] =	stream.linear.gather [hbm4b:s29+s2], $0x800, $0x38;
	[tilespmem:$0x3000] =	vst v63  }
0x4fe: {  	_ = 	snop  }
0x4ff: {  	[tilespmem:s23], [sflag:$0x1] =	stream.linear.gather [hbm4b:s31+s2], $0x800, $0x38;
	[tilespmem:$0x3000] =	vst v63  }
0x500: {  	_ =	swait.ge [sflag:s24], $0x800  }
0x501: {  	[sflag:s24] =	ssyncset.done $0x0  }
0x502: {  	[sflag:s24] =	ssyncadd.s32 $0xFFFFF800  }
0x503: {  	_ =	swait.ge [sflag:s24], $0x800  }
0x504: {  	[sflag:s24] =	ssyncset.done $0x0  }
0x505: {  	[sflag:s24] =	ssyncadd.s32 $0xFFFFF800  }
0x506: {  	[hbm4b:s3+s22] =	stream.indirect.scatter [tilespmem:s21], [sflag:$0x2], $0x1, s2, s22, $0xb8;
	[tilespmem:$0x3000] =	vst v63  }
0x507: {  	_ =	swait.ge [sflag:s28], $0x800  }
0x508: {  	s29 =	sld [smem:$0x7EA]  }
0x509: {  	[sflag:s28] =	ssyncset.done $0x0  }
0x50a: {  	s31 =	sld [smem:$0x7EB];
	[sflag:s28] =	ssyncadd.s32 $0xFFFFF800  }
0x50b: {  	[tilespmem:s25], [sflag:$0x1] =	stream.linear.gather [hbm4b:s29+s2], $0x800, $0x38;
	[tilespmem:$0x3000] =	vst v63  }
0x50c: {  	_ = 	snop  }
0x50d: {  	[tilespmem:s26], [sflag:$0x1] =	stream.linear.gather [hbm4b:s31+s2], $0x800, $0x38;
	[tilespmem:$0x3000] =	vst v63  }
0x50e: {  	_ =	swait.ge [sflag:s24], $0x800  }
0x50f: {  	[sflag:s24] =	ssyncset.done $0x0  }
0x510: {  	[sflag:s24] =	ssyncadd.s32 $0xFFFFF800  }
0x511: {  	_ =	swait.ge [sflag:s24], $0x800  }
0x512: {  	[sflag:s24] =	ssyncset.done $0x0  }
0x513: {  	[sflag:s24] =	ssyncadd.s32 $0xFFFFF800  }
0x514: {  	[hbm4b:s3+s22] =	stream.indirect.scatter [tilespmem:s23], [sflag:$0x2], $0x1, s22, s22, $0xb8;
	[tilespmem:$0x3000] =	vst v63  }
0x515: {  	_ =	swait.ge [sflag:s28], $0x800  }
0x516: {  	s29 =	sld [smem:$0x7EC]  }
0x517: {  	[sflag:s28] =	ssyncset.done $0x0  }
0x518: {  	s31 =	sld [smem:$0x7ED];
	[sflag:s28] =	ssyncadd.s32 $0xFFFFF800  }
0x519: {  	[tilespmem:s2], [sflag:$0x1] =	stream.linear.gather [hbm4b:s29+s2], $0x800, $0x38;
	[tilespmem:$0x3000] =	vst v63  }
0x51a: {  	_ = 	snop  }
0x51b: {  	[tilespmem:s21], [sflag:$0x1] =	stream.linear.gather [hbm4b:s31+s2], $0x800, $0x38;
	[tilespmem:$0x3000] =	vst v63  }
0x51c: {  	_ =	swait.ge [sflag:s24], $0x800  }
0x51d: {  	[sflag:s24] =	ssyncset.done $0x0  }
0x51e: {  	[sflag:s24] =	ssyncadd.s32 $0xFFFFF800  }
0x51f: {  	_ =	swait.ge [sflag:s24], $0x800  }
0x520: {  	[sflag:s24] =	ssyncset.done $0x0  }
0x521: {  	[sflag:s24] =	ssyncadd.s32 $0xFFFFF800  }
0x522: {  	[hbm4b:s3+s22] =	stream.indirect.scatter [tilespmem:s26], [sflag:$0x2], $0x1, s25, s22, $0xb8;
	[tilespmem:$0x3000] =	vst v63  }
0x523: {  	_ =	swait.ge [sflag:s28], $0x800  }
0x524: {  	s29 =	sld [smem:$0x7EE]  }
0x525: {  	[sflag:s28] =	ssyncset.done $0x0  }
0x526: {  	s31 =	sld [smem:$0x7EF];
	[sflag:s28] =	ssyncadd.s32 $0xFFFFF800  }
0x527: {  	[tilespmem:s22], [sflag:$0x1] =	stream.linear.gather [hbm4b:s29+s2], $0x800, $0x38;
	[tilespmem:$0x3000] =	vst v63  }
0x528: {  	_ = 	snop  }
0x529: {  	[tilespmem:s23], [sflag:$0x1] =	stream.linear.gather [hbm4b:s31+s2], $0x800, $0x38;
	[tilespmem:$0x3000] =	vst v63  }
0x52a: {  	_ =	swait.ge [sflag:s24], $0x800  }
0x52b: {  	[sflag:s24] =	ssyncset.done $0x0  }
0x52c: {  	[sflag:s24] =	ssyncadd.s32 $0xFFFFF800  }
0x52d: {  	_ =	swait.ge [sflag:s24], $0x800  }
0x52e: {  	[sflag:s24] =	ssyncset.done $0x0  }
0x52f: {  	[sflag:s24] =	ssyncadd.s32 $0xFFFFF800  }
0x530: {  	[hbm4b:s3+s22] =	stream.indirect.scatter [tilespmem:s21], [sflag:$0x2], $0x1, s2, s22, $0xb8;
	[tilespmem:$0x3000] =	vst v63  }
0x531: {  	_ =	swait.ge [sflag:s28], $0x800  }
0x532: {  	s29 =	sld [smem:$0x7F0]  }
0x533: {  	[sflag:s28] =	ssyncset.done $0x0  }
0x534: {  	s31 =	sld [smem:$0x7F1];
	[sflag:s28] =	ssyncadd.s32 $0xFFFFF800  }
0x535: {  	[tilespmem:s25], [sflag:$0x1] =	stream.linear.gather [hbm4b:s29+s2], $0x800, $0x38;
	[tilespmem:$0x3000] =	vst v63  }
0x536: {  	_ = 	snop  }
0x537: {  	[tilespmem:s26], [sflag:$0x1] =	stream.linear.gather [hbm4b:s31+s2], $0x800, $0x38;
	[tilespmem:$0x3000] =	vst v63  }
0x538: {  	_ =	swait.ge [sflag:s24], $0x800  }
0x539: {  	[sflag:s24] =	ssyncset.done $0x0  }
0x53a: {  	[sflag:s24] =	ssyncadd.s32 $0xFFFFF800  }
0x53b: {  	_ =	swait.ge [sflag:s24], $0x800  }
0x53c: {  	[sflag:s24] =	ssyncset.done $0x0  }
0x53d: {  	[sflag:s24] =	ssyncadd.s32 $0xFFFFF800  }
0x53e: {  	[hbm4b:s3+s22] =	stream.indirect.scatter [tilespmem:s23], [sflag:$0x2], $0x1, s22, s22, $0xb8;
	[tilespmem:$0x3000] =	vst v63  }
0x53f: {  	_ =	swait.ge [sflag:s28], $0x800  }
0x540: {  	s29 =	sld [smem:$0x7F2]  }
0x541: {  	[sflag:s28] =	ssyncset.done $0x0  }
0x542: {  	s31 =	sld [smem:$0x7F3];
	[sflag:s28] =	ssyncadd.s32 $0xFFFFF800  }
0x543: {  	[tilespmem:s2], [sflag:$0x1] =	stream.linear.gather [hbm4b:s29+s2], $0x800, $0x38;
	[tilespmem:$0x3000] =	vst v63  }
0x544: {  	_ = 	snop  }
0x545: {  	[tilespmem:s21], [sflag:$0x1] =	stream.linear.gather [hbm4b:s31+s2], $0x800, $0x38;
	[tilespmem:$0x3000] =	vst v63  }
0x546: {  	_ =	swait.ge [sflag:s24], $0x800  }
0x547: {  	[sflag:s24] =	ssyncset.done $0x0  }
0x548: {  	[sflag:s24] =	ssyncadd.s32 $0xFFFFF800  }
0x549: {  	_ =	swait.ge [sflag:s24], $0x800  }
0x54a: {  	[sflag:s24] =	ssyncset.done $0x0  }
0x54b: {  	[sflag:s24] =	ssyncadd.s32 $0xFFFFF800  }
0x54c: {  	[hbm4b:s3+s22] =	stream.indirect.scatter [tilespmem:s26], [sflag:$0x2], $0x1, s25, s22, $0xb8;
	[tilespmem:$0x3000] =	vst v63  }
0x54d: {  	_ =	swait.ge [sflag:s28], $0x800  }
0x54e: {  	s29 =	sld [smem:$0x7F4]  }
0x54f: {  	[sflag:s28] =	ssyncset.done $0x0  }
0x550: {  	s31 =	sld [smem:$0x7F5];
	[sflag:s28] =	ssyncadd.s32 $0xFFFFF800  }
0x551: {  	[tilespmem:s22], [sflag:$0x1] =	stream.linear.gather [hbm4b:s29+s2], $0x800, $0x38;
	[tilespmem:$0x3000] =	vst v63  }
0x552: {  	_ = 	snop  }
0x553: {  	[tilespmem:s23], [sflag:$0x1] =	stream.linear.gather [hbm4b:s31+s2], $0x800, $0x38;
	[tilespmem:$0x3000] =	vst v63  }
0x554: {  	_ =	swait.ge [sflag:s24], $0x800  }
0x555: {  	[sflag:s24] =	ssyncset.done $0x0  }
0x556: {  	[sflag:s24] =	ssyncadd.s32 $0xFFFFF800  }
0x557: {  	_ =	swait.ge [sflag:s24], $0x800  }
0x558: {  	[sflag:s24] =	ssyncset.done $0x0  }
0x559: {  	[sflag:s24] =	ssyncadd.s32 $0xFFFFF800  }
0x55a: {  	[hbm4b:s3+s22] =	stream.indirect.scatter [tilespmem:s21], [sflag:$0x2], $0x1, s2, s22, $0xb8;
	[tilespmem:$0x3000] =	vst v63  }
0x55b: {  	_ =	swait.ge [sflag:s28], $0x800  }
0x55c: {  	s29 =	sld [smem:$0x7F6]  }
0x55d: {  	[sflag:s28] =	ssyncset.done $0x0  }
0x55e: {  	s31 =	sld [smem:$0x7F7];
	[sflag:s28] =	ssyncadd.s32 $0xFFFFF800  }
0x55f: {  	[tilespmem:s25], [sflag:$0x1] =	stream.linear.gather [hbm4b:s29+s2], $0x800, $0x38;
	[tilespmem:$0x3000] =	vst v63  }
0x560: {  	_ = 	snop  }
0x561: {  	[tilespmem:s26], [sflag:$0x1] =	stream.linear.gather [hbm4b:s31+s2], $0x800, $0x38;
	[tilespmem:$0x3000] =	vst v63  }
0x562: {  	_ =	swait.ge [sflag:s24], $0x800  }
0x563: {  	[sflag:s24] =	ssyncset.done $0x0  }
0x564: {  	[sflag:s24] =	ssyncadd.s32 $0xFFFFF800  }
0x565: {  	_ =	swait.ge [sflag:s24], $0x800  }
0x566: {  	[sflag:s24] =	ssyncset.done $0x0  }
0x567: {  	[sflag:s24] =	ssyncadd.s32 $0xFFFFF800  }
0x568: {  	[hbm4b:s3+s22] =	stream.indirect.scatter [tilespmem:s23], [sflag:$0x2], $0x1, s22, s22, $0xb8;
	[tilespmem:$0x3000] =	vst v63  }
0x569: {  	_ =	swait.ge [sflag:s28], $0x800  }
0x56a: {  	s29 =	sld [smem:$0x7F8]  }
0x56b: {  	[sflag:s28] =	ssyncset.done $0x0  }
0x56c: {  	s31 =	sld [smem:$0x7F9];
	[sflag:s28] =	ssyncadd.s32 $0xFFFFF800  }
0x56d: {  	[tilespmem:s2], [sflag:$0x1] =	stream.linear.gather [hbm4b:s29+s2], $0x800, $0x38;
	[tilespmem:$0x3000] =	vst v63  }
0x56e: {  	_ = 	snop  }
0x56f: {  	[tilespmem:s21], [sflag:$0x1] =	stream.linear.gather [hbm4b:s31+s2], $0x800, $0x38;
	[tilespmem:$0x3000] =	vst v63  }
0x570: {  	_ =	swait.ge [sflag:s24], $0x800  }
0x571: {  	[sflag:s24] =	ssyncset.done $0x0  }
0x572: {  	[sflag:s24] =	ssyncadd.s32 $0xFFFFF800  }
0x573: {  	_ =	swait.ge [sflag:s24], $0x800  }
0x574: {  	[sflag:s24] =	ssyncset.done $0x0  }
0x575: {  	[sflag:s24] =	ssyncadd.s32 $0xFFFFF800  }
0x576: {  	[hbm4b:s3+s22] =	stream.indirect.scatter [tilespmem:s26], [sflag:$0x2], $0x1, s25, s22, $0xb8;
	[tilespmem:$0x3000] =	vst v63  }
0x577: {  	_ =	swait.ge [sflag:s28], $0x800  }
0x578: {  	s29 =	sld [smem:$0x7FA]  }
0x579: {  	[sflag:s28] =	ssyncset.done $0x0  }
0x57a: {  	s31 =	sld [smem:$0x7FB];
	[sflag:s28] =	ssyncadd.s32 $0xFFFFF800  }
0x57b: {  	[tilespmem:s22], [sflag:$0x1] =	stream.linear.gather [hbm4b:s29+s2], $0x800, $0x38;
	[tilespmem:$0x3000] =	vst v63  }
0x57c: {  	_ = 	snop  }
0x57d: {  	[tilespmem:s23], [sflag:$0x1] =	stream.linear.gather [hbm4b:s31+s2], $0x800, $0x38;
	[tilespmem:$0x3000] =	vst v63  }
0x57e: {  	_ =	swait.ge [sflag:s24], $0x800  }
0x57f: {  	[sflag:s24] =	ssyncset.done $0x0  }
0x580: {  	[sflag:s24] =	ssyncadd.s32 $0xFFFFF800  }
0x581: {  	_ =	swait.ge [sflag:s24], $0x800  }
0x582: {  	[sflag:s24] =	ssyncset.done $0x0  }
0x583: {  	[sflag:s24] =	ssyncadd.s32 $0xFFFFF800  }
0x584: {  	[hbm4b:s3+s22] =	stream.indirect.scatter [tilespmem:s21], [sflag:$0x2], $0x1, s2, s22, $0xb8;
	[tilespmem:$0x3000] =	vst v63  }
0x585: {  	_ =	swait.ge [sflag:s28], $0x800  }
0x586: {  	s29 =	sld [smem:$0x7FC]  }
0x587: {  	[sflag:s28] =	ssyncset.done $0x0  }
0x588: {  	s31 =	sld [smem:$0x7FD];
	[sflag:s28] =	ssyncadd.s32 $0xFFFFF800  }
0x589: {  	[tilespmem:s25], [sflag:$0x1] =	stream.linear.gather [hbm4b:s29+s2], $0x800, $0x38;
	[tilespmem:$0x3000] =	vst v63  }
0x58a: {  	_ = 	snop  }
0x58b: {  	[tilespmem:s26], [sflag:$0x1] =	stream.linear.gather [hbm4b:s31+s2], $0x800, $0x38;
	[tilespmem:$0x3000] =	vst v63  }
0x58c: {  	_ =	swait.ge [sflag:s24], $0x800  }
0x58d: {  	[sflag:s24] =	ssyncset.done $0x0  }
0x58e: {  	[sflag:s24] =	ssyncadd.s32 $0xFFFFF800  }
0x58f: {  	_ =	swait.ge [sflag:s24], $0x800  }
0x590: {  	[sflag:s24] =	ssyncset.done $0x0  }
0x591: {  	[sflag:s24] =	ssyncadd.s32 $0xFFFFF800  }
0x592: {  	[hbm4b:s3+s22] =	stream.indirect.scatter [tilespmem:s23], [sflag:$0x2], $0x1, s22, s22, $0xb8;
	[tilespmem:$0x3000] =	vst v63  }
0x593: {  	_ =	swait.ge [sflag:s28], $0x800  }
0x594: {  	[sflag:s28] =	ssyncset.done $0x0  }
0x595: {  	[sflag:s28] =	ssyncadd.s32 $0xFFFFF800  }
0x596: {  	[tilespmem:s2], [sflag:$0x1] =	stream.linear.gather [hbm4b:s4+s2], $0x800, $0x38;
	[tilespmem:$0x3000] =	vst v63  }
0x597: {  	_ = 	snop  }
0x598: {  	[tilespmem:s21], [sflag:$0x1] =	stream.linear.gather [hbm4b:s5+s2], $0x800, $0x38;
	[tilespmem:$0x3000] =	vst v63  }
0x599: {  	_ =	swait.ge [sflag:s24], $0x800  }
0x59a: {  	[sflag:s24] =	ssyncset.done $0x0  }
0x59b: {  	[sflag:s24] =	ssyncadd.s32 $0xFFFFF800  }
0x59c: {  	_ =	swait.ge [sflag:s24], $0x800  }
0x59d: {  	[sflag:s24] =	ssyncset.done $0x0  }
0x59e: {  	[sflag:s24] =	ssyncadd.s32 $0xFFFFF800  }
0x59f: {  	[hbm4b:s3+s22] =	stream.indirect.scatter [tilespmem:s26], [sflag:$0x2], $0x1, s25, s22, $0xb8;
	[tilespmem:$0x3000] =	vst v63  }
0x5a0: {  	_ =	swait.ge [sflag:s28], $0x800  }
0x5a1: {  	[sflag:s28] =	ssyncset.done $0x0  }
0x5a2: {  	[sflag:s28] =	ssyncadd.s32 $0xFFFFF800  }
0x5a3: {  	[tilespmem:s22], [sflag:$0x1] =	stream.linear.gather [hbm4b:s6+s2], $0x800, $0x38;
	[tilespmem:$0x3000] =	vst v63  }
0x5a4: {  	_ = 	snop  }
0x5a5: {  	[tilespmem:s23], [sflag:$0x1] =	stream.linear.gather [hbm4b:s7+s2], $0x800, $0x38;
	[tilespmem:$0x3000] =	vst v63  }
0x5a6: {  	_ =	swait.ge [sflag:s24], $0x800  }
0x5a7: {  	[sflag:s24] =	ssyncset.done $0x0  }
0x5a8: {  	[sflag:s24] =	ssyncadd.s32 $0xFFFFF800  }
0x5a9: {  	_ =	swait.ge [sflag:s24], $0x800  }
0x5aa: {  	[sflag:s24] =	ssyncset.done $0x0  }
0x5ab: {  	[sflag:s24] =	ssyncadd.s32 $0xFFFFF800  }
0x5ac: {  	[hbm4b:s3+s22] =	stream.indirect.scatter [tilespmem:s21], [sflag:$0x2], $0x1, s2, s22, $0xb8;
	[tilespmem:$0x3000] =	vst v63  }
0x5ad: {  	_ =	swait.ge [sflag:s28], $0x800  }
0x5ae: {  	[sflag:s28] =	ssyncset.done $0x0  }
0x5af: {  	[sflag:s28] =	ssyncadd.s32 $0xFFFFF800  }
0x5b0: {  	[tilespmem:s25], [sflag:$0x1] =	stream.linear.gather [hbm4b:s8+s2], $0x800, $0x38;
	[tilespmem:$0x3000] =	vst v63  }
0x5b1: {  	_ = 	snop  }
0x5b2: {  	[tilespmem:s26], [sflag:$0x1] =	stream.linear.gather [hbm4b:s9+s2], $0x800, $0x38;
	[tilespmem:$0x3000] =	vst v63  }
0x5b3: {  	_ =	swait.ge [sflag:s24], $0x800  }
0x5b4: {  	[sflag:s24] =	ssyncset.done $0x0  }
0x5b5: {  	[sflag:s24] =	ssyncadd.s32 $0xFFFFF800  }
0x5b6: {  	_ =	swait.ge [sflag:s24], $0x800  }
0x5b7: {  	[sflag:s24] =	ssyncset.done $0x0  }
0x5b8: {  	[sflag:s24] =	ssyncadd.s32 $0xFFFFF800  }
0x5b9: {  	[hbm4b:s3+s22] =	stream.indirect.scatter [tilespmem:s23], [sflag:$0x2], $0x1, s22, s22, $0xb8;
	[tilespmem:$0x3000] =	vst v63  }
0x5ba: {  	_ =	swait.ge [sflag:s28], $0x800  }
0x5bb: {  	[sflag:s28] =	ssyncset.done $0x0  }
0x5bc: {  	[sflag:s28] =	ssyncadd.s32 $0xFFFFF800  }
0x5bd: {  	[tilespmem:s2], [sflag:$0x1] =	stream.linear.gather [hbm4b:s10+s2], $0x800, $0x38;
	[tilespmem:$0x3000] =	vst v63  }
0x5be: {  	_ = 	snop  }
0x5bf: {  	[tilespmem:s21], [sflag:$0x1] =	stream.linear.gather [hbm4b:s11+s2], $0x800, $0x38;
	[tilespmem:$0x3000] =	vst v63  }
0x5c0: {  	_ =	swait.ge [sflag:s24], $0x800  }
0x5c1: {  	[sflag:s24] =	ssyncset.done $0x0  }
0x5c2: {  	[sflag:s24] =	ssyncadd.s32 $0xFFFFF800  }
0x5c3: {  	_ =	swait.ge [sflag:s24], $0x800  }
0x5c4: {  	[sflag:s24] =	ssyncset.done $0x0  }
0x5c5: {  	[sflag:s24] =	ssyncadd.s32 $0xFFFFF800  }
0x5c6: {  	[hbm4b:s3+s22] =	stream.indirect.scatter [tilespmem:s26], [sflag:$0x2], $0x1, s25, s22, $0xb8;
	[tilespmem:$0x3000] =	vst v63  }
0x5c7: {  	_ =	swait.ge [sflag:s28], $0x800  }
0x5c8: {  	[sflag:s28] =	ssyncset.done $0x0  }
0x5c9: {  	[sflag:s28] =	ssyncadd.s32 $0xFFFFF800  }
0x5ca: {  	[tilespmem:s22], [sflag:$0x1] =	stream.linear.gather [hbm4b:s12+s2], $0x800, $0x38;
	[tilespmem:$0x3000] =	vst v63  }
0x5cb: {  	_ = 	snop  }
0x5cc: {  	[tilespmem:s23], [sflag:$0x1] =	stream.linear.gather [hbm4b:s13+s2], $0x800, $0x38;
	[tilespmem:$0x3000] =	vst v63  }
0x5cd: {  	_ =	swait.ge [sflag:s24], $0x800  }
0x5ce: {  	[sflag:s24] =	ssyncset.done $0x0  }
0x5cf: {  	[sflag:s24] =	ssyncadd.s32 $0xFFFFF800  }
0x5d0: {  	_ =	swait.ge [sflag:s24], $0x800  }
0x5d1: {  	[sflag:s24] =	ssyncset.done $0x0  }
0x5d2: {  	[sflag:s24] =	ssyncadd.s32 $0xFFFFF800  }
0x5d3: {  	[hbm4b:s3+s22] =	stream.indirect.scatter [tilespmem:s21], [sflag:$0x2], $0x1, s2, s22, $0xb8;
	[tilespmem:$0x3000] =	vst v63  }
0x5d4: {  	_ =	swait.ge [sflag:s28], $0x800  }
0x5d5: {  	[sflag:s28] =	ssyncset.done $0x0  }
0x5d6: {  	[sflag:s28] =	ssyncadd.s32 $0xFFFFF800  }
0x5d7: {  	[tilespmem:s25], [sflag:$0x1] =	stream.linear.gather [hbm4b:s14+s2], $0x800, $0x38;
	[tilespmem:$0x3000] =	vst v63  }
0x5d8: {  	_ = 	snop  }
0x5d9: {  	[tilespmem:s26], [sflag:$0x1] =	stream.linear.gather [hbm4b:s15+s2], $0x800, $0x38;
	[tilespmem:$0x3000] =	vst v63  }
0x5da: {  	_ =	swait.ge [sflag:s24], $0x800  }
0x5db: {  	[sflag:s24] =	ssyncset.done $0x0  }
0x5dc: {  	[sflag:s24] =	ssyncadd.s32 $0xFFFFF800  }
0x5dd: {  	_ =	swait.ge [sflag:s24], $0x800  }
0x5de: {  	[sflag:s24] =	ssyncset.done $0x0  }
0x5df: {  	[sflag:s24] =	ssyncadd.s32 $0xFFFFF800  }
0x5e0: {  	[hbm4b:s3+s22] =	stream.indirect.scatter [tilespmem:s23], [sflag:$0x2], $0x1, s22, s22, $0xb8;
	[tilespmem:$0x3000] =	vst v63  }
0x5e1: {  	_ =	swait.ge [sflag:s28], $0x800  }
0x5e2: {  	[sflag:s28] =	ssyncset.done $0x0  }
0x5e3: {  	[sflag:s28] =	ssyncadd.s32 $0xFFFFF800  }
0x5e4: {  	[tilespmem:s2], [sflag:$0x1] =	stream.linear.gather [hbm4b:s16+s2], $0x800, $0x38;
	[tilespmem:$0x3000] =	vst v63  }
0x5e5: {  	_ = 	snop  }
0x5e6: {  	[tilespmem:s21], [sflag:$0x1] =	stream.linear.gather [hbm4b:s17+s2], $0x800, $0x38;
	[tilespmem:$0x3000] =	vst v63  }
0x5e7: {  	_ =	swait.ge [sflag:s24], $0x800  }
0x5e8: {  	[sflag:s24] =	ssyncset.done $0x0  }
0x5e9: {  	[sflag:s24] =	ssyncadd.s32 $0xFFFFF800  }
0x5ea: {  	_ =	swait.ge [sflag:s24], $0x800  }
0x5eb: {  	[sflag:s24] =	ssyncset.done $0x0  }
0x5ec: {  	[sflag:s24] =	ssyncadd.s32 $0xFFFFF800  }
0x5ed: {  	[hbm4b:s3+s22] =	stream.indirect.scatter [tilespmem:s26], [sflag:$0x2], $0x1, s25, s22, $0xb8;
	[tilespmem:$0x3000] =	vst v63  }
0x5ee: {  	_ =	swait.ge [sflag:s28], $0x800  }
0x5ef: {  	[sflag:s28] =	ssyncset.done $0x0  }
0x5f0: {  	[sflag:s28] =	ssyncadd.s32 $0xFFFFF800  }
0x5f1: {  	_ =	swait.ge [sflag:s24], $0x800  }
0x5f2: {  	[sflag:s24] =	ssyncset.done $0x0  }
0x5f3: {  	[sflag:s24] =	ssyncadd.s32 $0xFFFFF800  }
0x5f4: {  	_ =	swait.ge [sflag:s24], $0x800  }
0x5f5: {  	[sflag:s24] =	ssyncset.done $0x0  }
0x5f6: {  	[sflag:s24] =	ssyncadd.s32 $0xFFFFF800  }
0x5f7: {  	[hbm4b:s3+s22] =	stream.indirect.scatter [tilespmem:s21], [sflag:$0x2], $0x1, s2, s22, $0xb8;
	[tilespmem:$0x3000] =	vst v63  }
0x5f8: {  	_ =	swait.ge [sflag:s28], $0x800  }
0x5f9: {  	[sflag:s28] =	ssyncset.done $0x0  }
0x5fa: {  	[sflag:s28] =	ssyncadd.s32 $0xFFFFF800  }
0x5fb: {  	_ =	swait.ge [sflag:s28], $0x800  }
0x5fc: {  	[sflag:s28] =	ssyncset.done $0x0  }
0x5fd: {  	s30 =	simm.s32 @!p0 $0x800;
	s29 =	simm.s32 @!p0 $0x0;
	[sflag:s28] =	ssyncadd.s32 $0xFFFFF800  }
0x5fe: {  	[tilespmem:s30], [sflag:$0x1] =	stream.linear.gather @!p0 [hbm4b:s18+s29], $0x800, $0x38;
	[tilespmem:$0x3000] =	vst v63  }
0x5ff: {  	s31 =	simm.s32 @!p0 $0x2000  }
0x600: {  	[tilespmem:s31], [sflag:$0x1] =	stream.linear.gather @!p0 [hbm4b:s19+s29], $0x800, $0x38;
	[tilespmem:$0x3000] =	vst v63  }
0x601: {  	s29 =	simm.s32 @!p0 $0x1  }
0x602: {  	_ =	swait.ge @!p0 [sflag:s29], $0x800  }
0x603: {  	[sflag:s29] =	ssyncset.done @!p0 $0x0  }
0x604: {  	[sflag:s29] =	ssyncadd.s32 @!p0 $0xFFFFF800  }
0x605: {  	s20 =	sadd.s32 $0xFFFFFFFF, s20;
	_ =	swait.ge @!p0 [sflag:s29], $0x800  }
0x606: {  	p1 =	sne.s32 s20, $0x0;
	[sflag:s29] =	ssyncset.done @!p0 $0x0  }
.Ltmp0:
0x607: {  	[sflag:s29] =	ssyncadd.s32 @!p0 $0xFFFFF800;
	s29 =	simm.s32 @!p0 $0x2;
	(pc) =	sbr.rel @p1 .LBB2_1-.Ltmp0, $4  }
0x608: {  	[hbm4b:s3+s30] =	stream.indirect.scatter @!p0 [tilespmem:s31], [sflag:$0x2], $0x1, s30, s30, $0xb8;
	[tilespmem:$0x3000] =	vst v63  }
0x609: {  	_ =	swait.ge @!p0 [sflag:s29], $0x800  }
0x60a: {  	[sflag:s29] =	ssyncset.done @!p0 $0x0  }
0x60b: {  	[sflag:s29] =	ssyncadd.s32 @!p0 $0xFFFFF800  }
0x60c: {  	_ =	sfence.sel $0x180000  }
0x60d: {  	[bflag:$0x0] =	sbarrier.arrive $0xFFFF  }
0x60e: {  	p0 =	sne.s32 s0, $0x0;
	_ =	strace $0x90000047  }
0x60f: {  	s0 =	sadd.s32 @!p0 $0x100000, s1;
	[bflag:$0x2] =	sbarrier.arrive $0xFFFF  }
0x610: {  	[sflag:s0] =	ssyncadd.tile.s32 @!p0 $0x1;
	_ =	shalt  }
.Lfunc_end2:
_tile_overlayer_lowered:
.L_overlay_start_2:
0x611: {  	(tag) =	ssettag $0x2  }
0x612: {  	s0 =	rddreg [dreg:$0x0];
	s2 =	stileid.u32  }
0x613: {  	s1 =	rddreg [dreg:$0x1];
	p0 =	sne.s32 s2, $0x0  }
0x614: {  	s3 =	rddreg [dreg:$0x2];
	[bflag:$0x3] =	sbarrier.arrive $0xFFFF;
	s2 =	simm.s32 @!p0 $0x1C03  }
0x615: {  	[timem:s3], [sflag:s2] =	dma.local @!p0 [hbm:s0], s1  }
0x616: {  	s0 =	simm.s32 @!p0 $0x3  }
0x617: {  	_ =	swait.ge @!p0 [sflag:s0], s1  }
0x618: {  	s1 =	ssub.s32 @!p0 $0x0, s1;
	[sflag:s0] =	ssyncset.done @!p0 $0x0  }
0x619: {  	[sflag:s0] =	ssyncadd.s32 @!p0 s1  }
0x61a: {  	[bflag:$0x3] =	sbarrier.arrive $0xFFFF  }
0x61b: {  	_ =	shalt  }

// kernel: sparse-core-data-format-call.cloned.1.call-start
scs
called_computation_lowered:
.L_overlay_start_0:
0x0: {  	s2 =	sld [smem:$0x3FD9]  }
0x1: {  	s3 =	sld [smem:$0x3FFE];
	_ =	sdelay $0x1  }
0x2: {  	s1 =	srdreg.scid  }
0x3: {  	s0 =	sand.u32 $0x1, s1  }
0x4: {  	s18 =	sshll.u32 s0, $0xA;
	s2 =	sadd.s32 s3, s2  }
0x5: {  	s2 =	sadd.s32 s2, s18  }
0x6: {  	[smem:$0x3FC5] =	sst s2  }
0x7: {  	_ = 	snop  }
0x8: {  	s2 =	sld [smem:$0x3FD0];
	(tm) =	ssettm $0x1  }
0x9: {  	s19 =	sld [smem:$0x3FFB];
	_ =	sdelay $0x3  }
0xa: {  	_ =	strace s19  }
0xb: {  	s3 =	sld [smem:$0x3FFC];
	_ =	sdelay $0x3  }
0xc: {  	_ =	strace s3  }
0xd: {  	s3 =	sld [smem:$0x3FFD];
	_ =	sdelay $0x3  }
0xe: {  	_ =	strace s3  }
0xf: {  	_ =	strace $0x8FFFFFFF  }
0x10: {  	s20 =	sld [smem:$0x3FDB];
	_ =	sdelay $0x1  }
0x11: {  	s4 =	simm.s32 $_scs_section_size  }
0x12: {  	s5 =	simm.s32 $_size__tile_overlayer_lowered;
	s6 =	simm.s32 $_tile_overlayer_lowered  }
0x13: {  	s23 =	simm.s32 $0x1BFF;
	s22 =	sshll.u32 s6, $0x1;
	s3 =	sadd.s32 s4, s20  }
0x14: {  	s7 =	simm.s32 $0x0;
	s21 =	sshll.u32 s5, $0x1;
	s5 =	sadd.s32 s22, s3  }
0x15: {  	[timem:s7], [sflag:s23] =	dma.local [hbm:s5], s21  }
0x16: {  	_ =	swait.ge [sflag:s23], s21  }
0x17: {  	s4 =	ssub.s32 $0x0, s21;
	[sflag:s23] =	ssyncset.done $0x0  }
0x18: {  	[sflag:s23] =	ssyncadd.s32 s4;
	_ =	sdelay $0x1  }
0x19: {  	s24 =	simm.s32 $0x1B8B  }
0x1a: {  	_ =	swait.ge [sflag:s24], $0x1  }
0x1b: {  	[sflag:s24] =	ssyncset.done $0x0  }
0x1c: {  	s26 =	simm.s32 $0x1B8E;
	s25 =	sld [smem:$0x3FFE];
	[sflag:s24] =	ssyncadd.s32 $0xFFFFFFFF  }
0x1d: {  	s27 =	simm.s32 $execute0_lowered;
	[smem:$0x3FD2] =	sst s26  }
0x1e: {  	s5 =	sshll.u32 s27, $0x1;
	_ =	strace $0x80000049;
	[dreg:$0x1] =	wrdreg $0xFFFFFFFF  }
0x1f: {  	s28 =	simm.s32 $_size_execute0_lowered;
	s3 =	sadd.s32 s3, s5;
	[dreg:$0x0] =	wrdreg $0x0  }
0x20: {  	s5 =	sshll.u32 s28, $0x1;
	[dreg:$0x2] =	wrdreg s3  }
0x21: {  	[dreg:$0x3] =	wrdreg s5  }
0x22: {  	[dreg:$0x4] =	wrdreg $0xC0  }
0x23: {  	_ =	task [dreg:s7], $0x5FFFF  }
0x24: {  	[dreg:$0x1] =	wrdreg $0xFFFFFFFF  }
0x25: {  	[dreg:$0x0] =	wrdreg $0x60  }
0x26: {  	[dreg:$0x2] =	wrdreg s25  }
0x27: {  	[dreg:$0x3] =	wrdreg s2  }
0x28: {  	[dreg:$0x4] =	wrdreg $0x9  }
0x29: {  	_ =	task.clear_ibuf [dreg:s7], $0x5FFFF;
	_ =	strace $0x90000049  }
0x2a: {  	s29 =	simm.s32 $0x9;
	_ =	strace $0x8000004B  }
0x2b: {  	_ =	swait.ge [sflag:s29], $0x1  }
0x2c: {  	[sflag:s29] =	ssyncadd.s32 $0xFFFFFFFF  }
0x2d: {  	_ =	strace $0x9000004B  }
0x2e: {  	_ =	sfence  }
0x2f: {  	s30 =	sld [smem:$0x0];
	_ =	sdelay $0x2  }
0x30: {  	s31 =	sshll.u32 s1, $0xD;
	s1 =	sshrl.u32 s1, $0x2  }
0x31: {  	s3 =	sand.u32 $0x4000, s31;
	s1 =	sadd.s32 s1, s30  }
0x32: {  	s0 =	sor.u32 s3, s0;
	s1 =	sshll.u32 s1, $0x11  }
0x33: {  	s0 =	sor.u32 s1, s0  }
0x34: {  	s0 =	sadd.s32 $0x8F2B, s0  }
0x35: {  	[sflag:s0] =	ssyncadd.remote.s32 $0x1  }
0x36: {  	_ =	sfence.sel $0xFFFF  }
0x37: {  	[dreg:$0x0] =	wrdreg $0xFFFFFFFF;
	(pc) =	sbr.abs _section_cstart, $3  }
0x38: {  	[dreg:$0x1] =	wrdreg $0xFFFFFFFF  }
0x39: {  	_ =	task.clear_ibuf [dreg:s7], $0x2FFFF;
	_ =	strace $0x9FFFFFFF  }
0x3a: {  	(tm) =	ssettm $0x7FFFFFFF  }
0x3b: {  	_ =	shalt  }
tec
execute0_lowered:
.L_overlay_start_1:
0x0: {  	(tag) =	ssettag $0x1  }
0x1: {  	s4 =	rddreg [dreg:$0x0]  }
0x2: {  	s0 =	srdreg.scid;
	s2 =	rddreg [dreg:$0x1]  }
0x3: {  	s1 =	stileid.u32;
	s5 =	simm.s32 $0x1;
	s0 =	sshll.u32 s0, $0x4  }
0x4: {  	s7 =	simm.s32 $0x2;
	s11 =	simm.s32 $0x0;
	s3 =	sand.u32 $0x10, s0  }
.Ltmp0:
0x5: {  	p0 =	por $0x0, $0x0;
	s3 =	sor.u32 s1, s3;
	(pc) =	sbr.rel .LBB1_1-.Ltmp0, $4  }
0x6: {  	s8 =	simm.s32 $0x7A1400;
	s10 =	simm.s32 $0x0;
	s3 =	sshll.u32 s3, $0x7  }
0x7: {  	s0 =	rddreg [dreg:$0x2];
	_ =	strace $0x8000004A;
	s6 =	ssub.s32 $0xF4200, s3  }
0x8: {  	s4 =	sadd.s32 $0x200, s4;
	[sflag:s5] =	ssyncpa.u1 $0x0;
	s6 =	sshrl.u32 s6, $0xC  }
0x9: {  	[sflag:s7] =	ssyncpa.u1 $0x0;
	s9 =	smov.u32 s3;
	s7 =	sadd.s32 $0x2, s6  }
.LBB1_5:
0xa: {  	s13 =	sadd.s32 $0x1000, s9  }
0xb: {  	p2 =	sgt.s32 s13, $0xF423F  }
0xc: {  	s13 =	smov.u32 @p2 s3;
	p2 =	sne.s32 s10, s7  }
.Ltmp1:
0xd: {  	p1 =	slt.u32 s10, $0x2;
	(pc) =	sbr.rel @!p2 .LBB1_6-.Ltmp1, $4  }
0xe: {  	s12 =	simm.s32 @!p1 $0x2  }
0xf: {  	s14 =	sadd.s32 $0x1, s10;
	_ =	swait.ge @!p1 [sflag:s12], $0x2000  }
0x10: {  	s11 =	smov.u32 s9;
	p0 =	por !p0, !p0;
	[sflag:s12] =	ssyncset.done @!p1 $0x0  }
0x11: {  	s10 =	smov.u32 s14;
	s9 =	smov.u32 s13;
	[sflag:s12] =	ssyncadd.s32 @!p1 $0xFFFFE000  }
.LBB1_1:
0x12: {  	p1 =	sgt.u32 s10, s6  }
0x13: {  	s13 =	smov.u32 s9;
	p2 =	sgt.s32 @!p1 s9, $0xF41C0  }
0x14: {  	s12 =	sand.u32 @!p1 $0x1FFFFFF, s9;
	s14 =	sshra.s32 @!p1 s9, $0x1F;
	p2 =	por !p2, p1  }
0x15: {  	s15 =	smulhi.u32 @!p1 $0x218DEF5, s12;
	s14 =	sand.u32 @!p1 s14, s9;
	s13 =	simm.s32 @p2 $0xF41C0  }
0x16: {  	s13 =	ssub.s32 @!p1 s13, s14  }
0x17: {  	s14 =	sshrl.u32 @!p1 s15, $0xD;
	s13 =	sadd.s32 @!p1 $0xFFF0BE40, s13  }
0x18: {  	s15 =	sxor.u32 @!p1 $0xFFFFFFFF, s10;
	s14 =	smul.u32 @!p1 $0xF4240, s14;
	s16 =	sshll.u32 @!p1 s13, $0x8  }
0x19: {  	s15 =	sshll.u32 @!p1 s15, $0xD;
	p2 =	sgt.s32 @!p1 s13, $0x7F;
	s13 =	ssub.s32 @!p1 $0x8000, s16  }
0x1a: {  	s12 =	ssub.s32 @!p1 s12, s14;
	p2 =	por !p2, p1;
	s14 =	sand.u32 @!p1 $0x2000, s15  }
0x1b: {  	s15 =	simm.s32 @!p1 $0x40;
	s13 =	sshrl.u32 @!p1 s13, $0x2;
	s12 =	sshll.u32 @!p1 s12, $0x4  }
0x1c: {  	s16 =	simm.s32 @!p1 $0x80;
	s13 =	simm.s32 @!p2 $0x0;
	s12 =	sadd.s32 @!p1 s4, s12  }
0x1d: {  	[tilespmem:s14], [sflag:$0x1] =	stream.strided.gather @!p1 [hbm4b:s12+s15], s13, s16, s15, $0x38;
	[tilespmem:$0x8080] =	vst v63  }
0x1e: {  	p1 =	seq.s32 s10, $0x0  }
0x1f: {  	p2 =	sge.u32 @!p1 s10, s7  }
0x20: {  	p1 =	por p1, p2  }
.Ltmp2:
0x21: {  	_ = 	snop;
	(pc) =	sbr.rel @p1 .LBB1_5-.Ltmp2, $1  }
0x22: {  	_ =	sdelay $0x3  }
0x23: {  	p1 =	sgt.s32 s11, $0xF41C0;
	s12 =	smov.u32 s11;
	s13 =	sshra.s32 s11, $0x1F  }
0x24: {  	s12 =	simm.s32 @!p1 $0xF41C0;
	s13 =	sand.u32 s13, s11  }
0x25: {  	s12 =	ssub.s32 s12, s13  }
0x26: {  	s12 =	sadd.s32 $0xFFF0BE40, s12  }
0x27: {  	s28 =	sshll.u32 s12, $0x8  }
0x28: {  	s13 =	ssub.s32 $0x8000, s28  }
0x29: {  	p1 =	sgt.s32 s12, $0x7F;
	s12 =	sshrl.u32 s13, $0x2  }
0x2a: {  	s13 =	simm.s32 $0x1;
	s12 =	simm.s32 @p1 $0x0  }
0x2b: {  	s13 =	simm.s32 @!p0 $0x0;
	_ =	swait.ge [sflag:s5], s12  }
0x2c: {  	s14 =	sshll.u32 s13, $0xD;
	s12 =	ssub.s32 $0x0, s12;
	[sflag:s5] =	ssyncset.done $0x0  }
0x2d: {  	s16 =	sor.u32 $0x20, s14;
	[sflag:s5] =	ssyncadd.s32 s12  }
0x2e: {  	s29 =	smul.u32 $0x8100, s13;
	v3 =	vld [tilespmem:s16+$0x10]  }
0x2f: {  	s30 =	sand.u32 $0x1, s10;
	v2 =	vld [tilespmem:s16+$0xFFFFFFF0]  }
0x30: {  	s13 =	smul.u32 $0x8100, s30;
	s12 =	sshrl.u32 s29, $0x2;
	v0 =	vld [tilespmem:s16+$0x0]  }
0x31: {  	s14 =	sor.u32 $0x4000, s12;
	v1 =	vld [tilespmem:s16+$0xFFFFFFE0]  }
0x32: {  	s31 =	sshrl.u32 s13, $0x2;
	s13 =	sadd.s32 $0x0, s14  }
0x33: {  	s15 =	simm.s32 $0x4;
	s12 =	sor.u32 $0x4000, s31;
	s16 =	sadd.s32 $0x40, s16;
	[tilespmem:s13+$0x1830 ss:$0x81] =	vst.msk $0xffff, v3  }
.LBB1_3:
0x34: {  	v3 =	vld [tilespmem:s16+$0x10];
	p1 =	sne.s32 s15, $0x1FC;
	[tilespmem:s13+$0x810 ss:$0x81] =	vst.msk $0xffff, v2;
	s17 =	smov.u32 s15;
	s15 =	sadd.s32 $0x4, s15  }
.Ltmp3:
0x35: {  	v2 =	vld [tilespmem:s16+$0xFFFFFFF0];
	[tilespmem:s13+$0x1020 ss:$0x81] =	vst.msk $0xffff, v0;
	(pc) =	sbr.rel @p1 .LBB1_3-.Ltmp3, $4  }
0x36: {  	v0 =	vld [tilespmem:s16+$0x0];
	[tilespmem:s13+$0x0 ss:$0x81] =	vst.msk $0xffff, v1  }
0x37: {  	s13 =	sshra.s32 s17, $0x2;
	v1 =	vld [tilespmem:s16+$0xFFFFFFE0]  }
0x38: {  	s13 =	sadd.s32 s13, s14  }
0x39: {  	s16 =	sadd.s32 $0x40, s16;
	[tilespmem:s13+$0x1830 ss:$0x81] =	vst.msk $0xffff, v3  }
0x3a: {  	s14 =	sshll.u32 s11, $0x3  }
0x3b: {  	s30 =	sand.u32 $0x7F, s11;
	s14 =	sand.u32 $0xFFFFFC00, s14  }
0x3c: {  	s11 =	sor.u32 s30, s14  }
0x3d: {  	s15 =	smulhi.u32 $0x218D6287, s11;
	_ =	sdelay $0x1  }
0x3e: {  	s14 =	smulhi.u32 $0x218D6287, s14;
	s15 =	sshrl.u32 s15, $0x11  }
0x3f: {  	s15 =	smul.u32 $0xF4280, s15  }
0x40: {  	s14 =	sshrl.u32 s14, $0x11  }
.Ltmp4:
0x41: {  	s14 =	sand.u32 $0x3F, s14;
	s11 =	ssub.s32 s11, s15;
	(pc) =	sbr.rel .LBB1_5-.Ltmp4, $4  }
0x42: {  	[tilespmem:s13+$0x810 ss:$0x81] =	vst.msk $0xffff, v2;
	s14 =	smul.u32 $0x1E850, s14;
	s15 =	sshrl.u32 s11, $0x3;
	s11 =	sand.u32 $0x7, s11  }
0x43: {  	[tilespmem:s13+$0x1020 ss:$0x81] =	vst.msk $0xffff, v0;
	s15 =	sadd.s32 s2, s15;
	s11 =	sshll.u32 s11, $0x12  }
0x44: {  	[tilespmem:s13+$0x0 ss:$0x81] =	vst.msk $0xffff, v1;
	s31 =	sadd.s32 s14, s15;
	s11 =	sor.u32 $0x400, s11  }
0x45: {  	[hbm4b:s31+s11] =	stream.strided.scatter [tilespmem:s12], [sflag:$0x2], $0x2000, s8, s11, $0x20;
	[tilespmem:$0x8080] =	vst v63  }
.LBB1_6:
0x46: {  	_ =	sfence.sel $0x180000  }
0x47: {  	s2 =	simm.s32 $0x1;
	[bflag:$0x0] =	sbarrier.arrive $0xFFFF  }
0x48: {  	s31 =	simm.s32 $0x2;
	[sflag:s2] =	ssyncpa.u1 $0x1  }
0x49: {  	[sflag:s31] =	ssyncpa.u1 $0x1  }
0x4a: {  	p0 =	sne.s32 s1, $0x0;
	_ =	strace $0x9000004A  }
0x4b: {  	s0 =	sadd.s32 @!p0 $0x100000, s0;
	[bflag:$0x2] =	sbarrier.arrive $0xFFFF  }
0x4c: {  	[sflag:s0] =	ssyncadd.tile.s32 @!p0 $0x1;
	_ =	shalt  }
.Lfunc_end1:
_tile_overlayer_lowered:
.L_overlay_start_2:
0x4d: {  	(tag) =	ssettag $0x2  }
0x4e: {  	s0 =	rddreg [dreg:$0x0];
	s2 =	stileid.u32  }
0x4f: {  	s1 =	rddreg [dreg:$0x1];
	p0 =	sne.s32 s2, $0x0  }
0x50: {  	s3 =	rddreg [dreg:$0x2];
	[bflag:$0x3] =	sbarrier.arrive $0xFFFF;
	s2 =	simm.s32 @!p0 $0x1C01  }
0x51: {  	[timem:s3], [sflag:s2] =	dma.local @!p0 [hbm:s0], s1  }
0x52: {  	s0 =	simm.s32 @!p0 $0x1  }
0x53: {  	_ =	swait.ge @!p0 [sflag:s0], s1  }
0x54: {  	s1 =	ssub.s32 @!p0 $0x0, s1;
	[sflag:s0] =	ssyncset.done @!p0 $0x0  }
0x55: {  	[sflag:s0] =	ssyncadd.s32 @!p0 s1  }
0x56: {  	[bflag:$0x3] =	sbarrier.arrive $0xFFFF  }
0x57: {  	_ =	shalt  }

</sc_bundles>
